<compile_context>
chip_gen: v7x
topology: tpu7x:2x2x1
jax: 0.10.2.dev20260603
libtpu: 0.0.44.dev20260713+nightly
codegen_flags: <defaults>
</compile_context>

<pallas_src>
import functools

import jax
import jax.numpy as jnp
from jax import lax
from jax.experimental import pallas as pl
from jax.experimental.pallas import tpu as pltpu
from jax.experimental.pallas import tpu_sc as plsc

B, L, K, H, NL = 4, 1024, 20, 128, 3
NUM_RBF = 16
REL = 65
BB = B
RBLK = 256
NB = L // RBLK
SIGMA = (22.0 - 2.0) / NUM_RBF

SC_NC, SC_NS = 2, 16
NW = SC_NC * SC_NS
NROWS = BB * L * K
PER_W = NROWS // NW
CH = 128
NCH = PER_W // CH

_pcall = pl.pallas_call


def _edge_feat(d2_cols, rel_cols, mu_row):
    pieces = []
    for k in range(K):
        d = jnp.sqrt(d2_cols[k] + 1e-6)
        t = (d - mu_row) / SIGMA
        rbf = jnp.exp(-(t * t))
        i65 = lax.broadcasted_iota(jnp.int32, (d.shape[0], REL), 1)
        oh = (rel_cols[k] == i65).astype(jnp.float32)
        pieces.append(jnp.concatenate([rbf, oh], axis=1))
    return jnp.concatenate(pieces, axis=0)


def _stage_a_body(caR_ref, caC_ref, mu_ref, rt0_ref, c0_ref, w20_ref, b20_ref,
                  w1j1_ref, wagg_ref,
                  gidx_ref, feat_ref, h1_ref, pj1_ref, cagg_ref,
                  d2_scr):
    b = pl.program_id(0)
    ib = pl.program_id(1)
    caR = caR_ref[0]
    caC = caC_ref[0]
    acc = None
    for c in range(3):
        dd = caR[:, c:c + 1] - caC[c:c + 1, :]
        sq = dd * dd
        acc = sq if acc is None else acc + sq
    d2_scr[...] = acc
    iota = lax.broadcasted_iota(jnp.int32, (RBLK, L), 1).astype(jnp.float32)
    rowid = (lax.broadcasted_iota(jnp.int32, (RBLK, 1), 0)
             + ib * RBLK)
    big = jnp.float32(2.0 ** 30)
    inf = jnp.float32(jnp.inf)
    d2_cols, rel_cols = [], []
    cagg_vec = jnp.zeros((1, L), jnp.float32)
    for k in range(K):
        d2w = d2_scr[...]
        mval = jnp.min(d2w, axis=1, keepdims=True)
        t = jnp.where(d2w <= mval, iota, big)
        am_f = jnp.min(t, axis=1, keepdims=True)
        am = am_f.astype(jnp.int32)
        mask = t == am_f
        d2_scr[...] = jnp.where(mask, inf, d2w)
        cagg_vec = cagg_vec + wagg_ref[0:1, k:k + 1] * jnp.sum(
            mask.astype(jnp.float32), axis=0, keepdims=True)
        relk = jnp.clip(am - rowid, -32, 32) + 32
        gidx_ref[0, :, k:k + 1] = am + b * L
        d2_cols.append(mval)
        rel_cols.append(relk)

    @pl.when(ib == 0)
    def _():
        cagg_ref[...] = jnp.zeros((1, 1, L), jnp.float32)
    cagg_ref[0] = cagg_ref[0] + cagg_vec

    feat = _edge_feat(d2_cols, rel_cols, mu_ref[...])
    feat_ref[...] = feat
    a0 = jnp.dot(feat, rt0_ref[...],
                 preferred_element_type=jnp.float32) + c0_ref[...]
    s = None
    for k in range(K):
        r = jnp.maximum(a0[k * RBLK:(k + 1) * RBLK, :], 0.0)
        s = r if s is None else s + r
    m = jnp.dot(s, w20_ref[...], preferred_element_type=jnp.float32) / K \
        + b20_ref[...]
    mu_ = jnp.mean(m, axis=1, keepdims=True)
    var = jnp.mean((m - mu_) ** 2, axis=1, keepdims=True)
    h1 = (m - mu_) / jnp.sqrt(var + 1e-5)
    h1_ref[0] = h1
    pj1_ref[0] = jnp.dot(h1, w1j1_ref[...],
                         preferred_element_type=jnp.float32)


def _layer_body(is_last, h_ref, g_ref, feat_ref, cagg_ref,
                w1i_ref, rt_ref, c_ref, w2_ref, b2_ref, wnext_ref, sw_ref,
                h_out_ref, aux_ref):
    ib = pl.program_id(1)
    h = h_ref[0]
    pi = jnp.dot(h, w1i_ref[...], preferred_element_type=jnp.float32)
    a = jnp.dot(feat_ref[...], rt_ref[...],
                preferred_element_type=jnp.float32) + c_ref[...]
    s = None
    for k in range(K):
        gk = g_ref[k * RBLK:(k + 1) * RBLK, :]
        r = jnp.maximum(a[k * RBLK:(k + 1) * RBLK, :] + pi + gk, 0.0)
        s = r if s is None else s + r
    m = h + jnp.dot(s, w2_ref[...], preferred_element_type=jnp.float32) / K \
        + b2_ref[...]
    mu_ = jnp.mean(m, axis=1, keepdims=True)
    var = jnp.mean((m - mu_) ** 2, axis=1, keepdims=True)
    hn = (m - mu_) / jnp.sqrt(var + 1e-5)
    h_out_ref[0] = hn
    if not is_last:
        aux_ref[0] = jnp.dot(hn, wnext_ref[...],
                             preferred_element_type=jnp.float32)
    else:
        alpha = jnp.dot(hn, wnext_ref[:, 0:1],
                        preferred_element_type=jnp.float32)
        beta = jnp.dot(hn, wnext_ref[:, 1:2],
                       preferred_element_type=jnp.float32)
        part = sw_ref[0:1, 0:1] * jnp.sum(alpha) \
            + jnp.dot(cagg_ref[0], beta,
                      preferred_element_type=jnp.float32)

        @pl.when(ib == 0)
        def _():
            aux_ref[...] = jnp.zeros((1, 1, 1), jnp.float32)
        aux_ref[...] = aux_ref[...] + part[None]


def _make_sc_gather():
    mesh = plsc.VectorSubcoreMesh(core_axis_name="c", subcore_axis_name="s")

    @functools.partial(
        pl.kernel, mesh=mesh,
        out_type=jax.ShapeDtypeStruct((NROWS, H), jnp.float32),
        scratch_types=[
            pltpu.VMEM((NCH, CH), jnp.int32),
            pltpu.VMEM((CH, H), jnp.float32),
            pltpu.VMEM((CH, H), jnp.float32),
            pltpu.SemaphoreType.DMA,
            pltpu.SemaphoreType.DMA,
        ],
    )
    def gather(table_hbm, gidx_hbm, out_hbm, idx_v, rows0, rows1, sem0, sem1):
        wid = lax.axis_index("s") * SC_NC + lax.axis_index("c")
        pltpu.sync_copy(gidx_hbm.at[wid], idx_v)
        base = wid * PER_W
        pltpu.async_copy(table_hbm.at[idx_v.at[0]], rows0, sem0)

        def body(t, carry):
            j = 2 * t
            pltpu.async_copy(table_hbm.at[idx_v.at[j + 1]], rows1, sem1)
            pltpu.make_async_copy(table_hbm.at[idx_v.at[j]], rows0,
                                  sem0).wait()
            pltpu.sync_copy(rows0, out_hbm.at[pl.ds(base + j * CH, CH)])

            @pl.when(t + 1 < NCH // 2)
            def _():
                pltpu.async_copy(table_hbm.at[idx_v.at[j + 2]], rows0, sem0)

            pltpu.make_async_copy(table_hbm.at[idx_v.at[j + 1]], rows1,
                                  sem1).wait()
            pltpu.sync_copy(rows1, out_hbm.at[pl.ds(base + (j + 1) * CH, CH)])
            return carry

        lax.fori_loop(0, NCH // 2, body, 0)

    return gather


@functools.lru_cache(maxsize=1)
def _sc_gather():
    return _make_sc_gather()


def _gather_rows(pj, gidx_grouped):
    table = pj.reshape(BB * L, H)
    return _sc_gather()(table, gidx_grouped)


def _wspec(shape):
    return pl.BlockSpec(shape, lambda b, i: tuple(0 for _ in shape))


def _stage_a(caR, caC, mu_row, rt0, c0, w20, b20, w1j1, wagg_row):
    grid = (BB, NB)
    out_shapes = [
        jax.ShapeDtypeStruct((BB, L, K), jnp.int32),
        jax.ShapeDtypeStruct((NROWS, NUM_RBF + REL), jnp.float32),
        jax.ShapeDtypeStruct((BB, L, H), jnp.float32),
        jax.ShapeDtypeStruct((BB, L, H), jnp.float32),
        jax.ShapeDtypeStruct((BB, 1, L), jnp.float32),
    ]
    in_specs = [
        pl.BlockSpec((1, RBLK, 8), lambda b, i: (b, i, 0)),
        pl.BlockSpec((1, 8, L), lambda b, i: (b, 0, 0)),
        _wspec((1, NUM_RBF)),
        _wspec((NUM_RBF + REL, H)),
        _wspec((1, H)),
        _wspec((H, H)),
        _wspec((1, H)),
        _wspec((H, H)),
        _wspec((1, K)),
    ]
    out_specs = [
        pl.BlockSpec((1, RBLK, K), lambda b, i: (b, i, 0)),
        pl.BlockSpec((RBLK * K, NUM_RBF + REL), lambda b, i: (b * NB + i, 0)),
        pl.BlockSpec((1, RBLK, H), lambda b, i: (b, i, 0)),
        pl.BlockSpec((1, RBLK, H), lambda b, i: (b, i, 0)),
        pl.BlockSpec((1, 1, L), lambda b, i: (b, 0, 0)),
    ]
    return _pcall(
        _stage_a_body,
        grid=grid,
        in_specs=in_specs,
        out_specs=out_specs,
        out_shape=out_shapes,
        scratch_shapes=[pltpu.VMEM((RBLK, L), jnp.float32)],
        compiler_params=pltpu.CompilerParams(
            dimension_semantics=("parallel", "arbitrary")),
    )(caR, caC, mu_row, rt0, c0, w20, b20, w1j1, wagg_row)


def _layer(is_last, h, g, feat, cagg, w1i, rt, c, w2, b2, wnext, sw):
    grid = (BB, NB)
    in_specs = [
        pl.BlockSpec((1, RBLK, H), lambda b, i: (b, i, 0)),
        pl.BlockSpec((RBLK * K, H), lambda b, i: (b * NB + i, 0)),
        pl.BlockSpec((RBLK * K, NUM_RBF + REL), lambda b, i: (b * NB + i, 0)),
        pl.BlockSpec((1, 1, RBLK), lambda b, i: (b, 0, i)),
        _wspec((H, H)),
        _wspec((NUM_RBF + REL, H)),
        _wspec((1, H)),
        _wspec((H, H)),
        _wspec((1, H)),
        _wspec((H, 2) if is_last else (H, H)),
        _wspec((1, 1)),
    ]
    out_shapes = [jax.ShapeDtypeStruct((BB, L, H), jnp.float32)]
    out_specs = [pl.BlockSpec((1, RBLK, H), lambda b, i: (b, i, 0))]
    if is_last:
        out_shapes.append(jax.ShapeDtypeStruct((BB, 1, 1), jnp.float32))
        out_specs.append(pl.BlockSpec((1, 1, 1), lambda b, i: (b, 0, 0)))
    else:
        out_shapes.append(jax.ShapeDtypeStruct((BB, L, H), jnp.float32))
        out_specs.append(pl.BlockSpec((1, RBLK, H), lambda b, i: (b, i, 0)))
    return _pcall(
        functools.partial(_layer_body, is_last),
        grid=grid,
        in_specs=in_specs,
        out_specs=out_specs,
        out_shape=out_shapes,
        compiler_params=pltpu.CompilerParams(
            dimension_semantics=("parallel", "arbitrary")),
    )(h, g, feat, cagg, w1i, rt, c, w2, b2, wnext, sw)


def kernel(gt_pos, pred_coord, seq_mask, single_res_rel, W_e, b_e, W1, b1,
           W2, b2, W_out, b_out, W_agg, b_agg):
    mu_row = jnp.linspace(2.0, 22.0, NUM_RBF).reshape(1, NUM_RBF)
    rt = [W_e @ W1[l, 2 * H:] for l in range(NL)]
    cl = [(b_e @ W1[l, 2 * H:] + b1[l]).reshape(1, H) for l in range(NL)]
    w1i = [W1[l, :H] for l in range(NL)]
    w1j = [W1[l, H:2 * H] for l in range(NL)]
    wagg_bits = jax.lax.bitcast_convert_type(W_agg, jnp.uint32)
    wagg_bits = (wagg_bits + jnp.uint32(0x7FFF)
                 + ((wagg_bits >> 16) & jnp.uint32(1))) & jnp.uint32(0xFFFF0000)
    wagg_bf = jax.lax.bitcast_convert_type(wagg_bits, jnp.float32)
    wagg_row = wagg_bf.reshape(1, K)
    sw = jnp.sum(wagg_bf).reshape(1, 1)
    uv = W_out.reshape(2, H).T

    def pipeline(coords):
        Ca = coords[:, :, 1, :]
        caR = jnp.pad(Ca, ((0, 0), (0, 0), (0, 5)))
        caC = jnp.transpose(caR, (0, 2, 1))
        gidx, feat, h1, pj1, cagg = _stage_a(
            caR, caC, mu_row, rt[0], cl[0], W2[0], b2[0].reshape(1, H),
            w1j[1], wagg_row)
        gidx_grouped = (gidx.reshape(BB, NB, RBLK, K)
                        .transpose(0, 1, 3, 2)
                        .reshape(NW, NCH, CH))
        g1 = _gather_rows(pj1, gidx_grouped)
        h2, pj2 = _layer(False, h1, g1, feat, cagg, w1i[1],
                         rt[1], cl[1], W2[1], b2[1].reshape(1, H),
                         w1j[2], sw)
        g2 = _gather_rows(pj2, gidx_grouped)
        h3, logacc = _layer(True, h2, g2, feat, cagg, w1i[2],
                            rt[2], cl[2], W2[2], b2[2].reshape(1, H),
                            uv, sw)
        logits = logacc[:, 0, 0] / L + b_out[0] * sw[0, 0] + b_agg[0]
        return logits, jnp.stack([h1, h2, h3], axis=0)

    true_logits, true_feature = pipeline(gt_pos)
    pred_logits, pred_feature = pipeline(pred_coord)
    return (true_logits, pred_logits, true_feature, pred_feature)

# --- scband reference (transcript-rebuilt; emitter-appended) ---
"""Pipeline reference for scband-local-environment-transformer-23476291240015 (READ-ONLY COPY).

The authoritative reference and input builder live on the scoring server;
editing this copy changes nothing except your own understanding.
"""

import jax, jax.numpy as jnp
import numpy as np

B, L, K, H, NL = 4, 1024, 20, 128, 3
NUM_RBF = 16
REL = 65

def _layer_norm(x):
    mu = jnp.mean(x, axis=-1, keepdims=True)
    var = jnp.var(x, axis=-1, keepdims=True)
    return (x - mu) / jnp.sqrt(var + 1e-5)

def setup_inputs(seed: int = 0):
    key = jax.random.key(seed)
    ks = jax.random.split(key, 12)
    s = 0.05
    inp = {}
    inp["gt_pos"] = jax.random.normal(ks[0], (B, L, 3, 3), dtype=jnp.float32) * 5.0
    inp["pred_coord"] = jax.random.normal(ks[1], (B, L, 3, 3), dtype=jnp.float32) * 5.0
    inp["seq_mask"] = jnp.ones((B, L), dtype=jnp.float32)
    inp["single_res_rel"] = jnp.tile(jnp.arange(L, dtype=jnp.int32)[None, :], (B, 1))
    inp["W_e"] = jax.random.normal(ks[2], (NUM_RBF + REL, H), dtype=jnp.float32) * s
    inp["b_e"] = jnp.zeros((H,), jnp.float32)
    inp["W1"] = jax.random.normal(ks[3], (NL, 3 * H, H), dtype=jnp.float32) * s
    inp["b1"] = jnp.zeros((NL, H), jnp.float32)
    inp["W2"] = jax.random.normal(ks[4], (NL, H, H), dtype=jnp.float32) * s
    inp["b2"] = jnp.zeros((NL, H), jnp.float32)
    inp["W_out"] = jax.random.normal(ks[5], (2 * H, 1), dtype=jnp.float32) * s
    inp["b_out"] = jnp.zeros((1,), jnp.float32)
    inp["W_agg"] = jax.random.normal(ks[6], (K, 1), dtype=jnp.float32) * s
    inp["b_agg"] = jnp.zeros((1,), jnp.float32)
    return inp

def _process(coords, seq_mask, srr, W_e, b_e, W1, b1, W2, b2, W_out, b_out, W_agg, b_agg):
    Ca = coords[:, :, 1, :]
    d2 = jnp.sum((Ca[:, :, None, :] - Ca[:, None, :, :]) ** 2, axis=-1)
    mask2d = seq_mask[:, :, None] * seq_mask[:, None, :]
    d2m = jnp.where(mask2d > 0, d2, 1e10)
    _, idx = jax.lax.top_k(-d2m, K)
    bidx = jnp.arange(Ca.shape[0])[:, None, None]
    Ca_j = Ca[bidx, idx]
    D = jnp.sqrt(jnp.sum((Ca[:, :, None, :] - Ca_j) ** 2, axis=-1) + 1e-6)
    mu = jnp.linspace(2.0, 22.0, NUM_RBF)
    sigma = (22.0 - 2.0) / NUM_RBF
    rbf = jnp.exp(-(((D[..., None] - mu) / sigma) ** 2))
    rel = srr[bidx, idx] - srr[:, :, None]
    rel = jnp.clip(rel, -32, 32) + 32
    rel_oh = jax.nn.one_hot(rel, REL, dtype=jnp.float32)
    e = jnp.concatenate([rbf, rel_oh], axis=-1) @ W_e + b_e
    mask_attend = seq_mask[bidx, idx] * seq_mask[:, :, None]
    h = jnp.zeros((Ca.shape[0], Ca.shape[1], H), jnp.float32)
    hiddens = []
    for l in range(NL):
        h_j = h[bidx, idx]
        h_i = jnp.broadcast_to(h[:, :, None, :], h_j.shape)
        m = jnp.concatenate([h_i, h_j, e], axis=-1)
        m = jax.nn.relu(m @ W1[l] + b1[l]) @ W2[l] + b2[l]
        m = m * mask_attend[..., None]
        h = _layer_norm(h + jnp.sum(m, axis=2) / K) * seq_mask[..., None]
        hiddens.append(h)
    stacked_hidden = jnp.stack(hiddens, axis=0)
    h_j = h[bidx, idx]
    h_i = jnp.broadcast_to(h[:, :, None, :], h_j.shape)
    out_feature = jnp.concatenate([h_i, h_j], axis=-1)
    single_flatten = (out_feature @ W_out + b_out)[..., 0]
    single_aggregate = (single_flatten @ W_agg + b_agg)[..., 0]
    logits = jnp.mean(single_aggregate, axis=-1)
    return stacked_hidden, logits

def reference(gt_pos, pred_coord, seq_mask, single_res_rel, W_e, b_e, W1, b1, W2, b2, W_out, b_out, W_agg, b_agg):
    true_feature, true_logits = _process(gt_pos, seq_mask, single_res_rel, W_e, b_e, W1, b1, W2, b2, W_out, b_out, W_agg, b_agg)
    pred_feature, pred_logits = _process(pred_coord, seq_mask, single_res_rel, W_e, b_e, W1, b1, W2, b2, W_out, b_out, W_agg, b_agg)
    return (true_logits, pred_logits, true_feature, pred_feature)

if __name__ == "__main__":
    import jax
    _d = setup_inputs()
    print(jax.jit(kernel)(*tuple(_d.values())))

</pallas_src>

<mosaic_0001>
#map = affine_map<(d0, d1) -> (0, 0)>
#map1 = affine_map<(d0, d1) -> (0, 0, 0)>
module attributes {stable_mosaic.version = 14 : i64} {
  func.func @gather(%arg0: i32, %arg1: i32, %arg2: memref<4096x128xf32, #tpu.memory_space<hbm>>, %arg3: memref<32x20x128xi32, #tpu.memory_space<hbm>>, %arg4: memref<81920x128xf32, #tpu.memory_space<hbm>>, %arg5: memref<20x128xi32, #tpu.memory_space<vmem>>, %arg6: memref<128x128xf32, #tpu.memory_space<vmem>>, %arg7: memref<128x128xf32, #tpu.memory_space<vmem>>, %arg8: memref<!tpu.dma_semaphore, #tpu.memory_space<semaphore_mem>>, %arg9: memref<!tpu.dma_semaphore, #tpu.memory_space<semaphore_mem>>) attributes {dimension_semantics = [#tpu.dimension_semantics<core_parallel>, #tpu.dimension_semantics<subcore_parallel>], iteration_bounds = array<i64: 2, 16>, scalar_prefetch = 0 : i64, scratch_operands = 5 : i64, tpu.core_type = #tpu.core_type<sc_vector_subcore>, window_params = [{transform_indices = #map}, {transform_indices = #map1}, {transform_indices = #map}]} {
    %mul3A = arith.constant 2 : i32
    %mul3A_0 = arith.muli %arg1, %mul3A : i32
    %add3A = arith.addi %mul3A_0, %arg0 : i32
    "tpu.region"() ({
      %run_scoped3A = tpu.sem_alloc : memref<!tpu.dma_semaphore, #tpu.memory_space<semaphore_mem>>
      %dma_start3A_14 = arith.constant 0 : i32
      %dma_start3A_15 = arith.constant 0 : i32
      %dma_start3A_16 = tpu.memref_slice %arg3[%add3A, %dma_start3A_14, %dma_start3A_15] : memref<32x20x128xi32, #tpu.memory_space<hbm>> -> memref<1x20x128xi32, #tpu.memory_space<hbm>>
      %dma_start3A_17 = tpu.memref_squeeze %dma_start3A_16 : memref<1x20x128xi32, #tpu.memory_space<hbm>> -> memref<20x128xi32, #tpu.memory_space<hbm>>
      %dma_start3A_18 = arith.constant 0 : i32
      %dma_start3A_19 = arith.constant 0 : i32
      %dma_start3A_20 = tpu.memref_slice %arg3[%add3A, %dma_start3A_18, %dma_start3A_19] : memref<32x20x128xi32, #tpu.memory_space<hbm>> -> memref<1x20x128xi32, #tpu.memory_space<hbm>>
      %dma_start3A_21 = tpu.memref_squeeze %dma_start3A_20 : memref<1x20x128xi32, #tpu.memory_space<hbm>> -> memref<20x128xi32, #tpu.memory_space<hbm>>
      tpu.enqueue_dma source(%dma_start3A_21 : memref<20x128xi32, #tpu.memory_space<hbm>>) target(%arg5 : memref<20x128xi32, #tpu.memory_space<vmem>>) target_semaphore(%run_scoped3A : memref<!tpu.dma_semaphore, #tpu.memory_space<semaphore_mem>>)
      %dma_wait3A = arith.constant 0 : i32
      %dma_wait3A_22 = arith.constant 0 : i32
      %dma_wait3A_23 = tpu.memref_slice %arg3[%add3A, %dma_wait3A, %dma_wait3A_22] : memref<32x20x128xi32, #tpu.memory_space<hbm>> -> memref<1x20x128xi32, #tpu.memory_space<hbm>>
      %dma_wait3A_24 = tpu.memref_squeeze %dma_wait3A_23 : memref<1x20x128xi32, #tpu.memory_space<hbm>> -> memref<20x128xi32, #tpu.memory_space<hbm>>
      %dma_wait3A_25 = arith.constant 0 : i32
      %dma_wait3A_26 = arith.constant 0 : i32
      %dma_wait3A_27 = tpu.memref_slice %arg3[%add3A, %dma_wait3A_25, %dma_wait3A_26] : memref<32x20x128xi32, #tpu.memory_space<hbm>> -> memref<1x20x128xi32, #tpu.memory_space<hbm>>
      %dma_wait3A_28 = tpu.memref_squeeze %dma_wait3A_27 : memref<1x20x128xi32, #tpu.memory_space<hbm>> -> memref<20x128xi32, #tpu.memory_space<hbm>>
      tpu.wait_dma2 semaphore(%run_scoped3A : memref<!tpu.dma_semaphore, #tpu.memory_space<semaphore_mem>>) src(%dma_wait3A_28 : memref<20x128xi32, #tpu.memory_space<hbm>>) dst(%arg5 : memref<20x128xi32, #tpu.memory_space<vmem>>)
      tpu.yield
    }) : () -> ()
    %mul3A_1 = arith.constant 2560 : i32
    %mul3A_2 = arith.muli %add3A, %mul3A_1 : i32
    %dma_start3A = arith.constant 0 : i32
    %dma_start3A_3 = arith.constant 0 : i32
    %dma_start3A_4 = tpu.memref_slice %arg5[%dma_start3A, %dma_start3A_3] : memref<20x128xi32, #tpu.memory_space<vmem>> -> memref<1x128xi32, #tpu.memory_space<vmem>>
    %dma_start3A_5 = tpu.memref_squeeze %dma_start3A_4 : memref<1x128xi32, #tpu.memory_space<vmem>> -> memref<128xi32, #tpu.memory_space<vmem>>
    %dma_start3A_6 = arith.constant 0 : i32
    %dma_start3A_7 = arith.constant 0 : i32
    %dma_start3A_8 = tpu.memref_slice %arg2[%dma_start3A_6, %dma_start3A_7] : memref<4096x128xf32, #tpu.memory_space<hbm>> -> memref<4096x128xf32, #tpu.memory_space<hbm>>
    tpu.enqueue_indirect_dma source(%dma_start3A_8 : memref<4096x128xf32, #tpu.memory_space<hbm>>) target(%arg6 : memref<128x128xf32, #tpu.memory_space<vmem>>) offsets(%dma_start3A_5 : memref<128xi32, #tpu.memory_space<vmem>>) semaphore(%arg8 : memref<!tpu.dma_semaphore, #tpu.memory_space<semaphore_mem>>)
    %scan3A = arith.constant 0 : i32
    %scan3A_9 = arith.constant 0 : i32
    %scan3A_10 = arith.constant 10 : i32
    %scan3A_11 = arith.addi %scan3A_9, %scan3A_10 : i32
    %scan3A_12 = arith.constant 1 : i32
    scf.for %scan3A_14 = %scan3A_9 to %scan3A_11 step %scan3A_12  : i32 {
      %mul3A_15 = arith.constant 2 : i32
      %mul3A_16 = arith.muli %mul3A_15, %scan3A_14 : i32
      %add3A_17 = arith.constant 1 : i32
      %add3A_18 = arith.addi %mul3A_16, %add3A_17 : i32
      %dma_start3A_19 = arith.constant 0 : i32
      %dma_start3A_20 = tpu.memref_slice %arg5[%add3A_18, %dma_start3A_19] : memref<20x128xi32, #tpu.memory_space<vmem>> -> memref<1x128xi32, #tpu.memory_space<vmem>>
      %dma_start3A_21 = tpu.memref_squeeze %dma_start3A_20 : memref<1x128xi32, #tpu.memory_space<vmem>> -> memref<128xi32, #tpu.memory_space<vmem>>
      %dma_start3A_22 = arith.constant 0 : i32
      %dma_start3A_23 = arith.constant 0 : i32
      %dma_start3A_24 = tpu.memref_slice %arg2[%dma_start3A_22, %dma_start3A_23] : memref<4096x128xf32, #tpu.memory_space<hbm>> -> memref<4096x128xf32, #tpu.memory_space<hbm>>
      tpu.enqueue_indirect_dma source(%dma_start3A_24 : memref<4096x128xf32, #tpu.memory_space<hbm>>) target(%arg7 : memref<128x128xf32, #tpu.memory_space<vmem>>) offsets(%dma_start3A_21 : memref<128xi32, #tpu.memory_space<vmem>>) semaphore(%arg9 : memref<!tpu.dma_semaphore, #tpu.memory_space<semaphore_mem>>)
      %dma_wait3A = arith.constant 0 : i32
      %dma_wait3A_25 = tpu.memref_slice %arg5[%mul3A_16, %dma_wait3A] : memref<20x128xi32, #tpu.memory_space<vmem>> -> memref<1x128xi32, #tpu.memory_space<vmem>>
      %dma_wait3A_26 = tpu.memref_squeeze %dma_wait3A_25 : memref<1x128xi32, #tpu.memory_space<vmem>> -> memref<128xi32, #tpu.memory_space<vmem>>
      %dma_wait3A_27 = arith.constant 0 : i32
      %dma_wait3A_28 = arith.constant 0 : i32
      %dma_wait3A_29 = tpu.memref_slice %arg2[%dma_wait3A_27, %dma_wait3A_28] : memref<4096x128xf32, #tpu.memory_space<hbm>> -> memref<4096x128xf32, #tpu.memory_space<hbm>>
      tpu.wait_indirect_dma semaphore(%arg8 : memref<!tpu.dma_semaphore, #tpu.memory_space<semaphore_mem>>) src(%dma_wait3A_29 : memref<4096x128xf32, #tpu.memory_space<hbm>>) dst(%arg6 : memref<128x128xf32, #tpu.memory_space<vmem>>)
      %mul3A_30 = arith.constant 128 : i32
      %mul3A_31 = arith.muli %mul3A_16, %mul3A_30 : i32
      %add3A_32 = arith.addi %mul3A_2, %mul3A_31 : i32
      "tpu.region"() ({
        %run_scoped3A = tpu.sem_alloc : memref<!tpu.dma_semaphore, #tpu.memory_space<semaphore_mem>>
        %dma_start3A_50 = arith.constant 0 : i32
        %dma_start3A_51 = tpu.memref_slice %arg4[%add3A_32, %dma_start3A_50] : memref<81920x128xf32, #tpu.memory_space<hbm>> -> memref<128x128xf32, #tpu.memory_space<hbm>>
        %dma_start3A_52 = arith.constant 0 : i32
        %dma_start3A_53 = tpu.memref_slice %arg4[%add3A_32, %dma_start3A_52] : memref<81920x128xf32, #tpu.memory_space<hbm>> -> memref<128x128xf32, #tpu.memory_space<hbm>>
        tpu.enqueue_dma source(%arg6 : memref<128x128xf32, #tpu.memory_space<vmem>>) target(%dma_start3A_53 : memref<128x128xf32, #tpu.memory_space<hbm>>) target_semaphore(%run_scoped3A : memref<!tpu.dma_semaphore, #tpu.memory_space<semaphore_mem>>)
        %dma_wait3A_54 = arith.constant 0 : i32
        %dma_wait3A_55 = tpu.memref_slice %arg4[%add3A_32, %dma_wait3A_54] : memref<81920x128xf32, #tpu.memory_space<hbm>> -> memref<128x128xf32, #tpu.memory_space<hbm>>
        %dma_wait3A_56 = arith.constant 0 : i32
        %dma_wait3A_57 = tpu.memref_slice %arg4[%add3A_32, %dma_wait3A_56] : memref<81920x128xf32, #tpu.memory_space<hbm>> -> memref<128x128xf32, #tpu.memory_space<hbm>>
        tpu.wait_dma2 semaphore(%run_scoped3A : memref<!tpu.dma_semaphore, #tpu.memory_space<semaphore_mem>>) src(%arg6 : memref<128x128xf32, #tpu.memory_space<vmem>>) dst(%dma_wait3A_57 : memref<128x128xf32, #tpu.memory_space<hbm>>)
        tpu.yield
      }) : () -> ()
      %add3A_33 = arith.constant 1 : i32
      %add3A_34 = arith.addi %scan3A_14, %add3A_33 : i32
      %lt3A = arith.constant 10 : i32
      %lt3A_35 = arith.cmpi slt, %add3A_34, %lt3A : i32
      %convert_element_type3A = arith.extui %lt3A_35 : i1 to i32
      %cond3A = arith.constant 0 : i32
      %cond3A_36 = arith.cmpi ne, %convert_element_type3A, %cond3A : i32
      scf.if %cond3A_36 {
        %add3A_50 = arith.constant 2 : i32
        %add3A_51 = arith.addi %mul3A_16, %add3A_50 : i32
        %dma_start3A_52 = arith.constant 0 : i32
        %dma_start3A_53 = tpu.memref_slice %arg5[%add3A_51, %dma_start3A_52] : memref<20x128xi32, #tpu.memory_space<vmem>> -> memref<1x128xi32, #tpu.memory_space<vmem>>
        %dma_start3A_54 = tpu.memref_squeeze %dma_start3A_53 : memref<1x128xi32, #tpu.memory_space<vmem>> -> memref<128xi32, #tpu.memory_space<vmem>>
        %dma_start3A_55 = arith.constant 0 : i32
        %dma_start3A_56 = arith.constant 0 : i32
        %dma_start3A_57 = tpu.memref_slice %arg2[%dma_start3A_55, %dma_start3A_56] : memref<4096x128xf32, #tpu.memory_space<hbm>> -> memref<4096x128xf32, #tpu.memory_space<hbm>>
        tpu.enqueue_indirect_dma source(%dma_start3A_57 : memref<4096x128xf32, #tpu.memory_space<hbm>>) target(%arg6 : memref<128x128xf32, #tpu.memory_space<vmem>>) offsets(%dma_start3A_54 : memref<128xi32, #tpu.memory_space<vmem>>) semaphore(%arg8 : memref<!tpu.dma_semaphore, #tpu.memory_space<semaphore_mem>>)
      } else {
      }
      %add3A_37 = arith.constant 1 : i32
      %add3A_38 = arith.addi %mul3A_16, %add3A_37 : i32
      %dma_wait3A_39 = arith.constant 0 : i32
      %dma_wait3A_40 = tpu.memref_slice %arg5[%add3A_38, %dma_wait3A_39] : memref<20x128xi32, #tpu.memory_space<vmem>> -> memref<1x128xi32, #tpu.memory_space<vmem>>
      %dma_wait3A_41 = tpu.memref_squeeze %dma_wait3A_40 : memref<1x128xi32, #tpu.memory_space<vmem>> -> memref<128xi32, #tpu.memory_space<vmem>>
      %dma_wait3A_42 = arith.constant 0 : i32
      %dma_wait3A_43 = arith.constant 0 : i32
      %dma_wait3A_44 = tpu.memref_slice %arg2[%dma_wait3A_42, %dma_wait3A_43] : memref<4096x128xf32, #tpu.memory_space<hbm>> -> memref<4096x128xf32, #tpu.memory_space<hbm>>
      tpu.wait_indirect_dma semaphore(%arg9 : memref<!tpu.dma_semaphore, #tpu.memory_space<semaphore_mem>>) src(%dma_wait3A_44 : memref<4096x128xf32, #tpu.memory_space<hbm>>) dst(%arg7 : memref<128x128xf32, #tpu.memory_space<vmem>>)
      %add3A_45 = arith.constant 1 : i32
      %add3A_46 = arith.addi %mul3A_16, %add3A_45 : i32
      %mul3A_47 = arith.constant 128 : i32
      %mul3A_48 = arith.muli %add3A_46, %mul3A_47 : i32
      %add3A_49 = arith.addi %mul3A_2, %mul3A_48 : i32
      "tpu.region"() ({
        %run_scoped3A = tpu.sem_alloc : memref<!tpu.dma_semaphore, #tpu.memory_space<semaphore_mem>>
        %dma_start3A_50 = arith.constant 0 : i32
        %dma_start3A_51 = tpu.memref_slice %arg4[%add3A_49, %dma_start3A_50] : memref<81920x128xf32, #tpu.memory_space<hbm>> -> memref<128x128xf32, #tpu.memory_space<hbm>>
        %dma_start3A_52 = arith.constant 0 : i32
        %dma_start3A_53 = tpu.memref_slice %arg4[%add3A_49, %dma_start3A_52] : memref<81920x128xf32, #tpu.memory_space<hbm>> -> memref<128x128xf32, #tpu.memory_space<hbm>>
        tpu.enqueue_dma source(%arg7 : memref<128x128xf32, #tpu.memory_space<vmem>>) target(%dma_start3A_53 : memref<128x128xf32, #tpu.memory_space<hbm>>) target_semaphore(%run_scoped3A : memref<!tpu.dma_semaphore, #tpu.memory_space<semaphore_mem>>)
        %dma_wait3A_54 = arith.constant 0 : i32
        %dma_wait3A_55 = tpu.memref_slice %arg4[%add3A_49, %dma_wait3A_54] : memref<81920x128xf32, #tpu.memory_space<hbm>> -> memref<128x128xf32, #tpu.memory_space<hbm>>
        %dma_wait3A_56 = arith.constant 0 : i32
        %dma_wait3A_57 = tpu.memref_slice %arg4[%add3A_49, %dma_wait3A_56] : memref<81920x128xf32, #tpu.memory_space<hbm>> -> memref<128x128xf32, #tpu.memory_space<hbm>>
        tpu.wait_dma2 semaphore(%run_scoped3A : memref<!tpu.dma_semaphore, #tpu.memory_space<semaphore_mem>>) src(%arg7 : memref<128x128xf32, #tpu.memory_space<vmem>>) dst(%dma_wait3A_57 : memref<128x128xf32, #tpu.memory_space<hbm>>)
        tpu.yield
      }) : () -> ()
    }
    %scan3A_13 = arith.constant 10 : i32
    return
  }
}

#map = affine_map<(d0, d1) -> (0, 0)>
#map1 = affine_map<(d0, d1) -> (0, 0, 0)>
module attributes {stable_mosaic.version = 14 : i64} {
  func.func @gather(%arg0: i32, %arg1: i32, %arg2: memref<4096x128xf32, #tpu.memory_space<hbm>>, %arg3: memref<32x20x128xi32, #tpu.memory_space<hbm>>, %arg4: memref<81920x128xf32, #tpu.memory_space<hbm>>, %arg5: memref<20x128xi32, #tpu.memory_space<vmem>>, %arg6: memref<128x128xf32, #tpu.memory_space<vmem>>, %arg7: memref<128x128xf32, #tpu.memory_space<vmem>>, %arg8: memref<!tpu.dma_semaphore, #tpu.memory_space<semaphore_mem>>, %arg9: memref<!tpu.dma_semaphore, #tpu.memory_space<semaphore_mem>>) attributes {dimension_semantics = [#tpu.dimension_semantics<core_parallel>, #tpu.dimension_semantics<subcore_parallel>], iteration_bounds = array<i64: 2, 16>, scalar_prefetch = 0 : i64, scratch_operands = 5 : i64, tpu.core_type = #tpu.core_type<sc_vector_subcore>, window_params = [{transform_indices = #map}, {transform_indices = #map1}, {transform_indices = #map}]} {
    %mul3A = arith.constant 2 : i32
    %mul3A_0 = arith.muli %arg1, %mul3A : i32
    %add3A = arith.addi %mul3A_0, %arg0 : i32
    "tpu.region"() ({
      %run_scoped3A = tpu.sem_alloc : memref<!tpu.dma_semaphore, #tpu.memory_space<semaphore_mem>>
      %dma_start3A_14 = arith.constant 0 : i32
      %dma_start3A_15 = arith.constant 0 : i32
      %dma_start3A_16 = tpu.memref_slice %arg3[%add3A, %dma_start3A_14, %dma_start3A_15] : memref<32x20x128xi32, #tpu.memory_space<hbm>> -> memref<1x20x128xi32, #tpu.memory_space<hbm>>
      %dma_start3A_17 = tpu.memref_squeeze %dma_start3A_16 : memref<1x20x128xi32, #tpu.memory_space<hbm>> -> memref<20x128xi32, #tpu.memory_space<hbm>>
      %dma_start3A_18 = arith.constant 0 : i32
      %dma_start3A_19 = arith.constant 0 : i32
      %dma_start3A_20 = tpu.memref_slice %arg3[%add3A, %dma_start3A_18, %dma_start3A_19] : memref<32x20x128xi32, #tpu.memory_space<hbm>> -> memref<1x20x128xi32, #tpu.memory_space<hbm>>
      %dma_start3A_21 = tpu.memref_squeeze %dma_start3A_20 : memref<1x20x128xi32, #tpu.memory_space<hbm>> -> memref<20x128xi32, #tpu.memory_space<hbm>>
      tpu.enqueue_dma source(%dma_start3A_21 : memref<20x128xi32, #tpu.memory_space<hbm>>) target(%arg5 : memref<20x128xi32, #tpu.memory_space<vmem>>) target_semaphore(%run_scoped3A : memref<!tpu.dma_semaphore, #tpu.memory_space<semaphore_mem>>)
      %dma_wait3A = arith.constant 0 : i32
      %dma_wait3A_22 = arith.constant 0 : i32
      %dma_wait3A_23 = tpu.memref_slice %arg3[%add3A, %dma_wait3A, %dma_wait3A_22] : memref<32x20x128xi32, #tpu.memory_space<hbm>> -> memref<1x20x128xi32, #tpu.memory_space<hbm>>
      %dma_wait3A_24 = tpu.memref_squeeze %dma_wait3A_23 : memref<1x20x128xi32, #tpu.memory_space<hbm>> -> memref<20x128xi32, #tpu.memory_space<hbm>>
      %dma_wait3A_25 = arith.constant 0 : i32
      %dma_wait3A_26 = arith.constant 0 : i32
      %dma_wait3A_27 = tpu.memref_slice %arg3[%add3A, %dma_wait3A_25, %dma_wait3A_26] : memref<32x20x128xi32, #tpu.memory_space<hbm>> -> memref<1x20x128xi32, #tpu.memory_space<hbm>>
      %dma_wait3A_28 = tpu.memref_squeeze %dma_wait3A_27 : memref<1x20x128xi32, #tpu.memory_space<hbm>> -> memref<20x128xi32, #tpu.memory_space<hbm>>
      tpu.wait_dma2 semaphore(%run_scoped3A : memref<!tpu.dma_semaphore, #tpu.memory_space<semaphore_mem>>) src(%dma_wait3A_28 : memref<20x128xi32, #tpu.memory_space<hbm>>) dst(%arg5 : memref<20x128xi32, #tpu.memory_space<vmem>>)
      tpu.yield
    }) : () -> ()
    %mul3A_1 = arith.constant 2560 : i32
    %mul3A_2 = arith.muli %add3A, %mul3A_1 : i32
    %dma_start3A = arith.constant 0 : i32
    %dma_start3A_3 = arith.constant 0 : i32
    %dma_start3A_4 = tpu.memref_slice %arg5[%dma_start3A, %dma_start3A_3] : memref<20x128xi32, #tpu.memory_space<vmem>> -> memref<1x128xi32, #tpu.memory_space<vmem>>
    %dma_start3A_5 = tpu.memref_squeeze %dma_start3A_4 : memref<1x128xi32, #tpu.memory_space<vmem>> -> memref<128xi32, #tpu.memory_space<vmem>>
    %dma_start3A_6 = arith.constant 0 : i32
    %dma_start3A_7 = arith.constant 0 : i32
    %dma_start3A_8 = tpu.memref_slice %arg2[%dma_start3A_6, %dma_start3A_7] : memref<4096x128xf32, #tpu.memory_space<hbm>> -> memref<4096x128xf32, #tpu.memory_space<hbm>>
    tpu.enqueue_indirect_dma source(%dma_start3A_8 : memref<4096x128xf32, #tpu.memory_space<hbm>>) target(%arg6 : memref<128x128xf32, #tpu.memory_space<vmem>>) offsets(%dma_start3A_5 : memref<128xi32, #tpu.memory_space<vmem>>) semaphore(%arg8 : memref<!tpu.dma_semaphore, #tpu.memory_space<semaphore_mem>>)
    %scan3A = arith.constant 0 : i32
    %scan3A_9 = arith.constant 0 : i32
    %scan3A_10 = arith.constant 10 : i32
    %scan3A_11 = arith.addi %scan3A_9, %scan3A_10 : i32
    %scan3A_12 = arith.constant 1 : i32
    scf.for %scan3A_14 = %scan3A_9 to %scan3A_11 step %scan3A_12  : i32 {
      %mul3A_15 = arith.constant 2 : i32
      %mul3A_16 = arith.muli %mul3A_15, %scan3A_14 : i32
      %add3A_17 = arith.constant 1 : i32
      %add3A_18 = arith.addi %mul3A_16, %add3A_17 : i32
      %dma_start3A_19 = arith.constant 0 : i32
      %dma_start3A_20 = tpu.memref_slice %arg5[%add3A_18, %dma_start3A_19] : memref<20x128xi32, #tpu.memory_space<vmem>> -> memref<1x128xi32, #tpu.memory_space<vmem>>
      %dma_start3A_21 = tpu.memref_squeeze %dma_start3A_20 : memref<1x128xi32, #tpu.memory_space<vmem>> -> memref<128xi32, #tpu.memory_space<vmem>>
      %dma_start3A_22 = arith.constant 0 : i32
      %dma_start3A_23 = arith.constant 0 : i32
      %dma_start3A_24 = tpu.memref_slice %arg2[%dma_start3A_22, %dma_start3A_23] : memref<4096x128xf32, #tpu.memory_space<hbm>> -> memref<4096x128xf32, #tpu.memory_space<hbm>>
      tpu.enqueue_indirect_dma source(%dma_start3A_24 : memref<4096x128xf32, #tpu.memory_space<hbm>>) target(%arg7 : memref<128x128xf32, #tpu.memory_space<vmem>>) offsets(%dma_start3A_21 : memref<128xi32, #tpu.memory_space<vmem>>) semaphore(%arg9 : memref<!tpu.dma_semaphore, #tpu.memory_space<semaphore_mem>>)
      %dma_wait3A = arith.constant 0 : i32
      %dma_wait3A_25 = tpu.memref_slice %arg5[%mul3A_16, %dma_wait3A] : memref<20x128xi32, #tpu.memory_space<vmem>> -> memref<1x128xi32, #tpu.memory_space<vmem>>
      %dma_wait3A_26 = tpu.memref_squeeze %dma_wait3A_25 : memref<1x128xi32, #tpu.memory_space<vmem>> -> memref<128xi32, #tpu.memory_space<vmem>>
      %dma_wait3A_27 = arith.constant 0 : i32
      %dma_wait3A_28 = arith.constant 0 : i32
      %dma_wait3A_29 = tpu.memref_slice %arg2[%dma_wait3A_27, %dma_wait3A_28] : memref<4096x128xf32, #tpu.memory_space<hbm>> -> memref<4096x128xf32, #tpu.memory_space<hbm>>
      tpu.wait_indirect_dma semaphore(%arg8 : memref<!tpu.dma_semaphore, #tpu.memory_space<semaphore_mem>>) src(%dma_wait3A_29 : memref<4096x128xf32, #tpu.memory_space<hbm>>) dst(%arg6 : memref<128x128xf32, #tpu.memory_space<vmem>>)
      %mul3A_30 = arith.constant 128 : i32
      %mul3A_31 = arith.muli %mul3A_16, %mul3A_30 : i32
      %add3A_32 = arith.addi %mul3A_2, %mul3A_31 : i32
      "tpu.region"() ({
        %run_scoped3A = tpu.sem_alloc : memref<!tpu.dma_semaphore, #tpu.memory_space<semaphore_mem>>
        %dma_start3A_50 = arith.constant 0 : i32
        %dma_start3A_51 = tpu.memref_slice %arg4[%add3A_32, %dma_start3A_50] : memref<81920x128xf32, #tpu.memory_space<hbm>> -> memref<128x128xf32, #tpu.memory_space<hbm>>
        %dma_start3A_52 = arith.constant 0 : i32
        %dma_start3A_53 = tpu.memref_slice %arg4[%add3A_32, %dma_start3A_52] : memref<81920x128xf32, #tpu.memory_space<hbm>> -> memref<128x128xf32, #tpu.memory_space<hbm>>
        tpu.enqueue_dma source(%arg6 : memref<128x128xf32, #tpu.memory_space<vmem>>) target(%dma_start3A_53 : memref<128x128xf32, #tpu.memory_space<hbm>>) target_semaphore(%run_scoped3A : memref<!tpu.dma_semaphore, #tpu.memory_space<semaphore_mem>>)
        %dma_wait3A_54 = arith.constant 0 : i32
        %dma_wait3A_55 = tpu.memref_slice %arg4[%add3A_32, %dma_wait3A_54] : memref<81920x128xf32, #tpu.memory_space<hbm>> -> memref<128x128xf32, #tpu.memory_space<hbm>>
        %dma_wait3A_56 = arith.constant 0 : i32
        %dma_wait3A_57 = tpu.memref_slice %arg4[%add3A_32, %dma_wait3A_56] : memref<81920x128xf32, #tpu.memory_space<hbm>> -> memref<128x128xf32, #tpu.memory_space<hbm>>
        tpu.wait_dma2 semaphore(%run_scoped3A : memref<!tpu.dma_semaphore, #tpu.memory_space<semaphore_mem>>) src(%arg6 : memref<128x128xf32, #tpu.memory_space<vmem>>) dst(%dma_wait3A_57 : memref<128x128xf32, #tpu.memory_space<hbm>>)
        tpu.yield
      }) : () -> ()
      %add3A_33 = arith.constant 1 : i32
      %add3A_34 = arith.addi %scan3A_14, %add3A_33 : i32
      %lt3A = arith.constant 10 : i32
      %lt3A_35 = arith.cmpi slt, %add3A_34, %lt3A : i32
      %convert_element_type3A = arith.extui %lt3A_35 : i1 to i32
      %cond3A = arith.constant 0 : i32
      %cond3A_36 = arith.cmpi ne, %convert_element_type3A, %cond3A : i32
      scf.if %cond3A_36 {
        %add3A_50 = arith.constant 2 : i32
        %add3A_51 = arith.addi %mul3A_16, %add3A_50 : i32
        %dma_start3A_52 = arith.constant 0 : i32
        %dma_start3A_53 = tpu.memref_slice %arg5[%add3A_51, %dma_start3A_52] : memref<20x128xi32, #tpu.memory_space<vmem>> -> memref<1x128xi32, #tpu.memory_space<vmem>>
        %dma_start3A_54 = tpu.memref_squeeze %dma_start3A_53 : memref<1x128xi32, #tpu.memory_space<vmem>> -> memref<128xi32, #tpu.memory_space<vmem>>
        %dma_start3A_55 = arith.constant 0 : i32
        %dma_start3A_56 = arith.constant 0 : i32
        %dma_start3A_57 = tpu.memref_slice %arg2[%dma_start3A_55, %dma_start3A_56] : memref<4096x128xf32, #tpu.memory_space<hbm>> -> memref<4096x128xf32, #tpu.memory_space<hbm>>
        tpu.enqueue_indirect_dma source(%dma_start3A_57 : memref<4096x128xf32, #tpu.memory_space<hbm>>) target(%arg6 : memref<128x128xf32, #tpu.memory_space<vmem>>) offsets(%dma_start3A_54 : memref<128xi32, #tpu.memory_space<vmem>>) semaphore(%arg8 : memref<!tpu.dma_semaphore, #tpu.memory_space<semaphore_mem>>)
      } else {
      }
      %add3A_37 = arith.constant 1 : i32
      %add3A_38 = arith.addi %mul3A_16, %add3A_37 : i32
      %dma_wait3A_39 = arith.constant 0 : i32
      %dma_wait3A_40 = tpu.memref_slice %arg5[%add3A_38, %dma_wait3A_39] : memref<20x128xi32, #tpu.memory_space<vmem>> -> memref<1x128xi32, #tpu.memory_space<vmem>>
      %dma_wait3A_41 = tpu.memref_squeeze %dma_wait3A_40 : memref<1x128xi32, #tpu.memory_space<vmem>> -> memref<128xi32, #tpu.memory_space<vmem>>
      %dma_wait3A_42 = arith.constant 0 : i32
      %dma_wait3A_43 = arith.constant 0 : i32
      %dma_wait3A_44 = tpu.memref_slice %arg2[%dma_wait3A_42, %dma_wait3A_43] : memref<4096x128xf32, #tpu.memory_space<hbm>> -> memref<4096x128xf32, #tpu.memory_space<hbm>>
      tpu.wait_indirect_dma semaphore(%arg9 : memref<!tpu.dma_semaphore, #tpu.memory_space<semaphore_mem>>) src(%dma_wait3A_44 : memref<4096x128xf32, #tpu.memory_space<hbm>>) dst(%arg7 : memref<128x128xf32, #tpu.memory_space<vmem>>)
      %add3A_45 = arith.constant 1 : i32
      %add3A_46 = arith.addi %mul3A_16, %add3A_45 : i32
      %mul3A_47 = arith.constant 128 : i32
      %mul3A_48 = arith.muli %add3A_46, %mul3A_47 : i32
      %add3A_49 = arith.addi %mul3A_2, %mul3A_48 : i32
      "tpu.region"() ({
        %run_scoped3A = tpu.sem_alloc : memref<!tpu.dma_semaphore, #tpu.memory_space<semaphore_mem>>
        %dma_start3A_50 = arith.constant 0 : i32
        %dma_start3A_51 = tpu.memref_slice %arg4[%add3A_49, %dma_start3A_50] : memref<81920x128xf32, #tpu.memory_space<hbm>> -> memref<128x128xf32, #tpu.memory_space<hbm>>
        %dma_start3A_52 = arith.constant 0 : i32
        %dma_start3A_53 = tpu.memref_slice %arg4[%add3A_49, %dma_start3A_52] : memref<81920x128xf32, #tpu.memory_space<hbm>> -> memref<128x128xf32, #tpu.memory_space<hbm>>
        tpu.enqueue_dma source(%arg7 : memref<128x128xf32, #tpu.memory_space<vmem>>) target(%dma_start3A_53 : memref<128x128xf32, #tpu.memory_space<hbm>>) target_semaphore(%run_scoped3A : memref<!tpu.dma_semaphore, #tpu.memory_space<semaphore_mem>>)
        %dma_wait3A_54 = arith.constant 0 : i32
        %dma_wait3A_55 = tpu.memref_slice %arg4[%add3A_49, %dma_wait3A_54] : memref<81920x128xf32, #tpu.memory_space<hbm>> -> memref<128x128xf32, #tpu.memory_space<hbm>>
        %dma_wait3A_56 = arith.constant 0 : i32
        %dma_wait3A_57 = tpu.memref_slice %arg4[%add3A_49, %dma_wait3A_56] : memref<81920x128xf32, #tpu.memory_space<hbm>> -> memref<128x128xf32, #tpu.memory_space<hbm>>
        tpu.wait_dma2 semaphore(%run_scoped3A : memref<!tpu.dma_semaphore, #tpu.memory_space<semaphore_mem>>) src(%arg7 : memref<128x128xf32, #tpu.memory_space<vmem>>) dst(%dma_wait3A_57 : memref<128x128xf32, #tpu.memory_space<hbm>>)
        tpu.yield
      }) : () -> ()
    }
    %scan3A_13 = arith.constant 10 : i32
    return
  }
}

#map = affine_map<(d0, d1) -> (0, 0)>
#map1 = affine_map<(d0, d1) -> (0, 0, 0)>
module attributes {stable_mosaic.version = 14 : i64} {
  func.func @gather(%arg0: i32, %arg1: i32, %arg2: memref<4096x128xf32, #tpu.memory_space<hbm>>, %arg3: memref<32x20x128xi32, #tpu.memory_space<hbm>>, %arg4: memref<81920x128xf32, #tpu.memory_space<hbm>>, %arg5: memref<20x128xi32, #tpu.memory_space<vmem>>, %arg6: memref<128x128xf32, #tpu.memory_space<vmem>>, %arg7: memref<128x128xf32, #tpu.memory_space<vmem>>, %arg8: memref<!tpu.dma_semaphore, #tpu.memory_space<semaphore_mem>>, %arg9: memref<!tpu.dma_semaphore, #tpu.memory_space<semaphore_mem>>) attributes {dimension_semantics = [#tpu.dimension_semantics<core_parallel>, #tpu.dimension_semantics<subcore_parallel>], iteration_bounds = array<i64: 2, 16>, scalar_prefetch = 0 : i64, scratch_operands = 5 : i64, tpu.core_type = #tpu.core_type<sc_vector_subcore>, window_params = [{transform_indices = #map}, {transform_indices = #map1}, {transform_indices = #map}]} {
    %mul3A = arith.constant 2 : i32
    %mul3A_0 = arith.muli %arg1, %mul3A : i32
    %add3A = arith.addi %mul3A_0, %arg0 : i32
    "tpu.region"() ({
      %run_scoped3A = tpu.sem_alloc : memref<!tpu.dma_semaphore, #tpu.memory_space<semaphore_mem>>
      %dma_start3A_14 = arith.constant 0 : i32
      %dma_start3A_15 = arith.constant 0 : i32
      %dma_start3A_16 = tpu.memref_slice %arg3[%add3A, %dma_start3A_14, %dma_start3A_15] : memref<32x20x128xi32, #tpu.memory_space<hbm>> -> memref<1x20x128xi32, #tpu.memory_space<hbm>>
      %dma_start3A_17 = tpu.memref_squeeze %dma_start3A_16 : memref<1x20x128xi32, #tpu.memory_space<hbm>> -> memref<20x128xi32, #tpu.memory_space<hbm>>
      %dma_start3A_18 = arith.constant 0 : i32
      %dma_start3A_19 = arith.constant 0 : i32
      %dma_start3A_20 = tpu.memref_slice %arg3[%add3A, %dma_start3A_18, %dma_start3A_19] : memref<32x20x128xi32, #tpu.memory_space<hbm>> -> memref<1x20x128xi32, #tpu.memory_space<hbm>>
      %dma_start3A_21 = tpu.memref_squeeze %dma_start3A_20 : memref<1x20x128xi32, #tpu.memory_space<hbm>> -> memref<20x128xi32, #tpu.memory_space<hbm>>
      tpu.enqueue_dma source(%dma_start3A_21 : memref<20x128xi32, #tpu.memory_space<hbm>>) target(%arg5 : memref<20x128xi32, #tpu.memory_space<vmem>>) target_semaphore(%run_scoped3A : memref<!tpu.dma_semaphore, #tpu.memory_space<semaphore_mem>>)
      %dma_wait3A = arith.constant 0 : i32
      %dma_wait3A_22 = arith.constant 0 : i32
      %dma_wait3A_23 = tpu.memref_slice %arg3[%add3A, %dma_wait3A, %dma_wait3A_22] : memref<32x20x128xi32, #tpu.memory_space<hbm>> -> memref<1x20x128xi32, #tpu.memory_space<hbm>>
      %dma_wait3A_24 = tpu.memref_squeeze %dma_wait3A_23 : memref<1x20x128xi32, #tpu.memory_space<hbm>> -> memref<20x128xi32, #tpu.memory_space<hbm>>
      %dma_wait3A_25 = arith.constant 0 : i32
      %dma_wait3A_26 = arith.constant 0 : i32
      %dma_wait3A_27 = tpu.memref_slice %arg3[%add3A, %dma_wait3A_25, %dma_wait3A_26] : memref<32x20x128xi32, #tpu.memory_space<hbm>> -> memref<1x20x128xi32, #tpu.memory_space<hbm>>
      %dma_wait3A_28 = tpu.memref_squeeze %dma_wait3A_27 : memref<1x20x128xi32, #tpu.memory_space<hbm>> -> memref<20x128xi32, #tpu.memory_space<hbm>>
      tpu.wait_dma2 semaphore(%run_scoped3A : memref<!tpu.dma_semaphore, #tpu.memory_space<semaphore_mem>>) src(%dma_wait3A_28 : memref<20x128xi32, #tpu.memory_space<hbm>>) dst(%arg5 : memref<20x128xi32, #tpu.memory_space<vmem>>)
      tpu.yield
    }) : () -> ()
    %mul3A_1 = arith.constant 2560 : i32
    %mul3A_2 = arith.muli %add3A, %mul3A_1 : i32
    %dma_start3A = arith.constant 0 : i32
    %dma_start3A_3 = arith.constant 0 : i32
    %dma_start3A_4 = tpu.memref_slice %arg5[%dma_start3A, %dma_start3A_3] : memref<20x128xi32, #tpu.memory_space<vmem>> -> memref<1x128xi32, #tpu.memory_space<vmem>>
    %dma_start3A_5 = tpu.memref_squeeze %dma_start3A_4 : memref<1x128xi32, #tpu.memory_space<vmem>> -> memref<128xi32, #tpu.memory_space<vmem>>
    %dma_start3A_6 = arith.constant 0 : i32
    %dma_start3A_7 = arith.constant 0 : i32
    %dma_start3A_8 = tpu.memref_slice %arg2[%dma_start3A_6, %dma_start3A_7] : memref<4096x128xf32, #tpu.memory_space<hbm>> -> memref<4096x128xf32, #tpu.memory_space<hbm>>
    tpu.enqueue_indirect_dma source(%dma_start3A_8 : memref<4096x128xf32, #tpu.memory_space<hbm>>) target(%arg6 : memref<128x128xf32, #tpu.memory_space<vmem>>) offsets(%dma_start3A_5 : memref<128xi32, #tpu.memory_space<vmem>>) semaphore(%arg8 : memref<!tpu.dma_semaphore, #tpu.memory_space<semaphore_mem>>)
    %scan3A = arith.constant 0 : i32
    %scan3A_9 = arith.constant 0 : i32
    %scan3A_10 = arith.constant 10 : i32
    %scan3A_11 = arith.addi %scan3A_9, %scan3A_10 : i32
    %scan3A_12 = arith.constant 1 : i32
    scf.for %scan3A_14 = %scan3A_9 to %scan3A_11 step %scan3A_12  : i32 {
      %mul3A_15 = arith.constant 2 : i32
      %mul3A_16 = arith.muli %mul3A_15, %scan3A_14 : i32
      %add3A_17 = arith.constant 1 : i32
      %add3A_18 = arith.addi %mul3A_16, %add3A_17 : i32
      %dma_start3A_19 = arith.constant 0 : i32
      %dma_start3A_20 = tpu.memref_slice %arg5[%add3A_18, %dma_start3A_19] : memref<20x128xi32, #tpu.memory_space<vmem>> -> memref<1x128xi32, #tpu.memory_space<vmem>>
      %dma_start3A_21 = tpu.memref_squeeze %dma_start3A_20 : memref<1x128xi32, #tpu.memory_space<vmem>> -> memref<128xi32, #tpu.memory_space<vmem>>
      %dma_start3A_22 = arith.constant 0 : i32
      %dma_start3A_23 = arith.constant 0 : i32
      %dma_start3A_24 = tpu.memref_slice %arg2[%dma_start3A_22, %dma_start3A_23] : memref<4096x128xf32, #tpu.memory_space<hbm>> -> memref<4096x128xf32, #tpu.memory_space<hbm>>
      tpu.enqueue_indirect_dma source(%dma_start3A_24 : memref<4096x128xf32, #tpu.memory_space<hbm>>) target(%arg7 : memref<128x128xf32, #tpu.memory_space<vmem>>) offsets(%dma_start3A_21 : memref<128xi32, #tpu.memory_space<vmem>>) semaphore(%arg9 : memref<!tpu.dma_semaphore, #tpu.memory_space<semaphore_mem>>)
      %dma_wait3A = arith.constant 0 : i32
      %dma_wait3A_25 = tpu.memref_slice %arg5[%mul3A_16, %dma_wait3A] : memref<20x128xi32, #tpu.memory_space<vmem>> -> memref<1x128xi32, #tpu.memory_space<vmem>>
      %dma_wait3A_26 = tpu.memref_squeeze %dma_wait3A_25 : memref<1x128xi32, #tpu.memory_space<vmem>> -> memref<128xi32, #tpu.memory_space<vmem>>
      %dma_wait3A_27 = arith.constant 0 : i32
      %dma_wait3A_28 = arith.constant 0 : i32
      %dma_wait3A_29 = tpu.memref_slice %arg2[%dma_wait3A_27, %dma_wait3A_28] : memref<4096x128xf32, #tpu.memory_space<hbm>> -> memref<4096x128xf32, #tpu.memory_space<hbm>>
      tpu.wait_indirect_dma semaphore(%arg8 : memref<!tpu.dma_semaphore, #tpu.memory_space<semaphore_mem>>) src(%dma_wait3A_29 : memref<4096x128xf32, #tpu.memory_space<hbm>>) dst(%arg6 : memref<128x128xf32, #tpu.memory_space<vmem>>)
      %mul3A_30 = arith.constant 128 : i32
      %mul3A_31 = arith.muli %mul3A_16, %mul3A_30 : i32
      %add3A_32 = arith.addi %mul3A_2, %mul3A_31 : i32
      "tpu.region"() ({
        %run_scoped3A = tpu.sem_alloc : memref<!tpu.dma_semaphore, #tpu.memory_space<semaphore_mem>>
        %dma_start3A_50 = arith.constant 0 : i32
        %dma_start3A_51 = tpu.memref_slice %arg4[%add3A_32, %dma_start3A_50] : memref<81920x128xf32, #tpu.memory_space<hbm>> -> memref<128x128xf32, #tpu.memory_space<hbm>>
        %dma_start3A_52 = arith.constant 0 : i32
        %dma_start3A_53 = tpu.memref_slice %arg4[%add3A_32, %dma_start3A_52] : memref<81920x128xf32, #tpu.memory_space<hbm>> -> memref<128x128xf32, #tpu.memory_space<hbm>>
        tpu.enqueue_dma source(%arg6 : memref<128x128xf32, #tpu.memory_space<vmem>>) target(%dma_start3A_53 : memref<128x128xf32, #tpu.memory_space<hbm>>) target_semaphore(%run_scoped3A : memref<!tpu.dma_semaphore, #tpu.memory_space<semaphore_mem>>)
        %dma_wait3A_54 = arith.constant 0 : i32
        %dma_wait3A_55 = tpu.memref_slice %arg4[%add3A_32, %dma_wait3A_54] : memref<81920x128xf32, #tpu.memory_space<hbm>> -> memref<128x128xf32, #tpu.memory_space<hbm>>
        %dma_wait3A_56 = arith.constant 0 : i32
        %dma_wait3A_57 = tpu.memref_slice %arg4[%add3A_32, %dma_wait3A_56] : memref<81920x128xf32, #tpu.memory_space<hbm>> -> memref<128x128xf32, #tpu.memory_space<hbm>>
        tpu.wait_dma2 semaphore(%run_scoped3A : memref<!tpu.dma_semaphore, #tpu.memory_space<semaphore_mem>>) src(%arg6 : memref<128x128xf32, #tpu.memory_space<vmem>>) dst(%dma_wait3A_57 : memref<128x128xf32, #tpu.memory_space<hbm>>)
        tpu.yield
      }) : () -> ()
      %add3A_33 = arith.constant 1 : i32
      %add3A_34 = arith.addi %scan3A_14, %add3A_33 : i32
      %lt3A = arith.constant 10 : i32
      %lt3A_35 = arith.cmpi slt, %add3A_34, %lt3A : i32
      %convert_element_type3A = arith.extui %lt3A_35 : i1 to i32
      %cond3A = arith.constant 0 : i32
      %cond3A_36 = arith.cmpi ne, %convert_element_type3A, %cond3A : i32
      scf.if %cond3A_36 {
        %add3A_50 = arith.constant 2 : i32
        %add3A_51 = arith.addi %mul3A_16, %add3A_50 : i32
        %dma_start3A_52 = arith.constant 0 : i32
        %dma_start3A_53 = tpu.memref_slice %arg5[%add3A_51, %dma_start3A_52] : memref<20x128xi32, #tpu.memory_space<vmem>> -> memref<1x128xi32, #tpu.memory_space<vmem>>
        %dma_start3A_54 = tpu.memref_squeeze %dma_start3A_53 : memref<1x128xi32, #tpu.memory_space<vmem>> -> memref<128xi32, #tpu.memory_space<vmem>>
        %dma_start3A_55 = arith.constant 0 : i32
        %dma_start3A_56 = arith.constant 0 : i32
        %dma_start3A_57 = tpu.memref_slice %arg2[%dma_start3A_55, %dma_start3A_56] : memref<4096x128xf32, #tpu.memory_space<hbm>> -> memref<4096x128xf32, #tpu.memory_space<hbm>>
        tpu.enqueue_indirect_dma source(%dma_start3A_57 : memref<4096x128xf32, #tpu.memory_space<hbm>>) target(%arg6 : memref<128x128xf32, #tpu.memory_space<vmem>>) offsets(%dma_start3A_54 : memref<128xi32, #tpu.memory_space<vmem>>) semaphore(%arg8 : memref<!tpu.dma_semaphore, #tpu.memory_space<semaphore_mem>>)
      } else {
      }
      %add3A_37 = arith.constant 1 : i32
      %add3A_38 = arith.addi %mul3A_16, %add3A_37 : i32
      %dma_wait3A_39 = arith.constant 0 : i32
      %dma_wait3A_40 = tpu.memref_slice %arg5[%add3A_38, %dma_wait3A_39] : memref<20x128xi32, #tpu.memory_space<vmem>> -> memref<1x128xi32, #tpu.memory_space<vmem>>
      %dma_wait3A_41 = tpu.memref_squeeze %dma_wait3A_40 : memref<1x128xi32, #tpu.memory_space<vmem>> -> memref<128xi32, #tpu.memory_space<vmem>>
      %dma_wait3A_42 = arith.constant 0 : i32
      %dma_wait3A_43 = arith.constant 0 : i32
      %dma_wait3A_44 = tpu.memref_slice %arg2[%dma_wait3A_42, %dma_wait3A_43] : memref<4096x128xf32, #tpu.memory_space<hbm>> -> memref<4096x128xf32, #tpu.memory_space<hbm>>
      tpu.wait_indirect_dma semaphore(%arg9 : memref<!tpu.dma_semaphore, #tpu.memory_space<semaphore_mem>>) src(%dma_wait3A_44 : memref<4096x128xf32, #tpu.memory_space<hbm>>) dst(%arg7 : memref<128x128xf32, #tpu.memory_space<vmem>>)
      %add3A_45 = arith.constant 1 : i32
      %add3A_46 = arith.addi %mul3A_16, %add3A_45 : i32
      %mul3A_47 = arith.constant 128 : i32
      %mul3A_48 = arith.muli %add3A_46, %mul3A_47 : i32
      %add3A_49 = arith.addi %mul3A_2, %mul3A_48 : i32
      "tpu.region"() ({
        %run_scoped3A = tpu.sem_alloc : memref<!tpu.dma_semaphore, #tpu.memory_space<semaphore_mem>>
        %dma_start3A_50 = arith.constant 0 : i32
        %dma_start3A_51 = tpu.memref_slice %arg4[%add3A_49, %dma_start3A_50] : memref<81920x128xf32, #tpu.memory_space<hbm>> -> memref<128x128xf32, #tpu.memory_space<hbm>>
        %dma_start3A_52 = arith.constant 0 : i32
        %dma_start3A_53 = tpu.memref_slice %arg4[%add3A_49, %dma_start3A_52] : memref<81920x128xf32, #tpu.memory_space<hbm>> -> memref<128x128xf32, #tpu.memory_space<hbm>>
        tpu.enqueue_dma source(%arg7 : memref<128x128xf32, #tpu.memory_space<vmem>>) target(%dma_start3A_53 : memref<128x128xf32, #tpu.memory_space<hbm>>) target_semaphore(%run_scoped3A : memref<!tpu.dma_semaphore, #tpu.memory_space<semaphore_mem>>)
        %dma_wait3A_54 = arith.constant 0 : i32
        %dma_wait3A_55 = tpu.memref_slice %arg4[%add3A_49, %dma_wait3A_54] : memref<81920x128xf32, #tpu.memory_space<hbm>> -> memref<128x128xf32, #tpu.memory_space<hbm>>
        %dma_wait3A_56 = arith.constant 0 : i32
        %dma_wait3A_57 = tpu.memref_slice %arg4[%add3A_49, %dma_wait3A_56] : memref<81920x128xf32, #tpu.memory_space<hbm>> -> memref<128x128xf32, #tpu.memory_space<hbm>>
        tpu.wait_dma2 semaphore(%run_scoped3A : memref<!tpu.dma_semaphore, #tpu.memory_space<semaphore_mem>>) src(%arg7 : memref<128x128xf32, #tpu.memory_space<vmem>>) dst(%dma_wait3A_57 : memref<128x128xf32, #tpu.memory_space<hbm>>)
        tpu.yield
      }) : () -> ()
    }
    %scan3A_13 = arith.constant 10 : i32
    return
  }
}

#map = affine_map<(d0, d1) -> (0, 0)>
#map1 = affine_map<(d0, d1) -> (0, 0, 0)>
module attributes {stable_mosaic.version = 14 : i64} {
  func.func @gather(%arg0: i32, %arg1: i32, %arg2: memref<4096x128xf32, #tpu.memory_space<hbm>>, %arg3: memref<32x20x128xi32, #tpu.memory_space<hbm>>, %arg4: memref<81920x128xf32, #tpu.memory_space<hbm>>, %arg5: memref<20x128xi32, #tpu.memory_space<vmem>>, %arg6: memref<128x128xf32, #tpu.memory_space<vmem>>, %arg7: memref<128x128xf32, #tpu.memory_space<vmem>>, %arg8: memref<!tpu.dma_semaphore, #tpu.memory_space<semaphore_mem>>, %arg9: memref<!tpu.dma_semaphore, #tpu.memory_space<semaphore_mem>>) attributes {dimension_semantics = [#tpu.dimension_semantics<core_parallel>, #tpu.dimension_semantics<subcore_parallel>], iteration_bounds = array<i64: 2, 16>, scalar_prefetch = 0 : i64, scratch_operands = 5 : i64, tpu.core_type = #tpu.core_type<sc_vector_subcore>, window_params = [{transform_indices = #map}, {transform_indices = #map1}, {transform_indices = #map}]} {
    %mul3A = arith.constant 2 : i32
    %mul3A_0 = arith.muli %arg1, %mul3A : i32
    %add3A = arith.addi %mul3A_0, %arg0 : i32
    "tpu.region"() ({
      %run_scoped3A = tpu.sem_alloc : memref<!tpu.dma_semaphore, #tpu.memory_space<semaphore_mem>>
      %dma_start3A_14 = arith.constant 0 : i32
      %dma_start3A_15 = arith.constant 0 : i32
      %dma_start3A_16 = tpu.memref_slice %arg3[%add3A, %dma_start3A_14, %dma_start3A_15] : memref<32x20x128xi32, #tpu.memory_space<hbm>> -> memref<1x20x128xi32, #tpu.memory_space<hbm>>
      %dma_start3A_17 = tpu.memref_squeeze %dma_start3A_16 : memref<1x20x128xi32, #tpu.memory_space<hbm>> -> memref<20x128xi32, #tpu.memory_space<hbm>>
      %dma_start3A_18 = arith.constant 0 : i32
      %dma_start3A_19 = arith.constant 0 : i32
      %dma_start3A_20 = tpu.memref_slice %arg3[%add3A, %dma_start3A_18, %dma_start3A_19] : memref<32x20x128xi32, #tpu.memory_space<hbm>> -> memref<1x20x128xi32, #tpu.memory_space<hbm>>
      %dma_start3A_21 = tpu.memref_squeeze %dma_start3A_20 : memref<1x20x128xi32, #tpu.memory_space<hbm>> -> memref<20x128xi32, #tpu.memory_space<hbm>>
      tpu.enqueue_dma source(%dma_start3A_21 : memref<20x128xi32, #tpu.memory_space<hbm>>) target(%arg5 : memref<20x128xi32, #tpu.memory_space<vmem>>) target_semaphore(%run_scoped3A : memref<!tpu.dma_semaphore, #tpu.memory_space<semaphore_mem>>)
      %dma_wait3A = arith.constant 0 : i32
      %dma_wait3A_22 = arith.constant 0 : i32
      %dma_wait3A_23 = tpu.memref_slice %arg3[%add3A, %dma_wait3A, %dma_wait3A_22] : memref<32x20x128xi32, #tpu.memory_space<hbm>> -> memref<1x20x128xi32, #tpu.memory_space<hbm>>
      %dma_wait3A_24 = tpu.memref_squeeze %dma_wait3A_23 : memref<1x20x128xi32, #tpu.memory_space<hbm>> -> memref<20x128xi32, #tpu.memory_space<hbm>>
      %dma_wait3A_25 = arith.constant 0 : i32
      %dma_wait3A_26 = arith.constant 0 : i32
      %dma_wait3A_27 = tpu.memref_slice %arg3[%add3A, %dma_wait3A_25, %dma_wait3A_26] : memref<32x20x128xi32, #tpu.memory_space<hbm>> -> memref<1x20x128xi32, #tpu.memory_space<hbm>>
      %dma_wait3A_28 = tpu.memref_squeeze %dma_wait3A_27 : memref<1x20x128xi32, #tpu.memory_space<hbm>> -> memref<20x128xi32, #tpu.memory_space<hbm>>
      tpu.wait_dma2 semaphore(%run_scoped3A : memref<!tpu.dma_semaphore, #tpu.memory_space<semaphore_mem>>) src(%dma_wait3A_28 : memref<20x128xi32, #tpu.memory_space<hbm>>) dst(%arg5 : memref<20x128xi32, #tpu.memory_space<vmem>>)
      tpu.yield
    }) : () -> ()
    %mul3A_1 = arith.constant 2560 : i32
    %mul3A_2 = arith.muli %add3A, %mul3A_1 : i32
    %dma_start3A = arith.constant 0 : i32
    %dma_start3A_3 = arith.constant 0 : i32
    %dma_start3A_4 = tpu.memref_slice %arg5[%dma_start3A, %dma_start3A_3] : memref<20x128xi32, #tpu.memory_space<vmem>> -> memref<1x128xi32, #tpu.memory_space<vmem>>
    %dma_start3A_5 = tpu.memref_squeeze %dma_start3A_4 : memref<1x128xi32, #tpu.memory_space<vmem>> -> memref<128xi32, #tpu.memory_space<vmem>>
    %dma_start3A_6 = arith.constant 0 : i32
    %dma_start3A_7 = arith.constant 0 : i32
    %dma_start3A_8 = tpu.memref_slice %arg2[%dma_start3A_6, %dma_start3A_7] : memref<4096x128xf32, #tpu.memory_space<hbm>> -> memref<4096x128xf32, #tpu.memory_space<hbm>>
    tpu.enqueue_indirect_dma source(%dma_start3A_8 : memref<4096x128xf32, #tpu.memory_space<hbm>>) target(%arg6 : memref<128x128xf32, #tpu.memory_space<vmem>>) offsets(%dma_start3A_5 : memref<128xi32, #tpu.memory_space<vmem>>) semaphore(%arg8 : memref<!tpu.dma_semaphore, #tpu.memory_space<semaphore_mem>>)
    %scan3A = arith.constant 0 : i32
    %scan3A_9 = arith.constant 0 : i32
    %scan3A_10 = arith.constant 10 : i32
    %scan3A_11 = arith.addi %scan3A_9, %scan3A_10 : i32
    %scan3A_12 = arith.constant 1 : i32
    scf.for %scan3A_14 = %scan3A_9 to %scan3A_11 step %scan3A_12  : i32 {
      %mul3A_15 = arith.constant 2 : i32
      %mul3A_16 = arith.muli %mul3A_15, %scan3A_14 : i32
      %add3A_17 = arith.constant 1 : i32
      %add3A_18 = arith.addi %mul3A_16, %add3A_17 : i32
      %dma_start3A_19 = arith.constant 0 : i32
      %dma_start3A_20 = tpu.memref_slice %arg5[%add3A_18, %dma_start3A_19] : memref<20x128xi32, #tpu.memory_space<vmem>> -> memref<1x128xi32, #tpu.memory_space<vmem>>
      %dma_start3A_21 = tpu.memref_squeeze %dma_start3A_20 : memref<1x128xi32, #tpu.memory_space<vmem>> -> memref<128xi32, #tpu.memory_space<vmem>>
      %dma_start3A_22 = arith.constant 0 : i32
      %dma_start3A_23 = arith.constant 0 : i32
      %dma_start3A_24 = tpu.memref_slice %arg2[%dma_start3A_22, %dma_start3A_23] : memref<4096x128xf32, #tpu.memory_space<hbm>> -> memref<4096x128xf32, #tpu.memory_space<hbm>>
      tpu.enqueue_indirect_dma source(%dma_start3A_24 : memref<4096x128xf32, #tpu.memory_space<hbm>>) target(%arg7 : memref<128x128xf32, #tpu.memory_space<vmem>>) offsets(%dma_start3A_21 : memref<128xi32, #tpu.memory_space<vmem>>) semaphore(%arg9 : memref<!tpu.dma_semaphore, #tpu.memory_space<semaphore_mem>>)
      %dma_wait3A = arith.constant 0 : i32
      %dma_wait3A_25 = tpu.memref_slice %arg5[%mul3A_16, %dma_wait3A] : memref<20x128xi32, #tpu.memory_space<vmem>> -> memref<1x128xi32, #tpu.memory_space<vmem>>
      %dma_wait3A_26 = tpu.memref_squeeze %dma_wait3A_25 : memref<1x128xi32, #tpu.memory_space<vmem>> -> memref<128xi32, #tpu.memory_space<vmem>>
      %dma_wait3A_27 = arith.constant 0 : i32
      %dma_wait3A_28 = arith.constant 0 : i32
      %dma_wait3A_29 = tpu.memref_slice %arg2[%dma_wait3A_27, %dma_wait3A_28] : memref<4096x128xf32, #tpu.memory_space<hbm>> -> memref<4096x128xf32, #tpu.memory_space<hbm>>
      tpu.wait_indirect_dma semaphore(%arg8 : memref<!tpu.dma_semaphore, #tpu.memory_space<semaphore_mem>>) src(%dma_wait3A_29 : memref<4096x128xf32, #tpu.memory_space<hbm>>) dst(%arg6 : memref<128x128xf32, #tpu.memory_space<vmem>>)
      %mul3A_30 = arith.constant 128 : i32
      %mul3A_31 = arith.muli %mul3A_16, %mul3A_30 : i32
      %add3A_32 = arith.addi %mul3A_2, %mul3A_31 : i32
      "tpu.region"() ({
        %run_scoped3A = tpu.sem_alloc : memref<!tpu.dma_semaphore, #tpu.memory_space<semaphore_mem>>
        %dma_start3A_50 = arith.constant 0 : i32
        %dma_start3A_51 = tpu.memref_slice %arg4[%add3A_32, %dma_start3A_50] : memref<81920x128xf32, #tpu.memory_space<hbm>> -> memref<128x128xf32, #tpu.memory_space<hbm>>
        %dma_start3A_52 = arith.constant 0 : i32
        %dma_start3A_53 = tpu.memref_slice %arg4[%add3A_32, %dma_start3A_52] : memref<81920x128xf32, #tpu.memory_space<hbm>> -> memref<128x128xf32, #tpu.memory_space<hbm>>
        tpu.enqueue_dma source(%arg6 : memref<128x128xf32, #tpu.memory_space<vmem>>) target(%dma_start3A_53 : memref<128x128xf32, #tpu.memory_space<hbm>>) target_semaphore(%run_scoped3A : memref<!tpu.dma_semaphore, #tpu.memory_space<semaphore_mem>>)
        %dma_wait3A_54 = arith.constant 0 : i32
        %dma_wait3A_55 = tpu.memref_slice %arg4[%add3A_32, %dma_wait3A_54] : memref<81920x128xf32, #tpu.memory_space<hbm>> -> memref<128x128xf32, #tpu.memory_space<hbm>>
        %dma_wait3A_56 = arith.constant 0 : i32
        %dma_wait3A_57 = tpu.memref_slice %arg4[%add3A_32, %dma_wait3A_56] : memref<81920x128xf32, #tpu.memory_space<hbm>> -> memref<128x128xf32, #tpu.memory_space<hbm>>
        tpu.wait_dma2 semaphore(%run_scoped3A : memref<!tpu.dma_semaphore, #tpu.memory_space<semaphore_mem>>) src(%arg6 : memref<128x128xf32, #tpu.memory_space<vmem>>) dst(%dma_wait3A_57 : memref<128x128xf32, #tpu.memory_space<hbm>>)
        tpu.yield
      }) : () -> ()
      %add3A_33 = arith.constant 1 : i32
      %add3A_34 = arith.addi %scan3A_14, %add3A_33 : i32
      %lt3A = arith.constant 10 : i32
      %lt3A_35 = arith.cmpi slt, %add3A_34, %lt3A : i32
      %convert_element_type3A = arith.extui %lt3A_35 : i1 to i32
      %cond3A = arith.constant 0 : i32
      %cond3A_36 = arith.cmpi ne, %convert_element_type3A, %cond3A : i32
      scf.if %cond3A_36 {
        %add3A_50 = arith.constant 2 : i32
        %add3A_51 = arith.addi %mul3A_16, %add3A_50 : i32
        %dma_start3A_52 = arith.constant 0 : i32
        %dma_start3A_53 = tpu.memref_slice %arg5[%add3A_51, %dma_start3A_52] : memref<20x128xi32, #tpu.memory_space<vmem>> -> memref<1x128xi32, #tpu.memory_space<vmem>>
        %dma_start3A_54 = tpu.memref_squeeze %dma_start3A_53 : memref<1x128xi32, #tpu.memory_space<vmem>> -> memref<128xi32, #tpu.memory_space<vmem>>
        %dma_start3A_55 = arith.constant 0 : i32
        %dma_start3A_56 = arith.constant 0 : i32
        %dma_start3A_57 = tpu.memref_slice %arg2[%dma_start3A_55, %dma_start3A_56] : memref<4096x128xf32, #tpu.memory_space<hbm>> -> memref<4096x128xf32, #tpu.memory_space<hbm>>
        tpu.enqueue_indirect_dma source(%dma_start3A_57 : memref<4096x128xf32, #tpu.memory_space<hbm>>) target(%arg6 : memref<128x128xf32, #tpu.memory_space<vmem>>) offsets(%dma_start3A_54 : memref<128xi32, #tpu.memory_space<vmem>>) semaphore(%arg8 : memref<!tpu.dma_semaphore, #tpu.memory_space<semaphore_mem>>)
      } else {
      }
      %add3A_37 = arith.constant 1 : i32
      %add3A_38 = arith.addi %mul3A_16, %add3A_37 : i32
      %dma_wait3A_39 = arith.constant 0 : i32
      %dma_wait3A_40 = tpu.memref_slice %arg5[%add3A_38, %dma_wait3A_39] : memref<20x128xi32, #tpu.memory_space<vmem>> -> memref<1x128xi32, #tpu.memory_space<vmem>>
      %dma_wait3A_41 = tpu.memref_squeeze %dma_wait3A_40 : memref<1x128xi32, #tpu.memory_space<vmem>> -> memref<128xi32, #tpu.memory_space<vmem>>
      %dma_wait3A_42 = arith.constant 0 : i32
      %dma_wait3A_43 = arith.constant 0 : i32
      %dma_wait3A_44 = tpu.memref_slice %arg2[%dma_wait3A_42, %dma_wait3A_43] : memref<4096x128xf32, #tpu.memory_space<hbm>> -> memref<4096x128xf32, #tpu.memory_space<hbm>>
      tpu.wait_indirect_dma semaphore(%arg9 : memref<!tpu.dma_semaphore, #tpu.memory_space<semaphore_mem>>) src(%dma_wait3A_44 : memref<4096x128xf32, #tpu.memory_space<hbm>>) dst(%arg7 : memref<128x128xf32, #tpu.memory_space<vmem>>)
      %add3A_45 = arith.constant 1 : i32
      %add3A_46 = arith.addi %mul3A_16, %add3A_45 : i32
      %mul3A_47 = arith.constant 128 : i32
      %mul3A_48 = arith.muli %add3A_46, %mul3A_47 : i32
      %add3A_49 = arith.addi %mul3A_2, %mul3A_48 : i32
      "tpu.region"() ({
        %run_scoped3A = tpu.sem_alloc : memref<!tpu.dma_semaphore, #tpu.memory_space<semaphore_mem>>
        %dma_start3A_50 = arith.constant 0 : i32
        %dma_start3A_51 = tpu.memref_slice %arg4[%add3A_49, %dma_start3A_50] : memref<81920x128xf32, #tpu.memory_space<hbm>> -> memref<128x128xf32, #tpu.memory_space<hbm>>
        %dma_start3A_52 = arith.constant 0 : i32
        %dma_start3A_53 = tpu.memref_slice %arg4[%add3A_49, %dma_start3A_52] : memref<81920x128xf32, #tpu.memory_space<hbm>> -> memref<128x128xf32, #tpu.memory_space<hbm>>
        tpu.enqueue_dma source(%arg7 : memref<128x128xf32, #tpu.memory_space<vmem>>) target(%dma_start3A_53 : memref<128x128xf32, #tpu.memory_space<hbm>>) target_semaphore(%run_scoped3A : memref<!tpu.dma_semaphore, #tpu.memory_space<semaphore_mem>>)
        %dma_wait3A_54 = arith.constant 0 : i32
        %dma_wait3A_55 = tpu.memref_slice %arg4[%add3A_49, %dma_wait3A_54] : memref<81920x128xf32, #tpu.memory_space<hbm>> -> memref<128x128xf32, #tpu.memory_space<hbm>>
        %dma_wait3A_56 = arith.constant 0 : i32
        %dma_wait3A_57 = tpu.memref_slice %arg4[%add3A_49, %dma_wait3A_56] : memref<81920x128xf32, #tpu.memory_space<hbm>> -> memref<128x128xf32, #tpu.memory_space<hbm>>
        tpu.wait_dma2 semaphore(%run_scoped3A : memref<!tpu.dma_semaphore, #tpu.memory_space<semaphore_mem>>) src(%arg7 : memref<128x128xf32, #tpu.memory_space<vmem>>) dst(%dma_wait3A_57 : memref<128x128xf32, #tpu.memory_space<hbm>>)
        tpu.yield
      }) : () -> ()
    }
    %scan3A_13 = arith.constant 10 : i32
    return
  }
}

module attributes {stable_mosaic.version = 14 : i64} {
  func.func @_layer_body(%arg0: i32, %arg1: i32, %arg2: memref<1x256x128xf32, #tpu.memory_space<vmem>>, %arg3: memref<5120x128xf32, #tpu.memory_space<vmem>>, %arg4: memref<5120x81xf32, #tpu.memory_space<vmem>>, %arg5: memref<1x1x256xf32, #tpu.memory_space<vmem>>, %arg6: memref<128x128xf32, #tpu.memory_space<vmem>>, %arg7: memref<81x128xf32, #tpu.memory_space<vmem>>, %arg8: memref<1x128xf32, #tpu.memory_space<vmem>>, %arg9: memref<128x128xf32, #tpu.memory_space<vmem>>, %arg10: memref<1x128xf32, #tpu.memory_space<vmem>>, %arg11: memref<128x128xf32, #tpu.memory_space<vmem>>, %arg12: memref<1x1xf32, #tpu.memory_space<vmem>>, %arg13: memref<1x256x128xf32, #tpu.memory_space<vmem>>, %arg14: memref<1x256x128xf32, #tpu.memory_space<vmem>>) attributes {dimension_semantics = [#tpu.dimension_semantics<parallel>, #tpu.dimension_semantics<arbitrary>], iteration_bounds = array<i64: 4, 4>, scalar_prefetch = 0 : i64, scratch_operands = 0 : i64, tpu.core_type = #tpu.core_type<tc>, window_params = [{transform_indices = @transform_0, window_bounds = array<i64: 1, 256, 128>}, {transform_indices = @transform_1, window_bounds = array<i64: 5120, 128>}, {transform_indices = @transform_2, window_bounds = array<i64: 5120, 81>}, {transform_indices = @transform_3, window_bounds = array<i64: 1, 1, 256>}, {pipeline_mode = #tpu.pipeline_mode<synchronous>, transform_indices = @transform_4, window_bounds = array<i64: 128, 128>}, {pipeline_mode = #tpu.pipeline_mode<synchronous>, transform_indices = @transform_5, window_bounds = array<i64: 81, 128>}, {pipeline_mode = #tpu.pipeline_mode<synchronous>, transform_indices = @transform_6, window_bounds = array<i64: 1, 128>}, {pipeline_mode = #tpu.pipeline_mode<synchronous>, transform_indices = @transform_7, window_bounds = array<i64: 128, 128>}, {pipeline_mode = #tpu.pipeline_mode<synchronous>, transform_indices = @transform_8, window_bounds = array<i64: 1, 128>}, {pipeline_mode = #tpu.pipeline_mode<synchronous>, transform_indices = @transform_9, window_bounds = array<i64: 128, 128>}, {pipeline_mode = #tpu.pipeline_mode<synchronous>, transform_indices = @transform_10, window_bounds = array<i64: 1, 1>}, {transform_indices = @transform_11, window_bounds = array<i64: 1, 256, 128>}, {transform_indices = @transform_12, window_bounds = array<i64: 1, 256, 128>}]} {
    %get3A = arith.constant 0 : index
    %get3A_0 = arith.constant 0 : index
    %get3A_1 = arith.constant 0 : index
    %get3A_2 = vector.load %arg2[%get3A, %get3A_0, %get3A_1] : memref<1x256x128xf32, #tpu.memory_space<vmem>>, vector<1x256x128xf32>
    %get3A_3 = vector.shape_cast %get3A_2 : vector<1x256x128xf32> to vector<256x128xf32>
    %get3A_4 = arith.constant 0 : index
    %get3A_5 = arith.constant 0 : index
    %get3A_6 = vector.load %arg6[%get3A_4, %get3A_5] : memref<128x128xf32, #tpu.memory_space<vmem>>, vector<128x128xf32>
    %dot_general3A = arith.constant dense<0.000000e+00> : vector<256x128xf32>
    %dot_general3A_7 = tpu.matmul %get3A_3, %get3A_6, %dot_general3A {dimension_numbers = #tpu.dot_dimension_numbers<[1], [0], [0], [1], [0, 0, 1, 1], [], []>, transpose_lhs_hint = false} : vector<256x128xf32>, vector<128x128xf32>, vector<256x128xf32> -> vector<256x128xf32>
    %get3A_8 = arith.constant 0 : index
    %get3A_9 = arith.constant 0 : index
    %get3A_10 = vector.load %arg4[%get3A_8, %get3A_9] : memref<5120x81xf32, #tpu.memory_space<vmem>>, vector<5120x81xf32>
    %get3A_11 = arith.constant 0 : index
    %get3A_12 = arith.constant 0 : index
    %get3A_13 = vector.load %arg7[%get3A_11, %get3A_12] : memref<81x128xf32, #tpu.memory_space<vmem>>, vector<81x128xf32>
    %dot_general3A_14 = arith.constant dense<0.000000e+00> : vector<5120x128xf32>
    %dot_general3A_15 = tpu.matmul %get3A_10, %get3A_13, %dot_general3A_14 {dimension_numbers = #tpu.dot_dimension_numbers<[1], [0], [0], [1], [0, 0, 1, 1], [], []>, transpose_lhs_hint = false} : vector<5120x81xf32>, vector<81x128xf32>, vector<5120x128xf32> -> vector<5120x128xf32>
    %get3A_16 = arith.constant 0 : index
    %get3A_17 = arith.constant 0 : index
    %get3A_18 = vector.load %arg8[%get3A_16, %get3A_17] : memref<1x128xf32, #tpu.memory_space<vmem>>, vector<1x128xf32>
    %add3A = vector.broadcast %get3A_18 : vector<1x128xf32> to vector<5120x128xf32>
    %add3A_19 = arith.addf %dot_general3A_15, %add3A : vector<5120x128xf32>
    %get3A_20 = arith.constant 0 : index
    %get3A_21 = arith.constant 0 : index
    %get3A_22 = vector.load %arg3[%get3A_20, %get3A_21] : memref<5120x128xf32, #tpu.memory_space<vmem>>, vector<256x128xf32>
    %slice3A = vector.extract_strided_slice %add3A_19 {offsets = [0, 0], sizes = [256, 128], strides = [1, 1]} : vector<5120x128xf32> to vector<256x128xf32>
    %add3A_23 = arith.addf %slice3A, %dot_general3A_7 : vector<256x128xf32>
    %add3A_24 = arith.addf %add3A_23, %get3A_22 : vector<256x128xf32>
    %max3A = arith.constant 0.000000e+00 : f32
    %max3A_25 = vector.broadcast %max3A : f32 to vector<256x128xf32>
    %max3A_26 = arith.maximumf %add3A_24, %max3A_25 : vector<256x128xf32>
    %get3A_27 = arith.constant 256 : index
    %get3A_28 = arith.constant 0 : index
    %get3A_29 = vector.load %arg3[%get3A_27, %get3A_28] : memref<5120x128xf32, #tpu.memory_space<vmem>>, vector<256x128xf32>
    %slice3A_30 = vector.extract_strided_slice %add3A_19 {offsets = [256, 0], sizes = [256, 128], strides = [1, 1]} : vector<5120x128xf32> to vector<256x128xf32>
    %add3A_31 = arith.addf %slice3A_30, %dot_general3A_7 : vector<256x128xf32>
    %add3A_32 = arith.addf %add3A_31, %get3A_29 : vector<256x128xf32>
    %max3A_33 = arith.constant 0.000000e+00 : f32
    %max3A_34 = vector.broadcast %max3A_33 : f32 to vector<256x128xf32>
    %max3A_35 = arith.maximumf %add3A_32, %max3A_34 : vector<256x128xf32>
    %add3A_36 = arith.addf %max3A_26, %max3A_35 : vector<256x128xf32>
    %get3A_37 = arith.constant 512 : index
    %get3A_38 = arith.constant 0 : index
    %get3A_39 = vector.load %arg3[%get3A_37, %get3A_38] : memref<5120x128xf32, #tpu.memory_space<vmem>>, vector<256x128xf32>
    %slice3A_40 = vector.extract_strided_slice %add3A_19 {offsets = [512, 0], sizes = [256, 128], strides = [1, 1]} : vector<5120x128xf32> to vector<256x128xf32>
    %add3A_41 = arith.addf %slice3A_40, %dot_general3A_7 : vector<256x128xf32>
    %add3A_42 = arith.addf %add3A_41, %get3A_39 : vector<256x128xf32>
    %max3A_43 = arith.constant 0.000000e+00 : f32
    %max3A_44 = vector.broadcast %max3A_43 : f32 to vector<256x128xf32>
    %max3A_45 = arith.maximumf %add3A_42, %max3A_44 : vector<256x128xf32>
    %add3A_46 = arith.addf %add3A_36, %max3A_45 : vector<256x128xf32>
    %get3A_47 = arith.constant 768 : index
    %get3A_48 = arith.constant 0 : index
    %get3A_49 = vector.load %arg3[%get3A_47, %get3A_48] : memref<5120x128xf32, #tpu.memory_space<vmem>>, vector<256x128xf32>
    %slice3A_50 = vector.extract_strided_slice %add3A_19 {offsets = [768, 0], sizes = [256, 128], strides = [1, 1]} : vector<5120x128xf32> to vector<256x128xf32>
    %add3A_51 = arith.addf %slice3A_50, %dot_general3A_7 : vector<256x128xf32>
    %add3A_52 = arith.addf %add3A_51, %get3A_49 : vector<256x128xf32>
    %max3A_53 = arith.constant 0.000000e+00 : f32
    %max3A_54 = vector.broadcast %max3A_53 : f32 to vector<256x128xf32>
    %max3A_55 = arith.maximumf %add3A_52, %max3A_54 : vector<256x128xf32>
    %add3A_56 = arith.addf %add3A_46, %max3A_55 : vector<256x128xf32>
    %get3A_57 = arith.constant 1024 : index
    %get3A_58 = arith.constant 0 : index
    %get3A_59 = vector.load %arg3[%get3A_57, %get3A_58] : memref<5120x128xf32, #tpu.memory_space<vmem>>, vector<256x128xf32>
    %slice3A_60 = vector.extract_strided_slice %add3A_19 {offsets = [1024, 0], sizes = [256, 128], strides = [1, 1]} : vector<5120x128xf32> to vector<256x128xf32>
    %add3A_61 = arith.addf %slice3A_60, %dot_general3A_7 : vector<256x128xf32>
    %add3A_62 = arith.addf %add3A_61, %get3A_59 : vector<256x128xf32>
    %max3A_63 = arith.constant 0.000000e+00 : f32
    %max3A_64 = vector.broadcast %max3A_63 : f32 to vector<256x128xf32>
    %max3A_65 = arith.maximumf %add3A_62, %max3A_64 : vector<256x128xf32>
    %add3A_66 = arith.addf %add3A_56, %max3A_65 : vector<256x128xf32>
    %get3A_67 = arith.constant 1280 : index
    %get3A_68 = arith.constant 0 : index
    %get3A_69 = vector.load %arg3[%get3A_67, %get3A_68] : memref<5120x128xf32, #tpu.memory_space<vmem>>, vector<256x128xf32>
    %slice3A_70 = vector.extract_strided_slice %add3A_19 {offsets = [1280, 0], sizes = [256, 128], strides = [1, 1]} : vector<5120x128xf32> to vector<256x128xf32>
    %add3A_71 = arith.addf %slice3A_70, %dot_general3A_7 : vector<256x128xf32>
    %add3A_72 = arith.addf %add3A_71, %get3A_69 : vector<256x128xf32>
    %max3A_73 = arith.constant 0.000000e+00 : f32
    %max3A_74 = vector.broadcast %max3A_73 : f32 to vector<256x128xf32>
    %max3A_75 = arith.maximumf %add3A_72, %max3A_74 : vector<256x128xf32>
    %add3A_76 = arith.addf %add3A_66, %max3A_75 : vector<256x128xf32>
    %get3A_77 = arith.constant 1536 : index
    %get3A_78 = arith.constant 0 : index
    %get3A_79 = vector.load %arg3[%get3A_77, %get3A_78] : memref<5120x128xf32, #tpu.memory_space<vmem>>, vector<256x128xf32>
    %slice3A_80 = vector.extract_strided_slice %add3A_19 {offsets = [1536, 0], sizes = [256, 128], strides = [1, 1]} : vector<5120x128xf32> to vector<256x128xf32>
    %add3A_81 = arith.addf %slice3A_80, %dot_general3A_7 : vector<256x128xf32>
    %add3A_82 = arith.addf %add3A_81, %get3A_79 : vector<256x128xf32>
    %max3A_83 = arith.constant 0.000000e+00 : f32
    %max3A_84 = vector.broadcast %max3A_83 : f32 to vector<256x128xf32>
    %max3A_85 = arith.maximumf %add3A_82, %max3A_84 : vector<256x128xf32>
    %add3A_86 = arith.addf %add3A_76, %max3A_85 : vector<256x128xf32>
    %get3A_87 = arith.constant 1792 : index
    %get3A_88 = arith.constant 0 : index
    %get3A_89 = vector.load %arg3[%get3A_87, %get3A_88] : memref<5120x128xf32, #tpu.memory_space<vmem>>, vector<256x128xf32>
    %slice3A_90 = vector.extract_strided_slice %add3A_19 {offsets = [1792, 0], sizes = [256, 128], strides = [1, 1]} : vector<5120x128xf32> to vector<256x128xf32>
    %add3A_91 = arith.addf %slice3A_90, %dot_general3A_7 : vector<256x128xf32>
    %add3A_92 = arith.addf %add3A_91, %get3A_89 : vector<256x128xf32>
    %max3A_93 = arith.constant 0.000000e+00 : f32
    %max3A_94 = vector.broadcast %max3A_93 : f32 to vector<256x128xf32>
    %max3A_95 = arith.maximumf %add3A_92, %max3A_94 : vector<256x128xf32>
    %add3A_96 = arith.addf %add3A_86, %max3A_95 : vector<256x128xf32>
    %get3A_97 = arith.constant 2048 : index
    %get3A_98 = arith.constant 0 : index
    %get3A_99 = vector.load %arg3[%get3A_97, %get3A_98] : memref<5120x128xf32, #tpu.memory_space<vmem>>, vector<256x128xf32>
    %slice3A_100 = vector.extract_strided_slice %add3A_19 {offsets = [2048, 0], sizes = [256, 128], strides = [1, 1]} : vector<5120x128xf32> to vector<256x128xf32>
    %add3A_101 = arith.addf %slice3A_100, %dot_general3A_7 : vector<256x128xf32>
    %add3A_102 = arith.addf %add3A_101, %get3A_99 : vector<256x128xf32>
    %max3A_103 = arith.constant 0.000000e+00 : f32
    %max3A_104 = vector.broadcast %max3A_103 : f32 to vector<256x128xf32>
    %max3A_105 = arith.maximumf %add3A_102, %max3A_104 : vector<256x128xf32>
    %add3A_106 = arith.addf %add3A_96, %max3A_105 : vector<256x128xf32>
    %get3A_107 = arith.constant 2304 : index
    %get3A_108 = arith.constant 0 : index
    %get3A_109 = vector.load %arg3[%get3A_107, %get3A_108] : memref<5120x128xf32, #tpu.memory_space<vmem>>, vector<256x128xf32>
    %slice3A_110 = vector.extract_strided_slice %add3A_19 {offsets = [2304, 0], sizes = [256, 128], strides = [1, 1]} : vector<5120x128xf32> to vector<256x128xf32>
    %add3A_111 = arith.addf %slice3A_110, %dot_general3A_7 : vector<256x128xf32>
    %add3A_112 = arith.addf %add3A_111, %get3A_109 : vector<256x128xf32>
    %max3A_113 = arith.constant 0.000000e+00 : f32
    %max3A_114 = vector.broadcast %max3A_113 : f32 to vector<256x128xf32>
    %max3A_115 = arith.maximumf %add3A_112, %max3A_114 : vector<256x128xf32>
    %add3A_116 = arith.addf %add3A_106, %max3A_115 : vector<256x128xf32>
    %get3A_117 = arith.constant 2560 : index
    %get3A_118 = arith.constant 0 : index
    %get3A_119 = vector.load %arg3[%get3A_117, %get3A_118] : memref<5120x128xf32, #tpu.memory_space<vmem>>, vector<256x128xf32>
    %slice3A_120 = vector.extract_strided_slice %add3A_19 {offsets = [2560, 0], sizes = [256, 128], strides = [1, 1]} : vector<5120x128xf32> to vector<256x128xf32>
    %add3A_121 = arith.addf %slice3A_120, %dot_general3A_7 : vector<256x128xf32>
    %add3A_122 = arith.addf %add3A_121, %get3A_119 : vector<256x128xf32>
    %max3A_123 = arith.constant 0.000000e+00 : f32
    %max3A_124 = vector.broadcast %max3A_123 : f32 to vector<256x128xf32>
    %max3A_125 = arith.maximumf %add3A_122, %max3A_124 : vector<256x128xf32>
    %add3A_126 = arith.addf %add3A_116, %max3A_125 : vector<256x128xf32>
    %get3A_127 = arith.constant 2816 : index
    %get3A_128 = arith.constant 0 : index
    %get3A_129 = vector.load %arg3[%get3A_127, %get3A_128] : memref<5120x128xf32, #tpu.memory_space<vmem>>, vector<256x128xf32>
    %slice3A_130 = vector.extract_strided_slice %add3A_19 {offsets = [2816, 0], sizes = [256, 128], strides = [1, 1]} : vector<5120x128xf32> to vector<256x128xf32>
    %add3A_131 = arith.addf %slice3A_130, %dot_general3A_7 : vector<256x128xf32>
    %add3A_132 = arith.addf %add3A_131, %get3A_129 : vector<256x128xf32>
    %max3A_133 = arith.constant 0.000000e+00 : f32
    %max3A_134 = vector.broadcast %max3A_133 : f32 to vector<256x128xf32>
    %max3A_135 = arith.maximumf %add3A_132, %max3A_134 : vector<256x128xf32>
    %add3A_136 = arith.addf %add3A_126, %max3A_135 : vector<256x128xf32>
    %get3A_137 = arith.constant 3072 : index
    %get3A_138 = arith.constant 0 : index
    %get3A_139 = vector.load %arg3[%get3A_137, %get3A_138] : memref<5120x128xf32, #tpu.memory_space<vmem>>, vector<256x128xf32>
    %slice3A_140 = vector.extract_strided_slice %add3A_19 {offsets = [3072, 0], sizes = [256, 128], strides = [1, 1]} : vector<5120x128xf32> to vector<256x128xf32>
    %add3A_141 = arith.addf %slice3A_140, %dot_general3A_7 : vector<256x128xf32>
    %add3A_142 = arith.addf %add3A_141, %get3A_139 : vector<256x128xf32>
    %max3A_143 = arith.constant 0.000000e+00 : f32
    %max3A_144 = vector.broadcast %max3A_143 : f32 to vector<256x128xf32>
    %max3A_145 = arith.maximumf %add3A_142, %max3A_144 : vector<256x128xf32>
    %add3A_146 = arith.addf %add3A_136, %max3A_145 : vector<256x128xf32>
    %get3A_147 = arith.constant 3328 : index
    %get3A_148 = arith.constant 0 : index
    %get3A_149 = vector.load %arg3[%get3A_147, %get3A_148] : memref<5120x128xf32, #tpu.memory_space<vmem>>, vector<256x128xf32>
    %slice3A_150 = vector.extract_strided_slice %add3A_19 {offsets = [3328, 0], sizes = [256, 128], strides = [1, 1]} : vector<5120x128xf32> to vector<256x128xf32>
    %add3A_151 = arith.addf %slice3A_150, %dot_general3A_7 : vector<256x128xf32>
    %add3A_152 = arith.addf %add3A_151, %get3A_149 : vector<256x128xf32>
    %max3A_153 = arith.constant 0.000000e+00 : f32
    %max3A_154 = vector.broadcast %max3A_153 : f32 to vector<256x128xf32>
    %max3A_155 = arith.maximumf %add3A_152, %max3A_154 : vector<256x128xf32>
    %add3A_156 = arith.addf %add3A_146, %max3A_155 : vector<256x128xf32>
    %get3A_157 = arith.constant 3584 : index
    %get3A_158 = arith.constant 0 : index
    %get3A_159 = vector.load %arg3[%get3A_157, %get3A_158] : memref<5120x128xf32, #tpu.memory_space<vmem>>, vector<256x128xf32>
    %slice3A_160 = vector.extract_strided_slice %add3A_19 {offsets = [3584, 0], sizes = [256, 128], strides = [1, 1]} : vector<5120x128xf32> to vector<256x128xf32>
    %add3A_161 = arith.addf %slice3A_160, %dot_general3A_7 : vector<256x128xf32>
    %add3A_162 = arith.addf %add3A_161, %get3A_159 : vector<256x128xf32>
    %max3A_163 = arith.constant 0.000000e+00 : f32
    %max3A_164 = vector.broadcast %max3A_163 : f32 to vector<256x128xf32>
    %max3A_165 = arith.maximumf %add3A_162, %max3A_164 : vector<256x128xf32>
    %add3A_166 = arith.addf %add3A_156, %max3A_165 : vector<256x128xf32>
    %get3A_167 = arith.constant 3840 : index
    %get3A_168 = arith.constant 0 : index
    %get3A_169 = vector.load %arg3[%get3A_167, %get3A_168] : memref<5120x128xf32, #tpu.memory_space<vmem>>, vector<256x128xf32>
    %slice3A_170 = vector.extract_strided_slice %add3A_19 {offsets = [3840, 0], sizes = [256, 128], strides = [1, 1]} : vector<5120x128xf32> to vector<256x128xf32>
    %add3A_171 = arith.addf %slice3A_170, %dot_general3A_7 : vector<256x128xf32>
    %add3A_172 = arith.addf %add3A_171, %get3A_169 : vector<256x128xf32>
    %max3A_173 = arith.constant 0.000000e+00 : f32
    %max3A_174 = vector.broadcast %max3A_173 : f32 to vector<256x128xf32>
    %max3A_175 = arith.maximumf %add3A_172, %max3A_174 : vector<256x128xf32>
    %add3A_176 = arith.addf %add3A_166, %max3A_175 : vector<256x128xf32>
    %get3A_177 = arith.constant 4096 : index
    %get3A_178 = arith.constant 0 : index
    %get3A_179 = vector.load %arg3[%get3A_177, %get3A_178] : memref<5120x128xf32, #tpu.memory_space<vmem>>, vector<256x128xf32>
    %slice3A_180 = vector.extract_strided_slice %add3A_19 {offsets = [4096, 0], sizes = [256, 128], strides = [1, 1]} : vector<5120x128xf32> to vector<256x128xf32>
    %add3A_181 = arith.addf %slice3A_180, %dot_general3A_7 : vector<256x128xf32>
    %add3A_182 = arith.addf %add3A_181, %get3A_179 : vector<256x128xf32>
    %max3A_183 = arith.constant 0.000000e+00 : f32
    %max3A_184 = vector.broadcast %max3A_183 : f32 to vector<256x128xf32>
    %max3A_185 = arith.maximumf %add3A_182, %max3A_184 : vector<256x128xf32>
    %add3A_186 = arith.addf %add3A_176, %max3A_185 : vector<256x128xf32>
    %get3A_187 = arith.constant 4352 : index
    %get3A_188 = arith.constant 0 : index
    %get3A_189 = vector.load %arg3[%get3A_187, %get3A_188] : memref<5120x128xf32, #tpu.memory_space<vmem>>, vector<256x128xf32>
    %slice3A_190 = vector.extract_strided_slice %add3A_19 {offsets = [4352, 0], sizes = [256, 128], strides = [1, 1]} : vector<5120x128xf32> to vector<256x128xf32>
    %add3A_191 = arith.addf %slice3A_190, %dot_general3A_7 : vector<256x128xf32>
    %add3A_192 = arith.addf %add3A_191, %get3A_189 : vector<256x128xf32>
    %max3A_193 = arith.constant 0.000000e+00 : f32
    %max3A_194 = vector.broadcast %max3A_193 : f32 to vector<256x128xf32>
    %max3A_195 = arith.maximumf %add3A_192, %max3A_194 : vector<256x128xf32>
    %add3A_196 = arith.addf %add3A_186, %max3A_195 : vector<256x128xf32>
    %get3A_197 = arith.constant 4608 : index
    %get3A_198 = arith.constant 0 : index
    %get3A_199 = vector.load %arg3[%get3A_197, %get3A_198] : memref<5120x128xf32, #tpu.memory_space<vmem>>, vector<256x128xf32>
    %slice3A_200 = vector.extract_strided_slice %add3A_19 {offsets = [4608, 0], sizes = [256, 128], strides = [1, 1]} : vector<5120x128xf32> to vector<256x128xf32>
    %add3A_201 = arith.addf %slice3A_200, %dot_general3A_7 : vector<256x128xf32>
    %add3A_202 = arith.addf %add3A_201, %get3A_199 : vector<256x128xf32>
    %max3A_203 = arith.constant 0.000000e+00 : f32
    %max3A_204 = vector.broadcast %max3A_203 : f32 to vector<256x128xf32>
    %max3A_205 = arith.maximumf %add3A_202, %max3A_204 : vector<256x128xf32>
    %add3A_206 = arith.addf %add3A_196, %max3A_205 : vector<256x128xf32>
    %get3A_207 = arith.constant 4864 : index
    %get3A_208 = arith.constant 0 : index
    %get3A_209 = vector.load %arg3[%get3A_207, %get3A_208] : memref<5120x128xf32, #tpu.memory_space<vmem>>, vector<256x128xf32>
    %slice3A_210 = vector.extract_strided_slice %add3A_19 {offsets = [4864, 0], sizes = [256, 128], strides = [1, 1]} : vector<5120x128xf32> to vector<256x128xf32>
    %add3A_211 = arith.addf %slice3A_210, %dot_general3A_7 : vector<256x128xf32>
    %add3A_212 = arith.addf %add3A_211, %get3A_209 : vector<256x128xf32>
    %max3A_213 = arith.constant 0.000000e+00 : f32
    %max3A_214 = vector.broadcast %max3A_213 : f32 to vector<256x128xf32>
    %max3A_215 = arith.maximumf %add3A_212, %max3A_214 : vector<256x128xf32>
    %add3A_216 = arith.addf %add3A_206, %max3A_215 : vector<256x128xf32>
    %get3A_217 = arith.constant 0 : index
    %get3A_218 = arith.constant 0 : index
    %get3A_219 = vector.load %arg9[%get3A_217, %get3A_218] : memref<128x128xf32, #tpu.memory_space<vmem>>, vector<128x128xf32>
    %dot_general3A_220 = arith.constant dense<0.000000e+00> : vector<256x128xf32>
    %dot_general3A_221 = tpu.matmul %add3A_216, %get3A_219, %dot_general3A_220 {dimension_numbers = #tpu.dot_dimension_numbers<[1], [0], [0], [1], [0, 0, 1, 1], [], []>, transpose_lhs_hint = false} : vector<256x128xf32>, vector<128x128xf32>, vector<256x128xf32> -> vector<256x128xf32>
    %div3A = arith.constant 2.000000e+01 : f32
    %div3A_222 = vector.broadcast %div3A : f32 to vector<256x128xf32>
    %div3A_223 = arith.divf %dot_general3A_221, %div3A_222 : vector<256x128xf32>
    %add3A_224 = arith.addf %get3A_3, %div3A_223 : vector<256x128xf32>
    %get3A_225 = arith.constant 0 : index
    %get3A_226 = arith.constant 0 : index
    %get3A_227 = vector.load %arg10[%get3A_225, %get3A_226] : memref<1x128xf32, #tpu.memory_space<vmem>>, vector<1x128xf32>
    %add3A_228 = vector.broadcast %get3A_227 : vector<1x128xf32> to vector<256x128xf32>
    %add3A_229 = arith.addf %add3A_224, %add3A_228 : vector<256x128xf32>
    %reduce_sum3A = arith.constant dense<0.000000e+00> : vector<256xf32>
    %reduce_sum3A_230 = vector.multi_reduction <add>, %add3A_229, %reduce_sum3A [1] : vector<256x128xf32> to vector<256xf32>
    %broadcast_in_dim3A = vector.shape_cast %reduce_sum3A_230 : vector<256xf32> to vector<256x1xf32>
    %div3A_231 = arith.constant 1.280000e+02 : f32
    %div3A_232 = vector.broadcast %div3A_231 : f32 to vector<256x1xf32>
    %div3A_233 = arith.divf %broadcast_in_dim3A, %div3A_232 : vector<256x1xf32>
    %sub3A = vector.broadcast %div3A_233 : vector<256x1xf32> to vector<256x128xf32>
    %sub3A_234 = arith.subf %add3A_229, %sub3A : vector<256x128xf32>
    %integer_pow3A = arith.mulf %sub3A_234, %sub3A_234 : vector<256x128xf32>
    %reduce_sum3A_235 = arith.constant dense<0.000000e+00> : vector<256xf32>
    %reduce_sum3A_236 = vector.multi_reduction <add>, %integer_pow3A, %reduce_sum3A_235 [1] : vector<256x128xf32> to vector<256xf32>
    %broadcast_in_dim3A_237 = vector.shape_cast %reduce_sum3A_236 : vector<256xf32> to vector<256x1xf32>
    %div3A_238 = arith.constant 1.280000e+02 : f32
    %div3A_239 = vector.broadcast %div3A_238 : f32 to vector<256x1xf32>
    %div3A_240 = arith.divf %broadcast_in_dim3A_237, %div3A_239 : vector<256x1xf32>
    %sub3A_241 = vector.broadcast %div3A_233 : vector<256x1xf32> to vector<256x128xf32>
    %sub3A_242 = arith.subf %add3A_229, %sub3A_241 : vector<256x128xf32>
    %add3A_243 = arith.constant 9.99999974E-6 : f32
    %add3A_244 = vector.broadcast %add3A_243 : f32 to vector<256x1xf32>
    %add3A_245 = arith.addf %div3A_240, %add3A_244 : vector<256x1xf32>
    %sqrt3A = math.sqrt %add3A_245 : vector<256x1xf32>
    %div3A_246 = vector.broadcast %sqrt3A : vector<256x1xf32> to vector<256x128xf32>
    %div3A_247 = arith.divf %sub3A_242, %div3A_246 : vector<256x128xf32>
    %swap3A = arith.constant 0 : index
    %swap3A_248 = arith.constant 0 : index
    %swap3A_249 = arith.constant 0 : index
    %swap3A_250 = vector.load %arg13[%swap3A, %swap3A_248, %swap3A_249] : memref<1x256x128xf32, #tpu.memory_space<vmem>>, vector<1x256x128xf32>
    %swap3A_251 = vector.shape_cast %swap3A_250 : vector<1x256x128xf32> to vector<256x128xf32>
    %swap3A_252 = vector.shape_cast %div3A_247 : vector<256x128xf32> to vector<1x256x128xf32>
    tpu.vector_store %arg13[%swap3A, %swap3A_248, %swap3A_249], %swap3A_252 {strides = array<i32>} : memref<1x256x128xf32, #tpu.memory_space<vmem>>, vector<1x256x128xf32>,
    %get3A_253 = arith.constant 0 : index
    %get3A_254 = arith.constant 0 : index
    %get3A_255 = vector.load %arg11[%get3A_253, %get3A_254] : memref<128x128xf32, #tpu.memory_space<vmem>>, vector<128x128xf32>
    %dot_general3A_256 = arith.constant dense<0.000000e+00> : vector<256x128xf32>
    %dot_general3A_257 = tpu.matmul %div3A_247, %get3A_255, %dot_general3A_256 {dimension_numbers = #tpu.dot_dimension_numbers<[1], [0], [0], [1], [0, 0, 1, 1], [], []>, transpose_lhs_hint = false} : vector<256x128xf32>, vector<128x128xf32>, vector<256x128xf32> -> vector<256x128xf32>
    %swap3A_258 = arith.constant 0 : index
    %swap3A_259 = arith.constant 0 : index
    %swap3A_260 = arith.constant 0 : index
    %swap3A_261 = vector.load %arg14[%swap3A_258, %swap3A_259, %swap3A_260] : memref<1x256x128xf32, #tpu.memory_space<vmem>>, vector<1x256x128xf32>
    %swap3A_262 = vector.shape_cast %swap3A_261 : vector<1x256x128xf32> to vector<256x128xf32>
    %swap3A_263 = vector.shape_cast %dot_general3A_257 : vector<256x128xf32> to vector<1x256x128xf32>
    tpu.vector_store %arg14[%swap3A_258, %swap3A_259, %swap3A_260], %swap3A_263 {strides = array<i32>} : memref<1x256x128xf32, #tpu.memory_space<vmem>>, vector<1x256x128xf32>,
    return
  }
  func.func @transform_0(%arg0: i32, %arg1: i32) -> (i32, i32, i32) {
    %c0_i32 = arith.constant 0 : i32
    %c0_i32_0 = arith.constant 0 : i32
    return %arg0, %arg1, %c0_i32 : i32, i32, i32
  }
  func.func @transform_1(%arg0: i32, %arg1: i32) -> (i32, i32) {
    %mul3A = arith.constant 4 : i32
    %mul3A_0 = arith.muli %arg0, %mul3A : i32
    %add3A = arith.addi %mul3A_0, %arg1 : i32
    %c0_i32 = arith.constant 0 : i32
    %c0_i32_1 = arith.constant 0 : i32
    return %add3A, %c0_i32 : i32, i32
  }
  func.func @transform_2(%arg0: i32, %arg1: i32) -> (i32, i32) {
    %mul3A = arith.constant 4 : i32
    %mul3A_0 = arith.muli %arg0, %mul3A : i32
    %add3A = arith.addi %mul3A_0, %arg1 : i32
    %c0_i32 = arith.constant 0 : i32
    %c0_i32_1 = arith.constant 0 : i32
    return %add3A, %c0_i32 : i32, i32
  }
  func.func @transform_3(%arg0: i32, %arg1: i32) -> (i32, i32, i32) {
    %c0_i32 = arith.constant 0 : i32
    %c0_i32_0 = arith.constant 0 : i32
    return %arg0, %c0_i32, %arg1 : i32, i32, i32
  }
  func.func @transform_4(%arg0: i32, %arg1: i32) -> (i32, i32) {
    %c0_i32 = arith.constant 0 : i32
    %c0_i32_0 = arith.constant 0 : i32
    %c0_i32_1 = arith.constant 0 : i32
    return %c0_i32, %c0_i32_0 : i32, i32
  }
  func.func @transform_5(%arg0: i32, %arg1: i32) -> (i32, i32) {
    %c0_i32 = arith.constant 0 : i32
    %c0_i32_0 = arith.constant 0 : i32
    %c0_i32_1 = arith.constant 0 : i32
    return %c0_i32, %c0_i32_0 : i32, i32
  }
  func.func @transform_6(%arg0: i32, %arg1: i32) -> (i32, i32) {
    %c0_i32 = arith.constant 0 : i32
    %c0_i32_0 = arith.constant 0 : i32
    %c0_i32_1 = arith.constant 0 : i32
    return %c0_i32, %c0_i32_0 : i32, i32
  }
  func.func @transform_7(%arg0: i32, %arg1: i32) -> (i32, i32) {
    %c0_i32 = arith.constant 0 : i32
    %c0_i32_0 = arith.constant 0 : i32
    %c0_i32_1 = arith.constant 0 : i32
    return %c0_i32, %c0_i32_0 : i32, i32
  }
  func.func @transform_8(%arg0: i32, %arg1: i32) -> (i32, i32) {
    %c0_i32 = arith.constant 0 : i32
    %c0_i32_0 = arith.constant 0 : i32
    %c0_i32_1 = arith.constant 0 : i32
    return %c0_i32, %c0_i32_0 : i32, i32
  }
  func.func @transform_9(%arg0: i32, %arg1: i32) -> (i32, i32) {
    %c0_i32 = arith.constant 0 : i32
    %c0_i32_0 = arith.constant 0 : i32
    %c0_i32_1 = arith.constant 0 : i32
    return %c0_i32, %c0_i32_0 : i32, i32
  }
  func.func @transform_10(%arg0: i32, %arg1: i32) -> (i32, i32) {
    %c0_i32 = arith.constant 0 : i32
    %c0_i32_0 = arith.constant 0 : i32
    %c0_i32_1 = arith.constant 0 : i32
    return %c0_i32, %c0_i32_0 : i32, i32
  }
  func.func @transform_11(%arg0: i32, %arg1: i32) -> (i32, i32, i32) {
    %c0_i32 = arith.constant 0 : i32
    %c0_i32_0 = arith.constant 0 : i32
    return %arg0, %arg1, %c0_i32 : i32, i32, i32
  }
  func.func @transform_12(%arg0: i32, %arg1: i32) -> (i32, i32, i32) {
    %c0_i32 = arith.constant 0 : i32
    %c0_i32_0 = arith.constant 0 : i32
    return %arg0, %arg1, %c0_i32 : i32, i32, i32
  }
}

module attributes {stable_mosaic.version = 14 : i64} {
  func.func @_stage_a_body(%arg0: i32, %arg1: i32, %arg2: memref<1x256x8xf32, #tpu.memory_space<vmem>>, %arg3: memref<1x8x1024xf32, #tpu.memory_space<vmem>>, %arg4: memref<1x16xf32, #tpu.memory_space<vmem>>, %arg5: memref<81x128xf32, #tpu.memory_space<vmem>>, %arg6: memref<1x128xf32, #tpu.memory_space<vmem>>, %arg7: memref<128x128xf32, #tpu.memory_space<vmem>>, %arg8: memref<1x128xf32, #tpu.memory_space<vmem>>, %arg9: memref<128x128xf32, #tpu.memory_space<vmem>>, %arg10: memref<1x20xf32, #tpu.memory_space<vmem>>, %arg11: memref<1x256x20xi32, #tpu.memory_space<vmem>>, %arg12: memref<5120x81xf32, #tpu.memory_space<vmem>>, %arg13: memref<1x256x128xf32, #tpu.memory_space<vmem>>, %arg14: memref<1x256x128xf32, #tpu.memory_space<vmem>>, %arg15: memref<1x1x1024xf32, #tpu.memory_space<vmem>>, %arg16: memref<256x1024xf32, #tpu.memory_space<vmem>>) attributes {dimension_semantics = [#tpu.dimension_semantics<parallel>, #tpu.dimension_semantics<arbitrary>], iteration_bounds = array<i64: 4, 4>, scalar_prefetch = 0 : i64, scratch_operands = 1 : i64, tpu.core_type = #tpu.core_type<tc>, window_params = [{transform_indices = @transform_0, window_bounds = array<i64: 1, 256, 8>}, {transform_indices = @transform_1, window_bounds = array<i64: 1, 8, 1024>}, {pipeline_mode = #tpu.pipeline_mode<synchronous>, transform_indices = @transform_2, window_bounds = array<i64: 1, 16>}, {pipeline_mode = #tpu.pipeline_mode<synchronous>, transform_indices = @transform_3, window_bounds = array<i64: 81, 128>}, {pipeline_mode = #tpu.pipeline_mode<synchronous>, transform_indices = @transform_4, window_bounds = array<i64: 1, 128>}, {pipeline_mode = #tpu.pipeline_mode<synchronous>, transform_indices = @transform_5, window_bounds = array<i64: 128, 128>}, {pipeline_mode = #tpu.pipeline_mode<synchronous>, transform_indices = @transform_6, window_bounds = array<i64: 1, 128>}, {pipeline_mode = #tpu.pipeline_mode<synchronous>, transform_indices = @transform_7, window_bounds = array<i64: 128, 128>}, {pipeline_mode = #tpu.pipeline_mode<synchronous>, transform_indices = @transform_8, window_bounds = array<i64: 1, 20>}, {transform_indices = @transform_9, window_bounds = array<i64: 1, 256, 20>}, {transform_indices = @transform_10, window_bounds = array<i64: 5120, 81>}, {transform_indices = @transform_11, window_bounds = array<i64: 1, 256, 128>}, {transform_indices = @transform_12, window_bounds = array<i64: 1, 256, 128>}, {transform_indices = @transform_13, window_bounds = array<i64: 1, 1, 1024>}]} {
    %get3A = arith.constant 0 : index
    %get3A_0 = arith.constant 0 : index
    %get3A_1 = arith.constant 0 : index
    %get3A_2 = vector.load %arg2[%get3A, %get3A_0, %get3A_1] : memref<1x256x8xf32, #tpu.memory_space<vmem>>, vector<1x256x8xf32>
    %get3A_3 = vector.shape_cast %get3A_2 : vector<1x256x8xf32> to vector<256x8xf32>
    %get3A_4 = arith.constant 0 : index
    %get3A_5 = arith.constant 0 : index
    %get3A_6 = arith.constant 0 : index
    %get3A_7 = vector.load %arg3[%get3A_4, %get3A_5, %get3A_6] : memref<1x8x1024xf32, #tpu.memory_space<vmem>>, vector<1x8x1024xf32>
    %get3A_8 = vector.shape_cast %get3A_7 : vector<1x8x1024xf32> to vector<8x1024xf32>
    %slice3A = vector.extract_strided_slice %get3A_3 {offsets = [0, 0], sizes = [256, 1], strides = [1, 1]} : vector<256x8xf32> to vector<256x1xf32>
    %slice3A_9 = vector.extract_strided_slice %get3A_8 {offsets = [0, 0], sizes = [1, 1024], strides = [1, 1]} : vector<8x1024xf32> to vector<1x1024xf32>
    %sub3A = vector.broadcast %slice3A : vector<256x1xf32> to vector<256x1024xf32>
    %sub3A_10 = vector.broadcast %slice3A_9 : vector<1x1024xf32> to vector<256x1024xf32>
    %sub3A_11 = arith.subf %sub3A, %sub3A_10 : vector<256x1024xf32>
    %mul3A = arith.mulf %sub3A_11, %sub3A_11 : vector<256x1024xf32>
    %slice3A_12 = vector.extract_strided_slice %get3A_3 {offsets = [0, 1], sizes = [256, 1], strides = [1, 1]} : vector<256x8xf32> to vector<256x1xf32>
    %slice3A_13 = vector.extract_strided_slice %get3A_8 {offsets = [1, 0], sizes = [1, 1024], strides = [1, 1]} : vector<8x1024xf32> to vector<1x1024xf32>
    %sub3A_14 = vector.broadcast %slice3A_12 : vector<256x1xf32> to vector<256x1024xf32>
    %sub3A_15 = vector.broadcast %slice3A_13 : vector<1x1024xf32> to vector<256x1024xf32>
    %sub3A_16 = arith.subf %sub3A_14, %sub3A_15 : vector<256x1024xf32>
    %mul3A_17 = arith.mulf %sub3A_16, %sub3A_16 : vector<256x1024xf32>
    %add3A = arith.addf %mul3A, %mul3A_17 : vector<256x1024xf32>
    %slice3A_18 = vector.extract_strided_slice %get3A_3 {offsets = [0, 2], sizes = [256, 1], strides = [1, 1]} : vector<256x8xf32> to vector<256x1xf32>
    %slice3A_19 = vector.extract_strided_slice %get3A_8 {offsets = [2, 0], sizes = [1, 1024], strides = [1, 1]} : vector<8x1024xf32> to vector<1x1024xf32>
    %sub3A_20 = vector.broadcast %slice3A_18 : vector<256x1xf32> to vector<256x1024xf32>
    %sub3A_21 = vector.broadcast %slice3A_19 : vector<1x1024xf32> to vector<256x1024xf32>
    %sub3A_22 = arith.subf %sub3A_20, %sub3A_21 : vector<256x1024xf32>
    %mul3A_23 = arith.mulf %sub3A_22, %sub3A_22 : vector<256x1024xf32>
    %add3A_24 = arith.addf %add3A, %mul3A_23 : vector<256x1024xf32>
    %swap3A = arith.constant 0 : index
    %swap3A_25 = arith.constant 0 : index
    %swap3A_26 = vector.load %arg16[%swap3A, %swap3A_25] : memref<256x1024xf32, #tpu.memory_space<vmem>>, vector<256x1024xf32>
    tpu.vector_store %arg16[%swap3A, %swap3A_25], %add3A_24 {strides = array<i32>} : memref<256x1024xf32, #tpu.memory_space<vmem>>, vector<256x1024xf32>,
    %iota3A = tpu.iota {dimensions = array<i32: 1>} : vector<256x1024xi32>
    %convert_element_type3A = arith.sitofp %iota3A : vector<256x1024xi32> to vector<256x1024xf32>
    %iota3A_27 = tpu.iota {dimensions = array<i32: 0>} : vector<256x1xi32>
    %mul3A_28 = arith.constant 256 : i32
    %mul3A_29 = arith.muli %arg1, %mul3A_28 : i32
    %add3A_30 = vector.broadcast %mul3A_29 : i32 to vector<256x1xi32>
    %add3A_31 = arith.addi %iota3A_27, %add3A_30 : vector<256x1xi32>
    %broadcast_in_dim3A = arith.constant 0.000000e+00 : f32
    %broadcast_in_dim3A_32 = vector.broadcast %broadcast_in_dim3A : f32 to vector<1x1024xf32>
    %get3A_33 = arith.constant 0 : index
    %get3A_34 = arith.constant 0 : index
    %get3A_35 = vector.load %arg16[%get3A_33, %get3A_34] : memref<256x1024xf32, #tpu.memory_space<vmem>>, vector<256x1024xf32>
    %reduce_min3A = arith.constant dense<0x7F800000> : vector<256xf32>
    %reduce_min3A_36 = vector.multi_reduction <minimumf>, %get3A_35, %reduce_min3A [1] : vector<256x1024xf32> to vector<256xf32>
    %broadcast_in_dim3A_37 = vector.shape_cast %reduce_min3A_36 : vector<256xf32> to vector<256x1xf32>
    %le3A = vector.broadcast %broadcast_in_dim3A_37 : vector<256x1xf32> to vector<256x1024xf32>
    %le3A_38 = arith.cmpf ole, %get3A_35, %le3A : vector<256x1024xf32>
    %jit3A = arith.constant 1.07374182E+9 : f32
    %broadcast_in_dim3A_39 = vector.broadcast %jit3A : f32 to vector<256x1024xf32>
    %select_n3A = arith.select %le3A_38, %convert_element_type3A, %broadcast_in_dim3A_39 : vector<256x1024xi1>, vector<256x1024xf32>
    %reduce_min3A_40 = arith.constant dense<0x7F800000> : vector<256xf32>
    %reduce_min3A_41 = vector.multi_reduction <minimumf>, %select_n3A, %reduce_min3A_40 [1] : vector<256x1024xf32> to vector<256xf32>
    %broadcast_in_dim3A_42 = vector.shape_cast %reduce_min3A_41 : vector<256xf32> to vector<256x1xf32>
    %convert_element_type3A_43 = arith.fptosi %broadcast_in_dim3A_42 : vector<256x1xf32> to vector<256x1xi32>
    %eq3A = vector.broadcast %broadcast_in_dim3A_42 : vector<256x1xf32> to vector<256x1024xf32>
    %eq3A_44 = arith.cmpf oeq, %select_n3A, %eq3A : vector<256x1024xf32>
    %jit3A_45 = arith.constant 0x7F800000 : f32
    %broadcast_in_dim3A_46 = vector.broadcast %jit3A_45 : f32 to vector<256x1024xf32>
    %select_n3A_47 = arith.select %eq3A_44, %broadcast_in_dim3A_46, %get3A_35 : vector<256x1024xi1>, vector<256x1024xf32>
    %swap3A_48 = arith.constant 0 : index
    %swap3A_49 = arith.constant 0 : index
    %swap3A_50 = vector.load %arg16[%swap3A_48, %swap3A_49] : memref<256x1024xf32, #tpu.memory_space<vmem>>, vector<256x1024xf32>
    tpu.vector_store %arg16[%swap3A_48, %swap3A_49], %select_n3A_47 {strides = array<i32>} : memref<256x1024xf32, #tpu.memory_space<vmem>>, vector<256x1024xf32>,
    %get3A_51 = arith.constant 0 : index
    %get3A_52 = arith.constant 0 : index
    %get3A_53 = vector.load %arg10[%get3A_51, %get3A_52] : memref<1x20xf32, #tpu.memory_space<vmem>>, vector<1x1xf32>
    %convert_element_type3A_54 = arith.extui %eq3A_44 : vector<256x1024xi1> to vector<256x1024xi32>
    %convert_element_type3A_55 = arith.sitofp %convert_element_type3A_54 : vector<256x1024xi32> to vector<256x1024xf32>
    %reduce_sum3A = arith.constant dense<0.000000e+00> : vector<1024xf32>
    %reduce_sum3A_56 = vector.multi_reduction <add>, %convert_element_type3A_55, %reduce_sum3A [0] : vector<256x1024xf32> to vector<1024xf32>
    %broadcast_in_dim3A_57 = vector.shape_cast %reduce_sum3A_56 : vector<1024xf32> to vector<1x1024xf32>
    %mul3A_58 = vector.broadcast %get3A_53 : vector<1x1xf32> to vector<1x1024xf32>
    %mul3A_59 = arith.mulf %mul3A_58, %broadcast_in_dim3A_57 : vector<1x1024xf32>
    %add3A_60 = arith.addf %broadcast_in_dim3A_32, %mul3A_59 : vector<1x1024xf32>
    %sub3A_61 = arith.subi %convert_element_type3A_43, %add3A_31 : vector<256x1xi32>
    %jit3A_62 = arith.constant -32 : i32
    %jit3A_63 = arith.constant 32 : i32
    %max3A = vector.broadcast %jit3A_62 : i32 to vector<256x1xi32>
    %max3A_64 = arith.maxsi %max3A, %sub3A_61 : vector<256x1xi32>
    %min3A = vector.broadcast %jit3A_63 : i32 to vector<256x1xi32>
    %min3A_65 = arith.minsi %min3A, %max3A_64 : vector<256x1xi32>
    %add3A_66 = arith.constant 32 : i32
    %add3A_67 = vector.broadcast %add3A_66 : i32 to vector<256x1xi32>
    %add3A_68 = arith.addi %min3A_65, %add3A_67 : vector<256x1xi32>
    %mul3A_69 = arith.constant 1024 : i32
    %mul3A_70 = arith.muli %arg0, %mul3A_69 : i32
    %add3A_71 = vector.broadcast %mul3A_70 : i32 to vector<256x1xi32>
    %add3A_72 = arith.addi %convert_element_type3A_43, %add3A_71 : vector<256x1xi32>
    %swap3A_73 = arith.constant 0 : index
    %swap3A_74 = arith.constant 0 : index
    %swap3A_75 = arith.constant 0 : index
    %swap3A_76 = vector.load %arg11[%swap3A_73, %swap3A_74, %swap3A_75] : memref<1x256x20xi32, #tpu.memory_space<vmem>>, vector<1x256x1xi32>
    %swap3A_77 = vector.shape_cast %swap3A_76 : vector<1x256x1xi32> to vector<256x1xi32>
    %swap3A_78 = vector.shape_cast %add3A_72 : vector<256x1xi32> to vector<1x256x1xi32>
    tpu.vector_store %arg11[%swap3A_73, %swap3A_74, %swap3A_75], %swap3A_78 {strides = array<i32>} : memref<1x256x20xi32, #tpu.memory_space<vmem>>, vector<1x256x1xi32>,
    %get3A_79 = arith.constant 0 : index
    %get3A_80 = arith.constant 0 : index
    %get3A_81 = vector.load %arg16[%get3A_79, %get3A_80] : memref<256x1024xf32, #tpu.memory_space<vmem>>, vector<256x1024xf32>
    %reduce_min3A_82 = arith.constant dense<0x7F800000> : vector<256xf32>
    %reduce_min3A_83 = vector.multi_reduction <minimumf>, %get3A_81, %reduce_min3A_82 [1] : vector<256x1024xf32> to vector<256xf32>
    %broadcast_in_dim3A_84 = vector.shape_cast %reduce_min3A_83 : vector<256xf32> to vector<256x1xf32>
    %le3A_85 = vector.broadcast %broadcast_in_dim3A_84 : vector<256x1xf32> to vector<256x1024xf32>
    %le3A_86 = arith.cmpf ole, %get3A_81, %le3A_85 : vector<256x1024xf32>
    %jit3A_87 = arith.constant 1.07374182E+9 : f32
    %broadcast_in_dim3A_88 = vector.broadcast %jit3A_87 : f32 to vector<256x1024xf32>
    %select_n3A_89 = arith.select %le3A_86, %convert_element_type3A, %broadcast_in_dim3A_88 : vector<256x1024xi1>, vector<256x1024xf32>
    %reduce_min3A_90 = arith.constant dense<0x7F800000> : vector<256xf32>
    %reduce_min3A_91 = vector.multi_reduction <minimumf>, %select_n3A_89, %reduce_min3A_90 [1] : vector<256x1024xf32> to vector<256xf32>
    %broadcast_in_dim3A_92 = vector.shape_cast %reduce_min3A_91 : vector<256xf32> to vector<256x1xf32>
    %convert_element_type3A_93 = arith.fptosi %broadcast_in_dim3A_92 : vector<256x1xf32> to vector<256x1xi32>
    %eq3A_94 = vector.broadcast %broadcast_in_dim3A_92 : vector<256x1xf32> to vector<256x1024xf32>
    %eq3A_95 = arith.cmpf oeq, %select_n3A_89, %eq3A_94 : vector<256x1024xf32>
    %jit3A_96 = arith.constant 0x7F800000 : f32
    %broadcast_in_dim3A_97 = vector.broadcast %jit3A_96 : f32 to vector<256x1024xf32>
    %select_n3A_98 = arith.select %eq3A_95, %broadcast_in_dim3A_97, %get3A_81 : vector<256x1024xi1>, vector<256x1024xf32>
    %swap3A_99 = arith.constant 0 : index
    %swap3A_100 = arith.constant 0 : index
    %swap3A_101 = vector.load %arg16[%swap3A_99, %swap3A_100] : memref<256x1024xf32, #tpu.memory_space<vmem>>, vector<256x1024xf32>
    tpu.vector_store %arg16[%swap3A_99, %swap3A_100], %select_n3A_98 {strides = array<i32>} : memref<256x1024xf32, #tpu.memory_space<vmem>>, vector<256x1024xf32>,
    %get3A_102 = arith.constant 0 : index
    %get3A_103 = arith.constant 1 : index
    %get3A_104 = vector.load %arg10[%get3A_102, %get3A_103] : memref<1x20xf32, #tpu.memory_space<vmem>>, vector<1x1xf32>
    %convert_element_type3A_105 = arith.extui %eq3A_95 : vector<256x1024xi1> to vector<256x1024xi32>
    %convert_element_type3A_106 = arith.sitofp %convert_element_type3A_105 : vector<256x1024xi32> to vector<256x1024xf32>
    %reduce_sum3A_107 = arith.constant dense<0.000000e+00> : vector<1024xf32>
    %reduce_sum3A_108 = vector.multi_reduction <add>, %convert_element_type3A_106, %reduce_sum3A_107 [0] : vector<256x1024xf32> to vector<1024xf32>
    %broadcast_in_dim3A_109 = vector.shape_cast %reduce_sum3A_108 : vector<1024xf32> to vector<1x1024xf32>
    %mul3A_110 = vector.broadcast %get3A_104 : vector<1x1xf32> to vector<1x1024xf32>
    %mul3A_111 = arith.mulf %mul3A_110, %broadcast_in_dim3A_109 : vector<1x1024xf32>
    %add3A_112 = arith.addf %add3A_60, %mul3A_111 : vector<1x1024xf32>
    %sub3A_113 = arith.subi %convert_element_type3A_93, %add3A_31 : vector<256x1xi32>
    %jit3A_114 = arith.constant -32 : i32
    %jit3A_115 = arith.constant 32 : i32
    %max3A_116 = vector.broadcast %jit3A_114 : i32 to vector<256x1xi32>
    %max3A_117 = arith.maxsi %max3A_116, %sub3A_113 : vector<256x1xi32>
    %min3A_118 = vector.broadcast %jit3A_115 : i32 to vector<256x1xi32>
    %min3A_119 = arith.minsi %min3A_118, %max3A_117 : vector<256x1xi32>
    %add3A_120 = arith.constant 32 : i32
    %add3A_121 = vector.broadcast %add3A_120 : i32 to vector<256x1xi32>
    %add3A_122 = arith.addi %min3A_119, %add3A_121 : vector<256x1xi32>
    %mul3A_123 = arith.constant 1024 : i32
    %mul3A_124 = arith.muli %arg0, %mul3A_123 : i32
    %add3A_125 = vector.broadcast %mul3A_124 : i32 to vector<256x1xi32>
    %add3A_126 = arith.addi %convert_element_type3A_93, %add3A_125 : vector<256x1xi32>
    %swap3A_127 = arith.constant 0 : index
    %swap3A_128 = arith.constant 0 : index
    %swap3A_129 = arith.constant 1 : index
    %swap3A_130 = vector.load %arg11[%swap3A_127, %swap3A_128, %swap3A_129] : memref<1x256x20xi32, #tpu.memory_space<vmem>>, vector<1x256x1xi32>
    %swap3A_131 = vector.shape_cast %swap3A_130 : vector<1x256x1xi32> to vector<256x1xi32>
    %swap3A_132 = vector.shape_cast %add3A_126 : vector<256x1xi32> to vector<1x256x1xi32>
    tpu.vector_store %arg11[%swap3A_127, %swap3A_128, %swap3A_129], %swap3A_132 {strides = array<i32>} : memref<1x256x20xi32, #tpu.memory_space<vmem>>, vector<1x256x1xi32>,
    %get3A_133 = arith.constant 0 : index
    %get3A_134 = arith.constant 0 : index
    %get3A_135 = vector.load %arg16[%get3A_133, %get3A_134] : memref<256x1024xf32, #tpu.memory_space<vmem>>, vector<256x1024xf32>
    %reduce_min3A_136 = arith.constant dense<0x7F800000> : vector<256xf32>
    %reduce_min3A_137 = vector.multi_reduction <minimumf>, %get3A_135, %reduce_min3A_136 [1] : vector<256x1024xf32> to vector<256xf32>
    %broadcast_in_dim3A_138 = vector.shape_cast %reduce_min3A_137 : vector<256xf32> to vector<256x1xf32>
    %le3A_139 = vector.broadcast %broadcast_in_dim3A_138 : vector<256x1xf32> to vector<256x1024xf32>
    %le3A_140 = arith.cmpf ole, %get3A_135, %le3A_139 : vector<256x1024xf32>
    %jit3A_141 = arith.constant 1.07374182E+9 : f32
    %broadcast_in_dim3A_142 = vector.broadcast %jit3A_141 : f32 to vector<256x1024xf32>
    %select_n3A_143 = arith.select %le3A_140, %convert_element_type3A, %broadcast_in_dim3A_142 : vector<256x1024xi1>, vector<256x1024xf32>
    %reduce_min3A_144 = arith.constant dense<0x7F800000> : vector<256xf32>
    %reduce_min3A_145 = vector.multi_reduction <minimumf>, %select_n3A_143, %reduce_min3A_144 [1] : vector<256x1024xf32> to vector<256xf32>
    %broadcast_in_dim3A_146 = vector.shape_cast %reduce_min3A_145 : vector<256xf32> to vector<256x1xf32>
    %convert_element_type3A_147 = arith.fptosi %broadcast_in_dim3A_146 : vector<256x1xf32> to vector<256x1xi32>
    %eq3A_148 = vector.broadcast %broadcast_in_dim3A_146 : vector<256x1xf32> to vector<256x1024xf32>
    %eq3A_149 = arith.cmpf oeq, %select_n3A_143, %eq3A_148 : vector<256x1024xf32>
    %jit3A_150 = arith.constant 0x7F800000 : f32
    %broadcast_in_dim3A_151 = vector.broadcast %jit3A_150 : f32 to vector<256x1024xf32>
    %select_n3A_152 = arith.select %eq3A_149, %broadcast_in_dim3A_151, %get3A_135 : vector<256x1024xi1>, vector<256x1024xf32>
    %swap3A_153 = arith.constant 0 : index
    %swap3A_154 = arith.constant 0 : index
    %swap3A_155 = vector.load %arg16[%swap3A_153, %swap3A_154] : memref<256x1024xf32, #tpu.memory_space<vmem>>, vector<256x1024xf32>
    tpu.vector_store %arg16[%swap3A_153, %swap3A_154], %select_n3A_152 {strides = array<i32>} : memref<256x1024xf32, #tpu.memory_space<vmem>>, vector<256x1024xf32>,
    %get3A_156 = arith.constant 0 : index
    %get3A_157 = arith.constant 2 : index
    %get3A_158 = vector.load %arg10[%get3A_156, %get3A_157] : memref<1x20xf32, #tpu.memory_space<vmem>>, vector<1x1xf32>
    %convert_element_type3A_159 = arith.extui %eq3A_149 : vector<256x1024xi1> to vector<256x1024xi32>
    %convert_element_type3A_160 = arith.sitofp %convert_element_type3A_159 : vector<256x1024xi32> to vector<256x1024xf32>
    %reduce_sum3A_161 = arith.constant dense<0.000000e+00> : vector<1024xf32>
    %reduce_sum3A_162 = vector.multi_reduction <add>, %convert_element_type3A_160, %reduce_sum3A_161 [0] : vector<256x1024xf32> to vector<1024xf32>
    %broadcast_in_dim3A_163 = vector.shape_cast %reduce_sum3A_162 : vector<1024xf32> to vector<1x1024xf32>
    %mul3A_164 = vector.broadcast %get3A_158 : vector<1x1xf32> to vector<1x1024xf32>
    %mul3A_165 = arith.mulf %mul3A_164, %broadcast_in_dim3A_163 : vector<1x1024xf32>
    %add3A_166 = arith.addf %add3A_112, %mul3A_165 : vector<1x1024xf32>
    %sub3A_167 = arith.subi %convert_element_type3A_147, %add3A_31 : vector<256x1xi32>
    %jit3A_168 = arith.constant -32 : i32
    %jit3A_169 = arith.constant 32 : i32
    %max3A_170 = vector.broadcast %jit3A_168 : i32 to vector<256x1xi32>
    %max3A_171 = arith.maxsi %max3A_170, %sub3A_167 : vector<256x1xi32>
    %min3A_172 = vector.broadcast %jit3A_169 : i32 to vector<256x1xi32>
    %min3A_173 = arith.minsi %min3A_172, %max3A_171 : vector<256x1xi32>
    %add3A_174 = arith.constant 32 : i32
    %add3A_175 = vector.broadcast %add3A_174 : i32 to vector<256x1xi32>
    %add3A_176 = arith.addi %min3A_173, %add3A_175 : vector<256x1xi32>
    %mul3A_177 = arith.constant 1024 : i32
    %mul3A_178 = arith.muli %arg0, %mul3A_177 : i32
    %add3A_179 = vector.broadcast %mul3A_178 : i32 to vector<256x1xi32>
    %add3A_180 = arith.addi %convert_element_type3A_147, %add3A_179 : vector<256x1xi32>
    %swap3A_181 = arith.constant 0 : index
    %swap3A_182 = arith.constant 0 : index
    %swap3A_183 = arith.constant 2 : index
    %swap3A_184 = vector.load %arg11[%swap3A_181, %swap3A_182, %swap3A_183] : memref<1x256x20xi32, #tpu.memory_space<vmem>>, vector<1x256x1xi32>
    %swap3A_185 = vector.shape_cast %swap3A_184 : vector<1x256x1xi32> to vector<256x1xi32>
    %swap3A_186 = vector.shape_cast %add3A_180 : vector<256x1xi32> to vector<1x256x1xi32>
    tpu.vector_store %arg11[%swap3A_181, %swap3A_182, %swap3A_183], %swap3A_186 {strides = array<i32>} : memref<1x256x20xi32, #tpu.memory_space<vmem>>, vector<1x256x1xi32>,
    %get3A_187 = arith.constant 0 : index
    %get3A_188 = arith.constant 0 : index
    %get3A_189 = vector.load %arg16[%get3A_187, %get3A_188] : memref<256x1024xf32, #tpu.memory_space<vmem>>, vector<256x1024xf32>
    %reduce_min3A_190 = arith.constant dense<0x7F800000> : vector<256xf32>
    %reduce_min3A_191 = vector.multi_reduction <minimumf>, %get3A_189, %reduce_min3A_190 [1] : vector<256x1024xf32> to vector<256xf32>
    %broadcast_in_dim3A_192 = vector.shape_cast %reduce_min3A_191 : vector<256xf32> to vector<256x1xf32>
    %le3A_193 = vector.broadcast %broadcast_in_dim3A_192 : vector<256x1xf32> to vector<256x1024xf32>
    %le3A_194 = arith.cmpf ole, %get3A_189, %le3A_193 : vector<256x1024xf32>
    %jit3A_195 = arith.constant 1.07374182E+9 : f32
    %broadcast_in_dim3A_196 = vector.broadcast %jit3A_195 : f32 to vector<256x1024xf32>
    %select_n3A_197 = arith.select %le3A_194, %convert_element_type3A, %broadcast_in_dim3A_196 : vector<256x1024xi1>, vector<256x1024xf32>
    %reduce_min3A_198 = arith.constant dense<0x7F800000> : vector<256xf32>
    %reduce_min3A_199 = vector.multi_reduction <minimumf>, %select_n3A_197, %reduce_min3A_198 [1] : vector<256x1024xf32> to vector<256xf32>
    %broadcast_in_dim3A_200 = vector.shape_cast %reduce_min3A_199 : vector<256xf32> to vector<256x1xf32>
    %convert_element_type3A_201 = arith.fptosi %broadcast_in_dim3A_200 : vector<256x1xf32> to vector<256x1xi32>
    %eq3A_202 = vector.broadcast %broadcast_in_dim3A_200 : vector<256x1xf32> to vector<256x1024xf32>
    %eq3A_203 = arith.cmpf oeq, %select_n3A_197, %eq3A_202 : vector<256x1024xf32>
    %jit3A_204 = arith.constant 0x7F800000 : f32
    %broadcast_in_dim3A_205 = vector.broadcast %jit3A_204 : f32 to vector<256x1024xf32>
    %select_n3A_206 = arith.select %eq3A_203, %broadcast_in_dim3A_205, %get3A_189 : vector<256x1024xi1>, vector<256x1024xf32>
    %swap3A_207 = arith.constant 0 : index
    %swap3A_208 = arith.constant 0 : index
    %swap3A_209 = vector.load %arg16[%swap3A_207, %swap3A_208] : memref<256x1024xf32, #tpu.memory_space<vmem>>, vector<256x1024xf32>
    tpu.vector_store %arg16[%swap3A_207, %swap3A_208], %select_n3A_206 {strides = array<i32>} : memref<256x1024xf32, #tpu.memory_space<vmem>>, vector<256x1024xf32>,
    %get3A_210 = arith.constant 0 : index
    %get3A_211 = arith.constant 3 : index
    %get3A_212 = vector.load %arg10[%get3A_210, %get3A_211] : memref<1x20xf32, #tpu.memory_space<vmem>>, vector<1x1xf32>
    %convert_element_type3A_213 = arith.extui %eq3A_203 : vector<256x1024xi1> to vector<256x1024xi32>
    %convert_element_type3A_214 = arith.sitofp %convert_element_type3A_213 : vector<256x1024xi32> to vector<256x1024xf32>
    %reduce_sum3A_215 = arith.constant dense<0.000000e+00> : vector<1024xf32>
    %reduce_sum3A_216 = vector.multi_reduction <add>, %convert_element_type3A_214, %reduce_sum3A_215 [0] : vector<256x1024xf32> to vector<1024xf32>
    %broadcast_in_dim3A_217 = vector.shape_cast %reduce_sum3A_216 : vector<1024xf32> to vector<1x1024xf32>
    %mul3A_218 = vector.broadcast %get3A_212 : vector<1x1xf32> to vector<1x1024xf32>
    %mul3A_219 = arith.mulf %mul3A_218, %broadcast_in_dim3A_217 : vector<1x1024xf32>
    %add3A_220 = arith.addf %add3A_166, %mul3A_219 : vector<1x1024xf32>
    %sub3A_221 = arith.subi %convert_element_type3A_201, %add3A_31 : vector<256x1xi32>
    %jit3A_222 = arith.constant -32 : i32
    %jit3A_223 = arith.constant 32 : i32
    %max3A_224 = vector.broadcast %jit3A_222 : i32 to vector<256x1xi32>
    %max3A_225 = arith.maxsi %max3A_224, %sub3A_221 : vector<256x1xi32>
    %min3A_226 = vector.broadcast %jit3A_223 : i32 to vector<256x1xi32>
    %min3A_227 = arith.minsi %min3A_226, %max3A_225 : vector<256x1xi32>
    %add3A_228 = arith.constant 32 : i32
    %add3A_229 = vector.broadcast %add3A_228 : i32 to vector<256x1xi32>
    %add3A_230 = arith.addi %min3A_227, %add3A_229 : vector<256x1xi32>
    %mul3A_231 = arith.constant 1024 : i32
    %mul3A_232 = arith.muli %arg0, %mul3A_231 : i32
    %add3A_233 = vector.broadcast %mul3A_232 : i32 to vector<256x1xi32>
    %add3A_234 = arith.addi %convert_element_type3A_201, %add3A_233 : vector<256x1xi32>
    %swap3A_235 = arith.constant 0 : index
    %swap3A_236 = arith.constant 0 : index
    %swap3A_237 = arith.constant 3 : index
    %swap3A_238 = vector.load %arg11[%swap3A_235, %swap3A_236, %swap3A_237] : memref<1x256x20xi32, #tpu.memory_space<vmem>>, vector<1x256x1xi32>
    %swap3A_239 = vector.shape_cast %swap3A_238 : vector<1x256x1xi32> to vector<256x1xi32>
    %swap3A_240 = vector.shape_cast %add3A_234 : vector<256x1xi32> to vector<1x256x1xi32>
    tpu.vector_store %arg11[%swap3A_235, %swap3A_236, %swap3A_237], %swap3A_240 {strides = array<i32>} : memref<1x256x20xi32, #tpu.memory_space<vmem>>, vector<1x256x1xi32>,
    %get3A_241 = arith.constant 0 : index
    %get3A_242 = arith.constant 0 : index
    %get3A_243 = vector.load %arg16[%get3A_241, %get3A_242] : memref<256x1024xf32, #tpu.memory_space<vmem>>, vector<256x1024xf32>
    %reduce_min3A_244 = arith.constant dense<0x7F800000> : vector<256xf32>
    %reduce_min3A_245 = vector.multi_reduction <minimumf>, %get3A_243, %reduce_min3A_244 [1] : vector<256x1024xf32> to vector<256xf32>
    %broadcast_in_dim3A_246 = vector.shape_cast %reduce_min3A_245 : vector<256xf32> to vector<256x1xf32>
    %le3A_247 = vector.broadcast %broadcast_in_dim3A_246 : vector<256x1xf32> to vector<256x1024xf32>
    %le3A_248 = arith.cmpf ole, %get3A_243, %le3A_247 : vector<256x1024xf32>
    %jit3A_249 = arith.constant 1.07374182E+9 : f32
    %broadcast_in_dim3A_250 = vector.broadcast %jit3A_249 : f32 to vector<256x1024xf32>
    %select_n3A_251 = arith.select %le3A_248, %convert_element_type3A, %broadcast_in_dim3A_250 : vector<256x1024xi1>, vector<256x1024xf32>
    %reduce_min3A_252 = arith.constant dense<0x7F800000> : vector<256xf32>
    %reduce_min3A_253 = vector.multi_reduction <minimumf>, %select_n3A_251, %reduce_min3A_252 [1] : vector<256x1024xf32> to vector<256xf32>
    %broadcast_in_dim3A_254 = vector.shape_cast %reduce_min3A_253 : vector<256xf32> to vector<256x1xf32>
    %convert_element_type3A_255 = arith.fptosi %broadcast_in_dim3A_254 : vector<256x1xf32> to vector<256x1xi32>
    %eq3A_256 = vector.broadcast %broadcast_in_dim3A_254 : vector<256x1xf32> to vector<256x1024xf32>
    %eq3A_257 = arith.cmpf oeq, %select_n3A_251, %eq3A_256 : vector<256x1024xf32>
    %jit3A_258 = arith.constant 0x7F800000 : f32
    %broadcast_in_dim3A_259 = vector.broadcast %jit3A_258 : f32 to vector<256x1024xf32>
    %select_n3A_260 = arith.select %eq3A_257, %broadcast_in_dim3A_259, %get3A_243 : vector<256x1024xi1>, vector<256x1024xf32>
    %swap3A_261 = arith.constant 0 : index
    %swap3A_262 = arith.constant 0 : index
    %swap3A_263 = vector.load %arg16[%swap3A_261, %swap3A_262] : memref<256x1024xf32, #tpu.memory_space<vmem>>, vector<256x1024xf32>
    tpu.vector_store %arg16[%swap3A_261, %swap3A_262], %select_n3A_260 {strides = array<i32>} : memref<256x1024xf32, #tpu.memory_space<vmem>>, vector<256x1024xf32>,
    %get3A_264 = arith.constant 0 : index
    %get3A_265 = arith.constant 4 : index
    %get3A_266 = vector.load %arg10[%get3A_264, %get3A_265] : memref<1x20xf32, #tpu.memory_space<vmem>>, vector<1x1xf32>
    %convert_element_type3A_267 = arith.extui %eq3A_257 : vector<256x1024xi1> to vector<256x1024xi32>
    %convert_element_type3A_268 = arith.sitofp %convert_element_type3A_267 : vector<256x1024xi32> to vector<256x1024xf32>
    %reduce_sum3A_269 = arith.constant dense<0.000000e+00> : vector<1024xf32>
    %reduce_sum3A_270 = vector.multi_reduction <add>, %convert_element_type3A_268, %reduce_sum3A_269 [0] : vector<256x1024xf32> to vector<1024xf32>
    %broadcast_in_dim3A_271 = vector.shape_cast %reduce_sum3A_270 : vector<1024xf32> to vector<1x1024xf32>
    %mul3A_272 = vector.broadcast %get3A_266 : vector<1x1xf32> to vector<1x1024xf32>
    %mul3A_273 = arith.mulf %mul3A_272, %broadcast_in_dim3A_271 : vector<1x1024xf32>
    %add3A_274 = arith.addf %add3A_220, %mul3A_273 : vector<1x1024xf32>
    %sub3A_275 = arith.subi %convert_element_type3A_255, %add3A_31 : vector<256x1xi32>
    %jit3A_276 = arith.constant -32 : i32
    %jit3A_277 = arith.constant 32 : i32
    %max3A_278 = vector.broadcast %jit3A_276 : i32 to vector<256x1xi32>
    %max3A_279 = arith.maxsi %max3A_278, %sub3A_275 : vector<256x1xi32>
    %min3A_280 = vector.broadcast %jit3A_277 : i32 to vector<256x1xi32>
    %min3A_281 = arith.minsi %min3A_280, %max3A_279 : vector<256x1xi32>
    %add3A_282 = arith.constant 32 : i32
    %add3A_283 = vector.broadcast %add3A_282 : i32 to vector<256x1xi32>
    %add3A_284 = arith.addi %min3A_281, %add3A_283 : vector<256x1xi32>
    %mul3A_285 = arith.constant 1024 : i32
    %mul3A_286 = arith.muli %arg0, %mul3A_285 : i32
    %add3A_287 = vector.broadcast %mul3A_286 : i32 to vector<256x1xi32>
    %add3A_288 = arith.addi %convert_element_type3A_255, %add3A_287 : vector<256x1xi32>
    %swap3A_289 = arith.constant 0 : index
    %swap3A_290 = arith.constant 0 : index
    %swap3A_291 = arith.constant 4 : index
    %swap3A_292 = vector.load %arg11[%swap3A_289, %swap3A_290, %swap3A_291] : memref<1x256x20xi32, #tpu.memory_space<vmem>>, vector<1x256x1xi32>
    %swap3A_293 = vector.shape_cast %swap3A_292 : vector<1x256x1xi32> to vector<256x1xi32>
    %swap3A_294 = vector.shape_cast %add3A_288 : vector<256x1xi32> to vector<1x256x1xi32>
    tpu.vector_store %arg11[%swap3A_289, %swap3A_290, %swap3A_291], %swap3A_294 {strides = array<i32>} : memref<1x256x20xi32, #tpu.memory_space<vmem>>, vector<1x256x1xi32>,
    %get3A_295 = arith.constant 0 : index
    %get3A_296 = arith.constant 0 : index
    %get3A_297 = vector.load %arg16[%get3A_295, %get3A_296] : memref<256x1024xf32, #tpu.memory_space<vmem>>, vector<256x1024xf32>
    %reduce_min3A_298 = arith.constant dense<0x7F800000> : vector<256xf32>
    %reduce_min3A_299 = vector.multi_reduction <minimumf>, %get3A_297, %reduce_min3A_298 [1] : vector<256x1024xf32> to vector<256xf32>
    %broadcast_in_dim3A_300 = vector.shape_cast %reduce_min3A_299 : vector<256xf32> to vector<256x1xf32>
    %le3A_301 = vector.broadcast %broadcast_in_dim3A_300 : vector<256x1xf32> to vector<256x1024xf32>
    %le3A_302 = arith.cmpf ole, %get3A_297, %le3A_301 : vector<256x1024xf32>
    %jit3A_303 = arith.constant 1.07374182E+9 : f32
    %broadcast_in_dim3A_304 = vector.broadcast %jit3A_303 : f32 to vector<256x1024xf32>
    %select_n3A_305 = arith.select %le3A_302, %convert_element_type3A, %broadcast_in_dim3A_304 : vector<256x1024xi1>, vector<256x1024xf32>
    %reduce_min3A_306 = arith.constant dense<0x7F800000> : vector<256xf32>
    %reduce_min3A_307 = vector.multi_reduction <minimumf>, %select_n3A_305, %reduce_min3A_306 [1] : vector<256x1024xf32> to vector<256xf32>
    %broadcast_in_dim3A_308 = vector.shape_cast %reduce_min3A_307 : vector<256xf32> to vector<256x1xf32>
    %convert_element_type3A_309 = arith.fptosi %broadcast_in_dim3A_308 : vector<256x1xf32> to vector<256x1xi32>
    %eq3A_310 = vector.broadcast %broadcast_in_dim3A_308 : vector<256x1xf32> to vector<256x1024xf32>
    %eq3A_311 = arith.cmpf oeq, %select_n3A_305, %eq3A_310 : vector<256x1024xf32>
    %jit3A_312 = arith.constant 0x7F800000 : f32
    %broadcast_in_dim3A_313 = vector.broadcast %jit3A_312 : f32 to vector<256x1024xf32>
    %select_n3A_314 = arith.select %eq3A_311, %broadcast_in_dim3A_313, %get3A_297 : vector<256x1024xi1>, vector<256x1024xf32>
    %swap3A_315 = arith.constant 0 : index
    %swap3A_316 = arith.constant 0 : index
    %swap3A_317 = vector.load %arg16[%swap3A_315, %swap3A_316] : memref<256x1024xf32, #tpu.memory_space<vmem>>, vector<256x1024xf32>
    tpu.vector_store %arg16[%swap3A_315, %swap3A_316], %select_n3A_314 {strides = array<i32>} : memref<256x1024xf32, #tpu.memory_space<vmem>>, vector<256x1024xf32>,
    %get3A_318 = arith.constant 0 : index
    %get3A_319 = arith.constant 5 : index
    %get3A_320 = vector.load %arg10[%get3A_318, %get3A_319] : memref<1x20xf32, #tpu.memory_space<vmem>>, vector<1x1xf32>
    %convert_element_type3A_321 = arith.extui %eq3A_311 : vector<256x1024xi1> to vector<256x1024xi32>
    %convert_element_type3A_322 = arith.sitofp %convert_element_type3A_321 : vector<256x1024xi32> to vector<256x1024xf32>
    %reduce_sum3A_323 = arith.constant dense<0.000000e+00> : vector<1024xf32>
    %reduce_sum3A_324 = vector.multi_reduction <add>, %convert_element_type3A_322, %reduce_sum3A_323 [0] : vector<256x1024xf32> to vector<1024xf32>
    %broadcast_in_dim3A_325 = vector.shape_cast %reduce_sum3A_324 : vector<1024xf32> to vector<1x1024xf32>
    %mul3A_326 = vector.broadcast %get3A_320 : vector<1x1xf32> to vector<1x1024xf32>
    %mul3A_327 = arith.mulf %mul3A_326, %broadcast_in_dim3A_325 : vector<1x1024xf32>
    %add3A_328 = arith.addf %add3A_274, %mul3A_327 : vector<1x1024xf32>
    %sub3A_329 = arith.subi %convert_element_type3A_309, %add3A_31 : vector<256x1xi32>
    %jit3A_330 = arith.constant -32 : i32
    %jit3A_331 = arith.constant 32 : i32
    %max3A_332 = vector.broadcast %jit3A_330 : i32 to vector<256x1xi32>
    %max3A_333 = arith.maxsi %max3A_332, %sub3A_329 : vector<256x1xi32>
    %min3A_334 = vector.broadcast %jit3A_331 : i32 to vector<256x1xi32>
    %min3A_335 = arith.minsi %min3A_334, %max3A_333 : vector<256x1xi32>
    %add3A_336 = arith.constant 32 : i32
    %add3A_337 = vector.broadcast %add3A_336 : i32 to vector<256x1xi32>
    %add3A_338 = arith.addi %min3A_335, %add3A_337 : vector<256x1xi32>
    %mul3A_339 = arith.constant 1024 : i32
    %mul3A_340 = arith.muli %arg0, %mul3A_339 : i32
    %add3A_341 = vector.broadcast %mul3A_340 : i32 to vector<256x1xi32>
    %add3A_342 = arith.addi %convert_element_type3A_309, %add3A_341 : vector<256x1xi32>
    %swap3A_343 = arith.constant 0 : index
    %swap3A_344 = arith.constant 0 : index
    %swap3A_345 = arith.constant 5 : index
    %swap3A_346 = vector.load %arg11[%swap3A_343, %swap3A_344, %swap3A_345] : memref<1x256x20xi32, #tpu.memory_space<vmem>>, vector<1x256x1xi32>
    %swap3A_347 = vector.shape_cast %swap3A_346 : vector<1x256x1xi32> to vector<256x1xi32>
    %swap3A_348 = vector.shape_cast %add3A_342 : vector<256x1xi32> to vector<1x256x1xi32>
    tpu.vector_store %arg11[%swap3A_343, %swap3A_344, %swap3A_345], %swap3A_348 {strides = array<i32>} : memref<1x256x20xi32, #tpu.memory_space<vmem>>, vector<1x256x1xi32>,
    %get3A_349 = arith.constant 0 : index
    %get3A_350 = arith.constant 0 : index
    %get3A_351 = vector.load %arg16[%get3A_349, %get3A_350] : memref<256x1024xf32, #tpu.memory_space<vmem>>, vector<256x1024xf32>
    %reduce_min3A_352 = arith.constant dense<0x7F800000> : vector<256xf32>
    %reduce_min3A_353 = vector.multi_reduction <minimumf>, %get3A_351, %reduce_min3A_352 [1] : vector<256x1024xf32> to vector<256xf32>
    %broadcast_in_dim3A_354 = vector.shape_cast %reduce_min3A_353 : vector<256xf32> to vector<256x1xf32>
    %le3A_355 = vector.broadcast %broadcast_in_dim3A_354 : vector<256x1xf32> to vector<256x1024xf32>
    %le3A_356 = arith.cmpf ole, %get3A_351, %le3A_355 : vector<256x1024xf32>
    %jit3A_357 = arith.constant 1.07374182E+9 : f32
    %broadcast_in_dim3A_358 = vector.broadcast %jit3A_357 : f32 to vector<256x1024xf32>
    %select_n3A_359 = arith.select %le3A_356, %convert_element_type3A, %broadcast_in_dim3A_358 : vector<256x1024xi1>, vector<256x1024xf32>
    %reduce_min3A_360 = arith.constant dense<0x7F800000> : vector<256xf32>
    %reduce_min3A_361 = vector.multi_reduction <minimumf>, %select_n3A_359, %reduce_min3A_360 [1] : vector<256x1024xf32> to vector<256xf32>
    %broadcast_in_dim3A_362 = vector.shape_cast %reduce_min3A_361 : vector<256xf32> to vector<256x1xf32>
    %convert_element_type3A_363 = arith.fptosi %broadcast_in_dim3A_362 : vector<256x1xf32> to vector<256x1xi32>
    %eq3A_364 = vector.broadcast %broadcast_in_dim3A_362 : vector<256x1xf32> to vector<256x1024xf32>
    %eq3A_365 = arith.cmpf oeq, %select_n3A_359, %eq3A_364 : vector<256x1024xf32>
    %jit3A_366 = arith.constant 0x7F800000 : f32
    %broadcast_in_dim3A_367 = vector.broadcast %jit3A_366 : f32 to vector<256x1024xf32>
    %select_n3A_368 = arith.select %eq3A_365, %broadcast_in_dim3A_367, %get3A_351 : vector<256x1024xi1>, vector<256x1024xf32>
    %swap3A_369 = arith.constant 0 : index
    %swap3A_370 = arith.constant 0 : index
    %swap3A_371 = vector.load %arg16[%swap3A_369, %swap3A_370] : memref<256x1024xf32, #tpu.memory_space<vmem>>, vector<256x1024xf32>
    tpu.vector_store %arg16[%swap3A_369, %swap3A_370], %select_n3A_368 {strides = array<i32>} : memref<256x1024xf32, #tpu.memory_space<vmem>>, vector<256x1024xf32>,
    %get3A_372 = arith.constant 0 : index
    %get3A_373 = arith.constant 6 : index
    %get3A_374 = vector.load %arg10[%get3A_372, %get3A_373] : memref<1x20xf32, #tpu.memory_space<vmem>>, vector<1x1xf32>
    %convert_element_type3A_375 = arith.extui %eq3A_365 : vector<256x1024xi1> to vector<256x1024xi32>
    %convert_element_type3A_376 = arith.sitofp %convert_element_type3A_375 : vector<256x1024xi32> to vector<256x1024xf32>
    %reduce_sum3A_377 = arith.constant dense<0.000000e+00> : vector<1024xf32>
    %reduce_sum3A_378 = vector.multi_reduction <add>, %convert_element_type3A_376, %reduce_sum3A_377 [0] : vector<256x1024xf32> to vector<1024xf32>
    %broadcast_in_dim3A_379 = vector.shape_cast %reduce_sum3A_378 : vector<1024xf32> to vector<1x1024xf32>
    %mul3A_380 = vector.broadcast %get3A_374 : vector<1x1xf32> to vector<1x1024xf32>
    %mul3A_381 = arith.mulf %mul3A_380, %broadcast_in_dim3A_379 : vector<1x1024xf32>
    %add3A_382 = arith.addf %add3A_328, %mul3A_381 : vector<1x1024xf32>
    %sub3A_383 = arith.subi %convert_element_type3A_363, %add3A_31 : vector<256x1xi32>
    %jit3A_384 = arith.constant -32 : i32
    %jit3A_385 = arith.constant 32 : i32
    %max3A_386 = vector.broadcast %jit3A_384 : i32 to vector<256x1xi32>
    %max3A_387 = arith.maxsi %max3A_386, %sub3A_383 : vector<256x1xi32>
    %min3A_388 = vector.broadcast %jit3A_385 : i32 to vector<256x1xi32>
    %min3A_389 = arith.minsi %min3A_388, %max3A_387 : vector<256x1xi32>
    %add3A_390 = arith.constant 32 : i32
    %add3A_391 = vector.broadcast %add3A_390 : i32 to vector<256x1xi32>
    %add3A_392 = arith.addi %min3A_389, %add3A_391 : vector<256x1xi32>
    %mul3A_393 = arith.constant 1024 : i32
    %mul3A_394 = arith.muli %arg0, %mul3A_393 : i32
    %add3A_395 = vector.broadcast %mul3A_394 : i32 to vector<256x1xi32>
    %add3A_396 = arith.addi %convert_element_type3A_363, %add3A_395 : vector<256x1xi32>
    %swap3A_397 = arith.constant 0 : index
    %swap3A_398 = arith.constant 0 : index
    %swap3A_399 = arith.constant 6 : index
    %swap3A_400 = vector.load %arg11[%swap3A_397, %swap3A_398, %swap3A_399] : memref<1x256x20xi32, #tpu.memory_space<vmem>>, vector<1x256x1xi32>
    %swap3A_401 = vector.shape_cast %swap3A_400 : vector<1x256x1xi32> to vector<256x1xi32>
    %swap3A_402 = vector.shape_cast %add3A_396 : vector<256x1xi32> to vector<1x256x1xi32>
    tpu.vector_store %arg11[%swap3A_397, %swap3A_398, %swap3A_399], %swap3A_402 {strides = array<i32>} : memref<1x256x20xi32, #tpu.memory_space<vmem>>, vector<1x256x1xi32>,
    %get3A_403 = arith.constant 0 : index
    %get3A_404 = arith.constant 0 : index
    %get3A_405 = vector.load %arg16[%get3A_403, %get3A_404] : memref<256x1024xf32, #tpu.memory_space<vmem>>, vector<256x1024xf32>
    %reduce_min3A_406 = arith.constant dense<0x7F800000> : vector<256xf32>
    %reduce_min3A_407 = vector.multi_reduction <minimumf>, %get3A_405, %reduce_min3A_406 [1] : vector<256x1024xf32> to vector<256xf32>
    %broadcast_in_dim3A_408 = vector.shape_cast %reduce_min3A_407 : vector<256xf32> to vector<256x1xf32>
    %le3A_409 = vector.broadcast %broadcast_in_dim3A_408 : vector<256x1xf32> to vector<256x1024xf32>
    %le3A_410 = arith.cmpf ole, %get3A_405, %le3A_409 : vector<256x1024xf32>
    %jit3A_411 = arith.constant 1.07374182E+9 : f32
    %broadcast_in_dim3A_412 = vector.broadcast %jit3A_411 : f32 to vector<256x1024xf32>
    %select_n3A_413 = arith.select %le3A_410, %convert_element_type3A, %broadcast_in_dim3A_412 : vector<256x1024xi1>, vector<256x1024xf32>
    %reduce_min3A_414 = arith.constant dense<0x7F800000> : vector<256xf32>
    %reduce_min3A_415 = vector.multi_reduction <minimumf>, %select_n3A_413, %reduce_min3A_414 [1] : vector<256x1024xf32> to vector<256xf32>
    %broadcast_in_dim3A_416 = vector.shape_cast %reduce_min3A_415 : vector<256xf32> to vector<256x1xf32>
    %convert_element_type3A_417 = arith.fptosi %broadcast_in_dim3A_416 : vector<256x1xf32> to vector<256x1xi32>
    %eq3A_418 = vector.broadcast %broadcast_in_dim3A_416 : vector<256x1xf32> to vector<256x1024xf32>
    %eq3A_419 = arith.cmpf oeq, %select_n3A_413, %eq3A_418 : vector<256x1024xf32>
    %jit3A_420 = arith.constant 0x7F800000 : f32
    %broadcast_in_dim3A_421 = vector.broadcast %jit3A_420 : f32 to vector<256x1024xf32>
    %select_n3A_422 = arith.select %eq3A_419, %broadcast_in_dim3A_421, %get3A_405 : vector<256x1024xi1>, vector<256x1024xf32>
    %swap3A_423 = arith.constant 0 : index
    %swap3A_424 = arith.constant 0 : index
    %swap3A_425 = vector.load %arg16[%swap3A_423, %swap3A_424] : memref<256x1024xf32, #tpu.memory_space<vmem>>, vector<256x1024xf32>
    tpu.vector_store %arg16[%swap3A_423, %swap3A_424], %select_n3A_422 {strides = array<i32>} : memref<256x1024xf32, #tpu.memory_space<vmem>>, vector<256x1024xf32>,
    %get3A_426 = arith.constant 0 : index
    %get3A_427 = arith.constant 7 : index
    %get3A_428 = vector.load %arg10[%get3A_426, %get3A_427] : memref<1x20xf32, #tpu.memory_space<vmem>>, vector<1x1xf32>
    %convert_element_type3A_429 = arith.extui %eq3A_419 : vector<256x1024xi1> to vector<256x1024xi32>
    %convert_element_type3A_430 = arith.sitofp %convert_element_type3A_429 : vector<256x1024xi32> to vector<256x1024xf32>
    %reduce_sum3A_431 = arith.constant dense<0.000000e+00> : vector<1024xf32>
    %reduce_sum3A_432 = vector.multi_reduction <add>, %convert_element_type3A_430, %reduce_sum3A_431 [0] : vector<256x1024xf32> to vector<1024xf32>
    %broadcast_in_dim3A_433 = vector.shape_cast %reduce_sum3A_432 : vector<1024xf32> to vector<1x1024xf32>
    %mul3A_434 = vector.broadcast %get3A_428 : vector<1x1xf32> to vector<1x1024xf32>
    %mul3A_435 = arith.mulf %mul3A_434, %broadcast_in_dim3A_433 : vector<1x1024xf32>
    %add3A_436 = arith.addf %add3A_382, %mul3A_435 : vector<1x1024xf32>
    %sub3A_437 = arith.subi %convert_element_type3A_417, %add3A_31 : vector<256x1xi32>
    %jit3A_438 = arith.constant -32 : i32
    %jit3A_439 = arith.constant 32 : i32
    %max3A_440 = vector.broadcast %jit3A_438 : i32 to vector<256x1xi32>
    %max3A_441 = arith.maxsi %max3A_440, %sub3A_437 : vector<256x1xi32>
    %min3A_442 = vector.broadcast %jit3A_439 : i32 to vector<256x1xi32>
    %min3A_443 = arith.minsi %min3A_442, %max3A_441 : vector<256x1xi32>
    %add3A_444 = arith.constant 32 : i32
    %add3A_445 = vector.broadcast %add3A_444 : i32 to vector<256x1xi32>
    %add3A_446 = arith.addi %min3A_443, %add3A_445 : vector<256x1xi32>
    %mul3A_447 = arith.constant 1024 : i32
    %mul3A_448 = arith.muli %arg0, %mul3A_447 : i32
    %add3A_449 = vector.broadcast %mul3A_448 : i32 to vector<256x1xi32>
    %add3A_450 = arith.addi %convert_element_type3A_417, %add3A_449 : vector<256x1xi32>
    %swap3A_451 = arith.constant 0 : index
    %swap3A_452 = arith.constant 0 : index
    %swap3A_453 = arith.constant 7 : index
    %swap3A_454 = vector.load %arg11[%swap3A_451, %swap3A_452, %swap3A_453] : memref<1x256x20xi32, #tpu.memory_space<vmem>>, vector<1x256x1xi32>
    %swap3A_455 = vector.shape_cast %swap3A_454 : vector<1x256x1xi32> to vector<256x1xi32>
    %swap3A_456 = vector.shape_cast %add3A_450 : vector<256x1xi32> to vector<1x256x1xi32>
    tpu.vector_store %arg11[%swap3A_451, %swap3A_452, %swap3A_453], %swap3A_456 {strides = array<i32>} : memref<1x256x20xi32, #tpu.memory_space<vmem>>, vector<1x256x1xi32>,
    %get3A_457 = arith.constant 0 : index
    %get3A_458 = arith.constant 0 : index
    %get3A_459 = vector.load %arg16[%get3A_457, %get3A_458] : memref<256x1024xf32, #tpu.memory_space<vmem>>, vector<256x1024xf32>
    %reduce_min3A_460 = arith.constant dense<0x7F800000> : vector<256xf32>
    %reduce_min3A_461 = vector.multi_reduction <minimumf>, %get3A_459, %reduce_min3A_460 [1] : vector<256x1024xf32> to vector<256xf32>
    %broadcast_in_dim3A_462 = vector.shape_cast %reduce_min3A_461 : vector<256xf32> to vector<256x1xf32>
    %le3A_463 = vector.broadcast %broadcast_in_dim3A_462 : vector<256x1xf32> to vector<256x1024xf32>
    %le3A_464 = arith.cmpf ole, %get3A_459, %le3A_463 : vector<256x1024xf32>
    %jit3A_465 = arith.constant 1.07374182E+9 : f32
    %broadcast_in_dim3A_466 = vector.broadcast %jit3A_465 : f32 to vector<256x1024xf32>
    %select_n3A_467 = arith.select %le3A_464, %convert_element_type3A, %broadcast_in_dim3A_466 : vector<256x1024xi1>, vector<256x1024xf32>
    %reduce_min3A_468 = arith.constant dense<0x7F800000> : vector<256xf32>
    %reduce_min3A_469 = vector.multi_reduction <minimumf>, %select_n3A_467, %reduce_min3A_468 [1] : vector<256x1024xf32> to vector<256xf32>
    %broadcast_in_dim3A_470 = vector.shape_cast %reduce_min3A_469 : vector<256xf32> to vector<256x1xf32>
    %convert_element_type3A_471 = arith.fptosi %broadcast_in_dim3A_470 : vector<256x1xf32> to vector<256x1xi32>
    %eq3A_472 = vector.broadcast %broadcast_in_dim3A_470 : vector<256x1xf32> to vector<256x1024xf32>
    %eq3A_473 = arith.cmpf oeq, %select_n3A_467, %eq3A_472 : vector<256x1024xf32>
    %jit3A_474 = arith.constant 0x7F800000 : f32
    %broadcast_in_dim3A_475 = vector.broadcast %jit3A_474 : f32 to vector<256x1024xf32>
    %select_n3A_476 = arith.select %eq3A_473, %broadcast_in_dim3A_475, %get3A_459 : vector<256x1024xi1>, vector<256x1024xf32>
    %swap3A_477 = arith.constant 0 : index
    %swap3A_478 = arith.constant 0 : index
    %swap3A_479 = vector.load %arg16[%swap3A_477, %swap3A_478] : memref<256x1024xf32, #tpu.memory_space<vmem>>, vector<256x1024xf32>
    tpu.vector_store %arg16[%swap3A_477, %swap3A_478], %select_n3A_476 {strides = array<i32>} : memref<256x1024xf32, #tpu.memory_space<vmem>>, vector<256x1024xf32>,
    %get3A_480 = arith.constant 0 : index
    %get3A_481 = arith.constant 8 : index
    %get3A_482 = vector.load %arg10[%get3A_480, %get3A_481] : memref<1x20xf32, #tpu.memory_space<vmem>>, vector<1x1xf32>
    %convert_element_type3A_483 = arith.extui %eq3A_473 : vector<256x1024xi1> to vector<256x1024xi32>
    %convert_element_type3A_484 = arith.sitofp %convert_element_type3A_483 : vector<256x1024xi32> to vector<256x1024xf32>
    %reduce_sum3A_485 = arith.constant dense<0.000000e+00> : vector<1024xf32>
    %reduce_sum3A_486 = vector.multi_reduction <add>, %convert_element_type3A_484, %reduce_sum3A_485 [0] : vector<256x1024xf32> to vector<1024xf32>
    %broadcast_in_dim3A_487 = vector.shape_cast %reduce_sum3A_486 : vector<1024xf32> to vector<1x1024xf32>
    %mul3A_488 = vector.broadcast %get3A_482 : vector<1x1xf32> to vector<1x1024xf32>
    %mul3A_489 = arith.mulf %mul3A_488, %broadcast_in_dim3A_487 : vector<1x1024xf32>
    %add3A_490 = arith.addf %add3A_436, %mul3A_489 : vector<1x1024xf32>
    %sub3A_491 = arith.subi %convert_element_type3A_471, %add3A_31 : vector<256x1xi32>
    %jit3A_492 = arith.constant -32 : i32
    %jit3A_493 = arith.constant 32 : i32
    %max3A_494 = vector.broadcast %jit3A_492 : i32 to vector<256x1xi32>
    %max3A_495 = arith.maxsi %max3A_494, %sub3A_491 : vector<256x1xi32>
    %min3A_496 = vector.broadcast %jit3A_493 : i32 to vector<256x1xi32>
    %min3A_497 = arith.minsi %min3A_496, %max3A_495 : vector<256x1xi32>
    %add3A_498 = arith.constant 32 : i32
    %add3A_499 = vector.broadcast %add3A_498 : i32 to vector<256x1xi32>
    %add3A_500 = arith.addi %min3A_497, %add3A_499 : vector<256x1xi32>
    %mul3A_501 = arith.constant 1024 : i32
    %mul3A_502 = arith.muli %arg0, %mul3A_501 : i32
    %add3A_503 = vector.broadcast %mul3A_502 : i32 to vector<256x1xi32>
    %add3A_504 = arith.addi %convert_element_type3A_471, %add3A_503 : vector<256x1xi32>
    %swap3A_505 = arith.constant 0 : index
    %swap3A_506 = arith.constant 0 : index
    %swap3A_507 = arith.constant 8 : index
    %swap3A_508 = vector.load %arg11[%swap3A_505, %swap3A_506, %swap3A_507] : memref<1x256x20xi32, #tpu.memory_space<vmem>>, vector<1x256x1xi32>
    %swap3A_509 = vector.shape_cast %swap3A_508 : vector<1x256x1xi32> to vector<256x1xi32>
    %swap3A_510 = vector.shape_cast %add3A_504 : vector<256x1xi32> to vector<1x256x1xi32>
    tpu.vector_store %arg11[%swap3A_505, %swap3A_506, %swap3A_507], %swap3A_510 {strides = array<i32>} : memref<1x256x20xi32, #tpu.memory_space<vmem>>, vector<1x256x1xi32>,
    %get3A_511 = arith.constant 0 : index
    %get3A_512 = arith.constant 0 : index
    %get3A_513 = vector.load %arg16[%get3A_511, %get3A_512] : memref<256x1024xf32, #tpu.memory_space<vmem>>, vector<256x1024xf32>
    %reduce_min3A_514 = arith.constant dense<0x7F800000> : vector<256xf32>
    %reduce_min3A_515 = vector.multi_reduction <minimumf>, %get3A_513, %reduce_min3A_514 [1] : vector<256x1024xf32> to vector<256xf32>
    %broadcast_in_dim3A_516 = vector.shape_cast %reduce_min3A_515 : vector<256xf32> to vector<256x1xf32>
    %le3A_517 = vector.broadcast %broadcast_in_dim3A_516 : vector<256x1xf32> to vector<256x1024xf32>
    %le3A_518 = arith.cmpf ole, %get3A_513, %le3A_517 : vector<256x1024xf32>
    %jit3A_519 = arith.constant 1.07374182E+9 : f32
    %broadcast_in_dim3A_520 = vector.broadcast %jit3A_519 : f32 to vector<256x1024xf32>
    %select_n3A_521 = arith.select %le3A_518, %convert_element_type3A, %broadcast_in_dim3A_520 : vector<256x1024xi1>, vector<256x1024xf32>
    %reduce_min3A_522 = arith.constant dense<0x7F800000> : vector<256xf32>
    %reduce_min3A_523 = vector.multi_reduction <minimumf>, %select_n3A_521, %reduce_min3A_522 [1] : vector<256x1024xf32> to vector<256xf32>
    %broadcast_in_dim3A_524 = vector.shape_cast %reduce_min3A_523 : vector<256xf32> to vector<256x1xf32>
    %convert_element_type3A_525 = arith.fptosi %broadcast_in_dim3A_524 : vector<256x1xf32> to vector<256x1xi32>
    %eq3A_526 = vector.broadcast %broadcast_in_dim3A_524 : vector<256x1xf32> to vector<256x1024xf32>
    %eq3A_527 = arith.cmpf oeq, %select_n3A_521, %eq3A_526 : vector<256x1024xf32>
    %jit3A_528 = arith.constant 0x7F800000 : f32
    %broadcast_in_dim3A_529 = vector.broadcast %jit3A_528 : f32 to vector<256x1024xf32>
    %select_n3A_530 = arith.select %eq3A_527, %broadcast_in_dim3A_529, %get3A_513 : vector<256x1024xi1>, vector<256x1024xf32>
    %swap3A_531 = arith.constant 0 : index
    %swap3A_532 = arith.constant 0 : index
    %swap3A_533 = vector.load %arg16[%swap3A_531, %swap3A_532] : memref<256x1024xf32, #tpu.memory_space<vmem>>, vector<256x1024xf32>
    tpu.vector_store %arg16[%swap3A_531, %swap3A_532], %select_n3A_530 {strides = array<i32>} : memref<256x1024xf32, #tpu.memory_space<vmem>>, vector<256x1024xf32>,
    %get3A_534 = arith.constant 0 : index
    %get3A_535 = arith.constant 9 : index
    %get3A_536 = vector.load %arg10[%get3A_534, %get3A_535] : memref<1x20xf32, #tpu.memory_space<vmem>>, vector<1x1xf32>
    %convert_element_type3A_537 = arith.extui %eq3A_527 : vector<256x1024xi1> to vector<256x1024xi32>
    %convert_element_type3A_538 = arith.sitofp %convert_element_type3A_537 : vector<256x1024xi32> to vector<256x1024xf32>
    %reduce_sum3A_539 = arith.constant dense<0.000000e+00> : vector<1024xf32>
    %reduce_sum3A_540 = vector.multi_reduction <add>, %convert_element_type3A_538, %reduce_sum3A_539 [0] : vector<256x1024xf32> to vector<1024xf32>
    %broadcast_in_dim3A_541 = vector.shape_cast %reduce_sum3A_540 : vector<1024xf32> to vector<1x1024xf32>
    %mul3A_542 = vector.broadcast %get3A_536 : vector<1x1xf32> to vector<1x1024xf32>
    %mul3A_543 = arith.mulf %mul3A_542, %broadcast_in_dim3A_541 : vector<1x1024xf32>
    %add3A_544 = arith.addf %add3A_490, %mul3A_543 : vector<1x1024xf32>
    %sub3A_545 = arith.subi %convert_element_type3A_525, %add3A_31 : vector<256x1xi32>
    %jit3A_546 = arith.constant -32 : i32
    %jit3A_547 = arith.constant 32 : i32
    %max3A_548 = vector.broadcast %jit3A_546 : i32 to vector<256x1xi32>
    %max3A_549 = arith.maxsi %max3A_548, %sub3A_545 : vector<256x1xi32>
    %min3A_550 = vector.broadcast %jit3A_547 : i32 to vector<256x1xi32>
    %min3A_551 = arith.minsi %min3A_550, %max3A_549 : vector<256x1xi32>
    %add3A_552 = arith.constant 32 : i32
    %add3A_553 = vector.broadcast %add3A_552 : i32 to vector<256x1xi32>
    %add3A_554 = arith.addi %min3A_551, %add3A_553 : vector<256x1xi32>
    %mul3A_555 = arith.constant 1024 : i32
    %mul3A_556 = arith.muli %arg0, %mul3A_555 : i32
    %add3A_557 = vector.broadcast %mul3A_556 : i32 to vector<256x1xi32>
    %add3A_558 = arith.addi %convert_element_type3A_525, %add3A_557 : vector<256x1xi32>
    %swap3A_559 = arith.constant 0 : index
    %swap3A_560 = arith.constant 0 : index
    %swap3A_561 = arith.constant 9 : index
    %swap3A_562 = vector.load %arg11[%swap3A_559, %swap3A_560, %swap3A_561] : memref<1x256x20xi32, #tpu.memory_space<vmem>>, vector<1x256x1xi32>
    %swap3A_563 = vector.shape_cast %swap3A_562 : vector<1x256x1xi32> to vector<256x1xi32>
    %swap3A_564 = vector.shape_cast %add3A_558 : vector<256x1xi32> to vector<1x256x1xi32>
    tpu.vector_store %arg11[%swap3A_559, %swap3A_560, %swap3A_561], %swap3A_564 {strides = array<i32>} : memref<1x256x20xi32, #tpu.memory_space<vmem>>, vector<1x256x1xi32>,
    %get3A_565 = arith.constant 0 : index
    %get3A_566 = arith.constant 0 : index
    %get3A_567 = vector.load %arg16[%get3A_565, %get3A_566] : memref<256x1024xf32, #tpu.memory_space<vmem>>, vector<256x1024xf32>
    %reduce_min3A_568 = arith.constant dense<0x7F800000> : vector<256xf32>
    %reduce_min3A_569 = vector.multi_reduction <minimumf>, %get3A_567, %reduce_min3A_568 [1] : vector<256x1024xf32> to vector<256xf32>
    %broadcast_in_dim3A_570 = vector.shape_cast %reduce_min3A_569 : vector<256xf32> to vector<256x1xf32>
    %le3A_571 = vector.broadcast %broadcast_in_dim3A_570 : vector<256x1xf32> to vector<256x1024xf32>
    %le3A_572 = arith.cmpf ole, %get3A_567, %le3A_571 : vector<256x1024xf32>
    %jit3A_573 = arith.constant 1.07374182E+9 : f32
    %broadcast_in_dim3A_574 = vector.broadcast %jit3A_573 : f32 to vector<256x1024xf32>
    %select_n3A_575 = arith.select %le3A_572, %convert_element_type3A, %broadcast_in_dim3A_574 : vector<256x1024xi1>, vector<256x1024xf32>
    %reduce_min3A_576 = arith.constant dense<0x7F800000> : vector<256xf32>
    %reduce_min3A_577 = vector.multi_reduction <minimumf>, %select_n3A_575, %reduce_min3A_576 [1] : vector<256x1024xf32> to vector<256xf32>
    %broadcast_in_dim3A_578 = vector.shape_cast %reduce_min3A_577 : vector<256xf32> to vector<256x1xf32>
    %convert_element_type3A_579 = arith.fptosi %broadcast_in_dim3A_578 : vector<256x1xf32> to vector<256x1xi32>
    %eq3A_580 = vector.broadcast %broadcast_in_dim3A_578 : vector<256x1xf32> to vector<256x1024xf32>
    %eq3A_581 = arith.cmpf oeq, %select_n3A_575, %eq3A_580 : vector<256x1024xf32>
    %jit3A_582 = arith.constant 0x7F800000 : f32
    %broadcast_in_dim3A_583 = vector.broadcast %jit3A_582 : f32 to vector<256x1024xf32>
    %select_n3A_584 = arith.select %eq3A_581, %broadcast_in_dim3A_583, %get3A_567 : vector<256x1024xi1>, vector<256x1024xf32>
    %swap3A_585 = arith.constant 0 : index
    %swap3A_586 = arith.constant 0 : index
    %swap3A_587 = vector.load %arg16[%swap3A_585, %swap3A_586] : memref<256x1024xf32, #tpu.memory_space<vmem>>, vector<256x1024xf32>
    tpu.vector_store %arg16[%swap3A_585, %swap3A_586], %select_n3A_584 {strides = array<i32>} : memref<256x1024xf32, #tpu.memory_space<vmem>>, vector<256x1024xf32>,
    %get3A_588 = arith.constant 0 : index
    %get3A_589 = arith.constant 10 : index
    %get3A_590 = vector.load %arg10[%get3A_588, %get3A_589] : memref<1x20xf32, #tpu.memory_space<vmem>>, vector<1x1xf32>
    %convert_element_type3A_591 = arith.extui %eq3A_581 : vector<256x1024xi1> to vector<256x1024xi32>
    %convert_element_type3A_592 = arith.sitofp %convert_element_type3A_591 : vector<256x1024xi32> to vector<256x1024xf32>
    %reduce_sum3A_593 = arith.constant dense<0.000000e+00> : vector<1024xf32>
    %reduce_sum3A_594 = vector.multi_reduction <add>, %convert_element_type3A_592, %reduce_sum3A_593 [0] : vector<256x1024xf32> to vector<1024xf32>
    %broadcast_in_dim3A_595 = vector.shape_cast %reduce_sum3A_594 : vector<1024xf32> to vector<1x1024xf32>
    %mul3A_596 = vector.broadcast %get3A_590 : vector<1x1xf32> to vector<1x1024xf32>
    %mul3A_597 = arith.mulf %mul3A_596, %broadcast_in_dim3A_595 : vector<1x1024xf32>
    %add3A_598 = arith.addf %add3A_544, %mul3A_597 : vector<1x1024xf32>
    %sub3A_599 = arith.subi %convert_element_type3A_579, %add3A_31 : vector<256x1xi32>
    %jit3A_600 = arith.constant -32 : i32
    %jit3A_601 = arith.constant 32 : i32
    %max3A_602 = vector.broadcast %jit3A_600 : i32 to vector<256x1xi32>
    %max3A_603 = arith.maxsi %max3A_602, %sub3A_599 : vector<256x1xi32>
    %min3A_604 = vector.broadcast %jit3A_601 : i32 to vector<256x1xi32>
    %min3A_605 = arith.minsi %min3A_604, %max3A_603 : vector<256x1xi32>
    %add3A_606 = arith.constant 32 : i32
    %add3A_607 = vector.broadcast %add3A_606 : i32 to vector<256x1xi32>
    %add3A_608 = arith.addi %min3A_605, %add3A_607 : vector<256x1xi32>
    %mul3A_609 = arith.constant 1024 : i32
    %mul3A_610 = arith.muli %arg0, %mul3A_609 : i32
    %add3A_611 = vector.broadcast %mul3A_610 : i32 to vector<256x1xi32>
    %add3A_612 = arith.addi %convert_element_type3A_579, %add3A_611 : vector<256x1xi32>
    %swap3A_613 = arith.constant 0 : index
    %swap3A_614 = arith.constant 0 : index
    %swap3A_615 = arith.constant 10 : index
    %swap3A_616 = vector.load %arg11[%swap3A_613, %swap3A_614, %swap3A_615] : memref<1x256x20xi32, #tpu.memory_space<vmem>>, vector<1x256x1xi32>
    %swap3A_617 = vector.shape_cast %swap3A_616 : vector<1x256x1xi32> to vector<256x1xi32>
    %swap3A_618 = vector.shape_cast %add3A_612 : vector<256x1xi32> to vector<1x256x1xi32>
    tpu.vector_store %arg11[%swap3A_613, %swap3A_614, %swap3A_615], %swap3A_618 {strides = array<i32>} : memref<1x256x20xi32, #tpu.memory_space<vmem>>, vector<1x256x1xi32>,
    %get3A_619 = arith.constant 0 : index
    %get3A_620 = arith.constant 0 : index
    %get3A_621 = vector.load %arg16[%get3A_619, %get3A_620] : memref<256x1024xf32, #tpu.memory_space<vmem>>, vector<256x1024xf32>
    %reduce_min3A_622 = arith.constant dense<0x7F800000> : vector<256xf32>
    %reduce_min3A_623 = vector.multi_reduction <minimumf>, %get3A_621, %reduce_min3A_622 [1] : vector<256x1024xf32> to vector<256xf32>
    %broadcast_in_dim3A_624 = vector.shape_cast %reduce_min3A_623 : vector<256xf32> to vector<256x1xf32>
    %le3A_625 = vector.broadcast %broadcast_in_dim3A_624 : vector<256x1xf32> to vector<256x1024xf32>
    %le3A_626 = arith.cmpf ole, %get3A_621, %le3A_625 : vector<256x1024xf32>
    %jit3A_627 = arith.constant 1.07374182E+9 : f32
    %broadcast_in_dim3A_628 = vector.broadcast %jit3A_627 : f32 to vector<256x1024xf32>
    %select_n3A_629 = arith.select %le3A_626, %convert_element_type3A, %broadcast_in_dim3A_628 : vector<256x1024xi1>, vector<256x1024xf32>
    %reduce_min3A_630 = arith.constant dense<0x7F800000> : vector<256xf32>
    %reduce_min3A_631 = vector.multi_reduction <minimumf>, %select_n3A_629, %reduce_min3A_630 [1] : vector<256x1024xf32> to vector<256xf32>
    %broadcast_in_dim3A_632 = vector.shape_cast %reduce_min3A_631 : vector<256xf32> to vector<256x1xf32>
    %convert_element_type3A_633 = arith.fptosi %broadcast_in_dim3A_632 : vector<256x1xf32> to vector<256x1xi32>
    %eq3A_634 = vector.broadcast %broadcast_in_dim3A_632 : vector<256x1xf32> to vector<256x1024xf32>
    %eq3A_635 = arith.cmpf oeq, %select_n3A_629, %eq3A_634 : vector<256x1024xf32>
    %jit3A_636 = arith.constant 0x7F800000 : f32
    %broadcast_in_dim3A_637 = vector.broadcast %jit3A_636 : f32 to vector<256x1024xf32>
    %select_n3A_638 = arith.select %eq3A_635, %broadcast_in_dim3A_637, %get3A_621 : vector<256x1024xi1>, vector<256x1024xf32>
    %swap3A_639 = arith.constant 0 : index
    %swap3A_640 = arith.constant 0 : index
    %swap3A_641 = vector.load %arg16[%swap3A_639, %swap3A_640] : memref<256x1024xf32, #tpu.memory_space<vmem>>, vector<256x1024xf32>
    tpu.vector_store %arg16[%swap3A_639, %swap3A_640], %select_n3A_638 {strides = array<i32>} : memref<256x1024xf32, #tpu.memory_space<vmem>>, vector<256x1024xf32>,
    %get3A_642 = arith.constant 0 : index
    %get3A_643 = arith.constant 11 : index
    %get3A_644 = vector.load %arg10[%get3A_642, %get3A_643] : memref<1x20xf32, #tpu.memory_space<vmem>>, vector<1x1xf32>
    %convert_element_type3A_645 = arith.extui %eq3A_635 : vector<256x1024xi1> to vector<256x1024xi32>
    %convert_element_type3A_646 = arith.sitofp %convert_element_type3A_645 : vector<256x1024xi32> to vector<256x1024xf32>
    %reduce_sum3A_647 = arith.constant dense<0.000000e+00> : vector<1024xf32>
    %reduce_sum3A_648 = vector.multi_reduction <add>, %convert_element_type3A_646, %reduce_sum3A_647 [0] : vector<256x1024xf32> to vector<1024xf32>
    %broadcast_in_dim3A_649 = vector.shape_cast %reduce_sum3A_648 : vector<1024xf32> to vector<1x1024xf32>
    %mul3A_650 = vector.broadcast %get3A_644 : vector<1x1xf32> to vector<1x1024xf32>
    %mul3A_651 = arith.mulf %mul3A_650, %broadcast_in_dim3A_649 : vector<1x1024xf32>
    %add3A_652 = arith.addf %add3A_598, %mul3A_651 : vector<1x1024xf32>
    %sub3A_653 = arith.subi %convert_element_type3A_633, %add3A_31 : vector<256x1xi32>
    %jit3A_654 = arith.constant -32 : i32
    %jit3A_655 = arith.constant 32 : i32
    %max3A_656 = vector.broadcast %jit3A_654 : i32 to vector<256x1xi32>
    %max3A_657 = arith.maxsi %max3A_656, %sub3A_653 : vector<256x1xi32>
    %min3A_658 = vector.broadcast %jit3A_655 : i32 to vector<256x1xi32>
    %min3A_659 = arith.minsi %min3A_658, %max3A_657 : vector<256x1xi32>
    %add3A_660 = arith.constant 32 : i32
    %add3A_661 = vector.broadcast %add3A_660 : i32 to vector<256x1xi32>
    %add3A_662 = arith.addi %min3A_659, %add3A_661 : vector<256x1xi32>
    %mul3A_663 = arith.constant 1024 : i32
    %mul3A_664 = arith.muli %arg0, %mul3A_663 : i32
    %add3A_665 = vector.broadcast %mul3A_664 : i32 to vector<256x1xi32>
    %add3A_666 = arith.addi %convert_element_type3A_633, %add3A_665 : vector<256x1xi32>
    %swap3A_667 = arith.constant 0 : index
    %swap3A_668 = arith.constant 0 : index
    %swap3A_669 = arith.constant 11 : index
    %swap3A_670 = vector.load %arg11[%swap3A_667, %swap3A_668, %swap3A_669] : memref<1x256x20xi32, #tpu.memory_space<vmem>>, vector<1x256x1xi32>
    %swap3A_671 = vector.shape_cast %swap3A_670 : vector<1x256x1xi32> to vector<256x1xi32>
    %swap3A_672 = vector.shape_cast %add3A_666 : vector<256x1xi32> to vector<1x256x1xi32>
    tpu.vector_store %arg11[%swap3A_667, %swap3A_668, %swap3A_669], %swap3A_672 {strides = array<i32>} : memref<1x256x20xi32, #tpu.memory_space<vmem>>, vector<1x256x1xi32>,
    %get3A_673 = arith.constant 0 : index
    %get3A_674 = arith.constant 0 : index
    %get3A_675 = vector.load %arg16[%get3A_673, %get3A_674] : memref<256x1024xf32, #tpu.memory_space<vmem>>, vector<256x1024xf32>
    %reduce_min3A_676 = arith.constant dense<0x7F800000> : vector<256xf32>
    %reduce_min3A_677 = vector.multi_reduction <minimumf>, %get3A_675, %reduce_min3A_676 [1] : vector<256x1024xf32> to vector<256xf32>
    %broadcast_in_dim3A_678 = vector.shape_cast %reduce_min3A_677 : vector<256xf32> to vector<256x1xf32>
    %le3A_679 = vector.broadcast %broadcast_in_dim3A_678 : vector<256x1xf32> to vector<256x1024xf32>
    %le3A_680 = arith.cmpf ole, %get3A_675, %le3A_679 : vector<256x1024xf32>
    %jit3A_681 = arith.constant 1.07374182E+9 : f32
    %broadcast_in_dim3A_682 = vector.broadcast %jit3A_681 : f32 to vector<256x1024xf32>
    %select_n3A_683 = arith.select %le3A_680, %convert_element_type3A, %broadcast_in_dim3A_682 : vector<256x1024xi1>, vector<256x1024xf32>
    %reduce_min3A_684 = arith.constant dense<0x7F800000> : vector<256xf32>
    %reduce_min3A_685 = vector.multi_reduction <minimumf>, %select_n3A_683, %reduce_min3A_684 [1] : vector<256x1024xf32> to vector<256xf32>
    %broadcast_in_dim3A_686 = vector.shape_cast %reduce_min3A_685 : vector<256xf32> to vector<256x1xf32>
    %convert_element_type3A_687 = arith.fptosi %broadcast_in_dim3A_686 : vector<256x1xf32> to vector<256x1xi32>
    %eq3A_688 = vector.broadcast %broadcast_in_dim3A_686 : vector<256x1xf32> to vector<256x1024xf32>
    %eq3A_689 = arith.cmpf oeq, %select_n3A_683, %eq3A_688 : vector<256x1024xf32>
    %jit3A_690 = arith.constant 0x7F800000 : f32
    %broadcast_in_dim3A_691 = vector.broadcast %jit3A_690 : f32 to vector<256x1024xf32>
    %select_n3A_692 = arith.select %eq3A_689, %broadcast_in_dim3A_691, %get3A_675 : vector<256x1024xi1>, vector<256x1024xf32>
    %swap3A_693 = arith.constant 0 : index
    %swap3A_694 = arith.constant 0 : index
    %swap3A_695 = vector.load %arg16[%swap3A_693, %swap3A_694] : memref<256x1024xf32, #tpu.memory_space<vmem>>, vector<256x1024xf32>
    tpu.vector_store %arg16[%swap3A_693, %swap3A_694], %select_n3A_692 {strides = array<i32>} : memref<256x1024xf32, #tpu.memory_space<vmem>>, vector<256x1024xf32>,
    %get3A_696 = arith.constant 0 : index
    %get3A_697 = arith.constant 12 : index
    %get3A_698 = vector.load %arg10[%get3A_696, %get3A_697] : memref<1x20xf32, #tpu.memory_space<vmem>>, vector<1x1xf32>
    %convert_element_type3A_699 = arith.extui %eq3A_689 : vector<256x1024xi1> to vector<256x1024xi32>
    %convert_element_type3A_700 = arith.sitofp %convert_element_type3A_699 : vector<256x1024xi32> to vector<256x1024xf32>
    %reduce_sum3A_701 = arith.constant dense<0.000000e+00> : vector<1024xf32>
    %reduce_sum3A_702 = vector.multi_reduction <add>, %convert_element_type3A_700, %reduce_sum3A_701 [0] : vector<256x1024xf32> to vector<1024xf32>
    %broadcast_in_dim3A_703 = vector.shape_cast %reduce_sum3A_702 : vector<1024xf32> to vector<1x1024xf32>
    %mul3A_704 = vector.broadcast %get3A_698 : vector<1x1xf32> to vector<1x1024xf32>
    %mul3A_705 = arith.mulf %mul3A_704, %broadcast_in_dim3A_703 : vector<1x1024xf32>
    %add3A_706 = arith.addf %add3A_652, %mul3A_705 : vector<1x1024xf32>
    %sub3A_707 = arith.subi %convert_element_type3A_687, %add3A_31 : vector<256x1xi32>
    %jit3A_708 = arith.constant -32 : i32
    %jit3A_709 = arith.constant 32 : i32
    %max3A_710 = vector.broadcast %jit3A_708 : i32 to vector<256x1xi32>
    %max3A_711 = arith.maxsi %max3A_710, %sub3A_707 : vector<256x1xi32>
    %min3A_712 = vector.broadcast %jit3A_709 : i32 to vector<256x1xi32>
    %min3A_713 = arith.minsi %min3A_712, %max3A_711 : vector<256x1xi32>
    %add3A_714 = arith.constant 32 : i32
    %add3A_715 = vector.broadcast %add3A_714 : i32 to vector<256x1xi32>
    %add3A_716 = arith.addi %min3A_713, %add3A_715 : vector<256x1xi32>
    %mul3A_717 = arith.constant 1024 : i32
    %mul3A_718 = arith.muli %arg0, %mul3A_717 : i32
    %add3A_719 = vector.broadcast %mul3A_718 : i32 to vector<256x1xi32>
    %add3A_720 = arith.addi %convert_element_type3A_687, %add3A_719 : vector<256x1xi32>
    %swap3A_721 = arith.constant 0 : index
    %swap3A_722 = arith.constant 0 : index
    %swap3A_723 = arith.constant 12 : index
    %swap3A_724 = vector.load %arg11[%swap3A_721, %swap3A_722, %swap3A_723] : memref<1x256x20xi32, #tpu.memory_space<vmem>>, vector<1x256x1xi32>
    %swap3A_725 = vector.shape_cast %swap3A_724 : vector<1x256x1xi32> to vector<256x1xi32>
    %swap3A_726 = vector.shape_cast %add3A_720 : vector<256x1xi32> to vector<1x256x1xi32>
    tpu.vector_store %arg11[%swap3A_721, %swap3A_722, %swap3A_723], %swap3A_726 {strides = array<i32>} : memref<1x256x20xi32, #tpu.memory_space<vmem>>, vector<1x256x1xi32>,
    %get3A_727 = arith.constant 0 : index
    %get3A_728 = arith.constant 0 : index
    %get3A_729 = vector.load %arg16[%get3A_727, %get3A_728] : memref<256x1024xf32, #tpu.memory_space<vmem>>, vector<256x1024xf32>
    %reduce_min3A_730 = arith.constant dense<0x7F800000> : vector<256xf32>
    %reduce_min3A_731 = vector.multi_reduction <minimumf>, %get3A_729, %reduce_min3A_730 [1] : vector<256x1024xf32> to vector<256xf32>
    %broadcast_in_dim3A_732 = vector.shape_cast %reduce_min3A_731 : vector<256xf32> to vector<256x1xf32>
    %le3A_733 = vector.broadcast %broadcast_in_dim3A_732 : vector<256x1xf32> to vector<256x1024xf32>
    %le3A_734 = arith.cmpf ole, %get3A_729, %le3A_733 : vector<256x1024xf32>
    %jit3A_735 = arith.constant 1.07374182E+9 : f32
    %broadcast_in_dim3A_736 = vector.broadcast %jit3A_735 : f32 to vector<256x1024xf32>
    %select_n3A_737 = arith.select %le3A_734, %convert_element_type3A, %broadcast_in_dim3A_736 : vector<256x1024xi1>, vector<256x1024xf32>
    %reduce_min3A_738 = arith.constant dense<0x7F800000> : vector<256xf32>
    %reduce_min3A_739 = vector.multi_reduction <minimumf>, %select_n3A_737, %reduce_min3A_738 [1] : vector<256x1024xf32> to vector<256xf32>
    %broadcast_in_dim3A_740 = vector.shape_cast %reduce_min3A_739 : vector<256xf32> to vector<256x1xf32>
    %convert_element_type3A_741 = arith.fptosi %broadcast_in_dim3A_740 : vector<256x1xf32> to vector<256x1xi32>
    %eq3A_742 = vector.broadcast %broadcast_in_dim3A_740 : vector<256x1xf32> to vector<256x1024xf32>
    %eq3A_743 = arith.cmpf oeq, %select_n3A_737, %eq3A_742 : vector<256x1024xf32>
    %jit3A_744 = arith.constant 0x7F800000 : f32
    %broadcast_in_dim3A_745 = vector.broadcast %jit3A_744 : f32 to vector<256x1024xf32>
    %select_n3A_746 = arith.select %eq3A_743, %broadcast_in_dim3A_745, %get3A_729 : vector<256x1024xi1>, vector<256x1024xf32>
    %swap3A_747 = arith.constant 0 : index
    %swap3A_748 = arith.constant 0 : index
    %swap3A_749 = vector.load %arg16[%swap3A_747, %swap3A_748] : memref<256x1024xf32, #tpu.memory_space<vmem>>, vector<256x1024xf32>
    tpu.vector_store %arg16[%swap3A_747, %swap3A_748], %select_n3A_746 {strides = array<i32>} : memref<256x1024xf32, #tpu.memory_space<vmem>>, vector<256x1024xf32>,
    %get3A_750 = arith.constant 0 : index
    %get3A_751 = arith.constant 13 : index
    %get3A_752 = vector.load %arg10[%get3A_750, %get3A_751] : memref<1x20xf32, #tpu.memory_space<vmem>>, vector<1x1xf32>
    %convert_element_type3A_753 = arith.extui %eq3A_743 : vector<256x1024xi1> to vector<256x1024xi32>
    %convert_element_type3A_754 = arith.sitofp %convert_element_type3A_753 : vector<256x1024xi32> to vector<256x1024xf32>
    %reduce_sum3A_755 = arith.constant dense<0.000000e+00> : vector<1024xf32>
    %reduce_sum3A_756 = vector.multi_reduction <add>, %convert_element_type3A_754, %reduce_sum3A_755 [0] : vector<256x1024xf32> to vector<1024xf32>
    %broadcast_in_dim3A_757 = vector.shape_cast %reduce_sum3A_756 : vector<1024xf32> to vector<1x1024xf32>
    %mul3A_758 = vector.broadcast %get3A_752 : vector<1x1xf32> to vector<1x1024xf32>
    %mul3A_759 = arith.mulf %mul3A_758, %broadcast_in_dim3A_757 : vector<1x1024xf32>
    %add3A_760 = arith.addf %add3A_706, %mul3A_759 : vector<1x1024xf32>
    %sub3A_761 = arith.subi %convert_element_type3A_741, %add3A_31 : vector<256x1xi32>
    %jit3A_762 = arith.constant -32 : i32
    %jit3A_763 = arith.constant 32 : i32
    %max3A_764 = vector.broadcast %jit3A_762 : i32 to vector<256x1xi32>
    %max3A_765 = arith.maxsi %max3A_764, %sub3A_761 : vector<256x1xi32>
    %min3A_766 = vector.broadcast %jit3A_763 : i32 to vector<256x1xi32>
    %min3A_767 = arith.minsi %min3A_766, %max3A_765 : vector<256x1xi32>
    %add3A_768 = arith.constant 32 : i32
    %add3A_769 = vector.broadcast %add3A_768 : i32 to vector<256x1xi32>
    %add3A_770 = arith.addi %min3A_767, %add3A_769 : vector<256x1xi32>
    %mul3A_771 = arith.constant 1024 : i32
    %mul3A_772 = arith.muli %arg0, %mul3A_771 : i32
    %add3A_773 = vector.broadcast %mul3A_772 : i32 to vector<256x1xi32>
    %add3A_774 = arith.addi %convert_element_type3A_741, %add3A_773 : vector<256x1xi32>
    %swap3A_775 = arith.constant 0 : index
    %swap3A_776 = arith.constant 0 : index
    %swap3A_777 = arith.constant 13 : index
    %swap3A_778 = vector.load %arg11[%swap3A_775, %swap3A_776, %swap3A_777] : memref<1x256x20xi32, #tpu.memory_space<vmem>>, vector<1x256x1xi32>
    %swap3A_779 = vector.shape_cast %swap3A_778 : vector<1x256x1xi32> to vector<256x1xi32>
    %swap3A_780 = vector.shape_cast %add3A_774 : vector<256x1xi32> to vector<1x256x1xi32>
    tpu.vector_store %arg11[%swap3A_775, %swap3A_776, %swap3A_777], %swap3A_780 {strides = array<i32>} : memref<1x256x20xi32, #tpu.memory_space<vmem>>, vector<1x256x1xi32>,
    %get3A_781 = arith.constant 0 : index
    %get3A_782 = arith.constant 0 : index
    %get3A_783 = vector.load %arg16[%get3A_781, %get3A_782] : memref<256x1024xf32, #tpu.memory_space<vmem>>, vector<256x1024xf32>
    %reduce_min3A_784 = arith.constant dense<0x7F800000> : vector<256xf32>
    %reduce_min3A_785 = vector.multi_reduction <minimumf>, %get3A_783, %reduce_min3A_784 [1] : vector<256x1024xf32> to vector<256xf32>
    %broadcast_in_dim3A_786 = vector.shape_cast %reduce_min3A_785 : vector<256xf32> to vector<256x1xf32>
    %le3A_787 = vector.broadcast %broadcast_in_dim3A_786 : vector<256x1xf32> to vector<256x1024xf32>
    %le3A_788 = arith.cmpf ole, %get3A_783, %le3A_787 : vector<256x1024xf32>
    %jit3A_789 = arith.constant 1.07374182E+9 : f32
    %broadcast_in_dim3A_790 = vector.broadcast %jit3A_789 : f32 to vector<256x1024xf32>
    %select_n3A_791 = arith.select %le3A_788, %convert_element_type3A, %broadcast_in_dim3A_790 : vector<256x1024xi1>, vector<256x1024xf32>
    %reduce_min3A_792 = arith.constant dense<0x7F800000> : vector<256xf32>
    %reduce_min3A_793 = vector.multi_reduction <minimumf>, %select_n3A_791, %reduce_min3A_792 [1] : vector<256x1024xf32> to vector<256xf32>
    %broadcast_in_dim3A_794 = vector.shape_cast %reduce_min3A_793 : vector<256xf32> to vector<256x1xf32>
    %convert_element_type3A_795 = arith.fptosi %broadcast_in_dim3A_794 : vector<256x1xf32> to vector<256x1xi32>
    %eq3A_796 = vector.broadcast %broadcast_in_dim3A_794 : vector<256x1xf32> to vector<256x1024xf32>
    %eq3A_797 = arith.cmpf oeq, %select_n3A_791, %eq3A_796 : vector<256x1024xf32>
    %jit3A_798 = arith.constant 0x7F800000 : f32
    %broadcast_in_dim3A_799 = vector.broadcast %jit3A_798 : f32 to vector<256x1024xf32>
    %select_n3A_800 = arith.select %eq3A_797, %broadcast_in_dim3A_799, %get3A_783 : vector<256x1024xi1>, vector<256x1024xf32>
    %swap3A_801 = arith.constant 0 : index
    %swap3A_802 = arith.constant 0 : index
    %swap3A_803 = vector.load %arg16[%swap3A_801, %swap3A_802] : memref<256x1024xf32, #tpu.memory_space<vmem>>, vector<256x1024xf32>
    tpu.vector_store %arg16[%swap3A_801, %swap3A_802], %select_n3A_800 {strides = array<i32>} : memref<256x1024xf32, #tpu.memory_space<vmem>>, vector<256x1024xf32>,
    %get3A_804 = arith.constant 0 : index
    %get3A_805 = arith.constant 14 : index
    %get3A_806 = vector.load %arg10[%get3A_804, %get3A_805] : memref<1x20xf32, #tpu.memory_space<vmem>>, vector<1x1xf32>
    %convert_element_type3A_807 = arith.extui %eq3A_797 : vector<256x1024xi1> to vector<256x1024xi32>
    %convert_element_type3A_808 = arith.sitofp %convert_element_type3A_807 : vector<256x1024xi32> to vector<256x1024xf32>
    %reduce_sum3A_809 = arith.constant dense<0.000000e+00> : vector<1024xf32>
    %reduce_sum3A_810 = vector.multi_reduction <add>, %convert_element_type3A_808, %reduce_sum3A_809 [0] : vector<256x1024xf32> to vector<1024xf32>
    %broadcast_in_dim3A_811 = vector.shape_cast %reduce_sum3A_810 : vector<1024xf32> to vector<1x1024xf32>
    %mul3A_812 = vector.broadcast %get3A_806 : vector<1x1xf32> to vector<1x1024xf32>
    %mul3A_813 = arith.mulf %mul3A_812, %broadcast_in_dim3A_811 : vector<1x1024xf32>
    %add3A_814 = arith.addf %add3A_760, %mul3A_813 : vector<1x1024xf32>
    %sub3A_815 = arith.subi %convert_element_type3A_795, %add3A_31 : vector<256x1xi32>
    %jit3A_816 = arith.constant -32 : i32
    %jit3A_817 = arith.constant 32 : i32
    %max3A_818 = vector.broadcast %jit3A_816 : i32 to vector<256x1xi32>
    %max3A_819 = arith.maxsi %max3A_818, %sub3A_815 : vector<256x1xi32>
    %min3A_820 = vector.broadcast %jit3A_817 : i32 to vector<256x1xi32>
    %min3A_821 = arith.minsi %min3A_820, %max3A_819 : vector<256x1xi32>
    %add3A_822 = arith.constant 32 : i32
    %add3A_823 = vector.broadcast %add3A_822 : i32 to vector<256x1xi32>
    %add3A_824 = arith.addi %min3A_821, %add3A_823 : vector<256x1xi32>
    %mul3A_825 = arith.constant 1024 : i32
    %mul3A_826 = arith.muli %arg0, %mul3A_825 : i32
    %add3A_827 = vector.broadcast %mul3A_826 : i32 to vector<256x1xi32>
    %add3A_828 = arith.addi %convert_element_type3A_795, %add3A_827 : vector<256x1xi32>
    %swap3A_829 = arith.constant 0 : index
    %swap3A_830 = arith.constant 0 : index
    %swap3A_831 = arith.constant 14 : index
    %swap3A_832 = vector.load %arg11[%swap3A_829, %swap3A_830, %swap3A_831] : memref<1x256x20xi32, #tpu.memory_space<vmem>>, vector<1x256x1xi32>
    %swap3A_833 = vector.shape_cast %swap3A_832 : vector<1x256x1xi32> to vector<256x1xi32>
    %swap3A_834 = vector.shape_cast %add3A_828 : vector<256x1xi32> to vector<1x256x1xi32>
    tpu.vector_store %arg11[%swap3A_829, %swap3A_830, %swap3A_831], %swap3A_834 {strides = array<i32>} : memref<1x256x20xi32, #tpu.memory_space<vmem>>, vector<1x256x1xi32>,
    %get3A_835 = arith.constant 0 : index
    %get3A_836 = arith.constant 0 : index
    %get3A_837 = vector.load %arg16[%get3A_835, %get3A_836] : memref<256x1024xf32, #tpu.memory_space<vmem>>, vector<256x1024xf32>
    %reduce_min3A_838 = arith.constant dense<0x7F800000> : vector<256xf32>
    %reduce_min3A_839 = vector.multi_reduction <minimumf>, %get3A_837, %reduce_min3A_838 [1] : vector<256x1024xf32> to vector<256xf32>
    %broadcast_in_dim3A_840 = vector.shape_cast %reduce_min3A_839 : vector<256xf32> to vector<256x1xf32>
    %le3A_841 = vector.broadcast %broadcast_in_dim3A_840 : vector<256x1xf32> to vector<256x1024xf32>
    %le3A_842 = arith.cmpf ole, %get3A_837, %le3A_841 : vector<256x1024xf32>
    %jit3A_843 = arith.constant 1.07374182E+9 : f32
    %broadcast_in_dim3A_844 = vector.broadcast %jit3A_843 : f32 to vector<256x1024xf32>
    %select_n3A_845 = arith.select %le3A_842, %convert_element_type3A, %broadcast_in_dim3A_844 : vector<256x1024xi1>, vector<256x1024xf32>
    %reduce_min3A_846 = arith.constant dense<0x7F800000> : vector<256xf32>
    %reduce_min3A_847 = vector.multi_reduction <minimumf>, %select_n3A_845, %reduce_min3A_846 [1] : vector<256x1024xf32> to vector<256xf32>
    %broadcast_in_dim3A_848 = vector.shape_cast %reduce_min3A_847 : vector<256xf32> to vector<256x1xf32>
    %convert_element_type3A_849 = arith.fptosi %broadcast_in_dim3A_848 : vector<256x1xf32> to vector<256x1xi32>
    %eq3A_850 = vector.broadcast %broadcast_in_dim3A_848 : vector<256x1xf32> to vector<256x1024xf32>
    %eq3A_851 = arith.cmpf oeq, %select_n3A_845, %eq3A_850 : vector<256x1024xf32>
    %jit3A_852 = arith.constant 0x7F800000 : f32
    %broadcast_in_dim3A_853 = vector.broadcast %jit3A_852 : f32 to vector<256x1024xf32>
    %select_n3A_854 = arith.select %eq3A_851, %broadcast_in_dim3A_853, %get3A_837 : vector<256x1024xi1>, vector<256x1024xf32>
    %swap3A_855 = arith.constant 0 : index
    %swap3A_856 = arith.constant 0 : index
    %swap3A_857 = vector.load %arg16[%swap3A_855, %swap3A_856] : memref<256x1024xf32, #tpu.memory_space<vmem>>, vector<256x1024xf32>
    tpu.vector_store %arg16[%swap3A_855, %swap3A_856], %select_n3A_854 {strides = array<i32>} : memref<256x1024xf32, #tpu.memory_space<vmem>>, vector<256x1024xf32>,
    %get3A_858 = arith.constant 0 : index
    %get3A_859 = arith.constant 15 : index
    %get3A_860 = vector.load %arg10[%get3A_858, %get3A_859] : memref<1x20xf32, #tpu.memory_space<vmem>>, vector<1x1xf32>
    %convert_element_type3A_861 = arith.extui %eq3A_851 : vector<256x1024xi1> to vector<256x1024xi32>
    %convert_element_type3A_862 = arith.sitofp %convert_element_type3A_861 : vector<256x1024xi32> to vector<256x1024xf32>
    %reduce_sum3A_863 = arith.constant dense<0.000000e+00> : vector<1024xf32>
    %reduce_sum3A_864 = vector.multi_reduction <add>, %convert_element_type3A_862, %reduce_sum3A_863 [0] : vector<256x1024xf32> to vector<1024xf32>
    %broadcast_in_dim3A_865 = vector.shape_cast %reduce_sum3A_864 : vector<1024xf32> to vector<1x1024xf32>
    %mul3A_866 = vector.broadcast %get3A_860 : vector<1x1xf32> to vector<1x1024xf32>
    %mul3A_867 = arith.mulf %mul3A_866, %broadcast_in_dim3A_865 : vector<1x1024xf32>
    %add3A_868 = arith.addf %add3A_814, %mul3A_867 : vector<1x1024xf32>
    %sub3A_869 = arith.subi %convert_element_type3A_849, %add3A_31 : vector<256x1xi32>
    %jit3A_870 = arith.constant -32 : i32
    %jit3A_871 = arith.constant 32 : i32
    %max3A_872 = vector.broadcast %jit3A_870 : i32 to vector<256x1xi32>
    %max3A_873 = arith.maxsi %max3A_872, %sub3A_869 : vector<256x1xi32>
    %min3A_874 = vector.broadcast %jit3A_871 : i32 to vector<256x1xi32>
    %min3A_875 = arith.minsi %min3A_874, %max3A_873 : vector<256x1xi32>
    %add3A_876 = arith.constant 32 : i32
    %add3A_877 = vector.broadcast %add3A_876 : i32 to vector<256x1xi32>
    %add3A_878 = arith.addi %min3A_875, %add3A_877 : vector<256x1xi32>
    %mul3A_879 = arith.constant 1024 : i32
    %mul3A_880 = arith.muli %arg0, %mul3A_879 : i32
    %add3A_881 = vector.broadcast %mul3A_880 : i32 to vector<256x1xi32>
    %add3A_882 = arith.addi %convert_element_type3A_849, %add3A_881 : vector<256x1xi32>
    %swap3A_883 = arith.constant 0 : index
    %swap3A_884 = arith.constant 0 : index
    %swap3A_885 = arith.constant 15 : index
    %swap3A_886 = vector.load %arg11[%swap3A_883, %swap3A_884, %swap3A_885] : memref<1x256x20xi32, #tpu.memory_space<vmem>>, vector<1x256x1xi32>
    %swap3A_887 = vector.shape_cast %swap3A_886 : vector<1x256x1xi32> to vector<256x1xi32>
    %swap3A_888 = vector.shape_cast %add3A_882 : vector<256x1xi32> to vector<1x256x1xi32>
    tpu.vector_store %arg11[%swap3A_883, %swap3A_884, %swap3A_885], %swap3A_888 {strides = array<i32>} : memref<1x256x20xi32, #tpu.memory_space<vmem>>, vector<1x256x1xi32>,
    %get3A_889 = arith.constant 0 : index
    %get3A_890 = arith.constant 0 : index
    %get3A_891 = vector.load %arg16[%get3A_889, %get3A_890] : memref<256x1024xf32, #tpu.memory_space<vmem>>, vector<256x1024xf32>
    %reduce_min3A_892 = arith.constant dense<0x7F800000> : vector<256xf32>
    %reduce_min3A_893 = vector.multi_reduction <minimumf>, %get3A_891, %reduce_min3A_892 [1] : vector<256x1024xf32> to vector<256xf32>
    %broadcast_in_dim3A_894 = vector.shape_cast %reduce_min3A_893 : vector<256xf32> to vector<256x1xf32>
    %le3A_895 = vector.broadcast %broadcast_in_dim3A_894 : vector<256x1xf32> to vector<256x1024xf32>
    %le3A_896 = arith.cmpf ole, %get3A_891, %le3A_895 : vector<256x1024xf32>
    %jit3A_897 = arith.constant 1.07374182E+9 : f32
    %broadcast_in_dim3A_898 = vector.broadcast %jit3A_897 : f32 to vector<256x1024xf32>
    %select_n3A_899 = arith.select %le3A_896, %convert_element_type3A, %broadcast_in_dim3A_898 : vector<256x1024xi1>, vector<256x1024xf32>
    %reduce_min3A_900 = arith.constant dense<0x7F800000> : vector<256xf32>
    %reduce_min3A_901 = vector.multi_reduction <minimumf>, %select_n3A_899, %reduce_min3A_900 [1] : vector<256x1024xf32> to vector<256xf32>
    %broadcast_in_dim3A_902 = vector.shape_cast %reduce_min3A_901 : vector<256xf32> to vector<256x1xf32>
    %convert_element_type3A_903 = arith.fptosi %broadcast_in_dim3A_902 : vector<256x1xf32> to vector<256x1xi32>
    %eq3A_904 = vector.broadcast %broadcast_in_dim3A_902 : vector<256x1xf32> to vector<256x1024xf32>
    %eq3A_905 = arith.cmpf oeq, %select_n3A_899, %eq3A_904 : vector<256x1024xf32>
    %jit3A_906 = arith.constant 0x7F800000 : f32
    %broadcast_in_dim3A_907 = vector.broadcast %jit3A_906 : f32 to vector<256x1024xf32>
    %select_n3A_908 = arith.select %eq3A_905, %broadcast_in_dim3A_907, %get3A_891 : vector<256x1024xi1>, vector<256x1024xf32>
    %swap3A_909 = arith.constant 0 : index
    %swap3A_910 = arith.constant 0 : index
    %swap3A_911 = vector.load %arg16[%swap3A_909, %swap3A_910] : memref<256x1024xf32, #tpu.memory_space<vmem>>, vector<256x1024xf32>
    tpu.vector_store %arg16[%swap3A_909, %swap3A_910], %select_n3A_908 {strides = array<i32>} : memref<256x1024xf32, #tpu.memory_space<vmem>>, vector<256x1024xf32>,
    %get3A_912 = arith.constant 0 : index
    %get3A_913 = arith.constant 16 : index
    %get3A_914 = vector.load %arg10[%get3A_912, %get3A_913] : memref<1x20xf32, #tpu.memory_space<vmem>>, vector<1x1xf32>
    %convert_element_type3A_915 = arith.extui %eq3A_905 : vector<256x1024xi1> to vector<256x1024xi32>
    %convert_element_type3A_916 = arith.sitofp %convert_element_type3A_915 : vector<256x1024xi32> to vector<256x1024xf32>
    %reduce_sum3A_917 = arith.constant dense<0.000000e+00> : vector<1024xf32>
    %reduce_sum3A_918 = vector.multi_reduction <add>, %convert_element_type3A_916, %reduce_sum3A_917 [0] : vector<256x1024xf32> to vector<1024xf32>
    %broadcast_in_dim3A_919 = vector.shape_cast %reduce_sum3A_918 : vector<1024xf32> to vector<1x1024xf32>
    %mul3A_920 = vector.broadcast %get3A_914 : vector<1x1xf32> to vector<1x1024xf32>
    %mul3A_921 = arith.mulf %mul3A_920, %broadcast_in_dim3A_919 : vector<1x1024xf32>
    %add3A_922 = arith.addf %add3A_868, %mul3A_921 : vector<1x1024xf32>
    %sub3A_923 = arith.subi %convert_element_type3A_903, %add3A_31 : vector<256x1xi32>
    %jit3A_924 = arith.constant -32 : i32
    %jit3A_925 = arith.constant 32 : i32
    %max3A_926 = vector.broadcast %jit3A_924 : i32 to vector<256x1xi32>
    %max3A_927 = arith.maxsi %max3A_926, %sub3A_923 : vector<256x1xi32>
    %min3A_928 = vector.broadcast %jit3A_925 : i32 to vector<256x1xi32>
    %min3A_929 = arith.minsi %min3A_928, %max3A_927 : vector<256x1xi32>
    %add3A_930 = arith.constant 32 : i32
    %add3A_931 = vector.broadcast %add3A_930 : i32 to vector<256x1xi32>
    %add3A_932 = arith.addi %min3A_929, %add3A_931 : vector<256x1xi32>
    %mul3A_933 = arith.constant 1024 : i32
    %mul3A_934 = arith.muli %arg0, %mul3A_933 : i32
    %add3A_935 = vector.broadcast %mul3A_934 : i32 to vector<256x1xi32>
    %add3A_936 = arith.addi %convert_element_type3A_903, %add3A_935 : vector<256x1xi32>
    %swap3A_937 = arith.constant 0 : index
    %swap3A_938 = arith.constant 0 : index
    %swap3A_939 = arith.constant 16 : index
    %swap3A_940 = vector.load %arg11[%swap3A_937, %swap3A_938, %swap3A_939] : memref<1x256x20xi32, #tpu.memory_space<vmem>>, vector<1x256x1xi32>
    %swap3A_941 = vector.shape_cast %swap3A_940 : vector<1x256x1xi32> to vector<256x1xi32>
    %swap3A_942 = vector.shape_cast %add3A_936 : vector<256x1xi32> to vector<1x256x1xi32>
    tpu.vector_store %arg11[%swap3A_937, %swap3A_938, %swap3A_939], %swap3A_942 {strides = array<i32>} : memref<1x256x20xi32, #tpu.memory_space<vmem>>, vector<1x256x1xi32>,
    %get3A_943 = arith.constant 0 : index
    %get3A_944 = arith.constant 0 : index
    %get3A_945 = vector.load %arg16[%get3A_943, %get3A_944] : memref<256x1024xf32, #tpu.memory_space<vmem>>, vector<256x1024xf32>
    %reduce_min3A_946 = arith.constant dense<0x7F800000> : vector<256xf32>
    %reduce_min3A_947 = vector.multi_reduction <minimumf>, %get3A_945, %reduce_min3A_946 [1] : vector<256x1024xf32> to vector<256xf32>
    %broadcast_in_dim3A_948 = vector.shape_cast %reduce_min3A_947 : vector<256xf32> to vector<256x1xf32>
    %le3A_949 = vector.broadcast %broadcast_in_dim3A_948 : vector<256x1xf32> to vector<256x1024xf32>
    %le3A_950 = arith.cmpf ole, %get3A_945, %le3A_949 : vector<256x1024xf32>
    %jit3A_951 = arith.constant 1.07374182E+9 : f32
    %broadcast_in_dim3A_952 = vector.broadcast %jit3A_951 : f32 to vector<256x1024xf32>
    %select_n3A_953 = arith.select %le3A_950, %convert_element_type3A, %broadcast_in_dim3A_952 : vector<256x1024xi1>, vector<256x1024xf32>
    %reduce_min3A_954 = arith.constant dense<0x7F800000> : vector<256xf32>
    %reduce_min3A_955 = vector.multi_reduction <minimumf>, %select_n3A_953, %reduce_min3A_954 [1] : vector<256x1024xf32> to vector<256xf32>
    %broadcast_in_dim3A_956 = vector.shape_cast %reduce_min3A_955 : vector<256xf32> to vector<256x1xf32>
    %convert_element_type3A_957 = arith.fptosi %broadcast_in_dim3A_956 : vector<256x1xf32> to vector<256x1xi32>
    %eq3A_958 = vector.broadcast %broadcast_in_dim3A_956 : vector<256x1xf32> to vector<256x1024xf32>
    %eq3A_959 = arith.cmpf oeq, %select_n3A_953, %eq3A_958 : vector<256x1024xf32>
    %jit3A_960 = arith.constant 0x7F800000 : f32
    %broadcast_in_dim3A_961 = vector.broadcast %jit3A_960 : f32 to vector<256x1024xf32>
    %select_n3A_962 = arith.select %eq3A_959, %broadcast_in_dim3A_961, %get3A_945 : vector<256x1024xi1>, vector<256x1024xf32>
    %swap3A_963 = arith.constant 0 : index
    %swap3A_964 = arith.constant 0 : index
    %swap3A_965 = vector.load %arg16[%swap3A_963, %swap3A_964] : memref<256x1024xf32, #tpu.memory_space<vmem>>, vector<256x1024xf32>
    tpu.vector_store %arg16[%swap3A_963, %swap3A_964], %select_n3A_962 {strides = array<i32>} : memref<256x1024xf32, #tpu.memory_space<vmem>>, vector<256x1024xf32>,
    %get3A_966 = arith.constant 0 : index
    %get3A_967 = arith.constant 17 : index
    %get3A_968 = vector.load %arg10[%get3A_966, %get3A_967] : memref<1x20xf32, #tpu.memory_space<vmem>>, vector<1x1xf32>
    %convert_element_type3A_969 = arith.extui %eq3A_959 : vector<256x1024xi1> to vector<256x1024xi32>
    %convert_element_type3A_970 = arith.sitofp %convert_element_type3A_969 : vector<256x1024xi32> to vector<256x1024xf32>
    %reduce_sum3A_971 = arith.constant dense<0.000000e+00> : vector<1024xf32>
    %reduce_sum3A_972 = vector.multi_reduction <add>, %convert_element_type3A_970, %reduce_sum3A_971 [0] : vector<256x1024xf32> to vector<1024xf32>
    %broadcast_in_dim3A_973 = vector.shape_cast %reduce_sum3A_972 : vector<1024xf32> to vector<1x1024xf32>
    %mul3A_974 = vector.broadcast %get3A_968 : vector<1x1xf32> to vector<1x1024xf32>
    %mul3A_975 = arith.mulf %mul3A_974, %broadcast_in_dim3A_973 : vector<1x1024xf32>
    %add3A_976 = arith.addf %add3A_922, %mul3A_975 : vector<1x1024xf32>
    %sub3A_977 = arith.subi %convert_element_type3A_957, %add3A_31 : vector<256x1xi32>
    %jit3A_978 = arith.constant -32 : i32
    %jit3A_979 = arith.constant 32 : i32
    %max3A_980 = vector.broadcast %jit3A_978 : i32 to vector<256x1xi32>
    %max3A_981 = arith.maxsi %max3A_980, %sub3A_977 : vector<256x1xi32>
    %min3A_982 = vector.broadcast %jit3A_979 : i32 to vector<256x1xi32>
    %min3A_983 = arith.minsi %min3A_982, %max3A_981 : vector<256x1xi32>
    %add3A_984 = arith.constant 32 : i32
    %add3A_985 = vector.broadcast %add3A_984 : i32 to vector<256x1xi32>
    %add3A_986 = arith.addi %min3A_983, %add3A_985 : vector<256x1xi32>
    %mul3A_987 = arith.constant 1024 : i32
    %mul3A_988 = arith.muli %arg0, %mul3A_987 : i32
    %add3A_989 = vector.broadcast %mul3A_988 : i32 to vector<256x1xi32>
    %add3A_990 = arith.addi %convert_element_type3A_957, %add3A_989 : vector<256x1xi32>
    %swap3A_991 = arith.constant 0 : index
    %swap3A_992 = arith.constant 0 : index
    %swap3A_993 = arith.constant 17 : index
    %swap3A_994 = vector.load %arg11[%swap3A_991, %swap3A_992, %swap3A_993] : memref<1x256x20xi32, #tpu.memory_space<vmem>>, vector<1x256x1xi32>
    %swap3A_995 = vector.shape_cast %swap3A_994 : vector<1x256x1xi32> to vector<256x1xi32>
    %swap3A_996 = vector.shape_cast %add3A_990 : vector<256x1xi32> to vector<1x256x1xi32>
    tpu.vector_store %arg11[%swap3A_991, %swap3A_992, %swap3A_993], %swap3A_996 {strides = array<i32>} : memref<1x256x20xi32, #tpu.memory_space<vmem>>, vector<1x256x1xi32>,
    %get3A_997 = arith.constant 0 : index
    %get3A_998 = arith.constant 0 : index
    %get3A_999 = vector.load %arg16[%get3A_997, %get3A_998] : memref<256x1024xf32, #tpu.memory_space<vmem>>, vector<256x1024xf32>
    %reduce_min3A_1000 = arith.constant dense<0x7F800000> : vector<256xf32>
    %reduce_min3A_1001 = vector.multi_reduction <minimumf>, %get3A_999, %reduce_min3A_1000 [1] : vector<256x1024xf32> to vector<256xf32>
    %broadcast_in_dim3A_1002 = vector.shape_cast %reduce_min3A_1001 : vector<256xf32> to vector<256x1xf32>
    %le3A_1003 = vector.broadcast %broadcast_in_dim3A_1002 : vector<256x1xf32> to vector<256x1024xf32>
    %le3A_1004 = arith.cmpf ole, %get3A_999, %le3A_1003 : vector<256x1024xf32>
    %jit3A_1005 = arith.constant 1.07374182E+9 : f32
    %broadcast_in_dim3A_1006 = vector.broadcast %jit3A_1005 : f32 to vector<256x1024xf32>
    %select_n3A_1007 = arith.select %le3A_1004, %convert_element_type3A, %broadcast_in_dim3A_1006 : vector<256x1024xi1>, vector<256x1024xf32>
    %reduce_min3A_1008 = arith.constant dense<0x7F800000> : vector<256xf32>
    %reduce_min3A_1009 = vector.multi_reduction <minimumf>, %select_n3A_1007, %reduce_min3A_1008 [1] : vector<256x1024xf32> to vector<256xf32>
    %broadcast_in_dim3A_1010 = vector.shape_cast %reduce_min3A_1009 : vector<256xf32> to vector<256x1xf32>
    %convert_element_type3A_1011 = arith.fptosi %broadcast_in_dim3A_1010 : vector<256x1xf32> to vector<256x1xi32>
    %eq3A_1012 = vector.broadcast %broadcast_in_dim3A_1010 : vector<256x1xf32> to vector<256x1024xf32>
    %eq3A_1013 = arith.cmpf oeq, %select_n3A_1007, %eq3A_1012 : vector<256x1024xf32>
    %jit3A_1014 = arith.constant 0x7F800000 : f32
    %broadcast_in_dim3A_1015 = vector.broadcast %jit3A_1014 : f32 to vector<256x1024xf32>
    %select_n3A_1016 = arith.select %eq3A_1013, %broadcast_in_dim3A_1015, %get3A_999 : vector<256x1024xi1>, vector<256x1024xf32>
    %swap3A_1017 = arith.constant 0 : index
    %swap3A_1018 = arith.constant 0 : index
    %swap3A_1019 = vector.load %arg16[%swap3A_1017, %swap3A_1018] : memref<256x1024xf32, #tpu.memory_space<vmem>>, vector<256x1024xf32>
    tpu.vector_store %arg16[%swap3A_1017, %swap3A_1018], %select_n3A_1016 {strides = array<i32>} : memref<256x1024xf32, #tpu.memory_space<vmem>>, vector<256x1024xf32>,
    %get3A_1020 = arith.constant 0 : index
    %get3A_1021 = arith.constant 18 : index
    %get3A_1022 = vector.load %arg10[%get3A_1020, %get3A_1021] : memref<1x20xf32, #tpu.memory_space<vmem>>, vector<1x1xf32>
    %convert_element_type3A_1023 = arith.extui %eq3A_1013 : vector<256x1024xi1> to vector<256x1024xi32>
    %convert_element_type3A_1024 = arith.sitofp %convert_element_type3A_1023 : vector<256x1024xi32> to vector<256x1024xf32>
    %reduce_sum3A_1025 = arith.constant dense<0.000000e+00> : vector<1024xf32>
    %reduce_sum3A_1026 = vector.multi_reduction <add>, %convert_element_type3A_1024, %reduce_sum3A_1025 [0] : vector<256x1024xf32> to vector<1024xf32>
    %broadcast_in_dim3A_1027 = vector.shape_cast %reduce_sum3A_1026 : vector<1024xf32> to vector<1x1024xf32>
    %mul3A_1028 = vector.broadcast %get3A_1022 : vector<1x1xf32> to vector<1x1024xf32>
    %mul3A_1029 = arith.mulf %mul3A_1028, %broadcast_in_dim3A_1027 : vector<1x1024xf32>
    %add3A_1030 = arith.addf %add3A_976, %mul3A_1029 : vector<1x1024xf32>
    %sub3A_1031 = arith.subi %convert_element_type3A_1011, %add3A_31 : vector<256x1xi32>
    %jit3A_1032 = arith.constant -32 : i32
    %jit3A_1033 = arith.constant 32 : i32
    %max3A_1034 = vector.broadcast %jit3A_1032 : i32 to vector<256x1xi32>
    %max3A_1035 = arith.maxsi %max3A_1034, %sub3A_1031 : vector<256x1xi32>
    %min3A_1036 = vector.broadcast %jit3A_1033 : i32 to vector<256x1xi32>
    %min3A_1037 = arith.minsi %min3A_1036, %max3A_1035 : vector<256x1xi32>
    %add3A_1038 = arith.constant 32 : i32
    %add3A_1039 = vector.broadcast %add3A_1038 : i32 to vector<256x1xi32>
    %add3A_1040 = arith.addi %min3A_1037, %add3A_1039 : vector<256x1xi32>
    %mul3A_1041 = arith.constant 1024 : i32
    %mul3A_1042 = arith.muli %arg0, %mul3A_1041 : i32
    %add3A_1043 = vector.broadcast %mul3A_1042 : i32 to vector<256x1xi32>
    %add3A_1044 = arith.addi %convert_element_type3A_1011, %add3A_1043 : vector<256x1xi32>
    %swap3A_1045 = arith.constant 0 : index
    %swap3A_1046 = arith.constant 0 : index
    %swap3A_1047 = arith.constant 18 : index
    %swap3A_1048 = vector.load %arg11[%swap3A_1045, %swap3A_1046, %swap3A_1047] : memref<1x256x20xi32, #tpu.memory_space<vmem>>, vector<1x256x1xi32>
    %swap3A_1049 = vector.shape_cast %swap3A_1048 : vector<1x256x1xi32> to vector<256x1xi32>
    %swap3A_1050 = vector.shape_cast %add3A_1044 : vector<256x1xi32> to vector<1x256x1xi32>
    tpu.vector_store %arg11[%swap3A_1045, %swap3A_1046, %swap3A_1047], %swap3A_1050 {strides = array<i32>} : memref<1x256x20xi32, #tpu.memory_space<vmem>>, vector<1x256x1xi32>,
    %get3A_1051 = arith.constant 0 : index
    %get3A_1052 = arith.constant 0 : index
    %get3A_1053 = vector.load %arg16[%get3A_1051, %get3A_1052] : memref<256x1024xf32, #tpu.memory_space<vmem>>, vector<256x1024xf32>
    %reduce_min3A_1054 = arith.constant dense<0x7F800000> : vector<256xf32>
    %reduce_min3A_1055 = vector.multi_reduction <minimumf>, %get3A_1053, %reduce_min3A_1054 [1] : vector<256x1024xf32> to vector<256xf32>
    %broadcast_in_dim3A_1056 = vector.shape_cast %reduce_min3A_1055 : vector<256xf32> to vector<256x1xf32>
    %le3A_1057 = vector.broadcast %broadcast_in_dim3A_1056 : vector<256x1xf32> to vector<256x1024xf32>
    %le3A_1058 = arith.cmpf ole, %get3A_1053, %le3A_1057 : vector<256x1024xf32>
    %jit3A_1059 = arith.constant 1.07374182E+9 : f32
    %broadcast_in_dim3A_1060 = vector.broadcast %jit3A_1059 : f32 to vector<256x1024xf32>
    %select_n3A_1061 = arith.select %le3A_1058, %convert_element_type3A, %broadcast_in_dim3A_1060 : vector<256x1024xi1>, vector<256x1024xf32>
    %reduce_min3A_1062 = arith.constant dense<0x7F800000> : vector<256xf32>
    %reduce_min3A_1063 = vector.multi_reduction <minimumf>, %select_n3A_1061, %reduce_min3A_1062 [1] : vector<256x1024xf32> to vector<256xf32>
    %broadcast_in_dim3A_1064 = vector.shape_cast %reduce_min3A_1063 : vector<256xf32> to vector<256x1xf32>
    %convert_element_type3A_1065 = arith.fptosi %broadcast_in_dim3A_1064 : vector<256x1xf32> to vector<256x1xi32>
    %eq3A_1066 = vector.broadcast %broadcast_in_dim3A_1064 : vector<256x1xf32> to vector<256x1024xf32>
    %eq3A_1067 = arith.cmpf oeq, %select_n3A_1061, %eq3A_1066 : vector<256x1024xf32>
    %jit3A_1068 = arith.constant 0x7F800000 : f32
    %broadcast_in_dim3A_1069 = vector.broadcast %jit3A_1068 : f32 to vector<256x1024xf32>
    %select_n3A_1070 = arith.select %eq3A_1067, %broadcast_in_dim3A_1069, %get3A_1053 : vector<256x1024xi1>, vector<256x1024xf32>
    %swap3A_1071 = arith.constant 0 : index
    %swap3A_1072 = arith.constant 0 : index
    %swap3A_1073 = vector.load %arg16[%swap3A_1071, %swap3A_1072] : memref<256x1024xf32, #tpu.memory_space<vmem>>, vector<256x1024xf32>
    tpu.vector_store %arg16[%swap3A_1071, %swap3A_1072], %select_n3A_1070 {strides = array<i32>} : memref<256x1024xf32, #tpu.memory_space<vmem>>, vector<256x1024xf32>,
    %get3A_1074 = arith.constant 0 : index
    %get3A_1075 = arith.constant 19 : index
    %get3A_1076 = vector.load %arg10[%get3A_1074, %get3A_1075] : memref<1x20xf32, #tpu.memory_space<vmem>>, vector<1x1xf32>
    %convert_element_type3A_1077 = arith.extui %eq3A_1067 : vector<256x1024xi1> to vector<256x1024xi32>
    %convert_element_type3A_1078 = arith.sitofp %convert_element_type3A_1077 : vector<256x1024xi32> to vector<256x1024xf32>
    %reduce_sum3A_1079 = arith.constant dense<0.000000e+00> : vector<1024xf32>
    %reduce_sum3A_1080 = vector.multi_reduction <add>, %convert_element_type3A_1078, %reduce_sum3A_1079 [0] : vector<256x1024xf32> to vector<1024xf32>
    %broadcast_in_dim3A_1081 = vector.shape_cast %reduce_sum3A_1080 : vector<1024xf32> to vector<1x1024xf32>
    %mul3A_1082 = vector.broadcast %get3A_1076 : vector<1x1xf32> to vector<1x1024xf32>
    %mul3A_1083 = arith.mulf %mul3A_1082, %broadcast_in_dim3A_1081 : vector<1x1024xf32>
    %add3A_1084 = arith.addf %add3A_1030, %mul3A_1083 : vector<1x1024xf32>
    %sub3A_1085 = arith.subi %convert_element_type3A_1065, %add3A_31 : vector<256x1xi32>
    %jit3A_1086 = arith.constant -32 : i32
    %jit3A_1087 = arith.constant 32 : i32
    %max3A_1088 = vector.broadcast %jit3A_1086 : i32 to vector<256x1xi32>
    %max3A_1089 = arith.maxsi %max3A_1088, %sub3A_1085 : vector<256x1xi32>
    %min3A_1090 = vector.broadcast %jit3A_1087 : i32 to vector<256x1xi32>
    %min3A_1091 = arith.minsi %min3A_1090, %max3A_1089 : vector<256x1xi32>
    %add3A_1092 = arith.constant 32 : i32
    %add3A_1093 = vector.broadcast %add3A_1092 : i32 to vector<256x1xi32>
    %add3A_1094 = arith.addi %min3A_1091, %add3A_1093 : vector<256x1xi32>
    %mul3A_1095 = arith.constant 1024 : i32
    %mul3A_1096 = arith.muli %arg0, %mul3A_1095 : i32
    %add3A_1097 = vector.broadcast %mul3A_1096 : i32 to vector<256x1xi32>
    %add3A_1098 = arith.addi %convert_element_type3A_1065, %add3A_1097 : vector<256x1xi32>
    %swap3A_1099 = arith.constant 0 : index
    %swap3A_1100 = arith.constant 0 : index
    %swap3A_1101 = arith.constant 19 : index
    %swap3A_1102 = vector.load %arg11[%swap3A_1099, %swap3A_1100, %swap3A_1101] : memref<1x256x20xi32, #tpu.memory_space<vmem>>, vector<1x256x1xi32>
    %swap3A_1103 = vector.shape_cast %swap3A_1102 : vector<1x256x1xi32> to vector<256x1xi32>
    %swap3A_1104 = vector.shape_cast %add3A_1098 : vector<256x1xi32> to vector<1x256x1xi32>
    tpu.vector_store %arg11[%swap3A_1099, %swap3A_1100, %swap3A_1101], %swap3A_1104 {strides = array<i32>} : memref<1x256x20xi32, #tpu.memory_space<vmem>>, vector<1x256x1xi32>,
    %eq3A_1105 = arith.constant 0 : i32
    %eq3A_1106 = arith.cmpi eq, %arg1, %eq3A_1105 : i32
    %convert_element_type3A_1107 = arith.extui %eq3A_1106 : i1 to i32
    %cond3A = arith.constant 0 : i32
    %cond3A_1108 = arith.cmpi ne, %convert_element_type3A_1107, %cond3A : i32
    scf.if %cond3A_1108 {
      %broadcast_in_dim3A_1703 = arith.constant 0.000000e+00 : f32
      %broadcast_in_dim3A_1704 = vector.broadcast %broadcast_in_dim3A_1703 : f32 to vector<1x1x1024xf32>
      %swap3A_1705 = arith.constant 0 : index
      %swap3A_1706 = arith.constant 0 : index
      %swap3A_1707 = arith.constant 0 : index
      %swap3A_1708 = vector.load %arg15[%swap3A_1705, %swap3A_1706, %swap3A_1707] : memref<1x1x1024xf32, #tpu.memory_space<vmem>>, vector<1x1x1024xf32>
      tpu.vector_store %arg15[%swap3A_1705, %swap3A_1706, %swap3A_1707], %broadcast_in_dim3A_1704 {strides = array<i32>} : memref<1x1x1024xf32, #tpu.memory_space<vmem>>, vector<1x1x1024xf32>,
    } else {
    }
    %get3A_1109 = arith.constant 0 : index
    %get3A_1110 = arith.constant 0 : index
    %get3A_1111 = arith.constant 0 : index
    %get3A_1112 = vector.load %arg15[%get3A_1109, %get3A_1110, %get3A_1111] : memref<1x1x1024xf32, #tpu.memory_space<vmem>>, vector<1x1x1024xf32>
    %get3A_1113 = vector.shape_cast %get3A_1112 : vector<1x1x1024xf32> to vector<1x1024xf32>
    %add3A_1114 = arith.addf %get3A_1113, %add3A_1084 : vector<1x1024xf32>
    %swap3A_1115 = arith.constant 0 : index
    %swap3A_1116 = arith.constant 0 : index
    %swap3A_1117 = arith.constant 0 : index
    %swap3A_1118 = vector.load %arg15[%swap3A_1115, %swap3A_1116, %swap3A_1117] : memref<1x1x1024xf32, #tpu.memory_space<vmem>>, vector<1x1x1024xf32>
    %swap3A_1119 = vector.shape_cast %swap3A_1118 : vector<1x1x1024xf32> to vector<1x1024xf32>
    %swap3A_1120 = vector.shape_cast %add3A_1114 : vector<1x1024xf32> to vector<1x1x1024xf32>
    tpu.vector_store %arg15[%swap3A_1115, %swap3A_1116, %swap3A_1117], %swap3A_1120 {strides = array<i32>} : memref<1x1x1024xf32, #tpu.memory_space<vmem>>, vector<1x1x1024xf32>,
    %get3A_1121 = arith.constant 0 : index
    %get3A_1122 = arith.constant 0 : index
    %get3A_1123 = vector.load %arg4[%get3A_1121, %get3A_1122] : memref<1x16xf32, #tpu.memory_space<vmem>>, vector<1x16xf32>
    %add3A_1124 = arith.constant 9.99999997E-7 : f32
    %add3A_1125 = vector.broadcast %add3A_1124 : f32 to vector<256x1xf32>
    %add3A_1126 = arith.addf %broadcast_in_dim3A_37, %add3A_1125 : vector<256x1xf32>
    %sqrt3A = math.sqrt %add3A_1126 : vector<256x1xf32>
    %sub3A_1127 = vector.broadcast %sqrt3A : vector<256x1xf32> to vector<256x16xf32>
    %sub3A_1128 = vector.broadcast %get3A_1123 : vector<1x16xf32> to vector<256x16xf32>
    %sub3A_1129 = arith.subf %sub3A_1127, %sub3A_1128 : vector<256x16xf32>
    %div3A = arith.constant 1.250000e+00 : f32
    %div3A_1130 = vector.broadcast %div3A : f32 to vector<256x16xf32>
    %div3A_1131 = arith.divf %sub3A_1129, %div3A_1130 : vector<256x16xf32>
    %mul3A_1132 = arith.mulf %div3A_1131, %div3A_1131 : vector<256x16xf32>
    %neg3A = arith.constant 0.000000e+00 : f32
    %neg3A_1133 = vector.broadcast %neg3A : f32 to vector<256x16xf32>
    %neg3A_1134 = arith.subf %neg3A_1133, %mul3A_1132 : vector<256x16xf32>
    %exp3A = math.exp %neg3A_1134 : vector<256x16xf32>
    %iota3A_1135 = tpu.iota {dimensions = array<i32: 1>} : vector<256x65xi32>
    %eq3A_1136 = vector.broadcast %add3A_68 : vector<256x1xi32> to vector<256x65xi32>
    %eq3A_1137 = arith.cmpi eq, %eq3A_1136, %iota3A_1135 : vector<256x65xi32>
    %convert_element_type3A_1138 = arith.extui %eq3A_1137 : vector<256x65xi1> to vector<256x65xi32>
    %convert_element_type3A_1139 = arith.sitofp %convert_element_type3A_1138 : vector<256x65xi32> to vector<256x65xf32>
    %concatenate3A = tpu.concatenate %exp3A, %convert_element_type3A_1139 in 1 : vector<256x16xf32>, vector<256x65xf32> -> vector<256x81xf32>
    %add3A_1140 = arith.constant 9.99999997E-7 : f32
    %add3A_1141 = vector.broadcast %add3A_1140 : f32 to vector<256x1xf32>
    %add3A_1142 = arith.addf %broadcast_in_dim3A_84, %add3A_1141 : vector<256x1xf32>
    %sqrt3A_1143 = math.sqrt %add3A_1142 : vector<256x1xf32>
    %sub3A_1144 = vector.broadcast %sqrt3A_1143 : vector<256x1xf32> to vector<256x16xf32>
    %sub3A_1145 = vector.broadcast %get3A_1123 : vector<1x16xf32> to vector<256x16xf32>
    %sub3A_1146 = arith.subf %sub3A_1144, %sub3A_1145 : vector<256x16xf32>
    %div3A_1147 = arith.constant 1.250000e+00 : f32
    %div3A_1148 = vector.broadcast %div3A_1147 : f32 to vector<256x16xf32>
    %div3A_1149 = arith.divf %sub3A_1146, %div3A_1148 : vector<256x16xf32>
    %mul3A_1150 = arith.mulf %div3A_1149, %div3A_1149 : vector<256x16xf32>
    %neg3A_1151 = arith.constant 0.000000e+00 : f32
    %neg3A_1152 = vector.broadcast %neg3A_1151 : f32 to vector<256x16xf32>
    %neg3A_1153 = arith.subf %neg3A_1152, %mul3A_1150 : vector<256x16xf32>
    %exp3A_1154 = math.exp %neg3A_1153 : vector<256x16xf32>
    %iota3A_1155 = tpu.iota {dimensions = array<i32: 1>} : vector<256x65xi32>
    %eq3A_1156 = vector.broadcast %add3A_122 : vector<256x1xi32> to vector<256x65xi32>
    %eq3A_1157 = arith.cmpi eq, %eq3A_1156, %iota3A_1155 : vector<256x65xi32>
    %convert_element_type3A_1158 = arith.extui %eq3A_1157 : vector<256x65xi1> to vector<256x65xi32>
    %convert_element_type3A_1159 = arith.sitofp %convert_element_type3A_1158 : vector<256x65xi32> to vector<256x65xf32>
    %concatenate3A_1160 = tpu.concatenate %exp3A_1154, %convert_element_type3A_1159 in 1 : vector<256x16xf32>, vector<256x65xf32> -> vector<256x81xf32>
    %add3A_1161 = arith.constant 9.99999997E-7 : f32
    %add3A_1162 = vector.broadcast %add3A_1161 : f32 to vector<256x1xf32>
    %add3A_1163 = arith.addf %broadcast_in_dim3A_138, %add3A_1162 : vector<256x1xf32>
    %sqrt3A_1164 = math.sqrt %add3A_1163 : vector<256x1xf32>
    %sub3A_1165 = vector.broadcast %sqrt3A_1164 : vector<256x1xf32> to vector<256x16xf32>
    %sub3A_1166 = vector.broadcast %get3A_1123 : vector<1x16xf32> to vector<256x16xf32>
    %sub3A_1167 = arith.subf %sub3A_1165, %sub3A_1166 : vector<256x16xf32>
    %div3A_1168 = arith.constant 1.250000e+00 : f32
    %div3A_1169 = vector.broadcast %div3A_1168 : f32 to vector<256x16xf32>
    %div3A_1170 = arith.divf %sub3A_1167, %div3A_1169 : vector<256x16xf32>
    %mul3A_1171 = arith.mulf %div3A_1170, %div3A_1170 : vector<256x16xf32>
    %neg3A_1172 = arith.constant 0.000000e+00 : f32
    %neg3A_1173 = vector.broadcast %neg3A_1172 : f32 to vector<256x16xf32>
    %neg3A_1174 = arith.subf %neg3A_1173, %mul3A_1171 : vector<256x16xf32>
    %exp3A_1175 = math.exp %neg3A_1174 : vector<256x16xf32>
    %iota3A_1176 = tpu.iota {dimensions = array<i32: 1>} : vector<256x65xi32>
    %eq3A_1177 = vector.broadcast %add3A_176 : vector<256x1xi32> to vector<256x65xi32>
    %eq3A_1178 = arith.cmpi eq, %eq3A_1177, %iota3A_1176 : vector<256x65xi32>
    %convert_element_type3A_1179 = arith.extui %eq3A_1178 : vector<256x65xi1> to vector<256x65xi32>
    %convert_element_type3A_1180 = arith.sitofp %convert_element_type3A_1179 : vector<256x65xi32> to vector<256x65xf32>
    %concatenate3A_1181 = tpu.concatenate %exp3A_1175, %convert_element_type3A_1180 in 1 : vector<256x16xf32>, vector<256x65xf32> -> vector<256x81xf32>
    %add3A_1182 = arith.constant 9.99999997E-7 : f32
    %add3A_1183 = vector.broadcast %add3A_1182 : f32 to vector<256x1xf32>
    %add3A_1184 = arith.addf %broadcast_in_dim3A_192, %add3A_1183 : vector<256x1xf32>
    %sqrt3A_1185 = math.sqrt %add3A_1184 : vector<256x1xf32>
    %sub3A_1186 = vector.broadcast %sqrt3A_1185 : vector<256x1xf32> to vector<256x16xf32>
    %sub3A_1187 = vector.broadcast %get3A_1123 : vector<1x16xf32> to vector<256x16xf32>
    %sub3A_1188 = arith.subf %sub3A_1186, %sub3A_1187 : vector<256x16xf32>
    %div3A_1189 = arith.constant 1.250000e+00 : f32
    %div3A_1190 = vector.broadcast %div3A_1189 : f32 to vector<256x16xf32>
    %div3A_1191 = arith.divf %sub3A_1188, %div3A_1190 : vector<256x16xf32>
    %mul3A_1192 = arith.mulf %div3A_1191, %div3A_1191 : vector<256x16xf32>
    %neg3A_1193 = arith.constant 0.000000e+00 : f32
    %neg3A_1194 = vector.broadcast %neg3A_1193 : f32 to vector<256x16xf32>
    %neg3A_1195 = arith.subf %neg3A_1194, %mul3A_1192 : vector<256x16xf32>
    %exp3A_1196 = math.exp %neg3A_1195 : vector<256x16xf32>
    %iota3A_1197 = tpu.iota {dimensions = array<i32: 1>} : vector<256x65xi32>
    %eq3A_1198 = vector.broadcast %add3A_230 : vector<256x1xi32> to vector<256x65xi32>
    %eq3A_1199 = arith.cmpi eq, %eq3A_1198, %iota3A_1197 : vector<256x65xi32>
    %convert_element_type3A_1200 = arith.extui %eq3A_1199 : vector<256x65xi1> to vector<256x65xi32>
    %convert_element_type3A_1201 = arith.sitofp %convert_element_type3A_1200 : vector<256x65xi32> to vector<256x65xf32>
    %concatenate3A_1202 = tpu.concatenate %exp3A_1196, %convert_element_type3A_1201 in 1 : vector<256x16xf32>, vector<256x65xf32> -> vector<256x81xf32>
    %add3A_1203 = arith.constant 9.99999997E-7 : f32
    %add3A_1204 = vector.broadcast %add3A_1203 : f32 to vector<256x1xf32>
    %add3A_1205 = arith.addf %broadcast_in_dim3A_246, %add3A_1204 : vector<256x1xf32>
    %sqrt3A_1206 = math.sqrt %add3A_1205 : vector<256x1xf32>
    %sub3A_1207 = vector.broadcast %sqrt3A_1206 : vector<256x1xf32> to vector<256x16xf32>
    %sub3A_1208 = vector.broadcast %get3A_1123 : vector<1x16xf32> to vector<256x16xf32>
    %sub3A_1209 = arith.subf %sub3A_1207, %sub3A_1208 : vector<256x16xf32>
    %div3A_1210 = arith.constant 1.250000e+00 : f32
    %div3A_1211 = vector.broadcast %div3A_1210 : f32 to vector<256x16xf32>
    %div3A_1212 = arith.divf %sub3A_1209, %div3A_1211 : vector<256x16xf32>
    %mul3A_1213 = arith.mulf %div3A_1212, %div3A_1212 : vector<256x16xf32>
    %neg3A_1214 = arith.constant 0.000000e+00 : f32
    %neg3A_1215 = vector.broadcast %neg3A_1214 : f32 to vector<256x16xf32>
    %neg3A_1216 = arith.subf %neg3A_1215, %mul3A_1213 : vector<256x16xf32>
    %exp3A_1217 = math.exp %neg3A_1216 : vector<256x16xf32>
    %iota3A_1218 = tpu.iota {dimensions = array<i32: 1>} : vector<256x65xi32>
    %eq3A_1219 = vector.broadcast %add3A_284 : vector<256x1xi32> to vector<256x65xi32>
    %eq3A_1220 = arith.cmpi eq, %eq3A_1219, %iota3A_1218 : vector<256x65xi32>
    %convert_element_type3A_1221 = arith.extui %eq3A_1220 : vector<256x65xi1> to vector<256x65xi32>
    %convert_element_type3A_1222 = arith.sitofp %convert_element_type3A_1221 : vector<256x65xi32> to vector<256x65xf32>
    %concatenate3A_1223 = tpu.concatenate %exp3A_1217, %convert_element_type3A_1222 in 1 : vector<256x16xf32>, vector<256x65xf32> -> vector<256x81xf32>
    %add3A_1224 = arith.constant 9.99999997E-7 : f32
    %add3A_1225 = vector.broadcast %add3A_1224 : f32 to vector<256x1xf32>
    %add3A_1226 = arith.addf %broadcast_in_dim3A_300, %add3A_1225 : vector<256x1xf32>
    %sqrt3A_1227 = math.sqrt %add3A_1226 : vector<256x1xf32>
    %sub3A_1228 = vector.broadcast %sqrt3A_1227 : vector<256x1xf32> to vector<256x16xf32>
    %sub3A_1229 = vector.broadcast %get3A_1123 : vector<1x16xf32> to vector<256x16xf32>
    %sub3A_1230 = arith.subf %sub3A_1228, %sub3A_1229 : vector<256x16xf32>
    %div3A_1231 = arith.constant 1.250000e+00 : f32
    %div3A_1232 = vector.broadcast %div3A_1231 : f32 to vector<256x16xf32>
    %div3A_1233 = arith.divf %sub3A_1230, %div3A_1232 : vector<256x16xf32>
    %mul3A_1234 = arith.mulf %div3A_1233, %div3A_1233 : vector<256x16xf32>
    %neg3A_1235 = arith.constant 0.000000e+00 : f32
    %neg3A_1236 = vector.broadcast %neg3A_1235 : f32 to vector<256x16xf32>
    %neg3A_1237 = arith.subf %neg3A_1236, %mul3A_1234 : vector<256x16xf32>
    %exp3A_1238 = math.exp %neg3A_1237 : vector<256x16xf32>
    %iota3A_1239 = tpu.iota {dimensions = array<i32: 1>} : vector<256x65xi32>
    %eq3A_1240 = vector.broadcast %add3A_338 : vector<256x1xi32> to vector<256x65xi32>
    %eq3A_1241 = arith.cmpi eq, %eq3A_1240, %iota3A_1239 : vector<256x65xi32>
    %convert_element_type3A_1242 = arith.extui %eq3A_1241 : vector<256x65xi1> to vector<256x65xi32>
    %convert_element_type3A_1243 = arith.sitofp %convert_element_type3A_1242 : vector<256x65xi32> to vector<256x65xf32>
    %concatenate3A_1244 = tpu.concatenate %exp3A_1238, %convert_element_type3A_1243 in 1 : vector<256x16xf32>, vector<256x65xf32> -> vector<256x81xf32>
    %add3A_1245 = arith.constant 9.99999997E-7 : f32
    %add3A_1246 = vector.broadcast %add3A_1245 : f32 to vector<256x1xf32>
    %add3A_1247 = arith.addf %broadcast_in_dim3A_354, %add3A_1246 : vector<256x1xf32>
    %sqrt3A_1248 = math.sqrt %add3A_1247 : vector<256x1xf32>
    %sub3A_1249 = vector.broadcast %sqrt3A_1248 : vector<256x1xf32> to vector<256x16xf32>
    %sub3A_1250 = vector.broadcast %get3A_1123 : vector<1x16xf32> to vector<256x16xf32>
    %sub3A_1251 = arith.subf %sub3A_1249, %sub3A_1250 : vector<256x16xf32>
    %div3A_1252 = arith.constant 1.250000e+00 : f32
    %div3A_1253 = vector.broadcast %div3A_1252 : f32 to vector<256x16xf32>
    %div3A_1254 = arith.divf %sub3A_1251, %div3A_1253 : vector<256x16xf32>
    %mul3A_1255 = arith.mulf %div3A_1254, %div3A_1254 : vector<256x16xf32>
    %neg3A_1256 = arith.constant 0.000000e+00 : f32
    %neg3A_1257 = vector.broadcast %neg3A_1256 : f32 to vector<256x16xf32>
    %neg3A_1258 = arith.subf %neg3A_1257, %mul3A_1255 : vector<256x16xf32>
    %exp3A_1259 = math.exp %neg3A_1258 : vector<256x16xf32>
    %iota3A_1260 = tpu.iota {dimensions = array<i32: 1>} : vector<256x65xi32>
    %eq3A_1261 = vector.broadcast %add3A_392 : vector<256x1xi32> to vector<256x65xi32>
    %eq3A_1262 = arith.cmpi eq, %eq3A_1261, %iota3A_1260 : vector<256x65xi32>
    %convert_element_type3A_1263 = arith.extui %eq3A_1262 : vector<256x65xi1> to vector<256x65xi32>
    %convert_element_type3A_1264 = arith.sitofp %convert_element_type3A_1263 : vector<256x65xi32> to vector<256x65xf32>
    %concatenate3A_1265 = tpu.concatenate %exp3A_1259, %convert_element_type3A_1264 in 1 : vector<256x16xf32>, vector<256x65xf32> -> vector<256x81xf32>
    %add3A_1266 = arith.constant 9.99999997E-7 : f32
    %add3A_1267 = vector.broadcast %add3A_1266 : f32 to vector<256x1xf32>
    %add3A_1268 = arith.addf %broadcast_in_dim3A_408, %add3A_1267 : vector<256x1xf32>
    %sqrt3A_1269 = math.sqrt %add3A_1268 : vector<256x1xf32>
    %sub3A_1270 = vector.broadcast %sqrt3A_1269 : vector<256x1xf32> to vector<256x16xf32>
    %sub3A_1271 = vector.broadcast %get3A_1123 : vector<1x16xf32> to vector<256x16xf32>
    %sub3A_1272 = arith.subf %sub3A_1270, %sub3A_1271 : vector<256x16xf32>
    %div3A_1273 = arith.constant 1.250000e+00 : f32
    %div3A_1274 = vector.broadcast %div3A_1273 : f32 to vector<256x16xf32>
    %div3A_1275 = arith.divf %sub3A_1272, %div3A_1274 : vector<256x16xf32>
    %mul3A_1276 = arith.mulf %div3A_1275, %div3A_1275 : vector<256x16xf32>
    %neg3A_1277 = arith.constant 0.000000e+00 : f32
    %neg3A_1278 = vector.broadcast %neg3A_1277 : f32 to vector<256x16xf32>
    %neg3A_1279 = arith.subf %neg3A_1278, %mul3A_1276 : vector<256x16xf32>
    %exp3A_1280 = math.exp %neg3A_1279 : vector<256x16xf32>
    %iota3A_1281 = tpu.iota {dimensions = array<i32: 1>} : vector<256x65xi32>
    %eq3A_1282 = vector.broadcast %add3A_446 : vector<256x1xi32> to vector<256x65xi32>
    %eq3A_1283 = arith.cmpi eq, %eq3A_1282, %iota3A_1281 : vector<256x65xi32>
    %convert_element_type3A_1284 = arith.extui %eq3A_1283 : vector<256x65xi1> to vector<256x65xi32>
    %convert_element_type3A_1285 = arith.sitofp %convert_element_type3A_1284 : vector<256x65xi32> to vector<256x65xf32>
    %concatenate3A_1286 = tpu.concatenate %exp3A_1280, %convert_element_type3A_1285 in 1 : vector<256x16xf32>, vector<256x65xf32> -> vector<256x81xf32>
    %add3A_1287 = arith.constant 9.99999997E-7 : f32
    %add3A_1288 = vector.broadcast %add3A_1287 : f32 to vector<256x1xf32>
    %add3A_1289 = arith.addf %broadcast_in_dim3A_462, %add3A_1288 : vector<256x1xf32>
    %sqrt3A_1290 = math.sqrt %add3A_1289 : vector<256x1xf32>
    %sub3A_1291 = vector.broadcast %sqrt3A_1290 : vector<256x1xf32> to vector<256x16xf32>
    %sub3A_1292 = vector.broadcast %get3A_1123 : vector<1x16xf32> to vector<256x16xf32>
    %sub3A_1293 = arith.subf %sub3A_1291, %sub3A_1292 : vector<256x16xf32>
    %div3A_1294 = arith.constant 1.250000e+00 : f32
    %div3A_1295 = vector.broadcast %div3A_1294 : f32 to vector<256x16xf32>
    %div3A_1296 = arith.divf %sub3A_1293, %div3A_1295 : vector<256x16xf32>
    %mul3A_1297 = arith.mulf %div3A_1296, %div3A_1296 : vector<256x16xf32>
    %neg3A_1298 = arith.constant 0.000000e+00 : f32
    %neg3A_1299 = vector.broadcast %neg3A_1298 : f32 to vector<256x16xf32>
    %neg3A_1300 = arith.subf %neg3A_1299, %mul3A_1297 : vector<256x16xf32>
    %exp3A_1301 = math.exp %neg3A_1300 : vector<256x16xf32>
    %iota3A_1302 = tpu.iota {dimensions = array<i32: 1>} : vector<256x65xi32>
    %eq3A_1303 = vector.broadcast %add3A_500 : vector<256x1xi32> to vector<256x65xi32>
    %eq3A_1304 = arith.cmpi eq, %eq3A_1303, %iota3A_1302 : vector<256x65xi32>
    %convert_element_type3A_1305 = arith.extui %eq3A_1304 : vector<256x65xi1> to vector<256x65xi32>
    %convert_element_type3A_1306 = arith.sitofp %convert_element_type3A_1305 : vector<256x65xi32> to vector<256x65xf32>
    %concatenate3A_1307 = tpu.concatenate %exp3A_1301, %convert_element_type3A_1306 in 1 : vector<256x16xf32>, vector<256x65xf32> -> vector<256x81xf32>
    %add3A_1308 = arith.constant 9.99999997E-7 : f32
    %add3A_1309 = vector.broadcast %add3A_1308 : f32 to vector<256x1xf32>
    %add3A_1310 = arith.addf %broadcast_in_dim3A_516, %add3A_1309 : vector<256x1xf32>
    %sqrt3A_1311 = math.sqrt %add3A_1310 : vector<256x1xf32>
    %sub3A_1312 = vector.broadcast %sqrt3A_1311 : vector<256x1xf32> to vector<256x16xf32>
    %sub3A_1313 = vector.broadcast %get3A_1123 : vector<1x16xf32> to vector<256x16xf32>
    %sub3A_1314 = arith.subf %sub3A_1312, %sub3A_1313 : vector<256x16xf32>
    %div3A_1315 = arith.constant 1.250000e+00 : f32
    %div3A_1316 = vector.broadcast %div3A_1315 : f32 to vector<256x16xf32>
    %div3A_1317 = arith.divf %sub3A_1314, %div3A_1316 : vector<256x16xf32>
    %mul3A_1318 = arith.mulf %div3A_1317, %div3A_1317 : vector<256x16xf32>
    %neg3A_1319 = arith.constant 0.000000e+00 : f32
    %neg3A_1320 = vector.broadcast %neg3A_1319 : f32 to vector<256x16xf32>
    %neg3A_1321 = arith.subf %neg3A_1320, %mul3A_1318 : vector<256x16xf32>
    %exp3A_1322 = math.exp %neg3A_1321 : vector<256x16xf32>
    %iota3A_1323 = tpu.iota {dimensions = array<i32: 1>} : vector<256x65xi32>
    %eq3A_1324 = vector.broadcast %add3A_554 : vector<256x1xi32> to vector<256x65xi32>
    %eq3A_1325 = arith.cmpi eq, %eq3A_1324, %iota3A_1323 : vector<256x65xi32>
    %convert_element_type3A_1326 = arith.extui %eq3A_1325 : vector<256x65xi1> to vector<256x65xi32>
    %convert_element_type3A_1327 = arith.sitofp %convert_element_type3A_1326 : vector<256x65xi32> to vector<256x65xf32>
    %concatenate3A_1328 = tpu.concatenate %exp3A_1322, %convert_element_type3A_1327 in 1 : vector<256x16xf32>, vector<256x65xf32> -> vector<256x81xf32>
    %add3A_1329 = arith.constant 9.99999997E-7 : f32
    %add3A_1330 = vector.broadcast %add3A_1329 : f32 to vector<256x1xf32>
    %add3A_1331 = arith.addf %broadcast_in_dim3A_570, %add3A_1330 : vector<256x1xf32>
    %sqrt3A_1332 = math.sqrt %add3A_1331 : vector<256x1xf32>
    %sub3A_1333 = vector.broadcast %sqrt3A_1332 : vector<256x1xf32> to vector<256x16xf32>
    %sub3A_1334 = vector.broadcast %get3A_1123 : vector<1x16xf32> to vector<256x16xf32>
    %sub3A_1335 = arith.subf %sub3A_1333, %sub3A_1334 : vector<256x16xf32>
    %div3A_1336 = arith.constant 1.250000e+00 : f32
    %div3A_1337 = vector.broadcast %div3A_1336 : f32 to vector<256x16xf32>
    %div3A_1338 = arith.divf %sub3A_1335, %div3A_1337 : vector<256x16xf32>
    %mul3A_1339 = arith.mulf %div3A_1338, %div3A_1338 : vector<256x16xf32>
    %neg3A_1340 = arith.constant 0.000000e+00 : f32
    %neg3A_1341 = vector.broadcast %neg3A_1340 : f32 to vector<256x16xf32>
    %neg3A_1342 = arith.subf %neg3A_1341, %mul3A_1339 : vector<256x16xf32>
    %exp3A_1343 = math.exp %neg3A_1342 : vector<256x16xf32>
    %iota3A_1344 = tpu.iota {dimensions = array<i32: 1>} : vector<256x65xi32>
    %eq3A_1345 = vector.broadcast %add3A_608 : vector<256x1xi32> to vector<256x65xi32>
    %eq3A_1346 = arith.cmpi eq, %eq3A_1345, %iota3A_1344 : vector<256x65xi32>
    %convert_element_type3A_1347 = arith.extui %eq3A_1346 : vector<256x65xi1> to vector<256x65xi32>
    %convert_element_type3A_1348 = arith.sitofp %convert_element_type3A_1347 : vector<256x65xi32> to vector<256x65xf32>
    %concatenate3A_1349 = tpu.concatenate %exp3A_1343, %convert_element_type3A_1348 in 1 : vector<256x16xf32>, vector<256x65xf32> -> vector<256x81xf32>
    %add3A_1350 = arith.constant 9.99999997E-7 : f32
    %add3A_1351 = vector.broadcast %add3A_1350 : f32 to vector<256x1xf32>
    %add3A_1352 = arith.addf %broadcast_in_dim3A_624, %add3A_1351 : vector<256x1xf32>
    %sqrt3A_1353 = math.sqrt %add3A_1352 : vector<256x1xf32>
    %sub3A_1354 = vector.broadcast %sqrt3A_1353 : vector<256x1xf32> to vector<256x16xf32>
    %sub3A_1355 = vector.broadcast %get3A_1123 : vector<1x16xf32> to vector<256x16xf32>
    %sub3A_1356 = arith.subf %sub3A_1354, %sub3A_1355 : vector<256x16xf32>
    %div3A_1357 = arith.constant 1.250000e+00 : f32
    %div3A_1358 = vector.broadcast %div3A_1357 : f32 to vector<256x16xf32>
    %div3A_1359 = arith.divf %sub3A_1356, %div3A_1358 : vector<256x16xf32>
    %mul3A_1360 = arith.mulf %div3A_1359, %div3A_1359 : vector<256x16xf32>
    %neg3A_1361 = arith.constant 0.000000e+00 : f32
    %neg3A_1362 = vector.broadcast %neg3A_1361 : f32 to vector<256x16xf32>
    %neg3A_1363 = arith.subf %neg3A_1362, %mul3A_1360 : vector<256x16xf32>
    %exp3A_1364 = math.exp %neg3A_1363 : vector<256x16xf32>
    %iota3A_1365 = tpu.iota {dimensions = array<i32: 1>} : vector<256x65xi32>
    %eq3A_1366 = vector.broadcast %add3A_662 : vector<256x1xi32> to vector<256x65xi32>
    %eq3A_1367 = arith.cmpi eq, %eq3A_1366, %iota3A_1365 : vector<256x65xi32>
    %convert_element_type3A_1368 = arith.extui %eq3A_1367 : vector<256x65xi1> to vector<256x65xi32>
    %convert_element_type3A_1369 = arith.sitofp %convert_element_type3A_1368 : vector<256x65xi32> to vector<256x65xf32>
    %concatenate3A_1370 = tpu.concatenate %exp3A_1364, %convert_element_type3A_1369 in 1 : vector<256x16xf32>, vector<256x65xf32> -> vector<256x81xf32>
    %add3A_1371 = arith.constant 9.99999997E-7 : f32
    %add3A_1372 = vector.broadcast %add3A_1371 : f32 to vector<256x1xf32>
    %add3A_1373 = arith.addf %broadcast_in_dim3A_678, %add3A_1372 : vector<256x1xf32>
    %sqrt3A_1374 = math.sqrt %add3A_1373 : vector<256x1xf32>
    %sub3A_1375 = vector.broadcast %sqrt3A_1374 : vector<256x1xf32> to vector<256x16xf32>
    %sub3A_1376 = vector.broadcast %get3A_1123 : vector<1x16xf32> to vector<256x16xf32>
    %sub3A_1377 = arith.subf %sub3A_1375, %sub3A_1376 : vector<256x16xf32>
    %div3A_1378 = arith.constant 1.250000e+00 : f32
    %div3A_1379 = vector.broadcast %div3A_1378 : f32 to vector<256x16xf32>
    %div3A_1380 = arith.divf %sub3A_1377, %div3A_1379 : vector<256x16xf32>
    %mul3A_1381 = arith.mulf %div3A_1380, %div3A_1380 : vector<256x16xf32>
    %neg3A_1382 = arith.constant 0.000000e+00 : f32
    %neg3A_1383 = vector.broadcast %neg3A_1382 : f32 to vector<256x16xf32>
    %neg3A_1384 = arith.subf %neg3A_1383, %mul3A_1381 : vector<256x16xf32>
    %exp3A_1385 = math.exp %neg3A_1384 : vector<256x16xf32>
    %iota3A_1386 = tpu.iota {dimensions = array<i32: 1>} : vector<256x65xi32>
    %eq3A_1387 = vector.broadcast %add3A_716 : vector<256x1xi32> to vector<256x65xi32>
    %eq3A_1388 = arith.cmpi eq, %eq3A_1387, %iota3A_1386 : vector<256x65xi32>
    %convert_element_type3A_1389 = arith.extui %eq3A_1388 : vector<256x65xi1> to vector<256x65xi32>
    %convert_element_type3A_1390 = arith.sitofp %convert_element_type3A_1389 : vector<256x65xi32> to vector<256x65xf32>
    %concatenate3A_1391 = tpu.concatenate %exp3A_1385, %convert_element_type3A_1390 in 1 : vector<256x16xf32>, vector<256x65xf32> -> vector<256x81xf32>
    %add3A_1392 = arith.constant 9.99999997E-7 : f32
    %add3A_1393 = vector.broadcast %add3A_1392 : f32 to vector<256x1xf32>
    %add3A_1394 = arith.addf %broadcast_in_dim3A_732, %add3A_1393 : vector<256x1xf32>
    %sqrt3A_1395 = math.sqrt %add3A_1394 : vector<256x1xf32>
    %sub3A_1396 = vector.broadcast %sqrt3A_1395 : vector<256x1xf32> to vector<256x16xf32>
    %sub3A_1397 = vector.broadcast %get3A_1123 : vector<1x16xf32> to vector<256x16xf32>
    %sub3A_1398 = arith.subf %sub3A_1396, %sub3A_1397 : vector<256x16xf32>
    %div3A_1399 = arith.constant 1.250000e+00 : f32
    %div3A_1400 = vector.broadcast %div3A_1399 : f32 to vector<256x16xf32>
    %div3A_1401 = arith.divf %sub3A_1398, %div3A_1400 : vector<256x16xf32>
    %mul3A_1402 = arith.mulf %div3A_1401, %div3A_1401 : vector<256x16xf32>
    %neg3A_1403 = arith.constant 0.000000e+00 : f32
    %neg3A_1404 = vector.broadcast %neg3A_1403 : f32 to vector<256x16xf32>
    %neg3A_1405 = arith.subf %neg3A_1404, %mul3A_1402 : vector<256x16xf32>
    %exp3A_1406 = math.exp %neg3A_1405 : vector<256x16xf32>
    %iota3A_1407 = tpu.iota {dimensions = array<i32: 1>} : vector<256x65xi32>
    %eq3A_1408 = vector.broadcast %add3A_770 : vector<256x1xi32> to vector<256x65xi32>
    %eq3A_1409 = arith.cmpi eq, %eq3A_1408, %iota3A_1407 : vector<256x65xi32>
    %convert_element_type3A_1410 = arith.extui %eq3A_1409 : vector<256x65xi1> to vector<256x65xi32>
    %convert_element_type3A_1411 = arith.sitofp %convert_element_type3A_1410 : vector<256x65xi32> to vector<256x65xf32>
    %concatenate3A_1412 = tpu.concatenate %exp3A_1406, %convert_element_type3A_1411 in 1 : vector<256x16xf32>, vector<256x65xf32> -> vector<256x81xf32>
    %add3A_1413 = arith.constant 9.99999997E-7 : f32
    %add3A_1414 = vector.broadcast %add3A_1413 : f32 to vector<256x1xf32>
    %add3A_1415 = arith.addf %broadcast_in_dim3A_786, %add3A_1414 : vector<256x1xf32>
    %sqrt3A_1416 = math.sqrt %add3A_1415 : vector<256x1xf32>
    %sub3A_1417 = vector.broadcast %sqrt3A_1416 : vector<256x1xf32> to vector<256x16xf32>
    %sub3A_1418 = vector.broadcast %get3A_1123 : vector<1x16xf32> to vector<256x16xf32>
    %sub3A_1419 = arith.subf %sub3A_1417, %sub3A_1418 : vector<256x16xf32>
    %div3A_1420 = arith.constant 1.250000e+00 : f32
    %div3A_1421 = vector.broadcast %div3A_1420 : f32 to vector<256x16xf32>
    %div3A_1422 = arith.divf %sub3A_1419, %div3A_1421 : vector<256x16xf32>
    %mul3A_1423 = arith.mulf %div3A_1422, %div3A_1422 : vector<256x16xf32>
    %neg3A_1424 = arith.constant 0.000000e+00 : f32
    %neg3A_1425 = vector.broadcast %neg3A_1424 : f32 to vector<256x16xf32>
    %neg3A_1426 = arith.subf %neg3A_1425, %mul3A_1423 : vector<256x16xf32>
    %exp3A_1427 = math.exp %neg3A_1426 : vector<256x16xf32>
    %iota3A_1428 = tpu.iota {dimensions = array<i32: 1>} : vector<256x65xi32>
    %eq3A_1429 = vector.broadcast %add3A_824 : vector<256x1xi32> to vector<256x65xi32>
    %eq3A_1430 = arith.cmpi eq, %eq3A_1429, %iota3A_1428 : vector<256x65xi32>
    %convert_element_type3A_1431 = arith.extui %eq3A_1430 : vector<256x65xi1> to vector<256x65xi32>
    %convert_element_type3A_1432 = arith.sitofp %convert_element_type3A_1431 : vector<256x65xi32> to vector<256x65xf32>
    %concatenate3A_1433 = tpu.concatenate %exp3A_1427, %convert_element_type3A_1432 in 1 : vector<256x16xf32>, vector<256x65xf32> -> vector<256x81xf32>
    %add3A_1434 = arith.constant 9.99999997E-7 : f32
    %add3A_1435 = vector.broadcast %add3A_1434 : f32 to vector<256x1xf32>
    %add3A_1436 = arith.addf %broadcast_in_dim3A_840, %add3A_1435 : vector<256x1xf32>
    %sqrt3A_1437 = math.sqrt %add3A_1436 : vector<256x1xf32>
    %sub3A_1438 = vector.broadcast %sqrt3A_1437 : vector<256x1xf32> to vector<256x16xf32>
    %sub3A_1439 = vector.broadcast %get3A_1123 : vector<1x16xf32> to vector<256x16xf32>
    %sub3A_1440 = arith.subf %sub3A_1438, %sub3A_1439 : vector<256x16xf32>
    %div3A_1441 = arith.constant 1.250000e+00 : f32
    %div3A_1442 = vector.broadcast %div3A_1441 : f32 to vector<256x16xf32>
    %div3A_1443 = arith.divf %sub3A_1440, %div3A_1442 : vector<256x16xf32>
    %mul3A_1444 = arith.mulf %div3A_1443, %div3A_1443 : vector<256x16xf32>
    %neg3A_1445 = arith.constant 0.000000e+00 : f32
    %neg3A_1446 = vector.broadcast %neg3A_1445 : f32 to vector<256x16xf32>
    %neg3A_1447 = arith.subf %neg3A_1446, %mul3A_1444 : vector<256x16xf32>
    %exp3A_1448 = math.exp %neg3A_1447 : vector<256x16xf32>
    %iota3A_1449 = tpu.iota {dimensions = array<i32: 1>} : vector<256x65xi32>
    %eq3A_1450 = vector.broadcast %add3A_878 : vector<256x1xi32> to vector<256x65xi32>
    %eq3A_1451 = arith.cmpi eq, %eq3A_1450, %iota3A_1449 : vector<256x65xi32>
    %convert_element_type3A_1452 = arith.extui %eq3A_1451 : vector<256x65xi1> to vector<256x65xi32>
    %convert_element_type3A_1453 = arith.sitofp %convert_element_type3A_1452 : vector<256x65xi32> to vector<256x65xf32>
    %concatenate3A_1454 = tpu.concatenate %exp3A_1448, %convert_element_type3A_1453 in 1 : vector<256x16xf32>, vector<256x65xf32> -> vector<256x81xf32>
    %add3A_1455 = arith.constant 9.99999997E-7 : f32
    %add3A_1456 = vector.broadcast %add3A_1455 : f32 to vector<256x1xf32>
    %add3A_1457 = arith.addf %broadcast_in_dim3A_894, %add3A_1456 : vector<256x1xf32>
    %sqrt3A_1458 = math.sqrt %add3A_1457 : vector<256x1xf32>
    %sub3A_1459 = vector.broadcast %sqrt3A_1458 : vector<256x1xf32> to vector<256x16xf32>
    %sub3A_1460 = vector.broadcast %get3A_1123 : vector<1x16xf32> to vector<256x16xf32>
    %sub3A_1461 = arith.subf %sub3A_1459, %sub3A_1460 : vector<256x16xf32>
    %div3A_1462 = arith.constant 1.250000e+00 : f32
    %div3A_1463 = vector.broadcast %div3A_1462 : f32 to vector<256x16xf32>
    %div3A_1464 = arith.divf %sub3A_1461, %div3A_1463 : vector<256x16xf32>
    %mul3A_1465 = arith.mulf %div3A_1464, %div3A_1464 : vector<256x16xf32>
    %neg3A_1466 = arith.constant 0.000000e+00 : f32
    %neg3A_1467 = vector.broadcast %neg3A_1466 : f32 to vector<256x16xf32>
    %neg3A_1468 = arith.subf %neg3A_1467, %mul3A_1465 : vector<256x16xf32>
    %exp3A_1469 = math.exp %neg3A_1468 : vector<256x16xf32>
    %iota3A_1470 = tpu.iota {dimensions = array<i32: 1>} : vector<256x65xi32>
    %eq3A_1471 = vector.broadcast %add3A_932 : vector<256x1xi32> to vector<256x65xi32>
    %eq3A_1472 = arith.cmpi eq, %eq3A_1471, %iota3A_1470 : vector<256x65xi32>
    %convert_element_type3A_1473 = arith.extui %eq3A_1472 : vector<256x65xi1> to vector<256x65xi32>
    %convert_element_type3A_1474 = arith.sitofp %convert_element_type3A_1473 : vector<256x65xi32> to vector<256x65xf32>
    %concatenate3A_1475 = tpu.concatenate %exp3A_1469, %convert_element_type3A_1474 in 1 : vector<256x16xf32>, vector<256x65xf32> -> vector<256x81xf32>
    %add3A_1476 = arith.constant 9.99999997E-7 : f32
    %add3A_1477 = vector.broadcast %add3A_1476 : f32 to vector<256x1xf32>
    %add3A_1478 = arith.addf %broadcast_in_dim3A_948, %add3A_1477 : vector<256x1xf32>
    %sqrt3A_1479 = math.sqrt %add3A_1478 : vector<256x1xf32>
    %sub3A_1480 = vector.broadcast %sqrt3A_1479 : vector<256x1xf32> to vector<256x16xf32>
    %sub3A_1481 = vector.broadcast %get3A_1123 : vector<1x16xf32> to vector<256x16xf32>
    %sub3A_1482 = arith.subf %sub3A_1480, %sub3A_1481 : vector<256x16xf32>
    %div3A_1483 = arith.constant 1.250000e+00 : f32
    %div3A_1484 = vector.broadcast %div3A_1483 : f32 to vector<256x16xf32>
    %div3A_1485 = arith.divf %sub3A_1482, %div3A_1484 : vector<256x16xf32>
    %mul3A_1486 = arith.mulf %div3A_1485, %div3A_1485 : vector<256x16xf32>
    %neg3A_1487 = arith.constant 0.000000e+00 : f32
    %neg3A_1488 = vector.broadcast %neg3A_1487 : f32 to vector<256x16xf32>
    %neg3A_1489 = arith.subf %neg3A_1488, %mul3A_1486 : vector<256x16xf32>
    %exp3A_1490 = math.exp %neg3A_1489 : vector<256x16xf32>
    %iota3A_1491 = tpu.iota {dimensions = array<i32: 1>} : vector<256x65xi32>
    %eq3A_1492 = vector.broadcast %add3A_986 : vector<256x1xi32> to vector<256x65xi32>
    %eq3A_1493 = arith.cmpi eq, %eq3A_1492, %iota3A_1491 : vector<256x65xi32>
    %convert_element_type3A_1494 = arith.extui %eq3A_1493 : vector<256x65xi1> to vector<256x65xi32>
    %convert_element_type3A_1495 = arith.sitofp %convert_element_type3A_1494 : vector<256x65xi32> to vector<256x65xf32>
    %concatenate3A_1496 = tpu.concatenate %exp3A_1490, %convert_element_type3A_1495 in 1 : vector<256x16xf32>, vector<256x65xf32> -> vector<256x81xf32>
    %add3A_1497 = arith.constant 9.99999997E-7 : f32
    %add3A_1498 = vector.broadcast %add3A_1497 : f32 to vector<256x1xf32>
    %add3A_1499 = arith.addf %broadcast_in_dim3A_1002, %add3A_1498 : vector<256x1xf32>
    %sqrt3A_1500 = math.sqrt %add3A_1499 : vector<256x1xf32>
    %sub3A_1501 = vector.broadcast %sqrt3A_1500 : vector<256x1xf32> to vector<256x16xf32>
    %sub3A_1502 = vector.broadcast %get3A_1123 : vector<1x16xf32> to vector<256x16xf32>
    %sub3A_1503 = arith.subf %sub3A_1501, %sub3A_1502 : vector<256x16xf32>
    %div3A_1504 = arith.constant 1.250000e+00 : f32
    %div3A_1505 = vector.broadcast %div3A_1504 : f32 to vector<256x16xf32>
    %div3A_1506 = arith.divf %sub3A_1503, %div3A_1505 : vector<256x16xf32>
    %mul3A_1507 = arith.mulf %div3A_1506, %div3A_1506 : vector<256x16xf32>
    %neg3A_1508 = arith.constant 0.000000e+00 : f32
    %neg3A_1509 = vector.broadcast %neg3A_1508 : f32 to vector<256x16xf32>
    %neg3A_1510 = arith.subf %neg3A_1509, %mul3A_1507 : vector<256x16xf32>
    %exp3A_1511 = math.exp %neg3A_1510 : vector<256x16xf32>
    %iota3A_1512 = tpu.iota {dimensions = array<i32: 1>} : vector<256x65xi32>
    %eq3A_1513 = vector.broadcast %add3A_1040 : vector<256x1xi32> to vector<256x65xi32>
    %eq3A_1514 = arith.cmpi eq, %eq3A_1513, %iota3A_1512 : vector<256x65xi32>
    %convert_element_type3A_1515 = arith.extui %eq3A_1514 : vector<256x65xi1> to vector<256x65xi32>
    %convert_element_type3A_1516 = arith.sitofp %convert_element_type3A_1515 : vector<256x65xi32> to vector<256x65xf32>
    %concatenate3A_1517 = tpu.concatenate %exp3A_1511, %convert_element_type3A_1516 in 1 : vector<256x16xf32>, vector<256x65xf32> -> vector<256x81xf32>
    %add3A_1518 = arith.constant 9.99999997E-7 : f32
    %add3A_1519 = vector.broadcast %add3A_1518 : f32 to vector<256x1xf32>
    %add3A_1520 = arith.addf %broadcast_in_dim3A_1056, %add3A_1519 : vector<256x1xf32>
    %sqrt3A_1521 = math.sqrt %add3A_1520 : vector<256x1xf32>
    %sub3A_1522 = vector.broadcast %sqrt3A_1521 : vector<256x1xf32> to vector<256x16xf32>
    %sub3A_1523 = vector.broadcast %get3A_1123 : vector<1x16xf32> to vector<256x16xf32>
    %sub3A_1524 = arith.subf %sub3A_1522, %sub3A_1523 : vector<256x16xf32>
    %div3A_1525 = arith.constant 1.250000e+00 : f32
    %div3A_1526 = vector.broadcast %div3A_1525 : f32 to vector<256x16xf32>
    %div3A_1527 = arith.divf %sub3A_1524, %div3A_1526 : vector<256x16xf32>
    %mul3A_1528 = arith.mulf %div3A_1527, %div3A_1527 : vector<256x16xf32>
    %neg3A_1529 = arith.constant 0.000000e+00 : f32
    %neg3A_1530 = vector.broadcast %neg3A_1529 : f32 to vector<256x16xf32>
    %neg3A_1531 = arith.subf %neg3A_1530, %mul3A_1528 : vector<256x16xf32>
    %exp3A_1532 = math.exp %neg3A_1531 : vector<256x16xf32>
    %iota3A_1533 = tpu.iota {dimensions = array<i32: 1>} : vector<256x65xi32>
    %eq3A_1534 = vector.broadcast %add3A_1094 : vector<256x1xi32> to vector<256x65xi32>
    %eq3A_1535 = arith.cmpi eq, %eq3A_1534, %iota3A_1533 : vector<256x65xi32>
    %convert_element_type3A_1536 = arith.extui %eq3A_1535 : vector<256x65xi1> to vector<256x65xi32>
    %convert_element_type3A_1537 = arith.sitofp %convert_element_type3A_1536 : vector<256x65xi32> to vector<256x65xf32>
    %concatenate3A_1538 = tpu.concatenate %exp3A_1532, %convert_element_type3A_1537 in 1 : vector<256x16xf32>, vector<256x65xf32> -> vector<256x81xf32>
    %concatenate3A_1539 = tpu.concatenate %concatenate3A, %concatenate3A_1160, %concatenate3A_1181, %concatenate3A_1202, %concatenate3A_1223, %concatenate3A_1244, %concatenate3A_1265, %concatenate3A_1286, %concatenate3A_1307, %concatenate3A_1328, %concatenate3A_1349, %concatenate3A_1370, %concatenate3A_1391, %concatenate3A_1412, %concatenate3A_1433, %concatenate3A_1454, %concatenate3A_1475, %concatenate3A_1496, %concatenate3A_1517, %concatenate3A_1538 in 0 : vector<256x81xf32>, vector<256x81xf32>, vector<256x81xf32>, vector<256x81xf32>, vector<256x81xf32>, vector<256x81xf32>, vector<256x81xf32>, vector<256x81xf32>, vector<256x81xf32>, vector<256x81xf32>, vector<256x81xf32>, vector<256x81xf32>, vector<256x81xf32>, vector<256x81xf32>, vector<256x81xf32>, vector<256x81xf32>, vector<256x81xf32>, vector<256x81xf32>, vector<256x81xf32>, vector<256x81xf32> -> vector<5120x81xf32>
    %swap3A_1540 = arith.constant 0 : index
    %swap3A_1541 = arith.constant 0 : index
    %swap3A_1542 = vector.load %arg12[%swap3A_1540, %swap3A_1541] : memref<5120x81xf32, #tpu.memory_space<vmem>>, vector<5120x81xf32>
    tpu.vector_store %arg12[%swap3A_1540, %swap3A_1541], %concatenate3A_1539 {strides = array<i32>} : memref<5120x81xf32, #tpu.memory_space<vmem>>, vector<5120x81xf32>,
    %get3A_1543 = arith.constant 0 : index
    %get3A_1544 = arith.constant 0 : index
    %get3A_1545 = vector.load %arg5[%get3A_1543, %get3A_1544] : memref<81x128xf32, #tpu.memory_space<vmem>>, vector<81x128xf32>
    %dot_general3A = arith.constant dense<0.000000e+00> : vector<5120x128xf32>
    %dot_general3A_1546 = tpu.matmul %concatenate3A_1539, %get3A_1545, %dot_general3A {dimension_numbers = #tpu.dot_dimension_numbers<[1], [0], [0], [1], [0, 0, 1, 1], [], []>, transpose_lhs_hint = false} : vector<5120x81xf32>, vector<81x128xf32>, vector<5120x128xf32> -> vector<5120x128xf32>
    %get3A_1547 = arith.constant 0 : index
    %get3A_1548 = arith.constant 0 : index
    %get3A_1549 = vector.load %arg6[%get3A_1547, %get3A_1548] : memref<1x128xf32, #tpu.memory_space<vmem>>, vector<1x128xf32>
    %add3A_1550 = vector.broadcast %get3A_1549 : vector<1x128xf32> to vector<5120x128xf32>
    %add3A_1551 = arith.addf %dot_general3A_1546, %add3A_1550 : vector<5120x128xf32>
    %slice3A_1552 = vector.extract_strided_slice %add3A_1551 {offsets = [0, 0], sizes = [256, 128], strides = [1, 1]} : vector<5120x128xf32> to vector<256x128xf32>
    %max3A_1553 = arith.constant 0.000000e+00 : f32
    %max3A_1554 = vector.broadcast %max3A_1553 : f32 to vector<256x128xf32>
    %max3A_1555 = arith.maximumf %slice3A_1552, %max3A_1554 : vector<256x128xf32>
    %slice3A_1556 = vector.extract_strided_slice %add3A_1551 {offsets = [256, 0], sizes = [256, 128], strides = [1, 1]} : vector<5120x128xf32> to vector<256x128xf32>
    %max3A_1557 = arith.constant 0.000000e+00 : f32
    %max3A_1558 = vector.broadcast %max3A_1557 : f32 to vector<256x128xf32>
    %max3A_1559 = arith.maximumf %slice3A_1556, %max3A_1558 : vector<256x128xf32>
    %add3A_1560 = arith.addf %max3A_1555, %max3A_1559 : vector<256x128xf32>
    %slice3A_1561 = vector.extract_strided_slice %add3A_1551 {offsets = [512, 0], sizes = [256, 128], strides = [1, 1]} : vector<5120x128xf32> to vector<256x128xf32>
    %max3A_1562 = arith.constant 0.000000e+00 : f32
    %max3A_1563 = vector.broadcast %max3A_1562 : f32 to vector<256x128xf32>
    %max3A_1564 = arith.maximumf %slice3A_1561, %max3A_1563 : vector<256x128xf32>
    %add3A_1565 = arith.addf %add3A_1560, %max3A_1564 : vector<256x128xf32>
    %slice3A_1566 = vector.extract_strided_slice %add3A_1551 {offsets = [768, 0], sizes = [256, 128], strides = [1, 1]} : vector<5120x128xf32> to vector<256x128xf32>
    %max3A_1567 = arith.constant 0.000000e+00 : f32
    %max3A_1568 = vector.broadcast %max3A_1567 : f32 to vector<256x128xf32>
    %max3A_1569 = arith.maximumf %slice3A_1566, %max3A_1568 : vector<256x128xf32>
    %add3A_1570 = arith.addf %add3A_1565, %max3A_1569 : vector<256x128xf32>
    %slice3A_1571 = vector.extract_strided_slice %add3A_1551 {offsets = [1024, 0], sizes = [256, 128], strides = [1, 1]} : vector<5120x128xf32> to vector<256x128xf32>
    %max3A_1572 = arith.constant 0.000000e+00 : f32
    %max3A_1573 = vector.broadcast %max3A_1572 : f32 to vector<256x128xf32>
    %max3A_1574 = arith.maximumf %slice3A_1571, %max3A_1573 : vector<256x128xf32>
    %add3A_1575 = arith.addf %add3A_1570, %max3A_1574 : vector<256x128xf32>
    %slice3A_1576 = vector.extract_strided_slice %add3A_1551 {offsets = [1280, 0], sizes = [256, 128], strides = [1, 1]} : vector<5120x128xf32> to vector<256x128xf32>
    %max3A_1577 = arith.constant 0.000000e+00 : f32
    %max3A_1578 = vector.broadcast %max3A_1577 : f32 to vector<256x128xf32>
    %max3A_1579 = arith.maximumf %slice3A_1576, %max3A_1578 : vector<256x128xf32>
    %add3A_1580 = arith.addf %add3A_1575, %max3A_1579 : vector<256x128xf32>
    %slice3A_1581 = vector.extract_strided_slice %add3A_1551 {offsets = [1536, 0], sizes = [256, 128], strides = [1, 1]} : vector<5120x128xf32> to vector<256x128xf32>
    %max3A_1582 = arith.constant 0.000000e+00 : f32
    %max3A_1583 = vector.broadcast %max3A_1582 : f32 to vector<256x128xf32>
    %max3A_1584 = arith.maximumf %slice3A_1581, %max3A_1583 : vector<256x128xf32>
    %add3A_1585 = arith.addf %add3A_1580, %max3A_1584 : vector<256x128xf32>
    %slice3A_1586 = vector.extract_strided_slice %add3A_1551 {offsets = [1792, 0], sizes = [256, 128], strides = [1, 1]} : vector<5120x128xf32> to vector<256x128xf32>
    %max3A_1587 = arith.constant 0.000000e+00 : f32
    %max3A_1588 = vector.broadcast %max3A_1587 : f32 to vector<256x128xf32>
    %max3A_1589 = arith.maximumf %slice3A_1586, %max3A_1588 : vector<256x128xf32>
    %add3A_1590 = arith.addf %add3A_1585, %max3A_1589 : vector<256x128xf32>
    %slice3A_1591 = vector.extract_strided_slice %add3A_1551 {offsets = [2048, 0], sizes = [256, 128], strides = [1, 1]} : vector<5120x128xf32> to vector<256x128xf32>
    %max3A_1592 = arith.constant 0.000000e+00 : f32
    %max3A_1593 = vector.broadcast %max3A_1592 : f32 to vector<256x128xf32>
    %max3A_1594 = arith.maximumf %slice3A_1591, %max3A_1593 : vector<256x128xf32>
    %add3A_1595 = arith.addf %add3A_1590, %max3A_1594 : vector<256x128xf32>
    %slice3A_1596 = vector.extract_strided_slice %add3A_1551 {offsets = [2304, 0], sizes = [256, 128], strides = [1, 1]} : vector<5120x128xf32> to vector<256x128xf32>
    %max3A_1597 = arith.constant 0.000000e+00 : f32
    %max3A_1598 = vector.broadcast %max3A_1597 : f32 to vector<256x128xf32>
    %max3A_1599 = arith.maximumf %slice3A_1596, %max3A_1598 : vector<256x128xf32>
    %add3A_1600 = arith.addf %add3A_1595, %max3A_1599 : vector<256x128xf32>
    %slice3A_1601 = vector.extract_strided_slice %add3A_1551 {offsets = [2560, 0], sizes = [256, 128], strides = [1, 1]} : vector<5120x128xf32> to vector<256x128xf32>
    %max3A_1602 = arith.constant 0.000000e+00 : f32
    %max3A_1603 = vector.broadcast %max3A_1602 : f32 to vector<256x128xf32>
    %max3A_1604 = arith.maximumf %slice3A_1601, %max3A_1603 : vector<256x128xf32>
    %add3A_1605 = arith.addf %add3A_1600, %max3A_1604 : vector<256x128xf32>
    %slice3A_1606 = vector.extract_strided_slice %add3A_1551 {offsets = [2816, 0], sizes = [256, 128], strides = [1, 1]} : vector<5120x128xf32> to vector<256x128xf32>
    %max3A_1607 = arith.constant 0.000000e+00 : f32
    %max3A_1608 = vector.broadcast %max3A_1607 : f32 to vector<256x128xf32>
    %max3A_1609 = arith.maximumf %slice3A_1606, %max3A_1608 : vector<256x128xf32>
    %add3A_1610 = arith.addf %add3A_1605, %max3A_1609 : vector<256x128xf32>
    %slice3A_1611 = vector.extract_strided_slice %add3A_1551 {offsets = [3072, 0], sizes = [256, 128], strides = [1, 1]} : vector<5120x128xf32> to vector<256x128xf32>
    %max3A_1612 = arith.constant 0.000000e+00 : f32
    %max3A_1613 = vector.broadcast %max3A_1612 : f32 to vector<256x128xf32>
    %max3A_1614 = arith.maximumf %slice3A_1611, %max3A_1613 : vector<256x128xf32>
    %add3A_1615 = arith.addf %add3A_1610, %max3A_1614 : vector<256x128xf32>
    %slice3A_1616 = vector.extract_strided_slice %add3A_1551 {offsets = [3328, 0], sizes = [256, 128], strides = [1, 1]} : vector<5120x128xf32> to vector<256x128xf32>
    %max3A_1617 = arith.constant 0.000000e+00 : f32
    %max3A_1618 = vector.broadcast %max3A_1617 : f32 to vector<256x128xf32>
    %max3A_1619 = arith.maximumf %slice3A_1616, %max3A_1618 : vector<256x128xf32>
    %add3A_1620 = arith.addf %add3A_1615, %max3A_1619 : vector<256x128xf32>
    %slice3A_1621 = vector.extract_strided_slice %add3A_1551 {offsets = [3584, 0], sizes = [256, 128], strides = [1, 1]} : vector<5120x128xf32> to vector<256x128xf32>
    %max3A_1622 = arith.constant 0.000000e+00 : f32
    %max3A_1623 = vector.broadcast %max3A_1622 : f32 to vector<256x128xf32>
    %max3A_1624 = arith.maximumf %slice3A_1621, %max3A_1623 : vector<256x128xf32>
    %add3A_1625 = arith.addf %add3A_1620, %max3A_1624 : vector<256x128xf32>
    %slice3A_1626 = vector.extract_strided_slice %add3A_1551 {offsets = [3840, 0], sizes = [256, 128], strides = [1, 1]} : vector<5120x128xf32> to vector<256x128xf32>
    %max3A_1627 = arith.constant 0.000000e+00 : f32
    %max3A_1628 = vector.broadcast %max3A_1627 : f32 to vector<256x128xf32>
    %max3A_1629 = arith.maximumf %slice3A_1626, %max3A_1628 : vector<256x128xf32>
    %add3A_1630 = arith.addf %add3A_1625, %max3A_1629 : vector<256x128xf32>
    %slice3A_1631 = vector.extract_strided_slice %add3A_1551 {offsets = [4096, 0], sizes = [256, 128], strides = [1, 1]} : vector<5120x128xf32> to vector<256x128xf32>
    %max3A_1632 = arith.constant 0.000000e+00 : f32
    %max3A_1633 = vector.broadcast %max3A_1632 : f32 to vector<256x128xf32>
    %max3A_1634 = arith.maximumf %slice3A_1631, %max3A_1633 : vector<256x128xf32>
    %add3A_1635 = arith.addf %add3A_1630, %max3A_1634 : vector<256x128xf32>
    %slice3A_1636 = vector.extract_strided_slice %add3A_1551 {offsets = [4352, 0], sizes = [256, 128], strides = [1, 1]} : vector<5120x128xf32> to vector<256x128xf32>
    %max3A_1637 = arith.constant 0.000000e+00 : f32
    %max3A_1638 = vector.broadcast %max3A_1637 : f32 to vector<256x128xf32>
    %max3A_1639 = arith.maximumf %slice3A_1636, %max3A_1638 : vector<256x128xf32>
    %add3A_1640 = arith.addf %add3A_1635, %max3A_1639 : vector<256x128xf32>
    %slice3A_1641 = vector.extract_strided_slice %add3A_1551 {offsets = [4608, 0], sizes = [256, 128], strides = [1, 1]} : vector<5120x128xf32> to vector<256x128xf32>
    %max3A_1642 = arith.constant 0.000000e+00 : f32
    %max3A_1643 = vector.broadcast %max3A_1642 : f32 to vector<256x128xf32>
    %max3A_1644 = arith.maximumf %slice3A_1641, %max3A_1643 : vector<256x128xf32>
    %add3A_1645 = arith.addf %add3A_1640, %max3A_1644 : vector<256x128xf32>
    %slice3A_1646 = vector.extract_strided_slice %add3A_1551 {offsets = [4864, 0], sizes = [256, 128], strides = [1, 1]} : vector<5120x128xf32> to vector<256x128xf32>
    %max3A_1647 = arith.constant 0.000000e+00 : f32
    %max3A_1648 = vector.broadcast %max3A_1647 : f32 to vector<256x128xf32>
    %max3A_1649 = arith.maximumf %slice3A_1646, %max3A_1648 : vector<256x128xf32>
    %add3A_1650 = arith.addf %add3A_1645, %max3A_1649 : vector<256x128xf32>
    %get3A_1651 = arith.constant 0 : index
    %get3A_1652 = arith.constant 0 : index
    %get3A_1653 = vector.load %arg7[%get3A_1651, %get3A_1652] : memref<128x128xf32, #tpu.memory_space<vmem>>, vector<128x128xf32>
    %dot_general3A_1654 = arith.constant dense<0.000000e+00> : vector<256x128xf32>
    %dot_general3A_1655 = tpu.matmul %add3A_1650, %get3A_1653, %dot_general3A_1654 {dimension_numbers = #tpu.dot_dimension_numbers<[1], [0], [0], [1], [0, 0, 1, 1], [], []>, transpose_lhs_hint = false} : vector<256x128xf32>, vector<128x128xf32>, vector<256x128xf32> -> vector<256x128xf32>
    %div3A_1656 = arith.constant 2.000000e+01 : f32
    %div3A_1657 = vector.broadcast %div3A_1656 : f32 to vector<256x128xf32>
    %div3A_1658 = arith.divf %dot_general3A_1655, %div3A_1657 : vector<256x128xf32>
    %get3A_1659 = arith.constant 0 : index
    %get3A_1660 = arith.constant 0 : index
    %get3A_1661 = vector.load %arg8[%get3A_1659, %get3A_1660] : memref<1x128xf32, #tpu.memory_space<vmem>>, vector<1x128xf32>
    %add3A_1662 = vector.broadcast %get3A_1661 : vector<1x128xf32> to vector<256x128xf32>
    %add3A_1663 = arith.addf %div3A_1658, %add3A_1662 : vector<256x128xf32>
    %reduce_sum3A_1664 = arith.constant dense<0.000000e+00> : vector<256xf32>
    %reduce_sum3A_1665 = vector.multi_reduction <add>, %add3A_1663, %reduce_sum3A_1664 [1] : vector<256x128xf32> to vector<256xf32>
    %broadcast_in_dim3A_1666 = vector.shape_cast %reduce_sum3A_1665 : vector<256xf32> to vector<256x1xf32>
    %div3A_1667 = arith.constant 1.280000e+02 : f32
    %div3A_1668 = vector.broadcast %div3A_1667 : f32 to vector<256x1xf32>
    %div3A_1669 = arith.divf %broadcast_in_dim3A_1666, %div3A_1668 : vector<256x1xf32>
    %sub3A_1670 = vector.broadcast %div3A_1669 : vector<256x1xf32> to vector<256x128xf32>
    %sub3A_1671 = arith.subf %add3A_1663, %sub3A_1670 : vector<256x128xf32>
    %integer_pow3A = arith.mulf %sub3A_1671, %sub3A_1671 : vector<256x128xf32>
    %reduce_sum3A_1672 = arith.constant dense<0.000000e+00> : vector<256xf32>
    %reduce_sum3A_1673 = vector.multi_reduction <add>, %integer_pow3A, %reduce_sum3A_1672 [1] : vector<256x128xf32> to vector<256xf32>
    %broadcast_in_dim3A_1674 = vector.shape_cast %reduce_sum3A_1673 : vector<256xf32> to vector<256x1xf32>
    %div3A_1675 = arith.constant 1.280000e+02 : f32
    %div3A_1676 = vector.broadcast %div3A_1675 : f32 to vector<256x1xf32>
    %div3A_1677 = arith.divf %broadcast_in_dim3A_1674, %div3A_1676 : vector<256x1xf32>
    %sub3A_1678 = vector.broadcast %div3A_1669 : vector<256x1xf32> to vector<256x128xf32>
    %sub3A_1679 = arith.subf %add3A_1663, %sub3A_1678 : vector<256x128xf32>
    %add3A_1680 = arith.constant 9.99999974E-6 : f32
    %add3A_1681 = vector.broadcast %add3A_1680 : f32 to vector<256x1xf32>
    %add3A_1682 = arith.addf %div3A_1677, %add3A_1681 : vector<256x1xf32>
    %sqrt3A_1683 = math.sqrt %add3A_1682 : vector<256x1xf32>
    %div3A_1684 = vector.broadcast %sqrt3A_1683 : vector<256x1xf32> to vector<256x128xf32>
    %div3A_1685 = arith.divf %sub3A_1679, %div3A_1684 : vector<256x128xf32>
    %swap3A_1686 = arith.constant 0 : index
    %swap3A_1687 = arith.constant 0 : index
    %swap3A_1688 = arith.constant 0 : index
    %swap3A_1689 = vector.load %arg13[%swap3A_1686, %swap3A_1687, %swap3A_1688] : memref<1x256x128xf32, #tpu.memory_space<vmem>>, vector<1x256x128xf32>
    %swap3A_1690 = vector.shape_cast %swap3A_1689 : vector<1x256x128xf32> to vector<256x128xf32>
    %swap3A_1691 = vector.shape_cast %div3A_1685 : vector<256x128xf32> to vector<1x256x128xf32>
    tpu.vector_store %arg13[%swap3A_1686, %swap3A_1687, %swap3A_1688], %swap3A_1691 {strides = array<i32>} : memref<1x256x128xf32, #tpu.memory_space<vmem>>, vector<1x256x128xf32>,
    %get3A_1692 = arith.constant 0 : index
    %get3A_1693 = arith.constant 0 : index
    %get3A_1694 = vector.load %arg9[%get3A_1692, %get3A_1693] : memref<128x128xf32, #tpu.memory_space<vmem>>, vector<128x128xf32>
    %dot_general3A_1695 = arith.constant dense<0.000000e+00> : vector<256x128xf32>
    %dot_general3A_1696 = tpu.matmul %div3A_1685, %get3A_1694, %dot_general3A_1695 {dimension_numbers = #tpu.dot_dimension_numbers<[1], [0], [0], [1], [0, 0, 1, 1], [], []>, transpose_lhs_hint = false} : vector<256x128xf32>, vector<128x128xf32>, vector<256x128xf32> -> vector<256x128xf32>
    %swap3A_1697 = arith.constant 0 : index
    %swap3A_1698 = arith.constant 0 : index
    %swap3A_1699 = arith.constant 0 : index
    %swap3A_1700 = vector.load %arg14[%swap3A_1697, %swap3A_1698, %swap3A_1699] : memref<1x256x128xf32, #tpu.memory_space<vmem>>, vector<1x256x128xf32>
    %swap3A_1701 = vector.shape_cast %swap3A_1700 : vector<1x256x128xf32> to vector<256x128xf32>
    %swap3A_1702 = vector.shape_cast %dot_general3A_1696 : vector<256x128xf32> to vector<1x256x128xf32>
    tpu.vector_store %arg14[%swap3A_1697, %swap3A_1698, %swap3A_1699], %swap3A_1702 {strides = array<i32>} : memref<1x256x128xf32, #tpu.memory_space<vmem>>, vector<1x256x128xf32>,
    return
  }
  func.func @transform_0(%arg0: i32, %arg1: i32) -> (i32, i32, i32) {
    %c0_i32 = arith.constant 0 : i32
    %c0_i32_0 = arith.constant 0 : i32
    return %arg0, %arg1, %c0_i32 : i32, i32, i32
  }
  func.func @transform_1(%arg0: i32, %arg1: i32) -> (i32, i32, i32) {
    %c0_i32 = arith.constant 0 : i32
    %c0_i32_0 = arith.constant 0 : i32
    %c0_i32_1 = arith.constant 0 : i32
    return %arg0, %c0_i32, %c0_i32_0 : i32, i32, i32
  }
  func.func @transform_2(%arg0: i32, %arg1: i32) -> (i32, i32) {
    %c0_i32 = arith.constant 0 : i32
    %c0_i32_0 = arith.constant 0 : i32
    %c0_i32_1 = arith.constant 0 : i32
    return %c0_i32, %c0_i32_0 : i32, i32
  }
  func.func @transform_3(%arg0: i32, %arg1: i32) -> (i32, i32) {
    %c0_i32 = arith.constant 0 : i32
    %c0_i32_0 = arith.constant 0 : i32
    %c0_i32_1 = arith.constant 0 : i32
    return %c0_i32, %c0_i32_0 : i32, i32
  }
  func.func @transform_4(%arg0: i32, %arg1: i32) -> (i32, i32) {
    %c0_i32 = arith.constant 0 : i32
    %c0_i32_0 = arith.constant 0 : i32
    %c0_i32_1 = arith.constant 0 : i32
    return %c0_i32, %c0_i32_0 : i32, i32
  }
  func.func @transform_5(%arg0: i32, %arg1: i32) -> (i32, i32) {
    %c0_i32 = arith.constant 0 : i32
    %c0_i32_0 = arith.constant 0 : i32
    %c0_i32_1 = arith.constant 0 : i32
    return %c0_i32, %c0_i32_0 : i32, i32
  }
  func.func @transform_6(%arg0: i32, %arg1: i32) -> (i32, i32) {
    %c0_i32 = arith.constant 0 : i32
    %c0_i32_0 = arith.constant 0 : i32
    %c0_i32_1 = arith.constant 0 : i32
    return %c0_i32, %c0_i32_0 : i32, i32
  }
  func.func @transform_7(%arg0: i32, %arg1: i32) -> (i32, i32) {
    %c0_i32 = arith.constant 0 : i32
    %c0_i32_0 = arith.constant 0 : i32
    %c0_i32_1 = arith.constant 0 : i32
    return %c0_i32, %c0_i32_0 : i32, i32
  }
  func.func @transform_8(%arg0: i32, %arg1: i32) -> (i32, i32) {
    %c0_i32 = arith.constant 0 : i32
    %c0_i32_0 = arith.constant 0 : i32
    %c0_i32_1 = arith.constant 0 : i32
    return %c0_i32, %c0_i32_0 : i32, i32
  }
  func.func @transform_9(%arg0: i32, %arg1: i32) -> (i32, i32, i32) {
    %c0_i32 = arith.constant 0 : i32
    %c0_i32_0 = arith.constant 0 : i32
    return %arg0, %arg1, %c0_i32 : i32, i32, i32
  }
  func.func @transform_10(%arg0: i32, %arg1: i32) -> (i32, i32) {
    %mul3A = arith.constant 4 : i32
    %mul3A_0 = arith.muli %arg0, %mul3A : i32
    %add3A = arith.addi %mul3A_0, %arg1 : i32
    %c0_i32 = arith.constant 0 : i32
    %c0_i32_1 = arith.constant 0 : i32
    return %add3A, %c0_i32 : i32, i32
  }
  func.func @transform_11(%arg0: i32, %arg1: i32) -> (i32, i32, i32) {
    %c0_i32 = arith.constant 0 : i32
    %c0_i32_0 = arith.constant 0 : i32
    return %arg0, %arg1, %c0_i32 : i32, i32, i32
  }
  func.func @transform_12(%arg0: i32, %arg1: i32) -> (i32, i32, i32) {
    %c0_i32 = arith.constant 0 : i32
    %c0_i32_0 = arith.constant 0 : i32
    return %arg0, %arg1, %c0_i32 : i32, i32, i32
  }
  func.func @transform_13(%arg0: i32, %arg1: i32) -> (i32, i32, i32) {
    %c0_i32 = arith.constant 0 : i32
    %c0_i32_0 = arith.constant 0 : i32
    %c0_i32_1 = arith.constant 0 : i32
    return %arg0, %c0_i32, %c0_i32_0 : i32, i32, i32
  }
}

module attributes {stable_mosaic.version = 14 : i64} {
  func.func @_layer_body(%arg0: i32, %arg1: i32, %arg2: memref<1x256x128xf32, #tpu.memory_space<vmem>>, %arg3: memref<5120x128xf32, #tpu.memory_space<vmem>>, %arg4: memref<5120x81xf32, #tpu.memory_space<vmem>>, %arg5: memref<1x1x256xf32, #tpu.memory_space<vmem>>, %arg6: memref<128x128xf32, #tpu.memory_space<vmem>>, %arg7: memref<81x128xf32, #tpu.memory_space<vmem>>, %arg8: memref<1x128xf32, #tpu.memory_space<vmem>>, %arg9: memref<128x128xf32, #tpu.memory_space<vmem>>, %arg10: memref<1x128xf32, #tpu.memory_space<vmem>>, %arg11: memref<128x2xf32, #tpu.memory_space<vmem>>, %arg12: memref<1x1xf32, #tpu.memory_space<vmem>>, %arg13: memref<1x256x128xf32, #tpu.memory_space<vmem>>, %arg14: memref<1x1x1xf32, #tpu.memory_space<vmem>>) attributes {dimension_semantics = [#tpu.dimension_semantics<parallel>, #tpu.dimension_semantics<arbitrary>], iteration_bounds = array<i64: 4, 4>, scalar_prefetch = 0 : i64, scratch_operands = 0 : i64, tpu.core_type = #tpu.core_type<tc>, window_params = [{transform_indices = @transform_0, window_bounds = array<i64: 1, 256, 128>}, {transform_indices = @transform_1, window_bounds = array<i64: 5120, 128>}, {transform_indices = @transform_2, window_bounds = array<i64: 5120, 81>}, {transform_indices = @transform_3, window_bounds = array<i64: 1, 1, 256>}, {pipeline_mode = #tpu.pipeline_mode<synchronous>, transform_indices = @transform_4, window_bounds = array<i64: 128, 128>}, {pipeline_mode = #tpu.pipeline_mode<synchronous>, transform_indices = @transform_5, window_bounds = array<i64: 81, 128>}, {pipeline_mode = #tpu.pipeline_mode<synchronous>, transform_indices = @transform_6, window_bounds = array<i64: 1, 128>}, {pipeline_mode = #tpu.pipeline_mode<synchronous>, transform_indices = @transform_7, window_bounds = array<i64: 128, 128>}, {pipeline_mode = #tpu.pipeline_mode<synchronous>, transform_indices = @transform_8, window_bounds = array<i64: 1, 128>}, {pipeline_mode = #tpu.pipeline_mode<synchronous>, transform_indices = @transform_9, window_bounds = array<i64: 128, 2>}, {pipeline_mode = #tpu.pipeline_mode<synchronous>, transform_indices = @transform_10, window_bounds = array<i64: 1, 1>}, {transform_indices = @transform_11, window_bounds = array<i64: 1, 256, 128>}, {transform_indices = @transform_12, window_bounds = array<i64: 1, 1, 1>}]} {
    %get3A = arith.constant 0 : index
    %get3A_0 = arith.constant 0 : index
    %get3A_1 = arith.constant 0 : index
    %get3A_2 = vector.load %arg2[%get3A, %get3A_0, %get3A_1] : memref<1x256x128xf32, #tpu.memory_space<vmem>>, vector<1x256x128xf32>
    %get3A_3 = vector.shape_cast %get3A_2 : vector<1x256x128xf32> to vector<256x128xf32>
    %get3A_4 = arith.constant 0 : index
    %get3A_5 = arith.constant 0 : index
    %get3A_6 = vector.load %arg6[%get3A_4, %get3A_5] : memref<128x128xf32, #tpu.memory_space<vmem>>, vector<128x128xf32>
    %dot_general3A = arith.constant dense<0.000000e+00> : vector<256x128xf32>
    %dot_general3A_7 = tpu.matmul %get3A_3, %get3A_6, %dot_general3A {dimension_numbers = #tpu.dot_dimension_numbers<[1], [0], [0], [1], [0, 0, 1, 1], [], []>, transpose_lhs_hint = false} : vector<256x128xf32>, vector<128x128xf32>, vector<256x128xf32> -> vector<256x128xf32>
    %get3A_8 = arith.constant 0 : index
    %get3A_9 = arith.constant 0 : index
    %get3A_10 = vector.load %arg4[%get3A_8, %get3A_9] : memref<5120x81xf32, #tpu.memory_space<vmem>>, vector<5120x81xf32>
    %get3A_11 = arith.constant 0 : index
    %get3A_12 = arith.constant 0 : index
    %get3A_13 = vector.load %arg7[%get3A_11, %get3A_12] : memref<81x128xf32, #tpu.memory_space<vmem>>, vector<81x128xf32>
    %dot_general3A_14 = arith.constant dense<0.000000e+00> : vector<5120x128xf32>
    %dot_general3A_15 = tpu.matmul %get3A_10, %get3A_13, %dot_general3A_14 {dimension_numbers = #tpu.dot_dimension_numbers<[1], [0], [0], [1], [0, 0, 1, 1], [], []>, transpose_lhs_hint = false} : vector<5120x81xf32>, vector<81x128xf32>, vector<5120x128xf32> -> vector<5120x128xf32>
    %get3A_16 = arith.constant 0 : index
    %get3A_17 = arith.constant 0 : index
    %get3A_18 = vector.load %arg8[%get3A_16, %get3A_17] : memref<1x128xf32, #tpu.memory_space<vmem>>, vector<1x128xf32>
    %add3A = vector.broadcast %get3A_18 : vector<1x128xf32> to vector<5120x128xf32>
    %add3A_19 = arith.addf %dot_general3A_15, %add3A : vector<5120x128xf32>
    %get3A_20 = arith.constant 0 : index
    %get3A_21 = arith.constant 0 : index
    %get3A_22 = vector.load %arg3[%get3A_20, %get3A_21] : memref<5120x128xf32, #tpu.memory_space<vmem>>, vector<256x128xf32>
    %slice3A = vector.extract_strided_slice %add3A_19 {offsets = [0, 0], sizes = [256, 128], strides = [1, 1]} : vector<5120x128xf32> to vector<256x128xf32>
    %add3A_23 = arith.addf %slice3A, %dot_general3A_7 : vector<256x128xf32>
    %add3A_24 = arith.addf %add3A_23, %get3A_22 : vector<256x128xf32>
    %max3A = arith.constant 0.000000e+00 : f32
    %max3A_25 = vector.broadcast %max3A : f32 to vector<256x128xf32>
    %max3A_26 = arith.maximumf %add3A_24, %max3A_25 : vector<256x128xf32>
    %get3A_27 = arith.constant 256 : index
    %get3A_28 = arith.constant 0 : index
    %get3A_29 = vector.load %arg3[%get3A_27, %get3A_28] : memref<5120x128xf32, #tpu.memory_space<vmem>>, vector<256x128xf32>
    %slice3A_30 = vector.extract_strided_slice %add3A_19 {offsets = [256, 0], sizes = [256, 128], strides = [1, 1]} : vector<5120x128xf32> to vector<256x128xf32>
    %add3A_31 = arith.addf %slice3A_30, %dot_general3A_7 : vector<256x128xf32>
    %add3A_32 = arith.addf %add3A_31, %get3A_29 : vector<256x128xf32>
    %max3A_33 = arith.constant 0.000000e+00 : f32
    %max3A_34 = vector.broadcast %max3A_33 : f32 to vector<256x128xf32>
    %max3A_35 = arith.maximumf %add3A_32, %max3A_34 : vector<256x128xf32>
    %add3A_36 = arith.addf %max3A_26, %max3A_35 : vector<256x128xf32>
    %get3A_37 = arith.constant 512 : index
    %get3A_38 = arith.constant 0 : index
    %get3A_39 = vector.load %arg3[%get3A_37, %get3A_38] : memref<5120x128xf32, #tpu.memory_space<vmem>>, vector<256x128xf32>
    %slice3A_40 = vector.extract_strided_slice %add3A_19 {offsets = [512, 0], sizes = [256, 128], strides = [1, 1]} : vector<5120x128xf32> to vector<256x128xf32>
    %add3A_41 = arith.addf %slice3A_40, %dot_general3A_7 : vector<256x128xf32>
    %add3A_42 = arith.addf %add3A_41, %get3A_39 : vector<256x128xf32>
    %max3A_43 = arith.constant 0.000000e+00 : f32
    %max3A_44 = vector.broadcast %max3A_43 : f32 to vector<256x128xf32>
    %max3A_45 = arith.maximumf %add3A_42, %max3A_44 : vector<256x128xf32>
    %add3A_46 = arith.addf %add3A_36, %max3A_45 : vector<256x128xf32>
    %get3A_47 = arith.constant 768 : index
    %get3A_48 = arith.constant 0 : index
    %get3A_49 = vector.load %arg3[%get3A_47, %get3A_48] : memref<5120x128xf32, #tpu.memory_space<vmem>>, vector<256x128xf32>
    %slice3A_50 = vector.extract_strided_slice %add3A_19 {offsets = [768, 0], sizes = [256, 128], strides = [1, 1]} : vector<5120x128xf32> to vector<256x128xf32>
    %add3A_51 = arith.addf %slice3A_50, %dot_general3A_7 : vector<256x128xf32>
    %add3A_52 = arith.addf %add3A_51, %get3A_49 : vector<256x128xf32>
    %max3A_53 = arith.constant 0.000000e+00 : f32
    %max3A_54 = vector.broadcast %max3A_53 : f32 to vector<256x128xf32>
    %max3A_55 = arith.maximumf %add3A_52, %max3A_54 : vector<256x128xf32>
    %add3A_56 = arith.addf %add3A_46, %max3A_55 : vector<256x128xf32>
    %get3A_57 = arith.constant 1024 : index
    %get3A_58 = arith.constant 0 : index
    %get3A_59 = vector.load %arg3[%get3A_57, %get3A_58] : memref<5120x128xf32, #tpu.memory_space<vmem>>, vector<256x128xf32>
    %slice3A_60 = vector.extract_strided_slice %add3A_19 {offsets = [1024, 0], sizes = [256, 128], strides = [1, 1]} : vector<5120x128xf32> to vector<256x128xf32>
    %add3A_61 = arith.addf %slice3A_60, %dot_general3A_7 : vector<256x128xf32>
    %add3A_62 = arith.addf %add3A_61, %get3A_59 : vector<256x128xf32>
    %max3A_63 = arith.constant 0.000000e+00 : f32
    %max3A_64 = vector.broadcast %max3A_63 : f32 to vector<256x128xf32>
    %max3A_65 = arith.maximumf %add3A_62, %max3A_64 : vector<256x128xf32>
    %add3A_66 = arith.addf %add3A_56, %max3A_65 : vector<256x128xf32>
    %get3A_67 = arith.constant 1280 : index
    %get3A_68 = arith.constant 0 : index
    %get3A_69 = vector.load %arg3[%get3A_67, %get3A_68] : memref<5120x128xf32, #tpu.memory_space<vmem>>, vector<256x128xf32>
    %slice3A_70 = vector.extract_strided_slice %add3A_19 {offsets = [1280, 0], sizes = [256, 128], strides = [1, 1]} : vector<5120x128xf32> to vector<256x128xf32>
    %add3A_71 = arith.addf %slice3A_70, %dot_general3A_7 : vector<256x128xf32>
    %add3A_72 = arith.addf %add3A_71, %get3A_69 : vector<256x128xf32>
    %max3A_73 = arith.constant 0.000000e+00 : f32
    %max3A_74 = vector.broadcast %max3A_73 : f32 to vector<256x128xf32>
    %max3A_75 = arith.maximumf %add3A_72, %max3A_74 : vector<256x128xf32>
    %add3A_76 = arith.addf %add3A_66, %max3A_75 : vector<256x128xf32>
    %get3A_77 = arith.constant 1536 : index
    %get3A_78 = arith.constant 0 : index
    %get3A_79 = vector.load %arg3[%get3A_77, %get3A_78] : memref<5120x128xf32, #tpu.memory_space<vmem>>, vector<256x128xf32>
    %slice3A_80 = vector.extract_strided_slice %add3A_19 {offsets = [1536, 0], sizes = [256, 128], strides = [1, 1]} : vector<5120x128xf32> to vector<256x128xf32>
    %add3A_81 = arith.addf %slice3A_80, %dot_general3A_7 : vector<256x128xf32>
    %add3A_82 = arith.addf %add3A_81, %get3A_79 : vector<256x128xf32>
    %max3A_83 = arith.constant 0.000000e+00 : f32
    %max3A_84 = vector.broadcast %max3A_83 : f32 to vector<256x128xf32>
    %max3A_85 = arith.maximumf %add3A_82, %max3A_84 : vector<256x128xf32>
    %add3A_86 = arith.addf %add3A_76, %max3A_85 : vector<256x128xf32>
    %get3A_87 = arith.constant 1792 : index
    %get3A_88 = arith.constant 0 : index
    %get3A_89 = vector.load %arg3[%get3A_87, %get3A_88] : memref<5120x128xf32, #tpu.memory_space<vmem>>, vector<256x128xf32>
    %slice3A_90 = vector.extract_strided_slice %add3A_19 {offsets = [1792, 0], sizes = [256, 128], strides = [1, 1]} : vector<5120x128xf32> to vector<256x128xf32>
    %add3A_91 = arith.addf %slice3A_90, %dot_general3A_7 : vector<256x128xf32>
    %add3A_92 = arith.addf %add3A_91, %get3A_89 : vector<256x128xf32>
    %max3A_93 = arith.constant 0.000000e+00 : f32
    %max3A_94 = vector.broadcast %max3A_93 : f32 to vector<256x128xf32>
    %max3A_95 = arith.maximumf %add3A_92, %max3A_94 : vector<256x128xf32>
    %add3A_96 = arith.addf %add3A_86, %max3A_95 : vector<256x128xf32>
    %get3A_97 = arith.constant 2048 : index
    %get3A_98 = arith.constant 0 : index
    %get3A_99 = vector.load %arg3[%get3A_97, %get3A_98] : memref<5120x128xf32, #tpu.memory_space<vmem>>, vector<256x128xf32>
    %slice3A_100 = vector.extract_strided_slice %add3A_19 {offsets = [2048, 0], sizes = [256, 128], strides = [1, 1]} : vector<5120x128xf32> to vector<256x128xf32>
    %add3A_101 = arith.addf %slice3A_100, %dot_general3A_7 : vector<256x128xf32>
    %add3A_102 = arith.addf %add3A_101, %get3A_99 : vector<256x128xf32>
    %max3A_103 = arith.constant 0.000000e+00 : f32
    %max3A_104 = vector.broadcast %max3A_103 : f32 to vector<256x128xf32>
    %max3A_105 = arith.maximumf %add3A_102, %max3A_104 : vector<256x128xf32>
    %add3A_106 = arith.addf %add3A_96, %max3A_105 : vector<256x128xf32>
    %get3A_107 = arith.constant 2304 : index
    %get3A_108 = arith.constant 0 : index
    %get3A_109 = vector.load %arg3[%get3A_107, %get3A_108] : memref<5120x128xf32, #tpu.memory_space<vmem>>, vector<256x128xf32>
    %slice3A_110 = vector.extract_strided_slice %add3A_19 {offsets = [2304, 0], sizes = [256, 128], strides = [1, 1]} : vector<5120x128xf32> to vector<256x128xf32>
    %add3A_111 = arith.addf %slice3A_110, %dot_general3A_7 : vector<256x128xf32>
    %add3A_112 = arith.addf %add3A_111, %get3A_109 : vector<256x128xf32>
    %max3A_113 = arith.constant 0.000000e+00 : f32
    %max3A_114 = vector.broadcast %max3A_113 : f32 to vector<256x128xf32>
    %max3A_115 = arith.maximumf %add3A_112, %max3A_114 : vector<256x128xf32>
    %add3A_116 = arith.addf %add3A_106, %max3A_115 : vector<256x128xf32>
    %get3A_117 = arith.constant 2560 : index
    %get3A_118 = arith.constant 0 : index
    %get3A_119 = vector.load %arg3[%get3A_117, %get3A_118] : memref<5120x128xf32, #tpu.memory_space<vmem>>, vector<256x128xf32>
    %slice3A_120 = vector.extract_strided_slice %add3A_19 {offsets = [2560, 0], sizes = [256, 128], strides = [1, 1]} : vector<5120x128xf32> to vector<256x128xf32>
    %add3A_121 = arith.addf %slice3A_120, %dot_general3A_7 : vector<256x128xf32>
    %add3A_122 = arith.addf %add3A_121, %get3A_119 : vector<256x128xf32>
    %max3A_123 = arith.constant 0.000000e+00 : f32
    %max3A_124 = vector.broadcast %max3A_123 : f32 to vector<256x128xf32>
    %max3A_125 = arith.maximumf %add3A_122, %max3A_124 : vector<256x128xf32>
    %add3A_126 = arith.addf %add3A_116, %max3A_125 : vector<256x128xf32>
    %get3A_127 = arith.constant 2816 : index
    %get3A_128 = arith.constant 0 : index
    %get3A_129 = vector.load %arg3[%get3A_127, %get3A_128] : memref<5120x128xf32, #tpu.memory_space<vmem>>, vector<256x128xf32>
    %slice3A_130 = vector.extract_strided_slice %add3A_19 {offsets = [2816, 0], sizes = [256, 128], strides = [1, 1]} : vector<5120x128xf32> to vector<256x128xf32>
    %add3A_131 = arith.addf %slice3A_130, %dot_general3A_7 : vector<256x128xf32>
    %add3A_132 = arith.addf %add3A_131, %get3A_129 : vector<256x128xf32>
    %max3A_133 = arith.constant 0.000000e+00 : f32
    %max3A_134 = vector.broadcast %max3A_133 : f32 to vector<256x128xf32>
    %max3A_135 = arith.maximumf %add3A_132, %max3A_134 : vector<256x128xf32>
    %add3A_136 = arith.addf %add3A_126, %max3A_135 : vector<256x128xf32>
    %get3A_137 = arith.constant 3072 : index
    %get3A_138 = arith.constant 0 : index
    %get3A_139 = vector.load %arg3[%get3A_137, %get3A_138] : memref<5120x128xf32, #tpu.memory_space<vmem>>, vector<256x128xf32>
    %slice3A_140 = vector.extract_strided_slice %add3A_19 {offsets = [3072, 0], sizes = [256, 128], strides = [1, 1]} : vector<5120x128xf32> to vector<256x128xf32>
    %add3A_141 = arith.addf %slice3A_140, %dot_general3A_7 : vector<256x128xf32>
    %add3A_142 = arith.addf %add3A_141, %get3A_139 : vector<256x128xf32>
    %max3A_143 = arith.constant 0.000000e+00 : f32
    %max3A_144 = vector.broadcast %max3A_143 : f32 to vector<256x128xf32>
    %max3A_145 = arith.maximumf %add3A_142, %max3A_144 : vector<256x128xf32>
    %add3A_146 = arith.addf %add3A_136, %max3A_145 : vector<256x128xf32>
    %get3A_147 = arith.constant 3328 : index
    %get3A_148 = arith.constant 0 : index
    %get3A_149 = vector.load %arg3[%get3A_147, %get3A_148] : memref<5120x128xf32, #tpu.memory_space<vmem>>, vector<256x128xf32>
    %slice3A_150 = vector.extract_strided_slice %add3A_19 {offsets = [3328, 0], sizes = [256, 128], strides = [1, 1]} : vector<5120x128xf32> to vector<256x128xf32>
    %add3A_151 = arith.addf %slice3A_150, %dot_general3A_7 : vector<256x128xf32>
    %add3A_152 = arith.addf %add3A_151, %get3A_149 : vector<256x128xf32>
    %max3A_153 = arith.constant 0.000000e+00 : f32
    %max3A_154 = vector.broadcast %max3A_153 : f32 to vector<256x128xf32>
    %max3A_155 = arith.maximumf %add3A_152, %max3A_154 : vector<256x128xf32>
    %add3A_156 = arith.addf %add3A_146, %max3A_155 : vector<256x128xf32>
    %get3A_157 = arith.constant 3584 : index
    %get3A_158 = arith.constant 0 : index
    %get3A_159 = vector.load %arg3[%get3A_157, %get3A_158] : memref<5120x128xf32, #tpu.memory_space<vmem>>, vector<256x128xf32>
    %slice3A_160 = vector.extract_strided_slice %add3A_19 {offsets = [3584, 0], sizes = [256, 128], strides = [1, 1]} : vector<5120x128xf32> to vector<256x128xf32>
    %add3A_161 = arith.addf %slice3A_160, %dot_general3A_7 : vector<256x128xf32>
    %add3A_162 = arith.addf %add3A_161, %get3A_159 : vector<256x128xf32>
    %max3A_163 = arith.constant 0.000000e+00 : f32
    %max3A_164 = vector.broadcast %max3A_163 : f32 to vector<256x128xf32>
    %max3A_165 = arith.maximumf %add3A_162, %max3A_164 : vector<256x128xf32>
    %add3A_166 = arith.addf %add3A_156, %max3A_165 : vector<256x128xf32>
    %get3A_167 = arith.constant 3840 : index
    %get3A_168 = arith.constant 0 : index
    %get3A_169 = vector.load %arg3[%get3A_167, %get3A_168] : memref<5120x128xf32, #tpu.memory_space<vmem>>, vector<256x128xf32>
    %slice3A_170 = vector.extract_strided_slice %add3A_19 {offsets = [3840, 0], sizes = [256, 128], strides = [1, 1]} : vector<5120x128xf32> to vector<256x128xf32>
    %add3A_171 = arith.addf %slice3A_170, %dot_general3A_7 : vector<256x128xf32>
    %add3A_172 = arith.addf %add3A_171, %get3A_169 : vector<256x128xf32>
    %max3A_173 = arith.constant 0.000000e+00 : f32
    %max3A_174 = vector.broadcast %max3A_173 : f32 to vector<256x128xf32>
    %max3A_175 = arith.maximumf %add3A_172, %max3A_174 : vector<256x128xf32>
    %add3A_176 = arith.addf %add3A_166, %max3A_175 : vector<256x128xf32>
    %get3A_177 = arith.constant 4096 : index
    %get3A_178 = arith.constant 0 : index
    %get3A_179 = vector.load %arg3[%get3A_177, %get3A_178] : memref<5120x128xf32, #tpu.memory_space<vmem>>, vector<256x128xf32>
    %slice3A_180 = vector.extract_strided_slice %add3A_19 {offsets = [4096, 0], sizes = [256, 128], strides = [1, 1]} : vector<5120x128xf32> to vector<256x128xf32>
    %add3A_181 = arith.addf %slice3A_180, %dot_general3A_7 : vector<256x128xf32>
    %add3A_182 = arith.addf %add3A_181, %get3A_179 : vector<256x128xf32>
    %max3A_183 = arith.constant 0.000000e+00 : f32
    %max3A_184 = vector.broadcast %max3A_183 : f32 to vector<256x128xf32>
    %max3A_185 = arith.maximumf %add3A_182, %max3A_184 : vector<256x128xf32>
    %add3A_186 = arith.addf %add3A_176, %max3A_185 : vector<256x128xf32>
    %get3A_187 = arith.constant 4352 : index
    %get3A_188 = arith.constant 0 : index
    %get3A_189 = vector.load %arg3[%get3A_187, %get3A_188] : memref<5120x128xf32, #tpu.memory_space<vmem>>, vector<256x128xf32>
    %slice3A_190 = vector.extract_strided_slice %add3A_19 {offsets = [4352, 0], sizes = [256, 128], strides = [1, 1]} : vector<5120x128xf32> to vector<256x128xf32>
    %add3A_191 = arith.addf %slice3A_190, %dot_general3A_7 : vector<256x128xf32>
    %add3A_192 = arith.addf %add3A_191, %get3A_189 : vector<256x128xf32>
    %max3A_193 = arith.constant 0.000000e+00 : f32
    %max3A_194 = vector.broadcast %max3A_193 : f32 to vector<256x128xf32>
    %max3A_195 = arith.maximumf %add3A_192, %max3A_194 : vector<256x128xf32>
    %add3A_196 = arith.addf %add3A_186, %max3A_195 : vector<256x128xf32>
    %get3A_197 = arith.constant 4608 : index
    %get3A_198 = arith.constant 0 : index
    %get3A_199 = vector.load %arg3[%get3A_197, %get3A_198] : memref<5120x128xf32, #tpu.memory_space<vmem>>, vector<256x128xf32>
    %slice3A_200 = vector.extract_strided_slice %add3A_19 {offsets = [4608, 0], sizes = [256, 128], strides = [1, 1]} : vector<5120x128xf32> to vector<256x128xf32>
    %add3A_201 = arith.addf %slice3A_200, %dot_general3A_7 : vector<256x128xf32>
    %add3A_202 = arith.addf %add3A_201, %get3A_199 : vector<256x128xf32>
    %max3A_203 = arith.constant 0.000000e+00 : f32
    %max3A_204 = vector.broadcast %max3A_203 : f32 to vector<256x128xf32>
    %max3A_205 = arith.maximumf %add3A_202, %max3A_204 : vector<256x128xf32>
    %add3A_206 = arith.addf %add3A_196, %max3A_205 : vector<256x128xf32>
    %get3A_207 = arith.constant 4864 : index
    %get3A_208 = arith.constant 0 : index
    %get3A_209 = vector.load %arg3[%get3A_207, %get3A_208] : memref<5120x128xf32, #tpu.memory_space<vmem>>, vector<256x128xf32>
    %slice3A_210 = vector.extract_strided_slice %add3A_19 {offsets = [4864, 0], sizes = [256, 128], strides = [1, 1]} : vector<5120x128xf32> to vector<256x128xf32>
    %add3A_211 = arith.addf %slice3A_210, %dot_general3A_7 : vector<256x128xf32>
    %add3A_212 = arith.addf %add3A_211, %get3A_209 : vector<256x128xf32>
    %max3A_213 = arith.constant 0.000000e+00 : f32
    %max3A_214 = vector.broadcast %max3A_213 : f32 to vector<256x128xf32>
    %max3A_215 = arith.maximumf %add3A_212, %max3A_214 : vector<256x128xf32>
    %add3A_216 = arith.addf %add3A_206, %max3A_215 : vector<256x128xf32>
    %get3A_217 = arith.constant 0 : index
    %get3A_218 = arith.constant 0 : index
    %get3A_219 = vector.load %arg9[%get3A_217, %get3A_218] : memref<128x128xf32, #tpu.memory_space<vmem>>, vector<128x128xf32>
    %dot_general3A_220 = arith.constant dense<0.000000e+00> : vector<256x128xf32>
    %dot_general3A_221 = tpu.matmul %add3A_216, %get3A_219, %dot_general3A_220 {dimension_numbers = #tpu.dot_dimension_numbers<[1], [0], [0], [1], [0, 0, 1, 1], [], []>, transpose_lhs_hint = false} : vector<256x128xf32>, vector<128x128xf32>, vector<256x128xf32> -> vector<256x128xf32>
    %div3A = arith.constant 2.000000e+01 : f32
    %div3A_222 = vector.broadcast %div3A : f32 to vector<256x128xf32>
    %div3A_223 = arith.divf %dot_general3A_221, %div3A_222 : vector<256x128xf32>
    %add3A_224 = arith.addf %get3A_3, %div3A_223 : vector<256x128xf32>
    %get3A_225 = arith.constant 0 : index
    %get3A_226 = arith.constant 0 : index
    %get3A_227 = vector.load %arg10[%get3A_225, %get3A_226] : memref<1x128xf32, #tpu.memory_space<vmem>>, vector<1x128xf32>
    %add3A_228 = vector.broadcast %get3A_227 : vector<1x128xf32> to vector<256x128xf32>
    %add3A_229 = arith.addf %add3A_224, %add3A_228 : vector<256x128xf32>
    %reduce_sum3A = arith.constant dense<0.000000e+00> : vector<256xf32>
    %reduce_sum3A_230 = vector.multi_reduction <add>, %add3A_229, %reduce_sum3A [1] : vector<256x128xf32> to vector<256xf32>
    %broadcast_in_dim3A = vector.shape_cast %reduce_sum3A_230 : vector<256xf32> to vector<256x1xf32>
    %div3A_231 = arith.constant 1.280000e+02 : f32
    %div3A_232 = vector.broadcast %div3A_231 : f32 to vector<256x1xf32>
    %div3A_233 = arith.divf %broadcast_in_dim3A, %div3A_232 : vector<256x1xf32>
    %sub3A = vector.broadcast %div3A_233 : vector<256x1xf32> to vector<256x128xf32>
    %sub3A_234 = arith.subf %add3A_229, %sub3A : vector<256x128xf32>
    %integer_pow3A = arith.mulf %sub3A_234, %sub3A_234 : vector<256x128xf32>
    %reduce_sum3A_235 = arith.constant dense<0.000000e+00> : vector<256xf32>
    %reduce_sum3A_236 = vector.multi_reduction <add>, %integer_pow3A, %reduce_sum3A_235 [1] : vector<256x128xf32> to vector<256xf32>
    %broadcast_in_dim3A_237 = vector.shape_cast %reduce_sum3A_236 : vector<256xf32> to vector<256x1xf32>
    %div3A_238 = arith.constant 1.280000e+02 : f32
    %div3A_239 = vector.broadcast %div3A_238 : f32 to vector<256x1xf32>
    %div3A_240 = arith.divf %broadcast_in_dim3A_237, %div3A_239 : vector<256x1xf32>
    %sub3A_241 = vector.broadcast %div3A_233 : vector<256x1xf32> to vector<256x128xf32>
    %sub3A_242 = arith.subf %add3A_229, %sub3A_241 : vector<256x128xf32>
    %add3A_243 = arith.constant 9.99999974E-6 : f32
    %add3A_244 = vector.broadcast %add3A_243 : f32 to vector<256x1xf32>
    %add3A_245 = arith.addf %div3A_240, %add3A_244 : vector<256x1xf32>
    %sqrt3A = math.sqrt %add3A_245 : vector<256x1xf32>
    %div3A_246 = vector.broadcast %sqrt3A : vector<256x1xf32> to vector<256x128xf32>
    %div3A_247 = arith.divf %sub3A_242, %div3A_246 : vector<256x128xf32>
    %swap3A = arith.constant 0 : index
    %swap3A_248 = arith.constant 0 : index
    %swap3A_249 = arith.constant 0 : index
    %swap3A_250 = vector.load %arg13[%swap3A, %swap3A_248, %swap3A_249] : memref<1x256x128xf32, #tpu.memory_space<vmem>>, vector<1x256x128xf32>
    %swap3A_251 = vector.shape_cast %swap3A_250 : vector<1x256x128xf32> to vector<256x128xf32>
    %swap3A_252 = vector.shape_cast %div3A_247 : vector<256x128xf32> to vector<1x256x128xf32>
    tpu.vector_store %arg13[%swap3A, %swap3A_248, %swap3A_249], %swap3A_252 {strides = array<i32>} : memref<1x256x128xf32, #tpu.memory_space<vmem>>, vector<1x256x128xf32>,
    %get3A_253 = arith.constant 0 : index
    %get3A_254 = arith.constant 0 : index
    %get3A_255 = vector.load %arg11[%get3A_253, %get3A_254] : memref<128x2xf32, #tpu.memory_space<vmem>>, vector<128x1xf32>
    %dot_general3A_256 = arith.constant dense<0.000000e+00> : vector<256x1xf32>
    %dot_general3A_257 = tpu.matmul %div3A_247, %get3A_255, %dot_general3A_256 {dimension_numbers = #tpu.dot_dimension_numbers<[1], [0], [0], [1], [0, 0, 1, 1], [], []>, transpose_lhs_hint = false} : vector<256x128xf32>, vector<128x1xf32>, vector<256x1xf32> -> vector<256x1xf32>
    %get3A_258 = arith.constant 0 : index
    %get3A_259 = arith.constant 1 : index
    %get3A_260 = vector.load %arg11[%get3A_258, %get3A_259] : memref<128x2xf32, #tpu.memory_space<vmem>>, vector<128x1xf32>
    %dot_general3A_261 = arith.constant dense<0.000000e+00> : vector<256x1xf32>
    %dot_general3A_262 = tpu.matmul %div3A_247, %get3A_260, %dot_general3A_261 {dimension_numbers = #tpu.dot_dimension_numbers<[1], [0], [0], [1], [0, 0, 1, 1], [], []>, transpose_lhs_hint = false} : vector<256x128xf32>, vector<128x1xf32>, vector<256x1xf32> -> vector<256x1xf32>
    %get3A_263 = arith.constant 0 : index
    %get3A_264 = arith.constant 0 : index
    %get3A_265 = vector.load %arg12[%get3A_263, %get3A_264] : memref<1x1xf32, #tpu.memory_space<vmem>>, vector<1x1xf32>
    %reduce_sum3A_266 = vector.shape_cast %dot_general3A_257 : vector<256x1xf32> to vector<1x256x1xf32>
    %reduce_sum3A_267 = arith.constant dense<0.000000e+00> : vector<1xf32>
    %reduce_sum3A_268 = vector.multi_reduction <add>, %reduce_sum3A_266, %reduce_sum3A_267 [1, 2] : vector<1x256x1xf32> to vector<1xf32>
    %reduce_sum3A_269 = vector.shape_cast %reduce_sum3A_268 : vector<1xf32> to vector<1x1x1xf32>
    %reduce_sum3A_270 = vector.extract %reduce_sum3A_269[0, 0, 0] : f32 from vector<1x1x1xf32>
    %mul3A = vector.broadcast %reduce_sum3A_270 : f32 to vector<1x1xf32>
    %mul3A_271 = arith.mulf %get3A_265, %mul3A : vector<1x1xf32>
    %get3A_272 = arith.constant 0 : index
    %get3A_273 = arith.constant 0 : index
    %get3A_274 = arith.constant 0 : index
    %get3A_275 = vector.load %arg5[%get3A_272, %get3A_273, %get3A_274] : memref<1x1x256xf32, #tpu.memory_space<vmem>>, vector<1x1x256xf32>
    %get3A_276 = vector.shape_cast %get3A_275 : vector<1x1x256xf32> to vector<1x256xf32>
    %dot_general3A_277 = arith.constant dense<0.000000e+00> : vector<1x1xf32>
    %dot_general3A_278 = tpu.matmul %get3A_276, %dot_general3A_262, %dot_general3A_277 {dimension_numbers = #tpu.dot_dimension_numbers<[1], [0], [0], [1], [0, 0, 1, 1], [], []>, transpose_lhs_hint = false} : vector<1x256xf32>, vector<256x1xf32>, vector<1x1xf32> -> vector<1x1xf32>
    %add3A_279 = arith.addf %mul3A_271, %dot_general3A_278 : vector<1x1xf32>
    %eq3A = arith.constant 0 : i32
    %eq3A_280 = arith.cmpi eq, %arg1, %eq3A : i32
    %convert_element_type3A = arith.extui %eq3A_280 : i1 to i32
    %cond3A = arith.constant 0 : i32
    %cond3A_281 = arith.cmpi ne, %convert_element_type3A, %cond3A : i32
    scf.if %cond3A_281 {
      %broadcast_in_dim3A_292 = arith.constant 0.000000e+00 : f32
      %broadcast_in_dim3A_293 = vector.broadcast %broadcast_in_dim3A_292 : f32 to vector<1x1x1xf32>
      %swap3A_294 = arith.constant 0 : index
      %swap3A_295 = arith.constant 0 : index
      %swap3A_296 = arith.constant 0 : index
      %swap3A_297 = vector.load %arg14[%swap3A_294, %swap3A_295, %swap3A_296] : memref<1x1x1xf32, #tpu.memory_space<vmem>>, vector<1x1x1xf32>
      tpu.vector_store %arg14[%swap3A_294, %swap3A_295, %swap3A_296], %broadcast_in_dim3A_293 {strides = array<i32>} : memref<1x1x1xf32, #tpu.memory_space<vmem>>, vector<1x1x1xf32>,
    } else {
    }
    %get3A_282 = arith.constant 0 : index
    %get3A_283 = arith.constant 0 : index
    %get3A_284 = arith.constant 0 : index
    %get3A_285 = vector.load %arg14[%get3A_282, %get3A_283, %get3A_284] : memref<1x1x1xf32, #tpu.memory_space<vmem>>, vector<1x1x1xf32>
    %broadcast_in_dim3A_286 = vector.shape_cast %add3A_279 : vector<1x1xf32> to vector<1x1x1xf32>
    %add3A_287 = arith.addf %get3A_285, %broadcast_in_dim3A_286 : vector<1x1x1xf32>
    %swap3A_288 = arith.constant 0 : index
    %swap3A_289 = arith.constant 0 : index
    %swap3A_290 = arith.constant 0 : index
    %swap3A_291 = vector.load %arg14[%swap3A_288, %swap3A_289, %swap3A_290] : memref<1x1x1xf32, #tpu.memory_space<vmem>>, vector<1x1x1xf32>
    tpu.vector_store %arg14[%swap3A_288, %swap3A_289, %swap3A_290], %add3A_287 {strides = array<i32>} : memref<1x1x1xf32, #tpu.memory_space<vmem>>, vector<1x1x1xf32>,
    return
  }
  func.func @transform_0(%arg0: i32, %arg1: i32) -> (i32, i32, i32) {
    %c0_i32 = arith.constant 0 : i32
    %c0_i32_0 = arith.constant 0 : i32
    return %arg0, %arg1, %c0_i32 : i32, i32, i32
  }
  func.func @transform_1(%arg0: i32, %arg1: i32) -> (i32, i32) {
    %mul3A = arith.constant 4 : i32
    %mul3A_0 = arith.muli %arg0, %mul3A : i32
    %add3A = arith.addi %mul3A_0, %arg1 : i32
    %c0_i32 = arith.constant 0 : i32
    %c0_i32_1 = arith.constant 0 : i32
    return %add3A, %c0_i32 : i32, i32
  }
  func.func @transform_2(%arg0: i32, %arg1: i32) -> (i32, i32) {
    %mul3A = arith.constant 4 : i32
    %mul3A_0 = arith.muli %arg0, %mul3A : i32
    %add3A = arith.addi %mul3A_0, %arg1 : i32
    %c0_i32 = arith.constant 0 : i32
    %c0_i32_1 = arith.constant 0 : i32
    return %add3A, %c0_i32 : i32, i32
  }
  func.func @transform_3(%arg0: i32, %arg1: i32) -> (i32, i32, i32) {
    %c0_i32 = arith.constant 0 : i32
    %c0_i32_0 = arith.constant 0 : i32
    return %arg0, %c0_i32, %arg1 : i32, i32, i32
  }
  func.func @transform_4(%arg0: i32, %arg1: i32) -> (i32, i32) {
    %c0_i32 = arith.constant 0 : i32
    %c0_i32_0 = arith.constant 0 : i32
    %c0_i32_1 = arith.constant 0 : i32
    return %c0_i32, %c0_i32_0 : i32, i32
  }
  func.func @transform_5(%arg0: i32, %arg1: i32) -> (i32, i32) {
    %c0_i32 = arith.constant 0 : i32
    %c0_i32_0 = arith.constant 0 : i32
    %c0_i32_1 = arith.constant 0 : i32
    return %c0_i32, %c0_i32_0 : i32, i32
  }
  func.func @transform_6(%arg0: i32, %arg1: i32) -> (i32, i32) {
    %c0_i32 = arith.constant 0 : i32
    %c0_i32_0 = arith.constant 0 : i32
    %c0_i32_1 = arith.constant 0 : i32
    return %c0_i32, %c0_i32_0 : i32, i32
  }
  func.func @transform_7(%arg0: i32, %arg1: i32) -> (i32, i32) {
    %c0_i32 = arith.constant 0 : i32
    %c0_i32_0 = arith.constant 0 : i32
    %c0_i32_1 = arith.constant 0 : i32
    return %c0_i32, %c0_i32_0 : i32, i32
  }
  func.func @transform_8(%arg0: i32, %arg1: i32) -> (i32, i32) {
    %c0_i32 = arith.constant 0 : i32
    %c0_i32_0 = arith.constant 0 : i32
    %c0_i32_1 = arith.constant 0 : i32
    return %c0_i32, %c0_i32_0 : i32, i32
  }
  func.func @transform_9(%arg0: i32, %arg1: i32) -> (i32, i32) {
    %c0_i32 = arith.constant 0 : i32
    %c0_i32_0 = arith.constant 0 : i32
    %c0_i32_1 = arith.constant 0 : i32
    return %c0_i32, %c0_i32_0 : i32, i32
  }
  func.func @transform_10(%arg0: i32, %arg1: i32) -> (i32, i32) {
    %c0_i32 = arith.constant 0 : i32
    %c0_i32_0 = arith.constant 0 : i32
    %c0_i32_1 = arith.constant 0 : i32
    return %c0_i32, %c0_i32_0 : i32, i32
  }
  func.func @transform_11(%arg0: i32, %arg1: i32) -> (i32, i32, i32) {
    %c0_i32 = arith.constant 0 : i32
    %c0_i32_0 = arith.constant 0 : i32
    return %arg0, %arg1, %c0_i32 : i32, i32, i32
  }
  func.func @transform_12(%arg0: i32, %arg1: i32) -> (i32, i32, i32) {
    %c0_i32 = arith.constant 0 : i32
    %c0_i32_0 = arith.constant 0 : i32
    %c0_i32_1 = arith.constant 0 : i32
    return %arg0, %c0_i32, %c0_i32_0 : i32, i32, i32
  }
}

</mosaic_0001>

<sc_bundles>
// kernel: kernel.12.cloned.1.call-start
scs
__scs_entry_jumppad:
0x0: {  	(pc) =	sbr.rel $0x88, $3  }
0x1: {  	(tag) =	ssettag $0x0;
	lr =	simm.s32 $0x1  }
0x2: {  	[smem:$0x3F95] =	sst lr;
	_ =	strace $0xD0000000  }
0x3: {  	_ = 	snop  }
0x4: {  	_ = 	snop  }
0x5: {  	_ = 	snop  }
0x6: {  	_ = 	snop  }
0x7: {  	_ = 	snop  }
__scs_overlays_trampoline_lowered:
0x8: {  	[smem:$0x3FA4] =	sst s0  }
0x9: {  	[smem:$0x3FA5] =	sst s1  }
0xa: {  	[smem:$0x3FA6] =	sst s2  }
0xb: {  	[smem:$0x3FA7] =	sst s3  }
0xc: {  	[smem:$0x3FA8] =	sst s4  }
0xd: {  	[smem:$0x3FA9] =	sst s5  }
0xe: {  	[smem:$0x3FAA] =	sst s6  }
0xf: {  	[smem:$0x3FAB] =	sst s7  }
0x10: {  	[smem:$0x3FAC] =	sst s8  }
0x11: {  	[smem:$0x3FAD] =	sst s9;
	s0 =	simm.s32 @!p0 $0x0  }
0x12: {  	s1 =	sld [smem:$0x3F93];
	s0 =	simm.s32 @p0 $0x1  }
0x13: {  	[smem:$0x3FAE] =	sst s0;
	s0 =	simm.s32 @!p1 $0x0  }
0x14: {  	s2 =	sld [smem:$0x3F92];
	s0 =	simm.s32 @p1 $0x1  }
0x15: {  	[smem:$0x3FAF] =	sst s0;
	s0 =	simm.s32 @!p2 $0x0  }
0x16: {  	s3 =	sld [smem:$0x3FDB];
	s0 =	simm.s32 @p2 $0x1  }
0x17: {  	s4 =	simm.s32 $0x1BF5;
	[smem:$0x3FB1] =	sst s0  }
0x18: {  	s0 =	sld [smem:$0x3F94];
	_ =	swait.ge [sflag:s4], $0x0  }
0x19: {  	s7 =	sld [smem:$0x3F95]  }
0x1a: {  	s8 =	sadd.s32 $0xFFFFE003, lr  }
0x1b: {  	s9 =	sadd.s32 $0xFFFFFEF7, lr;
	s5 =	simm.s32 $0xFFFFFFFF;
	p2 =	slt.u32 s8, $0xFFFFF086  }
0x1c: {  	p1 =	slt.u32 s9, $0xF7A;
	s5 =	simm.s32 @!p2 $0x0  }
0x1d: {  	s5 =	simm.s32 @p1 $0x1;
	p0 =	seq.s32 s7, s2  }
0x1e: {  	s7 =	smul.u32 @!p0 $0xF7A, s2;
	p2 =	seq.s32 @!p0 s5, $0x0  }
0x1f: {  	s9 =	smul.u32 $0xF7A, s1;
	s8 =	simm.s32 @!p0 $0x1BF5;
	p2 =	por !p2, p0  }
0x20: {  	[sflag:s8] =	ssyncset.s32 @!p0 $0xFFFFF086;
	s6 =	sadd.s32 @!p0 s3, s7;
	s7 =	simm.s32 @!p0 $0x108  }
0x21: {  	s3 =	sadd.s32 s3, s9;
	s6 =	sadd.s32 @!p0 $0x88, s6;
	s7 =	simm.s32 @p2 $0x1082  }
0x22: {  	[simem:s7], [sflag:s8] =	dma.local @!p0 [hbm:s6], $0xF7A  }
0x23: {  	s9 =	sor.u32 $0xD0000000, s2;
	s6 =	simm.s32 $0x108;
	_ =	swait.ge @!p0 [sflag:s8], $0x0  }
0x24: {  	s3 =	sadd.s32 $0x88, s3;
	s6 =	simm.s32 @!p1 $0x1082;
	[sflag:s4] =	ssyncset.s32 $0xFFFFF086  }
0x25: {  	[simem:s6], [sflag:s4] =	dma.local [hbm:s3], $0xF7A  }
0x26: {  	[smem:$0x3F95] =	sst s1;
	(tag) =	ssettag s2;
	_ =	strace s9  }
0x27: {  	s1 =	sld [smem:$0x3FA5]  }
0x28: {  	s2 =	sld [smem:$0x3FA6]  }
0x29: {  	s4 =	sld [smem:$0x3FA8]  }
0x2a: {  	p0 =	seq.s32 s5, $0x0;
	s5 =	sld [smem:$0x3FA9]  }
0x2b: {  	s6 =	sld [smem:$0x3FAA]  }
0x2c: {  	s7 =	sld [smem:$0x3FAB]  }
0x2d: {  	s3 =	simm.s32 $0x108;
	s8 =	sld [smem:$0x3FAC]  }
0x2e: {  	s3 =	simm.s32 @!p0 $0x1082;
	s9 =	sld [smem:$0x3FAD]  }
0x2f: {  	lr =	sadd.s32 s0, s3;
	s0 =	sld [smem:$0x3FA4]  }
0x30: {  	s3 =	sld [smem:$0x3FA7]  }
0x31: {  	[smem:$0x3FB0] =	sst s10  }
0x32: {  	s10 =	sld [smem:$0x3FAE];
	_ =	sdelay $0x3  }
0x33: {  	p0 =	seq.s32 s10, $0x1;
	s10 =	sld [smem:$0x3FB0];
	_ =	sdelay $0x3  }
0x34: {  	[smem:$0x3FB0] =	sst s10  }
0x35: {  	s10 =	sld [smem:$0x3FAF];
	_ =	sdelay $0x3  }
0x36: {  	p1 =	seq.s32 s10, $0x1;
	s10 =	sld [smem:$0x3FB0];
	_ =	sdelay $0x3  }
0x37: {  	[smem:$0x3FB0] =	sst s10  }
0x38: {  	s10 =	sld [smem:$0x3FB1]  }
0x39: {  	_ = 	snop;
	(pc) =	sbr.ind lr, $3  }
0x3a: {  	_ = 	snop  }
0x3b: {  	_ = 	snop  }
0x3c: {  	p2 =	seq.s32 s10, $0x1;
	s10 =	sld [smem:$0x3FB0]  }
0x3d: {  	_ =	shalt  }
0x3e: {  	_ =	shalt  }
0x3f: {  	_ =	shalt  }
0x40: {  	_ =	shalt  }
0x41: {  	_ =	shalt  }
0x42: {  	_ =	shalt  }
0x43: {  	_ =	shalt  }
0x44: {  	_ =	shalt  }
0x45: {  	_ =	shalt  }
0x46: {  	_ =	shalt  }
0x47: {  	_ =	shalt  }
0x48: {  	_ =	shalt  }
0x49: {  	_ =	shalt  }
0x4a: {  	_ =	shalt  }
0x4b: {  	_ =	shalt  }
0x4c: {  	_ =	shalt  }
0x4d: {  	_ =	shalt  }
0x4e: {  	_ =	shalt  }
0x4f: {  	_ =	shalt  }
0x50: {  	_ =	shalt  }
0x51: {  	_ =	shalt  }
0x52: {  	_ =	shalt  }
0x53: {  	_ =	shalt  }
0x54: {  	_ =	shalt  }
0x55: {  	_ =	shalt  }
0x56: {  	_ =	shalt  }
0x57: {  	_ =	shalt  }
0x58: {  	_ =	shalt  }
0x59: {  	_ =	shalt  }
0x5a: {  	_ =	shalt  }
0x5b: {  	_ =	shalt  }
0x5c: {  	_ =	shalt  }
0x5d: {  	_ =	shalt  }
0x5e: {  	_ =	shalt  }
0x5f: {  	_ =	shalt  }
0x60: {  	_ =	shalt  }
0x61: {  	_ =	shalt  }
0x62: {  	_ =	shalt  }
0x63: {  	_ =	shalt  }
0x64: {  	_ =	shalt  }
0x65: {  	_ =	shalt  }
0x66: {  	_ =	shalt  }
0x67: {  	_ =	shalt  }
0x68: {  	_ =	shalt  }
0x69: {  	_ =	shalt  }
0x6a: {  	_ =	shalt  }
0x6b: {  	_ =	shalt  }
0x6c: {  	_ =	shalt  }
0x6d: {  	_ =	shalt  }
0x6e: {  	_ =	shalt  }
0x6f: {  	_ =	shalt  }
0x70: {  	_ =	shalt  }
0x71: {  	_ =	shalt  }
0x72: {  	_ =	shalt  }
0x73: {  	_ =	shalt  }
0x74: {  	_ =	shalt  }
0x75: {  	_ =	shalt  }
0x76: {  	_ =	shalt  }
0x77: {  	_ =	shalt  }
0x78: {  	_ =	shalt  }
0x79: {  	_ =	shalt  }
0x7a: {  	_ =	shalt  }
0x7b: {  	_ =	shalt  }
0x7c: {  	_ =	shalt  }
0x7d: {  	_ =	shalt  }
0x7e: {  	_ =	shalt  }
0x7f: {  	_ =	shalt  }
0x80: {  	_ =	shalt  }
0x81: {  	_ =	shalt  }
0x82: {  	_ =	shalt  }
0x83: {  	_ =	shalt  }
0x84: {  	_ =	shalt  }
0x85: {  	_ =	shalt  }
0x86: {  	_ =	shalt  }
0x87: {  	_ =	shalt  }
.Lfunc_end0:
.L_simem_size_0:
called_computation_lowered:
.L_overlay_start_0:
0x88: {  	s2 =	sld [smem:$0x3FD9]  }
0x89: {  	s3 =	sld [smem:$0x3FFE];
	_ =	sdelay $0x1  }
0x8a: {  	s1 =	srdreg.scid  }
0x8b: {  	s0 =	sand.u32 $0x1, s1  }
0x8c: {  	s15 =	sshll.u32 s0, $0xA;
	s2 =	sadd.s32 s3, s2  }
0x8d: {  	s2 =	sadd.s32 s2, s15  }
0x8e: {  	[smem:$0x3FBC] =	sst s2  }
0x8f: {  	_ = 	snop  }
0x90: {  	s2 =	sld [smem:$0x3FD0];
	_ =	sdelay $0x2  }
0x91: {  	s16 =	simm.s32 $0xB;
	s4 =	simm.s32 $0x10  }
0x92: {  	[smem:s4], [sflag:s16] =	dma.local [hbm:s2], $0x1  }
0x93: {  	_ =	swait.eq [sflag:s16], $0x1  }
0x94: {  	[sflag:s16] =	ssyncset.done $0x0  }
0x95: {  	[sflag:s16] =	ssyncadd.s32 $0xFFFFFFFF  }
0x96: {  	s17 =	sld [smem:$0x13];
	(tm) =	ssettm $0x1  }
0x97: {  	s18 =	sld [smem:$0x3FFB];
	_ =	sdelay $0x3  }
0x98: {  	_ =	strace s18  }
0x99: {  	s2 =	sld [smem:$0x3FFC];
	_ =	sdelay $0x3  }
0x9a: {  	_ =	strace s2  }
0x9b: {  	s2 =	sld [smem:$0x3FFD];
	_ =	sdelay $0x3  }
0x9c: {  	_ =	strace s2  }
0x9d: {  	_ =	strace $0x8FFFFFFF  }
0x9e: {  	s19 =	sld [smem:$0x3FDB];
	_ =	sdelay $0x1  }
0x9f: {  	s20 =	simm.s32 $_scs_section_size  }
0xa0: {  	s5 =	simm.s32 $_size__tile_overlayer_lowered;
	s6 =	simm.s32 $_tile_overlayer_lowered  }
0xa1: {  	s7 =	simm.s32 $0x1BFF;
	s21 =	sshll.u32 s6, $0x1;
	s4 =	sadd.s32 s20, s19  }
0xa2: {  	s22 =	simm.s32 $0x0;
	s5 =	sshll.u32 s5, $0x1;
	s6 =	sadd.s32 s21, s4  }
0xa3: {  	[timem:s22], [sflag:s7] =	dma.local [hbm:s6], s5  }
0xa4: {  	_ =	swait.ge [sflag:s7], s5  }
0xa5: {  	s5 =	ssub.s32 $0x0, s5;
	[sflag:s7] =	ssyncset.done $0x0  }
0xa6: {  	[sflag:s7] =	ssyncadd.s32 s5;
	_ =	sdelay $0x1  }
0xa7: {  	s23 =	simm.s32 $0x1B8B  }
0xa8: {  	_ =	swait.ge [sflag:s23], $0x1  }
0xa9: {  	[sflag:s23] =	ssyncset.done $0x0  }
0xaa: {  	[sflag:s23] =	ssyncadd.s32 $0xFFFFFFFF  }
0xab: {  	s5 =	sld [smem:$0x0]  }
0xac: {  	s6 =	sand.u32 $0xFFFFFFFE, s1  }
0xad: {  	p0 =	sne.s32 s1, s6  }
0xae: {  	s6 =	sshll.u32 @p0 s6, $0xE  }
0xaf: {  	s6 =	sadd.s32 @p0 $0x11B8D, s6;
	s7 =	sshll.u32 @p0 s5, $0x11  }
0xb0: {  	s6 =	sor.u32 @p0 s7, s6  }
0xb1: {  	[sflag:s6] =	ssyncadd.remote.s32 @p0 $0x1;
	_ =	sdelay $0x1  }
0xb2: {  	s6 =	simm.s32 @p0 $0x1B8D  }
0xb3: {  	_ =	swait.eq @p0 [sflag:s6], $0x1  }
0xb4: {  	[sflag:s6] =	ssyncadd.s32 @p0 $0xFFFFFFFF  }
0xb5: {  	s7 =	sshll.u32 @!p0 s1, $0xE  }
0xb6: {  	s7 =	sor.u32 @!p0 $0x4000, s7;
	s6 =	simm.s32 @!p0 $0x1B8D  }
0xb7: {  	s5 =	sshll.u32 @!p0 s5, $0x11;
	s7 =	sadd.s32 @!p0 $0x11B8D, s7;
	_ =	swait.eq @!p0 [sflag:s6], $0x1  }
0xb8: {  	s5 =	sor.u32 @!p0 s5, s7;
	[sflag:s6] =	ssyncadd.s32 @!p0 $0xFFFFFFFF  }
0xb9: {  	s25 =	simm.s32 $0x1B8E;
	s24 =	sld [smem:$0x3FFE];
	[sflag:s5] =	ssyncadd.remote.s32 @!p0 $0x1  }
0xba: {  	s26 =	simm.s32 $execute0_lowered;
	[smem:$0x3FD2] =	sst s25  }
0xbb: {  	s6 =	sshll.u32 s26, $0x1;
	_ =	strace $0x80000049;
	[dreg:$0x1] =	wrdreg $0xFFFFFFFF  }
0xbc: {  	s28 =	simm.s32 $_size_execute0_lowered;
	s4 =	sadd.s32 s4, s6;
	[dreg:$0x0] =	wrdreg $0x0  }
0xbd: {  	s6 =	sshll.u32 s28, $0x1;
	[dreg:$0x2] =	wrdreg s4  }
0xbe: {  	[dreg:$0x3] =	wrdreg s6  }
0xbf: {  	[dreg:$0x4] =	wrdreg $0xC0  }
0xc0: {  	_ =	task [dreg:s22], $0x5FFFF  }
0xc1: {  	[dreg:$0x1] =	wrdreg $0xFFFFFFFF  }
0xc2: {  	[dreg:$0x0] =	wrdreg $0x60  }
0xc3: {  	[dreg:$0x2] =	wrdreg s17  }
0xc4: {  	[dreg:$0x3] =	wrdreg s24  }
0xc5: {  	[dreg:$0x4] =	wrdreg $0x9  }
0xc6: {  	_ =	task.clear_ibuf [dreg:s22], $0x5FFFF;
	_ =	strace $0x90000049  }
0xc7: {  	s29 =	simm.s32 $0x9;
	_ =	strace $0x8000004B  }
0xc8: {  	_ =	swait.ge [sflag:s29], $0x1  }
0xc9: {  	[sflag:s29] =	ssyncadd.s32 $0xFFFFFFFF  }
0xca: {  	_ =	strace $0x9000004B  }
0xcb: {  	_ =	sfence  }
0xcc: {  	s30 =	sld [smem:$0x0];
	_ =	sdelay $0x2  }
0xcd: {  	s31 =	sshll.u32 s1, $0xD;
	s1 =	sshrl.u32 s1, $0x2  }
0xce: {  	s4 =	sand.u32 $0x4000, s31;
	s1 =	sadd.s32 s1, s30  }
0xcf: {  	s0 =	sor.u32 s4, s0;
	s1 =	sshll.u32 s1, $0x11  }
0xd0: {  	s0 =	sor.u32 s1, s0  }
0xd1: {  	s0 =	sadd.s32 $0x8F2B, s0  }
0xd2: {  	[sflag:s0] =	ssyncadd.remote.s32 $0x1  }
0xd3: {  	_ =	sfence.sel $0xFFFF  }
0xd4: {  	[dreg:$0x0] =	wrdreg $0xFFFFFFFF;
	(pc) =	sbr.abs _section_cstart, $3  }
0xd5: {  	[dreg:$0x1] =	wrdreg $0xFFFFFFFF  }
0xd6: {  	_ =	task.clear_ibuf [dreg:s22], $0x2FFFF;
	_ =	strace $0x9FFFFFFF  }
0xd7: {  	(tm) =	ssettm $0x7FFFFFFF  }
tec
execute0_lowered:
.L_overlay_start_1:
0x0: {  	(tag) =	ssettag $0x1  }
0x1: {  	s2 =	rddreg [dreg:$0x0];
	s1 =	srdreg.scid  }
0x2: {  	s0 =	stileid.u32;
	s4 =	rddreg [dreg:$0x1];
	s3 =	simm.s32 $0x0  }
0x3: {  	s13 =	simm.s32 $0x4C00;
	s14 =	simm.s32 $0x1;
	s25 =	smul.u32 $0xA0000, s0  }
0x4: {  	s15 =	simm.s32 $0x2;
	s7 =	sand.u32 $0x1, s1;
	s29 =	smul.u32 $0x14000, s0  }
0x5: {  	s16 =	simm.s32 $0x980;
	s5 =	sshll.u32 s0, $0x1;
	s28 =	smul.u32 $0x50000, s7  }
0x6: {  	s1 =	rddreg [dreg:$0x2];
	s5 =	sor.u32 s7, s5;
	s30 =	smul.u32 $0xA000, s7  }
0x7: {  	s17 =	simm.s32 $0x0;
	[smem:$0x7FF] =	sst s3;
	s6 =	smul.u32 $0x180, s5  }
0x8: {  	s12 =	sadd.s32 $0x3DA800, s4;
	s8 =	ssub.s32 $0x2, s7;
	s9 =	smul.u32 $0x50000, s5  }
0x9: {  	_ =	strace $0x8000004A;
	s10 =	sshrl.u32 s8, $0x1;
	s11 =	smul.u32 $0xA000, s5  }
0xa: {  	s24 =	ssub.s32 s8, s10;
	s8 =	sadd.s32 s28, s25;
	s10 =	sadd.s32 s29, s12  }
0xb: {  	s6 =	sadd.s32 s6, s4;
	s26 =	sshrl.u32 s9, $0x3;
	s5 =	smax.u32 s24, $0x1  }
0xc: {  	s31 =	sadd.s32 s12, s11;
	s8 =	sshrl.u32 s8, $0x3;
	s9 =	sadd.s32 s30, s10  }
0xd: {  	s10 =	simm.s32 $0x3;
	s11 =	simm.s32 $0x80;
	s4 =	sadd.s32 $0x3D7800, s6  }
0xe: {  	s6 =	sadd.s32 s12, s26;
	s7 =	sadd.s32 $0x9800, s31;
	s8 =	sadd.s32 s8, s12  }
0xf: {  	s9 =	sadd.s32 $0x800, s9;
	s12 =	simm.s32 $0xC00;
	s6 =	sadd.s32 $0x9000, s6  }
.LBB2_1:
0x10: {  	[tilespmem:s3], [sflag:$0x3] =	stream.linear.gather [hbm4b:s4+s3], $0xA00, $0x38;
	[tilespmem:$0x8C00] =	vst v63  }
0x11: {  	_ =	swait.ge [sflag:s10], $0xA00  }
0x12: {  	[sflag:s10] =	ssyncset.done $0x0  }
0x13: {  	[sflag:s10] =	ssyncadd.s32 $0xFFFFF600  }
0x14: {  	[tilespmem:s12], [sflag:$0x1] =	stream.indirect.gather [hbm4b:s2+s11], $0x80, s3, s11, $0xb8;
	[tilespmem:$0x8C00] =	vst v63  }
0x15: {  	s18 =	simm.s32 $0x80  }
0x16: {  	[tilespmem:s13], [sflag:$0x2] =	stream.indirect.gather [hbm4b:s2+s11], $0x80, s18, s11, $0xb8;
	[tilespmem:$0x8C00] =	vst v63  }
0x17: {  	_ =	swait.ge [sflag:s14], $0x4000  }
0x18: {  	[sflag:s14] =	ssyncset.done $0x0  }
0x19: {  	s29 =	sadd.s32 $0x0, s8;
	[sflag:s14] =	ssyncadd.s32 $0xFFFFC000  }
0x1a: {  	[hbm4b:s29+s3] =	stream.linear.scatter [tilespmem:s12], [sflag:$0x3], $0x4000, $0x38;
	[tilespmem:$0x8C00] =	vst v63  }
0x1b: {  	_ =	swait.ge [sflag:s10], $0x4000  }
0x1c: {  	[sflag:s10] =	ssyncset.done $0x0  }
0x1d: {  	s30 =	simm.s32 $0x100;
	[sflag:s10] =	ssyncadd.s32 $0xFFFFC000  }
0x1e: {  	[tilespmem:s12], [sflag:$0x1] =	stream.indirect.gather [hbm4b:s2+s11], $0x80, s30, s11, $0xb8;
	[tilespmem:$0x8C00] =	vst v63  }
0x1f: {  	_ =	swait.ge [sflag:s15], $0x4000  }
0x20: {  	[sflag:s15] =	ssyncset.done $0x0  }
0x21: {  	s31 =	sadd.s32 $0x0, s9;
	[sflag:s15] =	ssyncadd.s32 $0xFFFFC000  }
0x22: {  	[hbm4b:s31+s3] =	stream.linear.scatter [tilespmem:s13], [sflag:$0x3], $0x4000, $0x38;
	[tilespmem:$0x8C00] =	vst v63  }
0x23: {  	s20 =	simm.s32 $0x2000;
	_ =	swait.ge [sflag:s10], $0x4000  }
0x24: {  	s19 =	simm.s32 $0x200;
	s18 =	simm.s32 $0x1000;
	[sflag:s10] =	ssyncset.done $0x0  }
.LBB2_2:
0x25: {  	p0 =	sne.s32 s20, $0x8000;
	s21 =	sadd.s32 $0xFFFFFF80, s19;
	[sflag:s10] =	ssyncadd.s32 $0xFFFFC000  }
0x26: {  	[tilespmem:s13], [sflag:$0x2] =	stream.indirect.gather [hbm4b:s2+s11], $0x80, s21, s11, $0xb8;
	[tilespmem:$0x8C00] =	vst v63  }
0x27: {  	s21 =	smov.u32 s20;
	s20 =	sadd.s32 $0x1000, s20;
	_ =	swait.ge [sflag:s14], $0x4000  }
0x28: {  	[sflag:s14] =	ssyncset.done $0x0  }
0x29: {  	s22 =	sadd.s32 s18, s8;
	[sflag:s14] =	ssyncadd.s32 $0xFFFFC000  }
0x2a: {  	[hbm4b:s22+s3] =	stream.linear.scatter [tilespmem:s12], [sflag:$0x3], $0x4000, $0x38;
	[tilespmem:$0x8C00] =	vst v63  }
0x2b: {  	_ =	swait.ge [sflag:s10], $0x4000  }
0x2c: {  	[sflag:s10] =	ssyncset.done $0x0  }
0x2d: {  	[sflag:s10] =	ssyncadd.s32 $0xFFFFC000  }
0x2e: {  	[tilespmem:s12], [sflag:$0x1] =	stream.indirect.gather [hbm4b:s2+s11], $0x80, s19, s11, $0xb8;
	[tilespmem:$0x8C00] =	vst v63  }
0x2f: {  	_ =	swait.ge [sflag:s15], $0x4000  }
.Ltmp0:
0x30: {  	[sflag:s15] =	ssyncset.done $0x0;
	(pc) =	sbr.rel @p0 .LBB2_2-.Ltmp0, $4  }
0x31: {  	s22 =	sadd.s32 s18, s9;
	s18 =	smov.u32 s21;
	[sflag:s15] =	ssyncadd.s32 $0xFFFFC000  }
0x32: {  	[hbm4b:s22+s3] =	stream.linear.scatter [tilespmem:s13], [sflag:$0x3], $0x4000, $0x38;
	[tilespmem:$0x8C00] =	vst v63  }
0x33: {  	_ =	swait.ge [sflag:s10], $0x4000  }
0x34: {  	s19 =	sadd.s32 $0x100, s19;
	[sflag:s10] =	ssyncset.done $0x0  }
0x35: {  	s20 =	sadd.s32 $0xFFFFFF80, s19;
	[sflag:s10] =	ssyncadd.s32 $0xFFFFC000  }
0x36: {  	[tilespmem:s13], [sflag:$0x2] =	stream.indirect.gather [hbm4b:s2+s11], $0x80, s20, s11, $0xb8;
	[tilespmem:$0x8C00] =	vst v63  }
0x37: {  	_ =	swait.ge [sflag:s14], $0x4000  }
0x38: {  	[sflag:s14] =	ssyncset.done $0x0  }
0x39: {  	s30 =	sadd.s32 s18, s8;
	[sflag:s14] =	ssyncadd.s32 $0xFFFFC000  }
0x3a: {  	[hbm4b:s30+s3] =	stream.linear.scatter [tilespmem:s12], [sflag:$0x3], $0x4000, $0x38;
	[tilespmem:$0x8C00] =	vst v63  }
0x3b: {  	_ =	swait.ge [sflag:s10], $0x4000  }
0x3c: {  	[sflag:s10] =	ssyncset.done $0x0  }
0x3d: {  	[sflag:s10] =	ssyncadd.s32 $0xFFFFC000  }
0x3e: {  	[tilespmem:s12], [sflag:$0x1] =	stream.indirect.gather [hbm4b:s2+s11], $0x80, s19, s11, $0xb8;
	[tilespmem:$0x8C00] =	vst v63  }
0x3f: {  	_ =	swait.ge [sflag:s15], $0x4000  }
0x40: {  	[sflag:s15] =	ssyncset.done $0x0  }
0x41: {  	s31 =	sadd.s32 s18, s9;
	[sflag:s15] =	ssyncadd.s32 $0xFFFFC000  }
0x42: {  	[hbm4b:s31+s3] =	stream.linear.scatter [tilespmem:s13], [sflag:$0x3], $0x4000, $0x38;
	[tilespmem:$0x8C00] =	vst v63  }
0x43: {  	_ =	swait.ge [sflag:s10], $0x4000  }
0x44: {  	[sflag:s10] =	ssyncset.done $0x0  }
0x45: {  	[sflag:s10] =	ssyncadd.s32 $0xFFFFC000  }
0x46: {  	[tilespmem:s13], [sflag:$0x2] =	stream.indirect.gather [hbm4b:s2+s11], $0x80, s16, s11, $0xb8;
	[tilespmem:$0x8C00] =	vst v63  }
0x47: {  	_ =	swait.ge [sflag:s14], $0x4000  }
0x48: {  	[sflag:s14] =	ssyncset.done $0x0  }
0x49: {  	[sflag:s14] =	ssyncadd.s32 $0xFFFFC000  }
0x4a: {  	[hbm4b:s6+s3] =	stream.linear.scatter [tilespmem:s12], [sflag:$0x3], $0x4000, $0x38;
	[tilespmem:$0x8C00] =	vst v63  }
0x4b: {  	_ =	swait.ge [sflag:s10], $0x4000  }
0x4c: {  	[sflag:s10] =	ssyncset.done $0x0  }
0x4d: {  	[sflag:s10] =	ssyncadd.s32 $0xFFFFC000  }
0x4e: {  	s17 =	sadd.s32 $0x1, s17;
	_ =	swait.ge [sflag:s15], $0x4000  }
0x4f: {  	p0 =	sne.s32 s17, s5;
	[sflag:s15] =	ssyncset.done $0x0  }
.Ltmp1:
0x50: {  	[sflag:s15] =	ssyncadd.s32 $0xFFFFC000;
	(pc) =	sbr.rel @p0 .LBB2_1-.Ltmp1, $4  }
0x51: {  	[hbm4b:s7+s3] =	stream.linear.scatter [tilespmem:s13], [sflag:$0x3], $0x4000, $0x38;
	[tilespmem:$0x8C00] =	vst v63  }
0x52: {  	_ =	swait.ge [sflag:s10], $0x4000  }
0x53: {  	[sflag:s10] =	ssyncset.done $0x0  }
0x54: {  	[sflag:s10] =	ssyncadd.s32 $0xFFFFC000  }
0x55: {  	_ =	sfence.sel $0x180000  }
0x56: {  	[bflag:$0x0] =	sbarrier.arrive $0xFFFF  }
0x57: {  	p0 =	sne.s32 s0, $0x0;
	_ =	strace $0x9000004A  }
0x58: {  	s0 =	sadd.s32 @!p0 $0x100000, s1;
	[bflag:$0x2] =	sbarrier.arrive $0xFFFF  }
0x59: {  	[sflag:s0] =	ssyncadd.tile.s32 @!p0 $0x1;
	_ =	shalt  }
.Lfunc_end2:
_tile_overlayer_lowered:
.L_overlay_start_2:
0x5a: {  	(tag) =	ssettag $0x2  }
0x5b: {  	s0 =	rddreg [dreg:$0x0];
	s2 =	stileid.u32  }
0x5c: {  	s1 =	rddreg [dreg:$0x1];
	p0 =	sne.s32 s2, $0x0  }
0x5d: {  	s3 =	rddreg [dreg:$0x2];
	[bflag:$0x3] =	sbarrier.arrive $0xFFFF;
	s2 =	simm.s32 @!p0 $0x1C03  }
0x5e: {  	[timem:s3], [sflag:s2] =	dma.local @!p0 [hbm:s0], s1  }
0x5f: {  	s0 =	simm.s32 @!p0 $0x3  }
0x60: {  	_ =	swait.ge @!p0 [sflag:s0], s1  }
0x61: {  	s1 =	ssub.s32 @!p0 $0x0, s1;
	[sflag:s0] =	ssyncset.done @!p0 $0x0  }
0x62: {  	[sflag:s0] =	ssyncadd.s32 @!p0 s1  }
0x63: {  	[bflag:$0x3] =	sbarrier.arrive $0xFFFF  }
0x64: {  	_ =	shalt  }

// kernel: kernel.15.cloned.1.call-start
scs
__scs_entry_jumppad:
0x0: {  	(pc) =	sbr.rel $0x88, $3  }
0x1: {  	(tag) =	ssettag $0x0;
	lr =	simm.s32 $0x1  }
0x2: {  	[smem:$0x3F95] =	sst lr;
	_ =	strace $0xD0000000  }
0x3: {  	_ = 	snop  }
0x4: {  	_ = 	snop  }
0x5: {  	_ = 	snop  }
0x6: {  	_ = 	snop  }
0x7: {  	_ = 	snop  }
__scs_overlays_trampoline_lowered:
0x8: {  	[smem:$0x3FA4] =	sst s0  }
0x9: {  	[smem:$0x3FA5] =	sst s1  }
0xa: {  	[smem:$0x3FA6] =	sst s2  }
0xb: {  	[smem:$0x3FA7] =	sst s3  }
0xc: {  	[smem:$0x3FA8] =	sst s4  }
0xd: {  	[smem:$0x3FA9] =	sst s5  }
0xe: {  	[smem:$0x3FAA] =	sst s6  }
0xf: {  	[smem:$0x3FAB] =	sst s7  }
0x10: {  	[smem:$0x3FAC] =	sst s8  }
0x11: {  	[smem:$0x3FAD] =	sst s9;
	s0 =	simm.s32 @!p0 $0x0  }
0x12: {  	s1 =	sld [smem:$0x3F93];
	s0 =	simm.s32 @p0 $0x1  }
0x13: {  	[smem:$0x3FAE] =	sst s0;
	s0 =	simm.s32 @!p1 $0x0  }
0x14: {  	s2 =	sld [smem:$0x3F92];
	s0 =	simm.s32 @p1 $0x1  }
0x15: {  	[smem:$0x3FAF] =	sst s0;
	s0 =	simm.s32 @!p2 $0x0  }
0x16: {  	s3 =	sld [smem:$0x3FDB];
	s0 =	simm.s32 @p2 $0x1  }
0x17: {  	s4 =	simm.s32 $0x1BF5;
	[smem:$0x3FB1] =	sst s0  }
0x18: {  	s0 =	sld [smem:$0x3F94];
	_ =	swait.ge [sflag:s4], $0x0  }
0x19: {  	s7 =	sld [smem:$0x3F95]  }
0x1a: {  	s8 =	sadd.s32 $0xFFFFE003, lr  }
0x1b: {  	s9 =	sadd.s32 $0xFFFFFEF7, lr;
	s5 =	simm.s32 $0xFFFFFFFF;
	p2 =	slt.u32 s8, $0xFFFFF086  }
0x1c: {  	p1 =	slt.u32 s9, $0xF7A;
	s5 =	simm.s32 @!p2 $0x0  }
0x1d: {  	s5 =	simm.s32 @p1 $0x1;
	p0 =	seq.s32 s7, s2  }
0x1e: {  	s7 =	smul.u32 @!p0 $0xF7A, s2;
	p2 =	seq.s32 @!p0 s5, $0x0  }
0x1f: {  	s9 =	smul.u32 $0xF7A, s1;
	s8 =	simm.s32 @!p0 $0x1BF5;
	p2 =	por !p2, p0  }
0x20: {  	[sflag:s8] =	ssyncset.s32 @!p0 $0xFFFFF086;
	s6 =	sadd.s32 @!p0 s3, s7;
	s7 =	simm.s32 @!p0 $0x108  }
0x21: {  	s3 =	sadd.s32 s3, s9;
	s6 =	sadd.s32 @!p0 $0x88, s6;
	s7 =	simm.s32 @p2 $0x1082  }
0x22: {  	[simem:s7], [sflag:s8] =	dma.local @!p0 [hbm:s6], $0xF7A  }
0x23: {  	s9 =	sor.u32 $0xD0000000, s2;
	s6 =	simm.s32 $0x108;
	_ =	swait.ge @!p0 [sflag:s8], $0x0  }
0x24: {  	s3 =	sadd.s32 $0x88, s3;
	s6 =	simm.s32 @!p1 $0x1082;
	[sflag:s4] =	ssyncset.s32 $0xFFFFF086  }
0x25: {  	[simem:s6], [sflag:s4] =	dma.local [hbm:s3], $0xF7A  }
0x26: {  	[smem:$0x3F95] =	sst s1;
	(tag) =	ssettag s2;
	_ =	strace s9  }
0x27: {  	s1 =	sld [smem:$0x3FA5]  }
0x28: {  	s2 =	sld [smem:$0x3FA6]  }
0x29: {  	s4 =	sld [smem:$0x3FA8]  }
0x2a: {  	p0 =	seq.s32 s5, $0x0;
	s5 =	sld [smem:$0x3FA9]  }
0x2b: {  	s6 =	sld [smem:$0x3FAA]  }
0x2c: {  	s7 =	sld [smem:$0x3FAB]  }
0x2d: {  	s3 =	simm.s32 $0x108;
	s8 =	sld [smem:$0x3FAC]  }
0x2e: {  	s3 =	simm.s32 @!p0 $0x1082;
	s9 =	sld [smem:$0x3FAD]  }
0x2f: {  	lr =	sadd.s32 s0, s3;
	s0 =	sld [smem:$0x3FA4]  }
0x30: {  	s3 =	sld [smem:$0x3FA7]  }
0x31: {  	[smem:$0x3FB0] =	sst s10  }
0x32: {  	s10 =	sld [smem:$0x3FAE];
	_ =	sdelay $0x3  }
0x33: {  	p0 =	seq.s32 s10, $0x1;
	s10 =	sld [smem:$0x3FB0];
	_ =	sdelay $0x3  }
0x34: {  	[smem:$0x3FB0] =	sst s10  }
0x35: {  	s10 =	sld [smem:$0x3FAF];
	_ =	sdelay $0x3  }
0x36: {  	p1 =	seq.s32 s10, $0x1;
	s10 =	sld [smem:$0x3FB0];
	_ =	sdelay $0x3  }
0x37: {  	[smem:$0x3FB0] =	sst s10  }
0x38: {  	s10 =	sld [smem:$0x3FB1]  }
0x39: {  	_ = 	snop;
	(pc) =	sbr.ind lr, $3  }
0x3a: {  	_ = 	snop  }
0x3b: {  	_ = 	snop  }
0x3c: {  	p2 =	seq.s32 s10, $0x1;
	s10 =	sld [smem:$0x3FB0]  }
0x3d: {  	_ =	shalt  }
0x3e: {  	_ =	shalt  }
0x3f: {  	_ =	shalt  }
0x40: {  	_ =	shalt  }
0x41: {  	_ =	shalt  }
0x42: {  	_ =	shalt  }
0x43: {  	_ =	shalt  }
0x44: {  	_ =	shalt  }
0x45: {  	_ =	shalt  }
0x46: {  	_ =	shalt  }
0x47: {  	_ =	shalt  }
0x48: {  	_ =	shalt  }
0x49: {  	_ =	shalt  }
0x4a: {  	_ =	shalt  }
0x4b: {  	_ =	shalt  }
0x4c: {  	_ =	shalt  }
0x4d: {  	_ =	shalt  }
0x4e: {  	_ =	shalt  }
0x4f: {  	_ =	shalt  }
0x50: {  	_ =	shalt  }
0x51: {  	_ =	shalt  }
0x52: {  	_ =	shalt  }
0x53: {  	_ =	shalt  }
0x54: {  	_ =	shalt  }
0x55: {  	_ =	shalt  }
0x56: {  	_ =	shalt  }
0x57: {  	_ =	shalt  }
0x58: {  	_ =	shalt  }
0x59: {  	_ =	shalt  }
0x5a: {  	_ =	shalt  }
0x5b: {  	_ =	shalt  }
0x5c: {  	_ =	shalt  }
0x5d: {  	_ =	shalt  }
0x5e: {  	_ =	shalt  }
0x5f: {  	_ =	shalt  }
0x60: {  	_ =	shalt  }
0x61: {  	_ =	shalt  }
0x62: {  	_ =	shalt  }
0x63: {  	_ =	shalt  }
0x64: {  	_ =	shalt  }
0x65: {  	_ =	shalt  }
0x66: {  	_ =	shalt  }
0x67: {  	_ =	shalt  }
0x68: {  	_ =	shalt  }
0x69: {  	_ =	shalt  }
0x6a: {  	_ =	shalt  }
0x6b: {  	_ =	shalt  }
0x6c: {  	_ =	shalt  }
0x6d: {  	_ =	shalt  }
0x6e: {  	_ =	shalt  }
0x6f: {  	_ =	shalt  }
0x70: {  	_ =	shalt  }
0x71: {  	_ =	shalt  }
0x72: {  	_ =	shalt  }
0x73: {  	_ =	shalt  }
0x74: {  	_ =	shalt  }
0x75: {  	_ =	shalt  }
0x76: {  	_ =	shalt  }
0x77: {  	_ =	shalt  }
0x78: {  	_ =	shalt  }
0x79: {  	_ =	shalt  }
0x7a: {  	_ =	shalt  }
0x7b: {  	_ =	shalt  }
0x7c: {  	_ =	shalt  }
0x7d: {  	_ =	shalt  }
0x7e: {  	_ =	shalt  }
0x7f: {  	_ =	shalt  }
0x80: {  	_ =	shalt  }
0x81: {  	_ =	shalt  }
0x82: {  	_ =	shalt  }
0x83: {  	_ =	shalt  }
0x84: {  	_ =	shalt  }
0x85: {  	_ =	shalt  }
0x86: {  	_ =	shalt  }
0x87: {  	_ =	shalt  }
.Lfunc_end0:
.L_simem_size_0:
called_computation.1_lowered:
.L_overlay_start_0:
0x88: {  	s2 =	sld [smem:$0x3FD9]  }
0x89: {  	s3 =	sld [smem:$0x3FFE];
	_ =	sdelay $0x1  }
0x8a: {  	s1 =	srdreg.scid  }
0x8b: {  	s0 =	sand.u32 $0x1, s1  }
0x8c: {  	s15 =	sshll.u32 s0, $0xA;
	s2 =	sadd.s32 s3, s2  }
0x8d: {  	s2 =	sadd.s32 s2, s15  }
0x8e: {  	[smem:$0x3FBC] =	sst s2  }
0x8f: {  	_ = 	snop  }
0x90: {  	s2 =	sld [smem:$0x3FD0];
	_ =	sdelay $0x2  }
0x91: {  	s16 =	simm.s32 $0xB;
	s4 =	simm.s32 $0x10  }
0x92: {  	[smem:s4], [sflag:s16] =	dma.local [hbm:s2], $0x1  }
0x93: {  	_ =	swait.eq [sflag:s16], $0x1  }
0x94: {  	[sflag:s16] =	ssyncset.done $0x0  }
0x95: {  	[sflag:s16] =	ssyncadd.s32 $0xFFFFFFFF  }
0x96: {  	s17 =	sld [smem:$0x13];
	(tm) =	ssettm $0x1  }
0x97: {  	s18 =	sld [smem:$0x3FFB];
	_ =	sdelay $0x3  }
0x98: {  	_ =	strace s18  }
0x99: {  	s2 =	sld [smem:$0x3FFC];
	_ =	sdelay $0x3  }
0x9a: {  	_ =	strace s2  }
0x9b: {  	s2 =	sld [smem:$0x3FFD];
	_ =	sdelay $0x3  }
0x9c: {  	_ =	strace s2  }
0x9d: {  	_ =	strace $0x8FFFFFFF  }
0x9e: {  	s19 =	sld [smem:$0x3FDB];
	_ =	sdelay $0x1  }
0x9f: {  	s20 =	simm.s32 $_scs_section_size  }
0xa0: {  	s5 =	simm.s32 $_size__tile_overlayer_lowered;
	s6 =	simm.s32 $_tile_overlayer_lowered  }
0xa1: {  	s7 =	simm.s32 $0x1BFF;
	s21 =	sshll.u32 s6, $0x1;
	s4 =	sadd.s32 s20, s19  }
0xa2: {  	s22 =	simm.s32 $0x0;
	s5 =	sshll.u32 s5, $0x1;
	s6 =	sadd.s32 s21, s4  }
0xa3: {  	[timem:s22], [sflag:s7] =	dma.local [hbm:s6], s5  }
0xa4: {  	_ =	swait.ge [sflag:s7], s5  }
0xa5: {  	s5 =	ssub.s32 $0x0, s5;
	[sflag:s7] =	ssyncset.done $0x0  }
0xa6: {  	[sflag:s7] =	ssyncadd.s32 s5;
	_ =	sdelay $0x1  }
0xa7: {  	s23 =	simm.s32 $0x1B8B  }
0xa8: {  	_ =	swait.ge [sflag:s23], $0x1  }
0xa9: {  	[sflag:s23] =	ssyncset.done $0x0  }
0xaa: {  	[sflag:s23] =	ssyncadd.s32 $0xFFFFFFFF  }
0xab: {  	s5 =	sld [smem:$0x0]  }
0xac: {  	s6 =	sand.u32 $0xFFFFFFFE, s1  }
0xad: {  	p0 =	sne.s32 s1, s6  }
0xae: {  	s6 =	sshll.u32 @p0 s6, $0xE  }
0xaf: {  	s6 =	sadd.s32 @p0 $0x11B8D, s6;
	s7 =	sshll.u32 @p0 s5, $0x11  }
0xb0: {  	s6 =	sor.u32 @p0 s7, s6  }
0xb1: {  	[sflag:s6] =	ssyncadd.remote.s32 @p0 $0x1;
	_ =	sdelay $0x1  }
0xb2: {  	s6 =	simm.s32 @p0 $0x1B8D  }
0xb3: {  	_ =	swait.eq @p0 [sflag:s6], $0x1  }
0xb4: {  	[sflag:s6] =	ssyncadd.s32 @p0 $0xFFFFFFFF  }
0xb5: {  	s7 =	sshll.u32 @!p0 s1, $0xE  }
0xb6: {  	s7 =	sor.u32 @!p0 $0x4000, s7;
	s6 =	simm.s32 @!p0 $0x1B8D  }
0xb7: {  	s5 =	sshll.u32 @!p0 s5, $0x11;
	s7 =	sadd.s32 @!p0 $0x11B8D, s7;
	_ =	swait.eq @!p0 [sflag:s6], $0x1  }
0xb8: {  	s5 =	sor.u32 @!p0 s5, s7;
	[sflag:s6] =	ssyncadd.s32 @!p0 $0xFFFFFFFF  }
0xb9: {  	s25 =	simm.s32 $0x1B8E;
	s24 =	sld [smem:$0x3FFE];
	[sflag:s5] =	ssyncadd.remote.s32 @!p0 $0x1  }
0xba: {  	s26 =	simm.s32 $execute0_lowered;
	[smem:$0x3FD2] =	sst s25  }
0xbb: {  	s6 =	sshll.u32 s26, $0x1;
	_ =	strace $0x8000004F;
	[dreg:$0x1] =	wrdreg $0xFFFFFFFF  }
0xbc: {  	s28 =	simm.s32 $_size_execute0_lowered;
	s4 =	sadd.s32 s4, s6;
	[dreg:$0x0] =	wrdreg $0x0  }
0xbd: {  	s6 =	sshll.u32 s28, $0x1;
	[dreg:$0x2] =	wrdreg s4  }
0xbe: {  	[dreg:$0x3] =	wrdreg s6  }
0xbf: {  	[dreg:$0x4] =	wrdreg $0xC0  }
0xc0: {  	_ =	task [dreg:s22], $0x5FFFF  }
0xc1: {  	[dreg:$0x1] =	wrdreg $0xFFFFFFFF  }
0xc2: {  	[dreg:$0x0] =	wrdreg $0x60  }
0xc3: {  	[dreg:$0x2] =	wrdreg s17  }
0xc4: {  	[dreg:$0x3] =	wrdreg s24  }
0xc5: {  	[dreg:$0x4] =	wrdreg $0x9  }
0xc6: {  	_ =	task.clear_ibuf [dreg:s22], $0x5FFFF;
	_ =	strace $0x9000004F  }
0xc7: {  	s29 =	simm.s32 $0x9;
	_ =	strace $0x80000051  }
0xc8: {  	_ =	swait.ge [sflag:s29], $0x1  }
0xc9: {  	[sflag:s29] =	ssyncadd.s32 $0xFFFFFFFF  }
0xca: {  	_ =	strace $0x90000051  }
0xcb: {  	_ =	sfence  }
0xcc: {  	s30 =	sld [smem:$0x0];
	_ =	sdelay $0x2  }
0xcd: {  	s31 =	sshll.u32 s1, $0xD;
	s1 =	sshrl.u32 s1, $0x2  }
0xce: {  	s4 =	sand.u32 $0x4000, s31;
	s1 =	sadd.s32 s1, s30  }
0xcf: {  	s0 =	sor.u32 s4, s0;
	s1 =	sshll.u32 s1, $0x11  }
0xd0: {  	s0 =	sor.u32 s1, s0  }
0xd1: {  	s0 =	sadd.s32 $0x8F2B, s0  }
0xd2: {  	[sflag:s0] =	ssyncadd.remote.s32 $0x1  }
0xd3: {  	_ =	sfence.sel $0xFFFF  }
0xd4: {  	[dreg:$0x0] =	wrdreg $0xFFFFFFFF;
	(pc) =	sbr.abs _section_cstart, $3  }
0xd5: {  	[dreg:$0x1] =	wrdreg $0xFFFFFFFF  }
0xd6: {  	_ =	task.clear_ibuf [dreg:s22], $0x2FFFF;
	_ =	strace $0x9FFFFFFF  }
0xd7: {  	(tm) =	ssettm $0x7FFFFFFF  }
tec
execute0_lowered:
.L_overlay_start_1:
0x0: {  	(tag) =	ssettag $0x1  }
0x1: {  	s2 =	rddreg [dreg:$0x0];
	s1 =	srdreg.scid  }
0x2: {  	s0 =	stileid.u32;
	s4 =	rddreg [dreg:$0x1];
	s3 =	simm.s32 $0x0  }
0x3: {  	s13 =	simm.s32 $0x4C00;
	s14 =	simm.s32 $0x1;
	s25 =	smul.u32 $0xA0000, s0  }
0x4: {  	s15 =	simm.s32 $0x2;
	s7 =	sand.u32 $0x1, s1;
	s29 =	smul.u32 $0x14000, s0  }
0x5: {  	s16 =	simm.s32 $0x980;
	s5 =	sshll.u32 s0, $0x1;
	s28 =	smul.u32 $0x50000, s7  }
0x6: {  	s1 =	rddreg [dreg:$0x2];
	s5 =	sor.u32 s7, s5;
	s30 =	smul.u32 $0xA000, s7  }
0x7: {  	s17 =	simm.s32 $0x0;
	[smem:$0x7FF] =	sst s3;
	s6 =	smul.u32 $0x180, s5  }
0x8: {  	s12 =	sadd.s32 $0x3DA800, s4;
	s8 =	ssub.s32 $0x2, s7;
	s9 =	smul.u32 $0x50000, s5  }
0x9: {  	_ =	strace $0x80000050;
	s10 =	sshrl.u32 s8, $0x1;
	s11 =	smul.u32 $0xA000, s5  }
0xa: {  	s24 =	ssub.s32 s8, s10;
	s8 =	sadd.s32 s28, s25;
	s10 =	sadd.s32 s29, s12  }
0xb: {  	s6 =	sadd.s32 s6, s4;
	s26 =	sshrl.u32 s9, $0x3;
	s5 =	smax.u32 s24, $0x1  }
0xc: {  	s31 =	sadd.s32 s12, s11;
	s8 =	sshrl.u32 s8, $0x3;
	s9 =	sadd.s32 s30, s10  }
0xd: {  	s10 =	simm.s32 $0x3;
	s11 =	simm.s32 $0x80;
	s4 =	sadd.s32 $0x3D7800, s6  }
0xe: {  	s6 =	sadd.s32 s12, s26;
	s7 =	sadd.s32 $0x9800, s31;
	s8 =	sadd.s32 s8, s12  }
0xf: {  	s9 =	sadd.s32 $0x800, s9;
	s12 =	simm.s32 $0xC00;
	s6 =	sadd.s32 $0x9000, s6  }
.LBB2_1:
0x10: {  	[tilespmem:s3], [sflag:$0x3] =	stream.linear.gather [hbm4b:s4+s3], $0xA00, $0x38;
	[tilespmem:$0x8C00] =	vst v63  }
0x11: {  	_ =	swait.ge [sflag:s10], $0xA00  }
0x12: {  	[sflag:s10] =	ssyncset.done $0x0  }
0x13: {  	[sflag:s10] =	ssyncadd.s32 $0xFFFFF600  }
0x14: {  	[tilespmem:s12], [sflag:$0x1] =	stream.indirect.gather [hbm4b:s2+s11], $0x80, s3, s11, $0xb8;
	[tilespmem:$0x8C00] =	vst v63  }
0x15: {  	s18 =	simm.s32 $0x80  }
0x16: {  	[tilespmem:s13], [sflag:$0x2] =	stream.indirect.gather [hbm4b:s2+s11], $0x80, s18, s11, $0xb8;
	[tilespmem:$0x8C00] =	vst v63  }
0x17: {  	_ =	swait.ge [sflag:s14], $0x4000  }
0x18: {  	[sflag:s14] =	ssyncset.done $0x0  }
0x19: {  	s29 =	sadd.s32 $0x0, s8;
	[sflag:s14] =	ssyncadd.s32 $0xFFFFC000  }
0x1a: {  	[hbm4b:s29+s3] =	stream.linear.scatter [tilespmem:s12], [sflag:$0x3], $0x4000, $0x38;
	[tilespmem:$0x8C00] =	vst v63  }
0x1b: {  	_ =	swait.ge [sflag:s10], $0x4000  }
0x1c: {  	[sflag:s10] =	ssyncset.done $0x0  }
0x1d: {  	s30 =	simm.s32 $0x100;
	[sflag:s10] =	ssyncadd.s32 $0xFFFFC000  }
0x1e: {  	[tilespmem:s12], [sflag:$0x1] =	stream.indirect.gather [hbm4b:s2+s11], $0x80, s30, s11, $0xb8;
	[tilespmem:$0x8C00] =	vst v63  }
0x1f: {  	_ =	swait.ge [sflag:s15], $0x4000  }
0x20: {  	[sflag:s15] =	ssyncset.done $0x0  }
0x21: {  	s31 =	sadd.s32 $0x0, s9;
	[sflag:s15] =	ssyncadd.s32 $0xFFFFC000  }
0x22: {  	[hbm4b:s31+s3] =	stream.linear.scatter [tilespmem:s13], [sflag:$0x3], $0x4000, $0x38;
	[tilespmem:$0x8C00] =	vst v63  }
0x23: {  	s20 =	simm.s32 $0x2000;
	_ =	swait.ge [sflag:s10], $0x4000  }
0x24: {  	s19 =	simm.s32 $0x200;
	s18 =	simm.s32 $0x1000;
	[sflag:s10] =	ssyncset.done $0x0  }
.LBB2_2:
0x25: {  	p0 =	sne.s32 s20, $0x8000;
	s21 =	sadd.s32 $0xFFFFFF80, s19;
	[sflag:s10] =	ssyncadd.s32 $0xFFFFC000  }
0x26: {  	[tilespmem:s13], [sflag:$0x2] =	stream.indirect.gather [hbm4b:s2+s11], $0x80, s21, s11, $0xb8;
	[tilespmem:$0x8C00] =	vst v63  }
0x27: {  	s21 =	smov.u32 s20;
	s20 =	sadd.s32 $0x1000, s20;
	_ =	swait.ge [sflag:s14], $0x4000  }
0x28: {  	[sflag:s14] =	ssyncset.done $0x0  }
0x29: {  	s22 =	sadd.s32 s18, s8;
	[sflag:s14] =	ssyncadd.s32 $0xFFFFC000  }
0x2a: {  	[hbm4b:s22+s3] =	stream.linear.scatter [tilespmem:s12], [sflag:$0x3], $0x4000, $0x38;
	[tilespmem:$0x8C00] =	vst v63  }
0x2b: {  	_ =	swait.ge [sflag:s10], $0x4000  }
0x2c: {  	[sflag:s10] =	ssyncset.done $0x0  }
0x2d: {  	[sflag:s10] =	ssyncadd.s32 $0xFFFFC000  }
0x2e: {  	[tilespmem:s12], [sflag:$0x1] =	stream.indirect.gather [hbm4b:s2+s11], $0x80, s19, s11, $0xb8;
	[tilespmem:$0x8C00] =	vst v63  }
0x2f: {  	_ =	swait.ge [sflag:s15], $0x4000  }
.Ltmp0:
0x30: {  	[sflag:s15] =	ssyncset.done $0x0;
	(pc) =	sbr.rel @p0 .LBB2_2-.Ltmp0, $4  }
0x31: {  	s22 =	sadd.s32 s18, s9;
	s18 =	smov.u32 s21;
	[sflag:s15] =	ssyncadd.s32 $0xFFFFC000  }
0x32: {  	[hbm4b:s22+s3] =	stream.linear.scatter [tilespmem:s13], [sflag:$0x3], $0x4000, $0x38;
	[tilespmem:$0x8C00] =	vst v63  }
0x33: {  	_ =	swait.ge [sflag:s10], $0x4000  }
0x34: {  	s19 =	sadd.s32 $0x100, s19;
	[sflag:s10] =	ssyncset.done $0x0  }
0x35: {  	s20 =	sadd.s32 $0xFFFFFF80, s19;
	[sflag:s10] =	ssyncadd.s32 $0xFFFFC000  }
0x36: {  	[tilespmem:s13], [sflag:$0x2] =	stream.indirect.gather [hbm4b:s2+s11], $0x80, s20, s11, $0xb8;
	[tilespmem:$0x8C00] =	vst v63  }
0x37: {  	_ =	swait.ge [sflag:s14], $0x4000  }
0x38: {  	[sflag:s14] =	ssyncset.done $0x0  }
0x39: {  	s30 =	sadd.s32 s18, s8;
	[sflag:s14] =	ssyncadd.s32 $0xFFFFC000  }
0x3a: {  	[hbm4b:s30+s3] =	stream.linear.scatter [tilespmem:s12], [sflag:$0x3], $0x4000, $0x38;
	[tilespmem:$0x8C00] =	vst v63  }
0x3b: {  	_ =	swait.ge [sflag:s10], $0x4000  }
0x3c: {  	[sflag:s10] =	ssyncset.done $0x0  }
0x3d: {  	[sflag:s10] =	ssyncadd.s32 $0xFFFFC000  }
0x3e: {  	[tilespmem:s12], [sflag:$0x1] =	stream.indirect.gather [hbm4b:s2+s11], $0x80, s19, s11, $0xb8;
	[tilespmem:$0x8C00] =	vst v63  }
0x3f: {  	_ =	swait.ge [sflag:s15], $0x4000  }
0x40: {  	[sflag:s15] =	ssyncset.done $0x0  }
0x41: {  	s31 =	sadd.s32 s18, s9;
	[sflag:s15] =	ssyncadd.s32 $0xFFFFC000  }
0x42: {  	[hbm4b:s31+s3] =	stream.linear.scatter [tilespmem:s13], [sflag:$0x3], $0x4000, $0x38;
	[tilespmem:$0x8C00] =	vst v63  }
0x43: {  	_ =	swait.ge [sflag:s10], $0x4000  }
0x44: {  	[sflag:s10] =	ssyncset.done $0x0  }
0x45: {  	[sflag:s10] =	ssyncadd.s32 $0xFFFFC000  }
0x46: {  	[tilespmem:s13], [sflag:$0x2] =	stream.indirect.gather [hbm4b:s2+s11], $0x80, s16, s11, $0xb8;
	[tilespmem:$0x8C00] =	vst v63  }
0x47: {  	_ =	swait.ge [sflag:s14], $0x4000  }
0x48: {  	[sflag:s14] =	ssyncset.done $0x0  }
0x49: {  	[sflag:s14] =	ssyncadd.s32 $0xFFFFC000  }
0x4a: {  	[hbm4b:s6+s3] =	stream.linear.scatter [tilespmem:s12], [sflag:$0x3], $0x4000, $0x38;
	[tilespmem:$0x8C00] =	vst v63  }
0x4b: {  	_ =	swait.ge [sflag:s10], $0x4000  }
0x4c: {  	[sflag:s10] =	ssyncset.done $0x0  }
0x4d: {  	[sflag:s10] =	ssyncadd.s32 $0xFFFFC000  }
0x4e: {  	s17 =	sadd.s32 $0x1, s17;
	_ =	swait.ge [sflag:s15], $0x4000  }
0x4f: {  	p0 =	sne.s32 s17, s5;
	[sflag:s15] =	ssyncset.done $0x0  }
.Ltmp1:
0x50: {  	[sflag:s15] =	ssyncadd.s32 $0xFFFFC000;
	(pc) =	sbr.rel @p0 .LBB2_1-.Ltmp1, $4  }
0x51: {  	[hbm4b:s7+s3] =	stream.linear.scatter [tilespmem:s13], [sflag:$0x3], $0x4000, $0x38;
	[tilespmem:$0x8C00] =	vst v63  }
0x52: {  	_ =	swait.ge [sflag:s10], $0x4000  }
0x53: {  	[sflag:s10] =	ssyncset.done $0x0  }
0x54: {  	[sflag:s10] =	ssyncadd.s32 $0xFFFFC000  }
0x55: {  	_ =	sfence.sel $0x180000  }
0x56: {  	[bflag:$0x0] =	sbarrier.arrive $0xFFFF  }
0x57: {  	p0 =	sne.s32 s0, $0x0;
	_ =	strace $0x90000050  }
0x58: {  	s0 =	sadd.s32 @!p0 $0x100000, s1;
	[bflag:$0x2] =	sbarrier.arrive $0xFFFF  }
0x59: {  	[sflag:s0] =	ssyncadd.tile.s32 @!p0 $0x1;
	_ =	shalt  }
.Lfunc_end2:
_tile_overlayer_lowered:
.L_overlay_start_2:
0x5a: {  	(tag) =	ssettag $0x2  }
0x5b: {  	s0 =	rddreg [dreg:$0x0];
	s2 =	stileid.u32  }
0x5c: {  	s1 =	rddreg [dreg:$0x1];
	p0 =	sne.s32 s2, $0x0  }
0x5d: {  	s3 =	rddreg [dreg:$0x2];
	[bflag:$0x3] =	sbarrier.arrive $0xFFFF;
	s2 =	simm.s32 @!p0 $0x1C03  }
0x5e: {  	[timem:s3], [sflag:s2] =	dma.local @!p0 [hbm:s0], s1  }
0x5f: {  	s0 =	simm.s32 @!p0 $0x3  }
0x60: {  	_ =	swait.ge @!p0 [sflag:s0], s1  }
0x61: {  	s1 =	ssub.s32 @!p0 $0x0, s1;
	[sflag:s0] =	ssyncset.done @!p0 $0x0  }
0x62: {  	[sflag:s0] =	ssyncadd.s32 @!p0 s1  }
0x63: {  	[bflag:$0x3] =	sbarrier.arrive $0xFFFF  }
0x64: {  	_ =	shalt  }

// kernel: kernel.18.cloned.1.call-start
scs
__scs_entry_jumppad:
0x0: {  	(pc) =	sbr.rel $0x88, $3  }
0x1: {  	(tag) =	ssettag $0x0;
	lr =	simm.s32 $0x1  }
0x2: {  	[smem:$0x3F95] =	sst lr;
	_ =	strace $0xD0000000  }
0x3: {  	_ = 	snop  }
0x4: {  	_ = 	snop  }
0x5: {  	_ = 	snop  }
0x6: {  	_ = 	snop  }
0x7: {  	_ = 	snop  }
__scs_overlays_trampoline_lowered:
0x8: {  	[smem:$0x3FA4] =	sst s0  }
0x9: {  	[smem:$0x3FA5] =	sst s1  }
0xa: {  	[smem:$0x3FA6] =	sst s2  }
0xb: {  	[smem:$0x3FA7] =	sst s3  }
0xc: {  	[smem:$0x3FA8] =	sst s4  }
0xd: {  	[smem:$0x3FA9] =	sst s5  }
0xe: {  	[smem:$0x3FAA] =	sst s6  }
0xf: {  	[smem:$0x3FAB] =	sst s7  }
0x10: {  	[smem:$0x3FAC] =	sst s8  }
0x11: {  	[smem:$0x3FAD] =	sst s9;
	s0 =	simm.s32 @!p0 $0x0  }
0x12: {  	s1 =	sld [smem:$0x3F93];
	s0 =	simm.s32 @p0 $0x1  }
0x13: {  	[smem:$0x3FAE] =	sst s0;
	s0 =	simm.s32 @!p1 $0x0  }
0x14: {  	s2 =	sld [smem:$0x3F92];
	s0 =	simm.s32 @p1 $0x1  }
0x15: {  	[smem:$0x3FAF] =	sst s0;
	s0 =	simm.s32 @!p2 $0x0  }
0x16: {  	s3 =	sld [smem:$0x3FDB];
	s0 =	simm.s32 @p2 $0x1  }
0x17: {  	s4 =	simm.s32 $0x1BF5;
	[smem:$0x3FB1] =	sst s0  }
0x18: {  	s0 =	sld [smem:$0x3F94];
	_ =	swait.ge [sflag:s4], $0x0  }
0x19: {  	s7 =	sld [smem:$0x3F95]  }
0x1a: {  	s8 =	sadd.s32 $0xFFFFE003, lr  }
0x1b: {  	s9 =	sadd.s32 $0xFFFFFEF7, lr;
	s5 =	simm.s32 $0xFFFFFFFF;
	p2 =	slt.u32 s8, $0xFFFFF086  }
0x1c: {  	p1 =	slt.u32 s9, $0xF7A;
	s5 =	simm.s32 @!p2 $0x0  }
0x1d: {  	s5 =	simm.s32 @p1 $0x1;
	p0 =	seq.s32 s7, s2  }
0x1e: {  	s7 =	smul.u32 @!p0 $0xF7A, s2;
	p2 =	seq.s32 @!p0 s5, $0x0  }
0x1f: {  	s9 =	smul.u32 $0xF7A, s1;
	s8 =	simm.s32 @!p0 $0x1BF5;
	p2 =	por !p2, p0  }
0x20: {  	[sflag:s8] =	ssyncset.s32 @!p0 $0xFFFFF086;
	s6 =	sadd.s32 @!p0 s3, s7;
	s7 =	simm.s32 @!p0 $0x108  }
0x21: {  	s3 =	sadd.s32 s3, s9;
	s6 =	sadd.s32 @!p0 $0x88, s6;
	s7 =	simm.s32 @p2 $0x1082  }
0x22: {  	[simem:s7], [sflag:s8] =	dma.local @!p0 [hbm:s6], $0xF7A  }
0x23: {  	s9 =	sor.u32 $0xD0000000, s2;
	s6 =	simm.s32 $0x108;
	_ =	swait.ge @!p0 [sflag:s8], $0x0  }
0x24: {  	s3 =	sadd.s32 $0x88, s3;
	s6 =	simm.s32 @!p1 $0x1082;
	[sflag:s4] =	ssyncset.s32 $0xFFFFF086  }
0x25: {  	[simem:s6], [sflag:s4] =	dma.local [hbm:s3], $0xF7A  }
0x26: {  	[smem:$0x3F95] =	sst s1;
	(tag) =	ssettag s2;
	_ =	strace s9  }
0x27: {  	s1 =	sld [smem:$0x3FA5]  }
0x28: {  	s2 =	sld [smem:$0x3FA6]  }
0x29: {  	s4 =	sld [smem:$0x3FA8]  }
0x2a: {  	p0 =	seq.s32 s5, $0x0;
	s5 =	sld [smem:$0x3FA9]  }
0x2b: {  	s6 =	sld [smem:$0x3FAA]  }
0x2c: {  	s7 =	sld [smem:$0x3FAB]  }
0x2d: {  	s3 =	simm.s32 $0x108;
	s8 =	sld [smem:$0x3FAC]  }
0x2e: {  	s3 =	simm.s32 @!p0 $0x1082;
	s9 =	sld [smem:$0x3FAD]  }
0x2f: {  	lr =	sadd.s32 s0, s3;
	s0 =	sld [smem:$0x3FA4]  }
0x30: {  	s3 =	sld [smem:$0x3FA7]  }
0x31: {  	[smem:$0x3FB0] =	sst s10  }
0x32: {  	s10 =	sld [smem:$0x3FAE];
	_ =	sdelay $0x3  }
0x33: {  	p0 =	seq.s32 s10, $0x1;
	s10 =	sld [smem:$0x3FB0];
	_ =	sdelay $0x3  }
0x34: {  	[smem:$0x3FB0] =	sst s10  }
0x35: {  	s10 =	sld [smem:$0x3FAF];
	_ =	sdelay $0x3  }
0x36: {  	p1 =	seq.s32 s10, $0x1;
	s10 =	sld [smem:$0x3FB0];
	_ =	sdelay $0x3  }
0x37: {  	[smem:$0x3FB0] =	sst s10  }
0x38: {  	s10 =	sld [smem:$0x3FB1]  }
0x39: {  	_ = 	snop;
	(pc) =	sbr.ind lr, $3  }
0x3a: {  	_ = 	snop  }
0x3b: {  	_ = 	snop  }
0x3c: {  	p2 =	seq.s32 s10, $0x1;
	s10 =	sld [smem:$0x3FB0]  }
0x3d: {  	_ =	shalt  }
0x3e: {  	_ =	shalt  }
0x3f: {  	_ =	shalt  }
0x40: {  	_ =	shalt  }
0x41: {  	_ =	shalt  }
0x42: {  	_ =	shalt  }
0x43: {  	_ =	shalt  }
0x44: {  	_ =	shalt  }
0x45: {  	_ =	shalt  }
0x46: {  	_ =	shalt  }
0x47: {  	_ =	shalt  }
0x48: {  	_ =	shalt  }
0x49: {  	_ =	shalt  }
0x4a: {  	_ =	shalt  }
0x4b: {  	_ =	shalt  }
0x4c: {  	_ =	shalt  }
0x4d: {  	_ =	shalt  }
0x4e: {  	_ =	shalt  }
0x4f: {  	_ =	shalt  }
0x50: {  	_ =	shalt  }
0x51: {  	_ =	shalt  }
0x52: {  	_ =	shalt  }
0x53: {  	_ =	shalt  }
0x54: {  	_ =	shalt  }
0x55: {  	_ =	shalt  }
0x56: {  	_ =	shalt  }
0x57: {  	_ =	shalt  }
0x58: {  	_ =	shalt  }
0x59: {  	_ =	shalt  }
0x5a: {  	_ =	shalt  }
0x5b: {  	_ =	shalt  }
0x5c: {  	_ =	shalt  }
0x5d: {  	_ =	shalt  }
0x5e: {  	_ =	shalt  }
0x5f: {  	_ =	shalt  }
0x60: {  	_ =	shalt  }
0x61: {  	_ =	shalt  }
0x62: {  	_ =	shalt  }
0x63: {  	_ =	shalt  }
0x64: {  	_ =	shalt  }
0x65: {  	_ =	shalt  }
0x66: {  	_ =	shalt  }
0x67: {  	_ =	shalt  }
0x68: {  	_ =	shalt  }
0x69: {  	_ =	shalt  }
0x6a: {  	_ =	shalt  }
0x6b: {  	_ =	shalt  }
0x6c: {  	_ =	shalt  }
0x6d: {  	_ =	shalt  }
0x6e: {  	_ =	shalt  }
0x6f: {  	_ =	shalt  }
0x70: {  	_ =	shalt  }
0x71: {  	_ =	shalt  }
0x72: {  	_ =	shalt  }
0x73: {  	_ =	shalt  }
0x74: {  	_ =	shalt  }
0x75: {  	_ =	shalt  }
0x76: {  	_ =	shalt  }
0x77: {  	_ =	shalt  }
0x78: {  	_ =	shalt  }
0x79: {  	_ =	shalt  }
0x7a: {  	_ =	shalt  }
0x7b: {  	_ =	shalt  }
0x7c: {  	_ =	shalt  }
0x7d: {  	_ =	shalt  }
0x7e: {  	_ =	shalt  }
0x7f: {  	_ =	shalt  }
0x80: {  	_ =	shalt  }
0x81: {  	_ =	shalt  }
0x82: {  	_ =	shalt  }
0x83: {  	_ =	shalt  }
0x84: {  	_ =	shalt  }
0x85: {  	_ =	shalt  }
0x86: {  	_ =	shalt  }
0x87: {  	_ =	shalt  }
.Lfunc_end0:
.L_simem_size_0:
called_computation.2_lowered:
.L_overlay_start_0:
0x88: {  	s2 =	sld [smem:$0x3FD9]  }
0x89: {  	s3 =	sld [smem:$0x3FFE];
	_ =	sdelay $0x1  }
0x8a: {  	s1 =	srdreg.scid  }
0x8b: {  	s0 =	sand.u32 $0x1, s1  }
0x8c: {  	s14 =	sshll.u32 s0, $0xA;
	s2 =	sadd.s32 s3, s2  }
0x8d: {  	s2 =	sadd.s32 s2, s14  }
0x8e: {  	[smem:$0x3FBC] =	sst s2  }
0x8f: {  	_ = 	snop  }
0x90: {  	s2 =	sld [smem:$0x3FD0];
	_ =	sdelay $0x2  }
0x91: {  	s15 =	simm.s32 $0xB;
	s4 =	simm.s32 $0x10  }
0x92: {  	[smem:s4], [sflag:s15] =	dma.local [hbm:s2], $0x1  }
0x93: {  	_ =	swait.eq [sflag:s15], $0x1  }
0x94: {  	[sflag:s15] =	ssyncset.done $0x0  }
0x95: {  	[sflag:s15] =	ssyncadd.s32 $0xFFFFFFFF  }
0x96: {  	s16 =	sld [smem:$0x12];
	(tm) =	ssettm $0x1  }
0x97: {  	s17 =	sld [smem:$0x3FFB];
	_ =	sdelay $0x3  }
0x98: {  	_ =	strace s17  }
0x99: {  	s3 =	sld [smem:$0x3FFC];
	_ =	sdelay $0x3  }
0x9a: {  	_ =	strace s3  }
0x9b: {  	s3 =	sld [smem:$0x3FFD];
	_ =	sdelay $0x3  }
0x9c: {  	_ =	strace s3  }
0x9d: {  	_ =	strace $0x8FFFFFFF  }
0x9e: {  	s18 =	sld [smem:$0x3FDB];
	_ =	sdelay $0x1  }
0x9f: {  	s19 =	simm.s32 $_scs_section_size  }
0xa0: {  	s5 =	simm.s32 $_size__tile_overlayer_lowered;
	s6 =	simm.s32 $_tile_overlayer_lowered  }
0xa1: {  	s22 =	simm.s32 $0x1BFF;
	s21 =	sshll.u32 s6, $0x1;
	s3 =	sadd.s32 s19, s18  }
0xa2: {  	s7 =	simm.s32 $0x0;
	s20 =	sshll.u32 s5, $0x1;
	s5 =	sadd.s32 s21, s3  }
0xa3: {  	[timem:s7], [sflag:s22] =	dma.local [hbm:s5], s20  }
0xa4: {  	_ =	swait.ge [sflag:s22], s20  }
0xa5: {  	s4 =	ssub.s32 $0x0, s20;
	[sflag:s22] =	ssyncset.done $0x0  }
0xa6: {  	[sflag:s22] =	ssyncadd.s32 s4;
	_ =	sdelay $0x1  }
0xa7: {  	s23 =	simm.s32 $0x1B8B  }
0xa8: {  	_ =	swait.ge [sflag:s23], $0x1  }
0xa9: {  	[sflag:s23] =	ssyncset.done $0x0  }
0xaa: {  	s25 =	simm.s32 $0x1B8E;
	s24 =	sld [smem:$0x3FFE];
	[sflag:s23] =	ssyncadd.s32 $0xFFFFFFFF  }
0xab: {  	s26 =	simm.s32 $execute0_lowered;
	[smem:$0x3FD2] =	sst s25  }
0xac: {  	s5 =	sshll.u32 s26, $0x1;
	_ =	strace $0x80000046;
	[dreg:$0x1] =	wrdreg $0xFFFFFFFF  }
0xad: {  	s28 =	simm.s32 $_size_execute0_lowered;
	s3 =	sadd.s32 s3, s5;
	[dreg:$0x0] =	wrdreg $0x0  }
0xae: {  	s5 =	sshll.u32 s28, $0x1;
	[dreg:$0x2] =	wrdreg s3  }
0xaf: {  	[dreg:$0x3] =	wrdreg s5  }
0xb0: {  	[dreg:$0x4] =	wrdreg $0xC0  }
0xb1: {  	_ =	task [dreg:s7], $0x5FFFF  }
0xb2: {  	[dreg:$0x1] =	wrdreg $0xFFFFFFFF  }
0xb3: {  	[dreg:$0x0] =	wrdreg $0x60  }
0xb4: {  	[dreg:$0x2] =	wrdreg s16  }
0xb5: {  	[dreg:$0x3] =	wrdreg s24  }
0xb6: {  	[dreg:$0x4] =	wrdreg $0xA  }
0xb7: {  	_ =	task.clear_ibuf [dreg:s7], $0x5FFFF;
	_ =	strace $0x90000046  }
0xb8: {  	s29 =	simm.s32 $0xA;
	_ =	strace $0x80000048  }
0xb9: {  	_ =	swait.ge [sflag:s29], $0x1  }
0xba: {  	[sflag:s29] =	ssyncadd.s32 $0xFFFFFFFF  }
0xbb: {  	_ =	strace $0x90000048  }
0xbc: {  	_ =	sfence  }
0xbd: {  	s30 =	sld [smem:$0x0];
	_ =	sdelay $0x2  }
0xbe: {  	s31 =	sshll.u32 s1, $0xD;
	s1 =	sshrl.u32 s1, $0x2  }
0xbf: {  	s3 =	sand.u32 $0x4000, s31;
	s1 =	sadd.s32 s1, s30  }
0xc0: {  	s0 =	sor.u32 s3, s0;
	s1 =	sshll.u32 s1, $0x11  }
0xc1: {  	s0 =	sor.u32 s1, s0  }
0xc2: {  	s0 =	sadd.s32 $0x8F2B, s0  }
0xc3: {  	[sflag:s0] =	ssyncadd.remote.s32 $0x1  }
0xc4: {  	_ =	sfence.sel $0xFFFF  }
0xc5: {  	[dreg:$0x0] =	wrdreg $0xFFFFFFFF;
	(pc) =	sbr.abs _section_cstart, $3  }
0xc6: {  	[dreg:$0x1] =	wrdreg $0xFFFFFFFF  }
0xc7: {  	_ =	task.clear_ibuf [dreg:s7], $0x2FFFF;
	_ =	strace $0x9FFFFFFF  }
0xc8: {  	(tm) =	ssettm $0x7FFFFFFF  }
0xc9: {  	_ =	shalt  }
tec
execute0_lowered:
.L_overlay_start_1:
0x0: {  	(tag) =	ssettag $0x1  }
0x1: {  	s2 =	rddreg [dreg:$0x0];
	s1 =	srdreg.scid  }
0x2: {  	s0 =	stileid.u32;
	s4 =	rddreg [dreg:$0x1];
	s3 =	simm.s32 $0x0  }
0x3: {  	s13 =	simm.s32 $0x4C00;
	s14 =	simm.s32 $0x1;
	s25 =	smul.u32 $0xA0000, s0  }
0x4: {  	s15 =	simm.s32 $0x2;
	s7 =	sand.u32 $0x1, s1;
	s29 =	smul.u32 $0x14000, s0  }
0x5: {  	s16 =	simm.s32 $0x980;
	s5 =	sshll.u32 s0, $0x1;
	s28 =	smul.u32 $0x50000, s7  }
0x6: {  	s1 =	rddreg [dreg:$0x2];
	s5 =	sor.u32 s7, s5;
	s30 =	smul.u32 $0xA000, s7  }
0x7: {  	s17 =	simm.s32 $0x0;
	[smem:$0x7FF] =	sst s3;
	s6 =	smul.u32 $0x180, s5  }
0x8: {  	s12 =	sadd.s32 $0x157800, s4;
	s8 =	ssub.s32 $0x2, s7;
	s9 =	smul.u32 $0x50000, s5  }
0x9: {  	_ =	strace $0x80000047;
	s10 =	sshrl.u32 s8, $0x1;
	s11 =	smul.u32 $0xA000, s5  }
0xa: {  	s24 =	ssub.s32 s8, s10;
	s8 =	sadd.s32 s28, s25;
	s10 =	sadd.s32 s29, s12  }
0xb: {  	s6 =	sadd.s32 s6, s4;
	s26 =	sshrl.u32 s9, $0x3;
	s5 =	smax.u32 s24, $0x1  }
0xc: {  	s31 =	sadd.s32 s12, s11;
	s8 =	sshrl.u32 s8, $0x3;
	s9 =	sadd.s32 s30, s10  }
0xd: {  	s10 =	simm.s32 $0x3;
	s11 =	simm.s32 $0x80;
	s4 =	sadd.s32 $0x154800, s6  }
0xe: {  	s6 =	sadd.s32 s12, s26;
	s7 =	sadd.s32 $0x9800, s31;
	s8 =	sadd.s32 s8, s12  }
0xf: {  	s9 =	sadd.s32 $0x800, s9;
	s12 =	simm.s32 $0xC00;
	s6 =	sadd.s32 $0x9000, s6  }
.LBB2_1:
0x10: {  	[tilespmem:s3], [sflag:$0x3] =	stream.linear.gather [hbm4b:s4+s3], $0xA00, $0x38;
	[tilespmem:$0x8C00] =	vst v63  }
0x11: {  	_ =	swait.ge [sflag:s10], $0xA00  }
0x12: {  	[sflag:s10] =	ssyncset.done $0x0  }
0x13: {  	[sflag:s10] =	ssyncadd.s32 $0xFFFFF600  }
0x14: {  	[tilespmem:s12], [sflag:$0x1] =	stream.indirect.gather [hbm4b:s2+s11], $0x80, s3, s11, $0xb8;
	[tilespmem:$0x8C00] =	vst v63  }
0x15: {  	s18 =	simm.s32 $0x80  }
0x16: {  	[tilespmem:s13], [sflag:$0x2] =	stream.indirect.gather [hbm4b:s2+s11], $0x80, s18, s11, $0xb8;
	[tilespmem:$0x8C00] =	vst v63  }
0x17: {  	_ =	swait.ge [sflag:s14], $0x4000  }
0x18: {  	[sflag:s14] =	ssyncset.done $0x0  }
0x19: {  	s29 =	sadd.s32 $0x0, s8;
	[sflag:s14] =	ssyncadd.s32 $0xFFFFC000  }
0x1a: {  	[hbm4b:s29+s3] =	stream.linear.scatter [tilespmem:s12], [sflag:$0x3], $0x4000, $0x38;
	[tilespmem:$0x8C00] =	vst v63  }
0x1b: {  	_ =	swait.ge [sflag:s10], $0x4000  }
0x1c: {  	[sflag:s10] =	ssyncset.done $0x0  }
0x1d: {  	s30 =	simm.s32 $0x100;
	[sflag:s10] =	ssyncadd.s32 $0xFFFFC000  }
0x1e: {  	[tilespmem:s12], [sflag:$0x1] =	stream.indirect.gather [hbm4b:s2+s11], $0x80, s30, s11, $0xb8;
	[tilespmem:$0x8C00] =	vst v63  }
0x1f: {  	_ =	swait.ge [sflag:s15], $0x4000  }
0x20: {  	[sflag:s15] =	ssyncset.done $0x0  }
0x21: {  	s31 =	sadd.s32 $0x0, s9;
	[sflag:s15] =	ssyncadd.s32 $0xFFFFC000  }
0x22: {  	[hbm4b:s31+s3] =	stream.linear.scatter [tilespmem:s13], [sflag:$0x3], $0x4000, $0x38;
	[tilespmem:$0x8C00] =	vst v63  }
0x23: {  	s20 =	simm.s32 $0x2000;
	_ =	swait.ge [sflag:s10], $0x4000  }
0x24: {  	s19 =	simm.s32 $0x200;
	s18 =	simm.s32 $0x1000;
	[sflag:s10] =	ssyncset.done $0x0  }
.LBB2_2:
0x25: {  	p0 =	sne.s32 s20, $0x8000;
	s21 =	sadd.s32 $0xFFFFFF80, s19;
	[sflag:s10] =	ssyncadd.s32 $0xFFFFC000  }
0x26: {  	[tilespmem:s13], [sflag:$0x2] =	stream.indirect.gather [hbm4b:s2+s11], $0x80, s21, s11, $0xb8;
	[tilespmem:$0x8C00] =	vst v63  }
0x27: {  	s21 =	smov.u32 s20;
	s20 =	sadd.s32 $0x1000, s20;
	_ =	swait.ge [sflag:s14], $0x4000  }
0x28: {  	[sflag:s14] =	ssyncset.done $0x0  }
0x29: {  	s22 =	sadd.s32 s18, s8;
	[sflag:s14] =	ssyncadd.s32 $0xFFFFC000  }
0x2a: {  	[hbm4b:s22+s3] =	stream.linear.scatter [tilespmem:s12], [sflag:$0x3], $0x4000, $0x38;
	[tilespmem:$0x8C00] =	vst v63  }
0x2b: {  	_ =	swait.ge [sflag:s10], $0x4000  }
0x2c: {  	[sflag:s10] =	ssyncset.done $0x0  }
0x2d: {  	[sflag:s10] =	ssyncadd.s32 $0xFFFFC000  }
0x2e: {  	[tilespmem:s12], [sflag:$0x1] =	stream.indirect.gather [hbm4b:s2+s11], $0x80, s19, s11, $0xb8;
	[tilespmem:$0x8C00] =	vst v63  }
0x2f: {  	_ =	swait.ge [sflag:s15], $0x4000  }
.Ltmp0:
0x30: {  	[sflag:s15] =	ssyncset.done $0x0;
	(pc) =	sbr.rel @p0 .LBB2_2-.Ltmp0, $4  }
0x31: {  	s22 =	sadd.s32 s18, s9;
	s18 =	smov.u32 s21;
	[sflag:s15] =	ssyncadd.s32 $0xFFFFC000  }
0x32: {  	[hbm4b:s22+s3] =	stream.linear.scatter [tilespmem:s13], [sflag:$0x3], $0x4000, $0x38;
	[tilespmem:$0x8C00] =	vst v63  }
0x33: {  	_ =	swait.ge [sflag:s10], $0x4000  }
0x34: {  	s19 =	sadd.s32 $0x100, s19;
	[sflag:s10] =	ssyncset.done $0x0  }
0x35: {  	s20 =	sadd.s32 $0xFFFFFF80, s19;
	[sflag:s10] =	ssyncadd.s32 $0xFFFFC000  }
0x36: {  	[tilespmem:s13], [sflag:$0x2] =	stream.indirect.gather [hbm4b:s2+s11], $0x80, s20, s11, $0xb8;
	[tilespmem:$0x8C00] =	vst v63  }
0x37: {  	_ =	swait.ge [sflag:s14], $0x4000  }
0x38: {  	[sflag:s14] =	ssyncset.done $0x0  }
0x39: {  	s30 =	sadd.s32 s18, s8;
	[sflag:s14] =	ssyncadd.s32 $0xFFFFC000  }
0x3a: {  	[hbm4b:s30+s3] =	stream.linear.scatter [tilespmem:s12], [sflag:$0x3], $0x4000, $0x38;
	[tilespmem:$0x8C00] =	vst v63  }
0x3b: {  	_ =	swait.ge [sflag:s10], $0x4000  }
0x3c: {  	[sflag:s10] =	ssyncset.done $0x0  }
0x3d: {  	[sflag:s10] =	ssyncadd.s32 $0xFFFFC000  }
0x3e: {  	[tilespmem:s12], [sflag:$0x1] =	stream.indirect.gather [hbm4b:s2+s11], $0x80, s19, s11, $0xb8;
	[tilespmem:$0x8C00] =	vst v63  }
0x3f: {  	_ =	swait.ge [sflag:s15], $0x4000  }
0x40: {  	[sflag:s15] =	ssyncset.done $0x0  }
0x41: {  	s31 =	sadd.s32 s18, s9;
	[sflag:s15] =	ssyncadd.s32 $0xFFFFC000  }
0x42: {  	[hbm4b:s31+s3] =	stream.linear.scatter [tilespmem:s13], [sflag:$0x3], $0x4000, $0x38;
	[tilespmem:$0x8C00] =	vst v63  }
0x43: {  	_ =	swait.ge [sflag:s10], $0x4000  }
0x44: {  	[sflag:s10] =	ssyncset.done $0x0  }
0x45: {  	[sflag:s10] =	ssyncadd.s32 $0xFFFFC000  }
0x46: {  	[tilespmem:s13], [sflag:$0x2] =	stream.indirect.gather [hbm4b:s2+s11], $0x80, s16, s11, $0xb8;
	[tilespmem:$0x8C00] =	vst v63  }
0x47: {  	_ =	swait.ge [sflag:s14], $0x4000  }
0x48: {  	[sflag:s14] =	ssyncset.done $0x0  }
0x49: {  	[sflag:s14] =	ssyncadd.s32 $0xFFFFC000  }
0x4a: {  	[hbm4b:s6+s3] =	stream.linear.scatter [tilespmem:s12], [sflag:$0x3], $0x4000, $0x38;
	[tilespmem:$0x8C00] =	vst v63  }
0x4b: {  	_ =	swait.ge [sflag:s10], $0x4000  }
0x4c: {  	[sflag:s10] =	ssyncset.done $0x0  }
0x4d: {  	[sflag:s10] =	ssyncadd.s32 $0xFFFFC000  }
0x4e: {  	s17 =	sadd.s32 $0x1, s17;
	_ =	swait.ge [sflag:s15], $0x4000  }
0x4f: {  	p0 =	sne.s32 s17, s5;
	[sflag:s15] =	ssyncset.done $0x0  }
.Ltmp1:
0x50: {  	[sflag:s15] =	ssyncadd.s32 $0xFFFFC000;
	(pc) =	sbr.rel @p0 .LBB2_1-.Ltmp1, $4  }
0x51: {  	[hbm4b:s7+s3] =	stream.linear.scatter [tilespmem:s13], [sflag:$0x3], $0x4000, $0x38;
	[tilespmem:$0x8C00] =	vst v63  }
0x52: {  	_ =	swait.ge [sflag:s10], $0x4000  }
0x53: {  	[sflag:s10] =	ssyncset.done $0x0  }
0x54: {  	[sflag:s10] =	ssyncadd.s32 $0xFFFFC000  }
0x55: {  	_ =	sfence.sel $0x180000  }
0x56: {  	[bflag:$0x0] =	sbarrier.arrive $0xFFFF  }
0x57: {  	p0 =	sne.s32 s0, $0x0;
	_ =	strace $0x90000047  }
0x58: {  	s0 =	sadd.s32 @!p0 $0x100000, s1;
	[bflag:$0x2] =	sbarrier.arrive $0xFFFF  }
0x59: {  	[sflag:s0] =	ssyncadd.tile.s32 @!p0 $0x1;
	_ =	shalt  }
.Lfunc_end2:
_tile_overlayer_lowered:
.L_overlay_start_2:
0x5a: {  	(tag) =	ssettag $0x2  }
0x5b: {  	s0 =	rddreg [dreg:$0x0];
	s2 =	stileid.u32  }
0x5c: {  	s1 =	rddreg [dreg:$0x1];
	p0 =	sne.s32 s2, $0x0  }
0x5d: {  	s3 =	rddreg [dreg:$0x2];
	[bflag:$0x3] =	sbarrier.arrive $0xFFFF;
	s2 =	simm.s32 @!p0 $0x1C03  }
0x5e: {  	[timem:s3], [sflag:s2] =	dma.local @!p0 [hbm:s0], s1  }
0x5f: {  	s0 =	simm.s32 @!p0 $0x3  }
0x60: {  	_ =	swait.ge @!p0 [sflag:s0], s1  }
0x61: {  	s1 =	ssub.s32 @!p0 $0x0, s1;
	[sflag:s0] =	ssyncset.done @!p0 $0x0  }
0x62: {  	[sflag:s0] =	ssyncadd.s32 @!p0 s1  }
0x63: {  	[bflag:$0x3] =	sbarrier.arrive $0xFFFF  }
0x64: {  	_ =	shalt  }

// kernel: kernel.21.cloned.1.call-start
scs
__scs_entry_jumppad:
0x0: {  	(pc) =	sbr.rel $0x88, $3  }
0x1: {  	(tag) =	ssettag $0x0;
	lr =	simm.s32 $0x1  }
0x2: {  	[smem:$0x3F95] =	sst lr;
	_ =	strace $0xD0000000  }
0x3: {  	_ = 	snop  }
0x4: {  	_ = 	snop  }
0x5: {  	_ = 	snop  }
0x6: {  	_ = 	snop  }
0x7: {  	_ = 	snop  }
__scs_overlays_trampoline_lowered:
0x8: {  	[smem:$0x3FA4] =	sst s0  }
0x9: {  	[smem:$0x3FA5] =	sst s1  }
0xa: {  	[smem:$0x3FA6] =	sst s2  }
0xb: {  	[smem:$0x3FA7] =	sst s3  }
0xc: {  	[smem:$0x3FA8] =	sst s4  }
0xd: {  	[smem:$0x3FA9] =	sst s5  }
0xe: {  	[smem:$0x3FAA] =	sst s6  }
0xf: {  	[smem:$0x3FAB] =	sst s7  }
0x10: {  	[smem:$0x3FAC] =	sst s8  }
0x11: {  	[smem:$0x3FAD] =	sst s9;
	s0 =	simm.s32 @!p0 $0x0  }
0x12: {  	s1 =	sld [smem:$0x3F93];
	s0 =	simm.s32 @p0 $0x1  }
0x13: {  	[smem:$0x3FAE] =	sst s0;
	s0 =	simm.s32 @!p1 $0x0  }
0x14: {  	s2 =	sld [smem:$0x3F92];
	s0 =	simm.s32 @p1 $0x1  }
0x15: {  	[smem:$0x3FAF] =	sst s0;
	s0 =	simm.s32 @!p2 $0x0  }
0x16: {  	s3 =	sld [smem:$0x3FDB];
	s0 =	simm.s32 @p2 $0x1  }
0x17: {  	s4 =	simm.s32 $0x1BF5;
	[smem:$0x3FB1] =	sst s0  }
0x18: {  	s0 =	sld [smem:$0x3F94];
	_ =	swait.ge [sflag:s4], $0x0  }
0x19: {  	s7 =	sld [smem:$0x3F95]  }
0x1a: {  	s8 =	sadd.s32 $0xFFFFE003, lr  }
0x1b: {  	s9 =	sadd.s32 $0xFFFFFEF7, lr;
	s5 =	simm.s32 $0xFFFFFFFF;
	p2 =	slt.u32 s8, $0xFFFFF086  }
0x1c: {  	p1 =	slt.u32 s9, $0xF7A;
	s5 =	simm.s32 @!p2 $0x0  }
0x1d: {  	s5 =	simm.s32 @p1 $0x1;
	p0 =	seq.s32 s7, s2  }
0x1e: {  	s7 =	smul.u32 @!p0 $0xF7A, s2;
	p2 =	seq.s32 @!p0 s5, $0x0  }
0x1f: {  	s9 =	smul.u32 $0xF7A, s1;
	s8 =	simm.s32 @!p0 $0x1BF5;
	p2 =	por !p2, p0  }
0x20: {  	[sflag:s8] =	ssyncset.s32 @!p0 $0xFFFFF086;
	s6 =	sadd.s32 @!p0 s3, s7;
	s7 =	simm.s32 @!p0 $0x108  }
0x21: {  	s3 =	sadd.s32 s3, s9;
	s6 =	sadd.s32 @!p0 $0x88, s6;
	s7 =	simm.s32 @p2 $0x1082  }
0x22: {  	[simem:s7], [sflag:s8] =	dma.local @!p0 [hbm:s6], $0xF7A  }
0x23: {  	s9 =	sor.u32 $0xD0000000, s2;
	s6 =	simm.s32 $0x108;
	_ =	swait.ge @!p0 [sflag:s8], $0x0  }
0x24: {  	s3 =	sadd.s32 $0x88, s3;
	s6 =	simm.s32 @!p1 $0x1082;
	[sflag:s4] =	ssyncset.s32 $0xFFFFF086  }
0x25: {  	[simem:s6], [sflag:s4] =	dma.local [hbm:s3], $0xF7A  }
0x26: {  	[smem:$0x3F95] =	sst s1;
	(tag) =	ssettag s2;
	_ =	strace s9  }
0x27: {  	s1 =	sld [smem:$0x3FA5]  }
0x28: {  	s2 =	sld [smem:$0x3FA6]  }
0x29: {  	s4 =	sld [smem:$0x3FA8]  }
0x2a: {  	p0 =	seq.s32 s5, $0x0;
	s5 =	sld [smem:$0x3FA9]  }
0x2b: {  	s6 =	sld [smem:$0x3FAA]  }
0x2c: {  	s7 =	sld [smem:$0x3FAB]  }
0x2d: {  	s3 =	simm.s32 $0x108;
	s8 =	sld [smem:$0x3FAC]  }
0x2e: {  	s3 =	simm.s32 @!p0 $0x1082;
	s9 =	sld [smem:$0x3FAD]  }
0x2f: {  	lr =	sadd.s32 s0, s3;
	s0 =	sld [smem:$0x3FA4]  }
0x30: {  	s3 =	sld [smem:$0x3FA7]  }
0x31: {  	[smem:$0x3FB0] =	sst s10  }
0x32: {  	s10 =	sld [smem:$0x3FAE];
	_ =	sdelay $0x3  }
0x33: {  	p0 =	seq.s32 s10, $0x1;
	s10 =	sld [smem:$0x3FB0];
	_ =	sdelay $0x3  }
0x34: {  	[smem:$0x3FB0] =	sst s10  }
0x35: {  	s10 =	sld [smem:$0x3FAF];
	_ =	sdelay $0x3  }
0x36: {  	p1 =	seq.s32 s10, $0x1;
	s10 =	sld [smem:$0x3FB0];
	_ =	sdelay $0x3  }
0x37: {  	[smem:$0x3FB0] =	sst s10  }
0x38: {  	s10 =	sld [smem:$0x3FB1]  }
0x39: {  	_ = 	snop;
	(pc) =	sbr.ind lr, $3  }
0x3a: {  	_ = 	snop  }
0x3b: {  	_ = 	snop  }
0x3c: {  	p2 =	seq.s32 s10, $0x1;
	s10 =	sld [smem:$0x3FB0]  }
0x3d: {  	_ =	shalt  }
0x3e: {  	_ =	shalt  }
0x3f: {  	_ =	shalt  }
0x40: {  	_ =	shalt  }
0x41: {  	_ =	shalt  }
0x42: {  	_ =	shalt  }
0x43: {  	_ =	shalt  }
0x44: {  	_ =	shalt  }
0x45: {  	_ =	shalt  }
0x46: {  	_ =	shalt  }
0x47: {  	_ =	shalt  }
0x48: {  	_ =	shalt  }
0x49: {  	_ =	shalt  }
0x4a: {  	_ =	shalt  }
0x4b: {  	_ =	shalt  }
0x4c: {  	_ =	shalt  }
0x4d: {  	_ =	shalt  }
0x4e: {  	_ =	shalt  }
0x4f: {  	_ =	shalt  }
0x50: {  	_ =	shalt  }
0x51: {  	_ =	shalt  }
0x52: {  	_ =	shalt  }
0x53: {  	_ =	shalt  }
0x54: {  	_ =	shalt  }
0x55: {  	_ =	shalt  }
0x56: {  	_ =	shalt  }
0x57: {  	_ =	shalt  }
0x58: {  	_ =	shalt  }
0x59: {  	_ =	shalt  }
0x5a: {  	_ =	shalt  }
0x5b: {  	_ =	shalt  }
0x5c: {  	_ =	shalt  }
0x5d: {  	_ =	shalt  }
0x5e: {  	_ =	shalt  }
0x5f: {  	_ =	shalt  }
0x60: {  	_ =	shalt  }
0x61: {  	_ =	shalt  }
0x62: {  	_ =	shalt  }
0x63: {  	_ =	shalt  }
0x64: {  	_ =	shalt  }
0x65: {  	_ =	shalt  }
0x66: {  	_ =	shalt  }
0x67: {  	_ =	shalt  }
0x68: {  	_ =	shalt  }
0x69: {  	_ =	shalt  }
0x6a: {  	_ =	shalt  }
0x6b: {  	_ =	shalt  }
0x6c: {  	_ =	shalt  }
0x6d: {  	_ =	shalt  }
0x6e: {  	_ =	shalt  }
0x6f: {  	_ =	shalt  }
0x70: {  	_ =	shalt  }
0x71: {  	_ =	shalt  }
0x72: {  	_ =	shalt  }
0x73: {  	_ =	shalt  }
0x74: {  	_ =	shalt  }
0x75: {  	_ =	shalt  }
0x76: {  	_ =	shalt  }
0x77: {  	_ =	shalt  }
0x78: {  	_ =	shalt  }
0x79: {  	_ =	shalt  }
0x7a: {  	_ =	shalt  }
0x7b: {  	_ =	shalt  }
0x7c: {  	_ =	shalt  }
0x7d: {  	_ =	shalt  }
0x7e: {  	_ =	shalt  }
0x7f: {  	_ =	shalt  }
0x80: {  	_ =	shalt  }
0x81: {  	_ =	shalt  }
0x82: {  	_ =	shalt  }
0x83: {  	_ =	shalt  }
0x84: {  	_ =	shalt  }
0x85: {  	_ =	shalt  }
0x86: {  	_ =	shalt  }
0x87: {  	_ =	shalt  }
.Lfunc_end0:
.L_simem_size_0:
called_computation.3_lowered:
.L_overlay_start_0:
0x88: {  	s2 =	sld [smem:$0x3FD9]  }
0x89: {  	s3 =	sld [smem:$0x3FFE];
	_ =	sdelay $0x1  }
0x8a: {  	s1 =	srdreg.scid  }
0x8b: {  	s0 =	sand.u32 $0x1, s1  }
0x8c: {  	s15 =	sshll.u32 s0, $0xA;
	s2 =	sadd.s32 s3, s2  }
0x8d: {  	s2 =	sadd.s32 s2, s15  }
0x8e: {  	[smem:$0x3FBC] =	sst s2  }
0x8f: {  	_ = 	snop  }
0x90: {  	s2 =	sld [smem:$0x3FD0];
	_ =	sdelay $0x2  }
0x91: {  	s16 =	simm.s32 $0xB;
	s4 =	simm.s32 $0x10  }
0x92: {  	[smem:s4], [sflag:s16] =	dma.local [hbm:s2], $0x1  }
0x93: {  	_ =	swait.eq [sflag:s16], $0x1  }
0x94: {  	[sflag:s16] =	ssyncset.done $0x0  }
0x95: {  	[sflag:s16] =	ssyncadd.s32 $0xFFFFFFFF  }
0x96: {  	s17 =	sld [smem:$0x12];
	(tm) =	ssettm $0x1  }
0x97: {  	s18 =	sld [smem:$0x3FFB];
	_ =	sdelay $0x3  }
0x98: {  	_ =	strace s18  }
0x99: {  	s2 =	sld [smem:$0x3FFC];
	_ =	sdelay $0x3  }
0x9a: {  	_ =	strace s2  }
0x9b: {  	s2 =	sld [smem:$0x3FFD];
	_ =	sdelay $0x3  }
0x9c: {  	_ =	strace s2  }
0x9d: {  	_ =	strace $0x8FFFFFFF  }
0x9e: {  	s19 =	sld [smem:$0x3FDB];
	_ =	sdelay $0x1  }
0x9f: {  	s20 =	simm.s32 $_scs_section_size  }
0xa0: {  	s5 =	simm.s32 $_size__tile_overlayer_lowered;
	s6 =	simm.s32 $_tile_overlayer_lowered  }
0xa1: {  	s7 =	simm.s32 $0x1BFF;
	s21 =	sshll.u32 s6, $0x1;
	s4 =	sadd.s32 s20, s19  }
0xa2: {  	s22 =	simm.s32 $0x0;
	s5 =	sshll.u32 s5, $0x1;
	s6 =	sadd.s32 s21, s4  }
0xa3: {  	[timem:s22], [sflag:s7] =	dma.local [hbm:s6], s5  }
0xa4: {  	_ =	swait.ge [sflag:s7], s5  }
0xa5: {  	s5 =	ssub.s32 $0x0, s5;
	[sflag:s7] =	ssyncset.done $0x0  }
0xa6: {  	[sflag:s7] =	ssyncadd.s32 s5;
	_ =	sdelay $0x1  }
0xa7: {  	s23 =	simm.s32 $0x1B8B  }
0xa8: {  	_ =	swait.ge [sflag:s23], $0x1  }
0xa9: {  	[sflag:s23] =	ssyncset.done $0x0  }
0xaa: {  	[sflag:s23] =	ssyncadd.s32 $0xFFFFFFFF  }
0xab: {  	s5 =	sld [smem:$0x0]  }
0xac: {  	s6 =	sand.u32 $0xFFFFFFFE, s1  }
0xad: {  	p0 =	sne.s32 s1, s6  }
0xae: {  	s6 =	sshll.u32 @p0 s6, $0xE  }
0xaf: {  	s6 =	sadd.s32 @p0 $0x11B8D, s6;
	s7 =	sshll.u32 @p0 s5, $0x11  }
0xb0: {  	s6 =	sor.u32 @p0 s7, s6  }
0xb1: {  	[sflag:s6] =	ssyncadd.remote.s32 @p0 $0x1;
	_ =	sdelay $0x1  }
0xb2: {  	s6 =	simm.s32 @p0 $0x1B8D  }
0xb3: {  	_ =	swait.eq @p0 [sflag:s6], $0x1  }
0xb4: {  	[sflag:s6] =	ssyncadd.s32 @p0 $0xFFFFFFFF  }
0xb5: {  	s7 =	sshll.u32 @!p0 s1, $0xE  }
0xb6: {  	s7 =	sor.u32 @!p0 $0x4000, s7;
	s6 =	simm.s32 @!p0 $0x1B8D  }
0xb7: {  	s5 =	sshll.u32 @!p0 s5, $0x11;
	s7 =	sadd.s32 @!p0 $0x11B8D, s7;
	_ =	swait.eq @!p0 [sflag:s6], $0x1  }
0xb8: {  	s5 =	sor.u32 @!p0 s5, s7;
	[sflag:s6] =	ssyncadd.s32 @!p0 $0xFFFFFFFF  }
0xb9: {  	s25 =	simm.s32 $0x1B8E;
	s24 =	sld [smem:$0x3FFE];
	[sflag:s5] =	ssyncadd.remote.s32 @!p0 $0x1  }
0xba: {  	s26 =	simm.s32 $execute0_lowered;
	[smem:$0x3FD2] =	sst s25  }
0xbb: {  	s6 =	sshll.u32 s26, $0x1;
	_ =	strace $0x8000004C;
	[dreg:$0x1] =	wrdreg $0xFFFFFFFF  }
0xbc: {  	s28 =	simm.s32 $_size_execute0_lowered;
	s4 =	sadd.s32 s4, s6;
	[dreg:$0x0] =	wrdreg $0x0  }
0xbd: {  	s6 =	sshll.u32 s28, $0x1;
	[dreg:$0x2] =	wrdreg s4  }
0xbe: {  	[dreg:$0x3] =	wrdreg s6  }
0xbf: {  	[dreg:$0x4] =	wrdreg $0xC0  }
0xc0: {  	_ =	task [dreg:s22], $0x5FFFF  }
0xc1: {  	[dreg:$0x1] =	wrdreg $0xFFFFFFFF  }
0xc2: {  	[dreg:$0x0] =	wrdreg $0x60  }
0xc3: {  	[dreg:$0x2] =	wrdreg s17  }
0xc4: {  	[dreg:$0x3] =	wrdreg s24  }
0xc5: {  	[dreg:$0x4] =	wrdreg $0xA  }
0xc6: {  	_ =	task.clear_ibuf [dreg:s22], $0x5FFFF;
	_ =	strace $0x9000004C  }
0xc7: {  	s29 =	simm.s32 $0xA;
	_ =	strace $0x8000004E  }
0xc8: {  	_ =	swait.ge [sflag:s29], $0x1  }
0xc9: {  	[sflag:s29] =	ssyncadd.s32 $0xFFFFFFFF  }
0xca: {  	_ =	strace $0x9000004E  }
0xcb: {  	_ =	sfence  }
0xcc: {  	s30 =	sld [smem:$0x0];
	_ =	sdelay $0x2  }
0xcd: {  	s31 =	sshll.u32 s1, $0xD;
	s1 =	sshrl.u32 s1, $0x2  }
0xce: {  	s4 =	sand.u32 $0x4000, s31;
	s1 =	sadd.s32 s1, s30  }
0xcf: {  	s0 =	sor.u32 s4, s0;
	s1 =	sshll.u32 s1, $0x11  }
0xd0: {  	s0 =	sor.u32 s1, s0  }
0xd1: {  	s0 =	sadd.s32 $0x8F2B, s0  }
0xd2: {  	[sflag:s0] =	ssyncadd.remote.s32 $0x1  }
0xd3: {  	_ =	sfence.sel $0xFFFF  }
0xd4: {  	[dreg:$0x0] =	wrdreg $0xFFFFFFFF;
	(pc) =	sbr.abs _section_cstart, $3  }
0xd5: {  	[dreg:$0x1] =	wrdreg $0xFFFFFFFF  }
0xd6: {  	_ =	task.clear_ibuf [dreg:s22], $0x2FFFF;
	_ =	strace $0x9FFFFFFF  }
0xd7: {  	(tm) =	ssettm $0x7FFFFFFF  }
tec
execute0_lowered:
.L_overlay_start_1:
0x0: {  	(tag) =	ssettag $0x1  }
0x1: {  	s2 =	rddreg [dreg:$0x0];
	s1 =	srdreg.scid  }
0x2: {  	s0 =	stileid.u32;
	s4 =	rddreg [dreg:$0x1];
	s3 =	simm.s32 $0x0  }
0x3: {  	s13 =	simm.s32 $0x4C00;
	s14 =	simm.s32 $0x1;
	s25 =	smul.u32 $0xA0000, s0  }
0x4: {  	s15 =	simm.s32 $0x2;
	s7 =	sand.u32 $0x1, s1;
	s29 =	smul.u32 $0x14000, s0  }
0x5: {  	s16 =	simm.s32 $0x980;
	s5 =	sshll.u32 s0, $0x1;
	s28 =	smul.u32 $0x50000, s7  }
0x6: {  	s1 =	rddreg [dreg:$0x2];
	s5 =	sor.u32 s7, s5;
	s30 =	smul.u32 $0xA000, s7  }
0x7: {  	s17 =	simm.s32 $0x0;
	[smem:$0x7FF] =	sst s3;
	s6 =	smul.u32 $0x180, s5  }
0x8: {  	s12 =	sadd.s32 $0x157800, s4;
	s8 =	ssub.s32 $0x2, s7;
	s9 =	smul.u32 $0x50000, s5  }
0x9: {  	_ =	strace $0x8000004D;
	s10 =	sshrl.u32 s8, $0x1;
	s11 =	smul.u32 $0xA000, s5  }
0xa: {  	s24 =	ssub.s32 s8, s10;
	s8 =	sadd.s32 s28, s25;
	s10 =	sadd.s32 s29, s12  }
0xb: {  	s6 =	sadd.s32 s6, s4;
	s26 =	sshrl.u32 s9, $0x3;
	s5 =	smax.u32 s24, $0x1  }
0xc: {  	s31 =	sadd.s32 s12, s11;
	s8 =	sshrl.u32 s8, $0x3;
	s9 =	sadd.s32 s30, s10  }
0xd: {  	s10 =	simm.s32 $0x3;
	s11 =	simm.s32 $0x80;
	s4 =	sadd.s32 $0x154800, s6  }
0xe: {  	s6 =	sadd.s32 s12, s26;
	s7 =	sadd.s32 $0x9800, s31;
	s8 =	sadd.s32 s8, s12  }
0xf: {  	s9 =	sadd.s32 $0x800, s9;
	s12 =	simm.s32 $0xC00;
	s6 =	sadd.s32 $0x9000, s6  }
.LBB2_1:
0x10: {  	[tilespmem:s3], [sflag:$0x3] =	stream.linear.gather [hbm4b:s4+s3], $0xA00, $0x38;
	[tilespmem:$0x8C00] =	vst v63  }
0x11: {  	_ =	swait.ge [sflag:s10], $0xA00  }
0x12: {  	[sflag:s10] =	ssyncset.done $0x0  }
0x13: {  	[sflag:s10] =	ssyncadd.s32 $0xFFFFF600  }
0x14: {  	[tilespmem:s12], [sflag:$0x1] =	stream.indirect.gather [hbm4b:s2+s11], $0x80, s3, s11, $0xb8;
	[tilespmem:$0x8C00] =	vst v63  }
0x15: {  	s18 =	simm.s32 $0x80  }
0x16: {  	[tilespmem:s13], [sflag:$0x2] =	stream.indirect.gather [hbm4b:s2+s11], $0x80, s18, s11, $0xb8;
	[tilespmem:$0x8C00] =	vst v63  }
0x17: {  	_ =	swait.ge [sflag:s14], $0x4000  }
0x18: {  	[sflag:s14] =	ssyncset.done $0x0  }
0x19: {  	s29 =	sadd.s32 $0x0, s8;
	[sflag:s14] =	ssyncadd.s32 $0xFFFFC000  }
0x1a: {  	[hbm4b:s29+s3] =	stream.linear.scatter [tilespmem:s12], [sflag:$0x3], $0x4000, $0x38;
	[tilespmem:$0x8C00] =	vst v63  }
0x1b: {  	_ =	swait.ge [sflag:s10], $0x4000  }
0x1c: {  	[sflag:s10] =	ssyncset.done $0x0  }
0x1d: {  	s30 =	simm.s32 $0x100;
	[sflag:s10] =	ssyncadd.s32 $0xFFFFC000  }
0x1e: {  	[tilespmem:s12], [sflag:$0x1] =	stream.indirect.gather [hbm4b:s2+s11], $0x80, s30, s11, $0xb8;
	[tilespmem:$0x8C00] =	vst v63  }
0x1f: {  	_ =	swait.ge [sflag:s15], $0x4000  }
0x20: {  	[sflag:s15] =	ssyncset.done $0x0  }
0x21: {  	s31 =	sadd.s32 $0x0, s9;
	[sflag:s15] =	ssyncadd.s32 $0xFFFFC000  }
0x22: {  	[hbm4b:s31+s3] =	stream.linear.scatter [tilespmem:s13], [sflag:$0x3], $0x4000, $0x38;
	[tilespmem:$0x8C00] =	vst v63  }
0x23: {  	s20 =	simm.s32 $0x2000;
	_ =	swait.ge [sflag:s10], $0x4000  }
0x24: {  	s19 =	simm.s32 $0x200;
	s18 =	simm.s32 $0x1000;
	[sflag:s10] =	ssyncset.done $0x0  }
.LBB2_2:
0x25: {  	p0 =	sne.s32 s20, $0x8000;
	s21 =	sadd.s32 $0xFFFFFF80, s19;
	[sflag:s10] =	ssyncadd.s32 $0xFFFFC000  }
0x26: {  	[tilespmem:s13], [sflag:$0x2] =	stream.indirect.gather [hbm4b:s2+s11], $0x80, s21, s11, $0xb8;
	[tilespmem:$0x8C00] =	vst v63  }
0x27: {  	s21 =	smov.u32 s20;
	s20 =	sadd.s32 $0x1000, s20;
	_ =	swait.ge [sflag:s14], $0x4000  }
0x28: {  	[sflag:s14] =	ssyncset.done $0x0  }
0x29: {  	s22 =	sadd.s32 s18, s8;
	[sflag:s14] =	ssyncadd.s32 $0xFFFFC000  }
0x2a: {  	[hbm4b:s22+s3] =	stream.linear.scatter [tilespmem:s12], [sflag:$0x3], $0x4000, $0x38;
	[tilespmem:$0x8C00] =	vst v63  }
0x2b: {  	_ =	swait.ge [sflag:s10], $0x4000  }
0x2c: {  	[sflag:s10] =	ssyncset.done $0x0  }
0x2d: {  	[sflag:s10] =	ssyncadd.s32 $0xFFFFC000  }
0x2e: {  	[tilespmem:s12], [sflag:$0x1] =	stream.indirect.gather [hbm4b:s2+s11], $0x80, s19, s11, $0xb8;
	[tilespmem:$0x8C00] =	vst v63  }
0x2f: {  	_ =	swait.ge [sflag:s15], $0x4000  }
.Ltmp0:
0x30: {  	[sflag:s15] =	ssyncset.done $0x0;
	(pc) =	sbr.rel @p0 .LBB2_2-.Ltmp0, $4  }
0x31: {  	s22 =	sadd.s32 s18, s9;
	s18 =	smov.u32 s21;
	[sflag:s15] =	ssyncadd.s32 $0xFFFFC000  }
0x32: {  	[hbm4b:s22+s3] =	stream.linear.scatter [tilespmem:s13], [sflag:$0x3], $0x4000, $0x38;
	[tilespmem:$0x8C00] =	vst v63  }
0x33: {  	_ =	swait.ge [sflag:s10], $0x4000  }
0x34: {  	s19 =	sadd.s32 $0x100, s19;
	[sflag:s10] =	ssyncset.done $0x0  }
0x35: {  	s20 =	sadd.s32 $0xFFFFFF80, s19;
	[sflag:s10] =	ssyncadd.s32 $0xFFFFC000  }
0x36: {  	[tilespmem:s13], [sflag:$0x2] =	stream.indirect.gather [hbm4b:s2+s11], $0x80, s20, s11, $0xb8;
	[tilespmem:$0x8C00] =	vst v63  }
0x37: {  	_ =	swait.ge [sflag:s14], $0x4000  }
0x38: {  	[sflag:s14] =	ssyncset.done $0x0  }
0x39: {  	s30 =	sadd.s32 s18, s8;
	[sflag:s14] =	ssyncadd.s32 $0xFFFFC000  }
0x3a: {  	[hbm4b:s30+s3] =	stream.linear.scatter [tilespmem:s12], [sflag:$0x3], $0x4000, $0x38;
	[tilespmem:$0x8C00] =	vst v63  }
0x3b: {  	_ =	swait.ge [sflag:s10], $0x4000  }
0x3c: {  	[sflag:s10] =	ssyncset.done $0x0  }
0x3d: {  	[sflag:s10] =	ssyncadd.s32 $0xFFFFC000  }
0x3e: {  	[tilespmem:s12], [sflag:$0x1] =	stream.indirect.gather [hbm4b:s2+s11], $0x80, s19, s11, $0xb8;
	[tilespmem:$0x8C00] =	vst v63  }
0x3f: {  	_ =	swait.ge [sflag:s15], $0x4000  }
0x40: {  	[sflag:s15] =	ssyncset.done $0x0  }
0x41: {  	s31 =	sadd.s32 s18, s9;
	[sflag:s15] =	ssyncadd.s32 $0xFFFFC000  }
0x42: {  	[hbm4b:s31+s3] =	stream.linear.scatter [tilespmem:s13], [sflag:$0x3], $0x4000, $0x38;
	[tilespmem:$0x8C00] =	vst v63  }
0x43: {  	_ =	swait.ge [sflag:s10], $0x4000  }
0x44: {  	[sflag:s10] =	ssyncset.done $0x0  }
0x45: {  	[sflag:s10] =	ssyncadd.s32 $0xFFFFC000  }
0x46: {  	[tilespmem:s13], [sflag:$0x2] =	stream.indirect.gather [hbm4b:s2+s11], $0x80, s16, s11, $0xb8;
	[tilespmem:$0x8C00] =	vst v63  }
0x47: {  	_ =	swait.ge [sflag:s14], $0x4000  }
0x48: {  	[sflag:s14] =	ssyncset.done $0x0  }
0x49: {  	[sflag:s14] =	ssyncadd.s32 $0xFFFFC000  }
0x4a: {  	[hbm4b:s6+s3] =	stream.linear.scatter [tilespmem:s12], [sflag:$0x3], $0x4000, $0x38;
	[tilespmem:$0x8C00] =	vst v63  }
0x4b: {  	_ =	swait.ge [sflag:s10], $0x4000  }
0x4c: {  	[sflag:s10] =	ssyncset.done $0x0  }
0x4d: {  	[sflag:s10] =	ssyncadd.s32 $0xFFFFC000  }
0x4e: {  	s17 =	sadd.s32 $0x1, s17;
	_ =	swait.ge [sflag:s15], $0x4000  }
0x4f: {  	p0 =	sne.s32 s17, s5;
	[sflag:s15] =	ssyncset.done $0x0  }
.Ltmp1:
0x50: {  	[sflag:s15] =	ssyncadd.s32 $0xFFFFC000;
	(pc) =	sbr.rel @p0 .LBB2_1-.Ltmp1, $4  }
0x51: {  	[hbm4b:s7+s3] =	stream.linear.scatter [tilespmem:s13], [sflag:$0x3], $0x4000, $0x38;
	[tilespmem:$0x8C00] =	vst v63  }
0x52: {  	_ =	swait.ge [sflag:s10], $0x4000  }
0x53: {  	[sflag:s10] =	ssyncset.done $0x0  }
0x54: {  	[sflag:s10] =	ssyncadd.s32 $0xFFFFC000  }
0x55: {  	_ =	sfence.sel $0x180000  }
0x56: {  	[bflag:$0x0] =	sbarrier.arrive $0xFFFF  }
0x57: {  	p0 =	sne.s32 s0, $0x0;
	_ =	strace $0x9000004D  }
0x58: {  	s0 =	sadd.s32 @!p0 $0x100000, s1;
	[bflag:$0x2] =	sbarrier.arrive $0xFFFF  }
0x59: {  	[sflag:s0] =	ssyncadd.tile.s32 @!p0 $0x1;
	_ =	shalt  }
.Lfunc_end2:
_tile_overlayer_lowered:
.L_overlay_start_2:
0x5a: {  	(tag) =	ssettag $0x2  }
0x5b: {  	s0 =	rddreg [dreg:$0x0];
	s2 =	stileid.u32  }
0x5c: {  	s1 =	rddreg [dreg:$0x1];
	p0 =	sne.s32 s2, $0x0  }
0x5d: {  	s3 =	rddreg [dreg:$0x2];
	[bflag:$0x3] =	sbarrier.arrive $0xFFFF;
	s2 =	simm.s32 @!p0 $0x1C03  }
0x5e: {  	[timem:s3], [sflag:s2] =	dma.local @!p0 [hbm:s0], s1  }
0x5f: {  	s0 =	simm.s32 @!p0 $0x3  }
0x60: {  	_ =	swait.ge @!p0 [sflag:s0], s1  }
0x61: {  	s1 =	ssub.s32 @!p0 $0x0, s1;
	[sflag:s0] =	ssyncset.done @!p0 $0x0  }
0x62: {  	[sflag:s0] =	ssyncadd.s32 @!p0 s1  }
0x63: {  	[bflag:$0x3] =	sbarrier.arrive $0xFFFF  }
0x64: {  	_ =	shalt  }

</sc_bundles>
